<compile_context>
chip_gen: v7x
topology: tpu7x:2x2x1
jax: 0.10.2.dev20260603
libtpu: 0.0.44.dev20260713+nightly
codegen_flags: <defaults>
</compile_context>

<pallas_src>
import functools

import jax
import jax.numpy as jnp
from jax import lax
from jax.experimental import pallas as pl
from jax.experimental.pallas import tpu as pltpu
from jax.experimental.pallas import tpu_sc as plsc

N = 10000
NPAD = 10240
F = 128
G = 16
NTILES = 16
CHUNK = 128
ROWS_PER_TILE = NPAD // NTILES
BLK = 1024
NBLK = NPAD // BLK



NB = 2
IB = 32


def _sc_degree(srcp2, dstp2):
    nchunks_all = srcp2.shape[0]
    nchunks = nchunks_all // NTILES
    mesh = plsc.VectorSubcoreMesh(core_axis_name="c", subcore_axis_name="s")

    @functools.partial(
        pl.kernel,
        out_type=[jax.ShapeDtypeStruct((NPAD, F), jnp.float32)] * 2,
        mesh=mesh,
        scratch_types=[
            pltpu.VMEM_SHARED((NPAD, F), jnp.float32),
            pltpu.VMEM((nchunks, CHUNK), jnp.int32),
            pltpu.VMEM((CHUNK, F), jnp.float32),
        ],
    )
    def k(src_hbm, dst_hbm, degf_hbm, degr_hbm, acc, sidx_all, buf):
        s = lax.axis_index("s")

        def fill(val):
            @pl.loop(0, CHUNK)
            def _(r):
                @pl.loop(0, F // 16)
                def _(j):
                    buf[r, pl.ds(j * 16, 16)] = jnp.full((16,), val, jnp.float32)

        def run(i_hbm, y_hbm):
            pltpu.sync_copy(i_hbm.at[pl.ds(s * nchunks, nchunks)], sidx_all)
            fill(0.0)

            @pl.loop(0, ROWS_PER_TILE // CHUNK)
            def _(t):
                pltpu.sync_copy(buf, acc.at[pl.ds(s * ROWS_PER_TILE + t * CHUNK, CHUNK)])

            fill(1.0)
            plsc.subcore_barrier()

            @pl.loop(0, nchunks)
            def _(i):
                pltpu.sync_copy(buf, acc.at[sidx_all.at[i]], add=True)

            plsc.subcore_barrier()
            pltpu.sync_copy(acc.at[pl.ds(s * ROWS_PER_TILE, ROWS_PER_TILE)],
                            y_hbm.at[pl.ds(s * ROWS_PER_TILE, ROWS_PER_TILE)])

        c = lax.axis_index("c")

        @pl.when(c == 0)
        def _():
            run(src_hbm, degf_hbm)

        @pl.when(c == 1)
        def _():
            run(dst_hbm, degr_hbm)

    return k(srcp2, dstp2)


def _sc_matvec(zf, zr, srcp2, dstp2):
    nchunks_all = srcp2.shape[0]
    nchunks = nchunks_all // NTILES
    mesh = plsc.VectorSubcoreMesh(core_axis_name="c", subcore_axis_name="s")

    @functools.partial(
        pl.kernel,
        out_type=[jax.ShapeDtypeStruct((NPAD, F), jnp.float32)] * 2,
        mesh=mesh,
        scratch_types=[
            pltpu.VMEM_SHARED((NPAD, F), jnp.float32),
            pltpu.VMEM((IB, CHUNK), jnp.int32),
            pltpu.VMEM((IB, CHUNK), jnp.int32),
            pltpu.VMEM((NB, CHUNK, F), jnp.float32),
        ] + [pltpu.SemaphoreType.DMA] * NB,
    )
    def k(zf_hbm, zr_hbm, src_hbm, dst_hbm, yf_hbm, yr_hbm,
          acc, gidx, sidx, rows, *gsems):
        s = lax.axis_index("s")

        def run(z_hbm, g_hbm, sc_hbm, y_hbm):
            @pl.loop(0, CHUNK)
            def _(r):
                @pl.loop(0, F // 16)
                def _(j):
                    rows[0, r, pl.ds(j * 16, 16)] = jnp.zeros((16,), jnp.float32)

            @pl.loop(0, ROWS_PER_TILE // CHUNK)
            def _(t):
                pltpu.sync_copy(rows.at[0], acc.at[pl.ds(s * ROWS_PER_TILE + t * CHUNK, CHUNK)])

            plsc.subcore_barrier()

            @pl.loop(0, nchunks // IB)
            def _(blk):
                base = s * nchunks + blk * IB
                pltpu.sync_copy(g_hbm.at[pl.ds(base, IB)], gidx)
                pltpu.sync_copy(sc_hbm.at[pl.ds(base, IB)], sidx)

                @pl.loop(0, IB)
                def _(i):
                    pltpu.sync_copy(z_hbm.at[gidx.at[i]], rows.at[0])
                    pltpu.sync_copy(rows.at[0], acc.at[sidx.at[i]], add=True)

            plsc.subcore_barrier()
            pltpu.sync_copy(acc.at[pl.ds(s * ROWS_PER_TILE, ROWS_PER_TILE)],
                            y_hbm.at[pl.ds(s * ROWS_PER_TILE, ROWS_PER_TILE)])

        c = lax.axis_index("c")

        @pl.when(c == 0)
        def _():
            run(zf_hbm, src_hbm, dst_hbm, yf_hbm)

        @pl.when(c == 1)
        def _():
            run(zr_hbm, dst_hbm, src_hbm, yr_hbm)

    return k(zf, zr, srcp2, dstp2)



def _dis(deg_blk):
    d = deg_blk[:, 0:1]
    return jnp.where(d > 0.0, lax.rsqrt(d), 0.0)


def _feat_spec():
    return pl.BlockSpec((BLK, F), lambda i: (i, 0))


def _deg_spec():
    return pl.BlockSpec((BLK, F), lambda i: (i, 0))


def _tc_prep(xp, degf, degr):
    def body(x_ref, df_ref, dr_ref, zf_ref, zr_ref):
        x = x_ref[...]
        zf_ref[...] = _dis(df_ref[...]) * x
        zr_ref[...] = _dis(dr_ref[...]) * x

    return pl.pallas_call(
        body,
        grid=(NBLK,),
        in_specs=[_feat_spec(), _deg_spec(), _deg_spec()],
        out_specs=[_feat_spec(), _feat_spec()],
        out_shape=[jax.ShapeDtypeStruct((NPAD, F), jnp.float32)] * 2,
    )(xp, degf, degr)


def _tc_step(sf, sr, prevf, prevr, degf, degr, a):
    has_prev = prevf is not None

    def body(*refs):
        if has_prev:
            sf_ref, sr_ref, pf_ref, pr_ref, df_ref, dr_ref, tf_ref, tr_ref, zf_ref, zr_ref = refs
        else:
            sf_ref, sr_ref, df_ref, dr_ref, tf_ref, tr_ref, zf_ref, zr_ref = refs
        disf = _dis(df_ref[...])
        disr = _dis(dr_ref[...])
        txf = -a * disf * sf_ref[...]
        txr = -a * disr * sr_ref[...]
        if has_prev:
            txf = txf - pf_ref[...]
            txr = txr - pr_ref[...]
        tf_ref[...] = txf
        tr_ref[...] = txr
        zf_ref[...] = disf * txf
        zr_ref[...] = disr * txr

    nin = 2 + (2 if has_prev else 0)
    args = (sf, sr) + ((prevf, prevr) if has_prev else ()) + (degf, degr)
    return pl.pallas_call(
        body,
        grid=(NBLK,),
        in_specs=[_feat_spec()] * nin + [_deg_spec(), _deg_spec()],
        out_specs=[_feat_spec()] * 4,
        out_shape=[jax.ShapeDtypeStruct((NPAD, F), jnp.float32)] * 4,
    )(*args)


def _tc_layer_end(tx_f, tx_r, Wf, Wr, bf, br, degf, degr, emit_z):
    H = Wf.shape[1]

    def body(*refs):
        (t0f, t1f, t2f, t3f, t0r, t1r, t2r, t3r,
         wf_ref, wr_ref, bf_ref, br_ref) = refs[:12]
        rest = refs[12:]
        catf = jnp.concatenate([t0f[...], t1f[...], t2f[...], t3f[...]], axis=1)
        catr = jnp.concatenate([t0r[...], t1r[...], t2r[...], t3r[...]], axis=1)
        of = jnp.maximum(
            jnp.dot(catf, wf_ref[...], preferred_element_type=jnp.float32)
            + bf_ref[...], 0.0)
        orr = jnp.maximum(
            jnp.dot(catr, wr_ref[...], preferred_element_type=jnp.float32)
            + br_ref[...], 0.0)
        h = jnp.concatenate([of, orr], axis=1)
        if emit_z:
            df_ref, dr_ref, h_ref, zf_ref, zr_ref = rest
            h_ref[...] = h
            zf_ref[...] = _dis(df_ref[...]) * h
            zr_ref[...] = _dis(dr_ref[...]) * h
        else:
            (h_ref,) = rest
            h_ref[...] = h

    w_spec = pl.BlockSpec((4 * F, H), lambda i: (0, 0))
    b_spec = pl.BlockSpec((1, H), lambda i: (0, 0))
    h_spec = pl.BlockSpec((BLK, 2 * H), lambda i: (i, 0))
    in_specs = [_feat_spec()] * 8 + [w_spec, w_spec, b_spec, b_spec]
    args = tuple(tx_f) + tuple(tx_r) + (Wf, Wr, bf, br)
    if emit_z:
        in_specs += [_deg_spec(), _deg_spec()]
        args += (degf, degr)
        out_specs = [h_spec, h_spec, h_spec]
        out_shape = [jax.ShapeDtypeStruct((NPAD, 2 * H), jnp.float32)] * 3
    else:
        out_specs = [h_spec]
        out_shape = [jax.ShapeDtypeStruct((NPAD, 2 * H), jnp.float32)]
    return pl.pallas_call(
        body,
        grid=(NBLK,),
        in_specs=in_specs,
        out_specs=out_specs,
        out_shape=out_shape,
    )(*args)


def _tc_pool_fc(h2, batch3, Wfc, bfc):
    HW = h2.shape[1]
    C = Wfc.shape[1]

    def body(h_ref, b_ref, w_ref, bias_ref, o_ref, sums, cnt):
        i = pl.program_id(0)

        @pl.when(i == 0)
        def _():
            sums[...] = jnp.zeros_like(sums)
            cnt[...] = jnp.zeros_like(cnt)

        bvec = b_ref[0, 0, :]
        onehot = (lax.broadcasted_iota(jnp.int32, (G, BLK), 0)
                  == bvec[None, :]).astype(jnp.float32)
        sums[...] += jnp.dot(onehot, h_ref[...],
                             preferred_element_type=jnp.float32)
        cnt[...] += jnp.broadcast_to(
            jnp.sum(onehot, axis=1, keepdims=True), (G, 128))

        @pl.when(i == NBLK - 1)
        def _():
            pooled = sums[...] / jnp.maximum(cnt[:, 0:1], 1.0)
            logits = jnp.dot(pooled, w_ref[...],
                             preferred_element_type=jnp.float32) + bias_ref[...]
            m = jnp.max(logits, axis=1, keepdims=True)
            o_ref[...] = logits - m - jnp.log(
                jnp.sum(jnp.exp(logits - m), axis=1, keepdims=True))

    return pl.pallas_call(
        body,
        grid=(NBLK,),
        in_specs=[
            pl.BlockSpec((BLK, HW), lambda i: (i, 0)),
            pl.BlockSpec((1, 1, BLK), lambda i: (i, 0, 0)),
            pl.BlockSpec((HW, C), lambda i: (0, 0)),
            pl.BlockSpec((1, C), lambda i: (0, 0)),
        ],
        out_specs=pl.BlockSpec((G, C), lambda i: (0, 0)),
        out_shape=jax.ShapeDtypeStruct((G, C), jnp.float32),
        scratch_shapes=[
            pltpu.VMEM((G, HW), jnp.float32),
            pltpu.VMEM((G, 128), jnp.float32),
        ],
    )(h2, batch3, Wfc, bfc)



def kernel(x, edge_index, batch, W11, b11, W12, b12, W21, b21, W22, b22, Wfc, bfc):
    E = edge_index.shape[1]
    egrain = NTILES * CHUNK * IB
    epad = ((E + egrain - 1) // egrain) * egrain
    pad_idx = jnp.full((epad - E,), NPAD - 1, jnp.int32)
    srcp2 = jnp.concatenate([edge_index[0], pad_idx]).reshape(-1, CHUNK)
    dstp2 = jnp.concatenate([edge_index[1], pad_idx]).reshape(-1, CHUNK)
    xp = jnp.pad(x, ((0, NPAD - N), (0, 0)))
    batch3 = jnp.pad(batch, (0, NPAD - N), constant_values=G).reshape(NBLK, 1, BLK)

    W1f = W11.reshape(4 * F, 64)
    W1r = W12.reshape(4 * F, 64)
    W2f = W21.reshape(4 * F, 256)
    W2r = W22.reshape(4 * F, 256)
    b1f = b11.reshape(1, 64)
    b1r = b12.reshape(1, 64)
    b2f = b21.reshape(1, 256)
    b2r = b22.reshape(1, 256)
    bfc2 = bfc.reshape(1, -1)

    degf, degr = _sc_degree(srcp2, dstp2)

    def cheb_layer(t0, Wf, Wr, bf, br, emit_z, z0f=None, z0r=None):
        if z0f is None:
            z0f, z0r = _tc_prep(t0, degf, degr)
        s1f, s1r = _sc_matvec(z0f, z0r, srcp2, dstp2)
        tx1f, tx1r, z1f, z1r = _tc_step(s1f, s1r, None, None, degf, degr, 1.0)
        s2f, s2r = _sc_matvec(z1f, z1r, srcp2, dstp2)
        tx2f, tx2r, z2f, z2r = _tc_step(s2f, s2r, t0, t0, degf, degr, 2.0)
        s3f, s3r = _sc_matvec(z2f, z2r, srcp2, dstp2)
        tx3f, tx3r, _, _ = _tc_step(s3f, s3r, tx1f, tx1r, degf, degr, 2.0)
        return _tc_layer_end((t0, tx1f, tx2f, tx3f), (t0, tx1r, tx2r, tx3r),
                             Wf, Wr, bf, br, degf, degr, emit_z)

    h, z0f2, z0r2 = cheb_layer(xp, W1f, W1r, b1f, b1r, True)
    (h2,) = cheb_layer(h, W2f, W2r, b2f, b2r, False, z0f2, z0r2)
    return _tc_pool_fc(h2, batch3, Wfc, bfc2)

# --- scband reference (transcript-rebuilt; emitter-appended) ---
"""Pipeline reference for scband-bidirectional-net-15479062135021 (READ-ONLY COPY).

The authoritative reference and input builder live on the scoring server;
editing this copy changes nothing except your own understanding.
"""

import jax, jax.numpy as jnp
import numpy as np

N = 10000
E = 320000
F = 128
G = 16
K = 4
NUM_CLASSES = 10


def setup_inputs(seed: int = 0) -> dict:
    key = jax.random.key(seed)
    ks = jax.random.split(key, 10)
    x = jax.random.normal(ks[0], (N, F), dtype=jnp.float32)
    edge_index = jax.random.randint(ks[1], (2, E), 0, N, dtype=jnp.int32)
    batch = jnp.sort(jax.random.randint(ks[2], (N,), 0, G, dtype=jnp.int32))
    W11 = jax.random.normal(ks[3], (K, F, 64), dtype=jnp.float32) * 0.05
    b11 = jnp.zeros((64,), dtype=jnp.float32)
    W12 = jax.random.normal(ks[4], (K, F, 64), dtype=jnp.float32) * 0.05
    b12 = jnp.zeros((64,), dtype=jnp.float32)
    W21 = jax.random.normal(ks[5], (K, 128, 256), dtype=jnp.float32) * 0.05
    b21 = jnp.zeros((256,), dtype=jnp.float32)
    W22 = jax.random.normal(ks[6], (K, 128, 256), dtype=jnp.float32) * 0.05
    b22 = jnp.zeros((256,), dtype=jnp.float32)
    Wfc = jax.random.normal(ks[7], (512, NUM_CLASSES), dtype=jnp.float32) * 0.05
    bfc = jnp.zeros((NUM_CLASSES,), dtype=jnp.float32)
    return {"x": x, "edge_index": edge_index, "batch": batch,
            "W11": W11, "b11": b11, "W12": W12, "b12": b12,
            "W21": W21, "b21": b21, "W22": W22, "b22": b22,
            "Wfc": Wfc, "bfc": bfc}


def _make_norm(row, col, n, dtype):
    # PyG get_laplacian(normalization='sym') scaled by 2/lambda_max (lambda_max=2):
    # L_hat off-diagonal entries = -deg^{-1/2}[row] * deg^{-1/2}[col]; diagonal is 0.
    deg = jax.ops.segment_sum(jnp.ones_like(row, dtype=dtype), row, num_segments=n)
    dis = jnp.where(deg > 0, 1.0 / jnp.sqrt(deg), 0.0)
    return -dis[row] * dis[col]


def _cheb_conv(xin, src, dst, norm, W, b, n):
    # out[dst] += norm_e * Tx_k[src], Chebyshev recurrence over K hops
    def matvec(t):
        return jax.ops.segment_sum(norm[:, None] * t[src], dst, num_segments=n)
    Tx0 = xin
    out = Tx0 @ W[0]
    Tx1 = matvec(Tx0)
    out = out + Tx1 @ W[1]
    for k in range(2, W.shape[0]):
        Tx2 = 2.0 * matvec(Tx1) - Tx0
        out = out + Tx2 @ W[k]
        Tx0, Tx1 = Tx1, Tx2
    return out + b


def reference(x, edge_index, batch, W11, b11, W12, b12, W21, b21, W22, b22, Wfc, bfc):
    n = x.shape[0]
    src = edge_index[0]
    dst = edge_index[1]
    norm_f = _make_norm(src, dst, n, x.dtype)
    norm_r = _make_norm(dst, src, n, x.dtype)  # reversed edge direction
    x1 = jax.nn.relu(_cheb_conv(x, src, dst, norm_f, W11, b11, n))
    x2 = jax.nn.relu(_cheb_conv(x, dst, src, norm_r, W12, b12, n))
    h = jnp.concatenate([x1, x2], axis=1)
    x1 = jax.nn.relu(_cheb_conv(h, src, dst, norm_f, W21, b21, n))
    x2 = jax.nn.relu(_cheb_conv(h, dst, src, norm_r, W22, b22, n))
    h = jnp.concatenate([x1, x2], axis=1)
    # global mean pool
    sums = jax.ops.segment_sum(h, batch, num_segments=G)
    cnt = jax.ops.segment_sum(jnp.ones((n,), dtype=h.dtype), batch, num_segments=G)
    pooled = sums / jnp.maximum(cnt, 1.0)[:, None]
    logits = pooled @ Wfc + bfc
    return jax.nn.log_softmax(logits, axis=1)

if __name__ == "__main__":
    import jax
    _d = setup_inputs()
    print(jax.jit(kernel)(*tuple(_d.values())))

</pallas_src>

<mosaic_0001>
#map = affine_map<(d0, d1) -> (0, 0)>
module attributes {stable_mosaic.version = 14 : i64} {
  func.func @k(%arg0: i32, %arg1: i32, %arg2: memref<2560x128xi32, #tpu.memory_space<hbm>>, %arg3: memref<2560x128xi32, #tpu.memory_space<hbm>>, %arg4: memref<10240x128xf32, #tpu.memory_space<hbm>>, %arg5: memref<10240x128xf32, #tpu.memory_space<hbm>>, %arg6: memref<10240x128xf32, #tpu.memory_space<vmem_shared>>, %arg7: memref<160x128xi32, #tpu.memory_space<vmem>>, %arg8: memref<128x128xf32, #tpu.memory_space<vmem>>) attributes {dimension_semantics = [#tpu.dimension_semantics<core_parallel>, #tpu.dimension_semantics<subcore_parallel>], iteration_bounds = array<i64: 2, 16>, scalar_prefetch = 0 : i64, scratch_operands = 3 : i64, tpu.core_type = #tpu.core_type<sc_vector_subcore>, window_params = [{transform_indices = #map}, {transform_indices = #map}, {transform_indices = #map}, {transform_indices = #map}]} {
    %eq3A = arith.constant 0 : i32
    %eq3A_0 = arith.cmpi eq, %arg0, %eq3A : i32
    %convert_element_type3A = arith.extui %eq3A_0 : i1 to i32
    %cond3A = arith.constant 0 : i32
    %cond3A_1 = arith.cmpi ne, %convert_element_type3A, %cond3A : i32
    scf.if %cond3A_1 {
      %mul3A = arith.constant 160 : i32
      %mul3A_7 = arith.muli %arg1, %mul3A : i32
      "tpu.region"() ({
        %run_scoped3A = tpu.sem_alloc : memref<!tpu.dma_semaphore, #tpu.memory_space<semaphore_mem>>
        %dma_start3A = arith.constant 0 : i32
        %dma_start3A_32 = tpu.memref_slice %arg2[%mul3A_7, %dma_start3A] : memref<2560x128xi32, #tpu.memory_space<hbm>> -> memref<160x128xi32, #tpu.memory_space<hbm>>
        %dma_start3A_33 = arith.constant 0 : i32
        %dma_start3A_34 = tpu.memref_slice %arg2[%mul3A_7, %dma_start3A_33] : memref<2560x128xi32, #tpu.memory_space<hbm>> -> memref<160x128xi32, #tpu.memory_space<hbm>>
        tpu.enqueue_dma source(%dma_start3A_34 : memref<160x128xi32, #tpu.memory_space<hbm>>) target(%arg7 : memref<160x128xi32, #tpu.memory_space<vmem>>) target_semaphore(%run_scoped3A : memref<!tpu.dma_semaphore, #tpu.memory_space<semaphore_mem>>)
        %dma_wait3A = arith.constant 0 : i32
        %dma_wait3A_35 = tpu.memref_slice %arg2[%mul3A_7, %dma_wait3A] : memref<2560x128xi32, #tpu.memory_space<hbm>> -> memref<160x128xi32, #tpu.memory_space<hbm>>
        %dma_wait3A_36 = arith.constant 0 : i32
        %dma_wait3A_37 = tpu.memref_slice %arg2[%mul3A_7, %dma_wait3A_36] : memref<2560x128xi32, #tpu.memory_space<hbm>> -> memref<160x128xi32, #tpu.memory_space<hbm>>
        tpu.wait_dma2 semaphore(%run_scoped3A : memref<!tpu.dma_semaphore, #tpu.memory_space<semaphore_mem>>) src(%dma_wait3A_37 : memref<160x128xi32, #tpu.memory_space<hbm>>) dst(%arg7 : memref<160x128xi32, #tpu.memory_space<vmem>>)
        tpu.yield
      }) : () -> ()
      %scan3A = arith.constant 0 : i32
      %scan3A_8 = arith.constant 128 : i32
      %scan3A_9 = arith.addi %scan3A, %scan3A_8 : i32
      %scan3A_10 = arith.constant 1 : i32
      scf.for %scan3A_32 = %scan3A to %scan3A_9 step %scan3A_10  : i32 {
        %mul3A_33 = arith.constant 1 : i32
        %mul3A_34 = arith.muli %scan3A_32, %mul3A_33 : i32
        %add3A = arith.constant 0 : i32
        %add3A_35 = arith.addi %add3A, %mul3A_34 : i32
        %scan3A_36 = arith.constant 0 : i32
        %scan3A_37 = arith.constant 8 : i32
        %scan3A_38 = arith.addi %scan3A_36, %scan3A_37 : i32
        %scan3A_39 = arith.constant 1 : i32
        scf.for %scan3A_41 = %scan3A_36 to %scan3A_38 step %scan3A_39  : i32 {
          %mul3A_42 = arith.constant 1 : i32
          %mul3A_43 = arith.muli %scan3A_41, %mul3A_42 : i32
          %add3A_44 = arith.constant 0 : i32
          %add3A_45 = arith.addi %add3A_44, %mul3A_43 : i32
          %broadcast_in_dim3A = arith.constant 0.000000e+00 : f32
          %broadcast_in_dim3A_46 = vector.broadcast %broadcast_in_dim3A : f32 to vector<16xf32>
          %mul3A_47 = arith.constant 16 : i32
          %mul3A_48 = arith.muli %add3A_45, %mul3A_47 : i32
          %swap3A = arith.index_cast %add3A_35 : i32 to index
          %swap3A_49 = arith.index_cast %mul3A_48 : i32 to index
          %swap3A_50 = tpu.vector_load %arg8[%swap3A, %swap3A_49] {strides = array<i32>} : memref<128x128xf32, #tpu.memory_space<vmem>>, vector<1x16xf32>,
          %swap3A_51 = vector.shape_cast %swap3A_50 : vector<1x16xf32> to vector<16xf32>
          %swap3A_52 = vector.shape_cast %broadcast_in_dim3A_46 : vector<16xf32> to vector<1x16xf32>
          tpu.vector_store %arg8[%swap3A, %swap3A_49], %swap3A_52 {strides = array<i32>} : memref<128x128xf32, #tpu.memory_space<vmem>>, vector<1x16xf32>,
        }
        %scan3A_40 = arith.constant 8 : i32
      }
      %scan3A_11 = arith.constant 128 : i32
      %scan3A_12 = arith.constant 0 : i32
      %scan3A_13 = arith.constant 5 : i32
      %scan3A_14 = arith.addi %scan3A_12, %scan3A_13 : i32
      %scan3A_15 = arith.constant 1 : i32
      scf.for %scan3A_32 = %scan3A_12 to %scan3A_14 step %scan3A_15  : i32 {
        %mul3A_33 = arith.constant 1 : i32
        %mul3A_34 = arith.muli %scan3A_32, %mul3A_33 : i32
        %add3A = arith.constant 0 : i32
        %add3A_35 = arith.addi %add3A, %mul3A_34 : i32
        %mul3A_36 = arith.constant 640 : i32
        %mul3A_37 = arith.muli %arg1, %mul3A_36 : i32
        %mul3A_38 = arith.constant 128 : i32
        %mul3A_39 = arith.muli %add3A_35, %mul3A_38 : i32
        %add3A_40 = arith.addi %mul3A_37, %mul3A_39 : i32
        "tpu.region"() ({
          %run_scoped3A = tpu.sem_alloc : memref<!tpu.dma_semaphore, #tpu.memory_space<semaphore_mem>>
          %dma_start3A = arith.constant 0 : i32
          %dma_start3A_41 = tpu.memref_slice %arg6[%add3A_40, %dma_start3A] : memref<10240x128xf32, #tpu.memory_space<vmem_shared>> -> memref<128x128xf32, #tpu.memory_space<vmem_shared>>
          %dma_start3A_42 = arith.constant 0 : i32
          %dma_start3A_43 = tpu.memref_slice %arg6[%add3A_40, %dma_start3A_42] : memref<10240x128xf32, #tpu.memory_space<vmem_shared>> -> memref<128x128xf32, #tpu.memory_space<vmem_shared>>
          tpu.enqueue_dma source(%arg8 : memref<128x128xf32, #tpu.memory_space<vmem>>) target(%dma_start3A_43 : memref<128x128xf32, #tpu.memory_space<vmem_shared>>) target_semaphore(%run_scoped3A : memref<!tpu.dma_semaphore, #tpu.memory_space<semaphore_mem>>)
          %dma_wait3A = arith.constant 0 : i32
          %dma_wait3A_44 = tpu.memref_slice %arg6[%add3A_40, %dma_wait3A] : memref<10240x128xf32, #tpu.memory_space<vmem_shared>> -> memref<128x128xf32, #tpu.memory_space<vmem_shared>>
          %dma_wait3A_45 = arith.constant 0 : i32
          %dma_wait3A_46 = tpu.memref_slice %arg6[%add3A_40, %dma_wait3A_45] : memref<10240x128xf32, #tpu.memory_space<vmem_shared>> -> memref<128x128xf32, #tpu.memory_space<vmem_shared>>
          tpu.wait_dma2 semaphore(%run_scoped3A : memref<!tpu.dma_semaphore, #tpu.memory_space<semaphore_mem>>) src(%arg8 : memref<128x128xf32, #tpu.memory_space<vmem>>) dst(%dma_wait3A_46 : memref<128x128xf32, #tpu.memory_space<vmem_shared>>)
          tpu.yield
        }) : () -> ()
      }
      %scan3A_16 = arith.constant 5 : i32
      %scan3A_17 = arith.constant 0 : i32
      %scan3A_18 = arith.constant 128 : i32
      %scan3A_19 = arith.addi %scan3A_17, %scan3A_18 : i32
      %scan3A_20 = arith.constant 1 : i32
      scf.for %scan3A_32 = %scan3A_17 to %scan3A_19 step %scan3A_20  : i32 {
        %mul3A_33 = arith.constant 1 : i32
        %mul3A_34 = arith.muli %scan3A_32, %mul3A_33 : i32
        %add3A = arith.constant 0 : i32
        %add3A_35 = arith.addi %add3A, %mul3A_34 : i32
        %scan3A_36 = arith.constant 0 : i32
        %scan3A_37 = arith.constant 8 : i32
        %scan3A_38 = arith.addi %scan3A_36, %scan3A_37 : i32
        %scan3A_39 = arith.constant 1 : i32
        scf.for %scan3A_41 = %scan3A_36 to %scan3A_38 step %scan3A_39  : i32 {
          %mul3A_42 = arith.constant 1 : i32
          %mul3A_43 = arith.muli %scan3A_41, %mul3A_42 : i32
          %add3A_44 = arith.constant 0 : i32
          %add3A_45 = arith.addi %add3A_44, %mul3A_43 : i32
          %broadcast_in_dim3A = arith.constant 1.000000e+00 : f32
          %broadcast_in_dim3A_46 = vector.broadcast %broadcast_in_dim3A : f32 to vector<16xf32>
          %mul3A_47 = arith.constant 16 : i32
          %mul3A_48 = arith.muli %add3A_45, %mul3A_47 : i32
          %swap3A = arith.index_cast %add3A_35 : i32 to index
          %swap3A_49 = arith.index_cast %mul3A_48 : i32 to index
          %swap3A_50 = tpu.vector_load %arg8[%swap3A, %swap3A_49] {strides = array<i32>} : memref<128x128xf32, #tpu.memory_space<vmem>>, vector<1x16xf32>,
          %swap3A_51 = vector.shape_cast %swap3A_50 : vector<1x16xf32> to vector<16xf32>
          %swap3A_52 = vector.shape_cast %broadcast_in_dim3A_46 : vector<16xf32> to vector<1x16xf32>
          tpu.vector_store %arg8[%swap3A, %swap3A_49], %swap3A_52 {strides = array<i32>} : memref<128x128xf32, #tpu.memory_space<vmem>>, vector<1x16xf32>,
        }
        %scan3A_40 = arith.constant 8 : i32
      }
      %scan3A_21 = arith.constant 128 : i32
      %barrier3A = arith.constant 0 : index
      tpu.barrier barrier_id(%barrier3A)
      %scan3A_22 = arith.constant 0 : i32
      %scan3A_23 = arith.constant 160 : i32
      %scan3A_24 = arith.addi %scan3A_22, %scan3A_23 : i32
      %scan3A_25 = arith.constant 1 : i32
      scf.for %scan3A_32 = %scan3A_22 to %scan3A_24 step %scan3A_25  : i32 {
        %mul3A_33 = arith.constant 1 : i32
        %mul3A_34 = arith.muli %scan3A_32, %mul3A_33 : i32
        %add3A = arith.constant 0 : i32
        %add3A_35 = arith.addi %add3A, %mul3A_34 : i32
        "tpu.region"() ({
          %run_scoped3A = tpu.sem_alloc : memref<!tpu.dma_semaphore, #tpu.memory_space<semaphore_mem>>
          %dma_start3A = arith.constant 0 : i32
          %dma_start3A_36 = tpu.memref_slice %arg7[%add3A_35, %dma_start3A] : memref<160x128xi32, #tpu.memory_space<vmem>> -> memref<1x128xi32, #tpu.memory_space<vmem>>
          %dma_start3A_37 = tpu.memref_squeeze %dma_start3A_36 : memref<1x128xi32, #tpu.memory_space<vmem>> -> memref<128xi32, #tpu.memory_space<vmem>>
          %dma_start3A_38 = arith.constant 0 : i32
          %dma_start3A_39 = arith.constant 0 : i32
          %dma_start3A_40 = tpu.memref_slice %arg6[%dma_start3A_38, %dma_start3A_39] : memref<10240x128xf32, #tpu.memory_space<vmem_shared>> -> memref<10240x128xf32, #tpu.memory_space<vmem_shared>>
          tpu.enqueue_indirect_dma source(%arg8 : memref<128x128xf32, #tpu.memory_space<vmem>>) target(%dma_start3A_40 : memref<10240x128xf32, #tpu.memory_space<vmem_shared>>) offsets(%dma_start3A_37 : memref<128xi32, #tpu.memory_space<vmem>>) semaphore(%run_scoped3A : memref<!tpu.dma_semaphore, #tpu.memory_space<semaphore_mem>>) {add = true}
          %dma_wait3A = arith.constant 0 : i32
          %dma_wait3A_41 = tpu.memref_slice %arg7[%add3A_35, %dma_wait3A] : memref<160x128xi32, #tpu.memory_space<vmem>> -> memref<1x128xi32, #tpu.memory_space<vmem>>
          %dma_wait3A_42 = tpu.memref_squeeze %dma_wait3A_41 : memref<1x128xi32, #tpu.memory_space<vmem>> -> memref<128xi32, #tpu.memory_space<vmem>>
          %dma_wait3A_43 = arith.constant 0 : i32
          %dma_wait3A_44 = arith.constant 0 : i32
          %dma_wait3A_45 = tpu.memref_slice %arg6[%dma_wait3A_43, %dma_wait3A_44] : memref<10240x128xf32, #tpu.memory_space<vmem_shared>> -> memref<10240x128xf32, #tpu.memory_space<vmem_shared>>
          tpu.wait_indirect_dma semaphore(%run_scoped3A : memref<!tpu.dma_semaphore, #tpu.memory_space<semaphore_mem>>) src(%arg8 : memref<128x128xf32, #tpu.memory_space<vmem>>) dst(%dma_wait3A_45 : memref<10240x128xf32, #tpu.memory_space<vmem_shared>>)
          tpu.yield
        }) : () -> ()
      }
      %scan3A_26 = arith.constant 160 : i32
      %barrier3A_27 = arith.constant 0 : index
      tpu.barrier barrier_id(%barrier3A_27)
      %mul3A_28 = arith.constant 640 : i32
      %mul3A_29 = arith.muli %arg1, %mul3A_28 : i32
      %mul3A_30 = arith.constant 640 : i32
      %mul3A_31 = arith.muli %arg1, %mul3A_30 : i32
      "tpu.region"() ({
        %run_scoped3A = tpu.sem_alloc : memref<!tpu.dma_semaphore, #tpu.memory_space<semaphore_mem>>
        %dma_start3A = arith.constant 0 : i32
        %dma_start3A_32 = tpu.memref_slice %arg4[%mul3A_31, %dma_start3A] : memref<10240x128xf32, #tpu.memory_space<hbm>> -> memref<640x128xf32, #tpu.memory_space<hbm>>
        %dma_start3A_33 = arith.constant 0 : i32
        %dma_start3A_34 = tpu.memref_slice %arg6[%mul3A_29, %dma_start3A_33] : memref<10240x128xf32, #tpu.memory_space<vmem_shared>> -> memref<640x128xf32, #tpu.memory_space<vmem_shared>>
        tpu.enqueue_dma source(%dma_start3A_34 : memref<640x128xf32, #tpu.memory_space<vmem_shared>>) target(%dma_start3A_32 : memref<640x128xf32, #tpu.memory_space<hbm>>) target_semaphore(%run_scoped3A : memref<!tpu.dma_semaphore, #tpu.memory_space<semaphore_mem>>)
        %dma_wait3A = arith.constant 0 : i32
        %dma_wait3A_35 = tpu.memref_slice %arg4[%mul3A_31, %dma_wait3A] : memref<10240x128xf32, #tpu.memory_space<hbm>> -> memref<640x128xf32, #tpu.memory_space<hbm>>
        %dma_wait3A_36 = arith.constant 0 : i32
        %dma_wait3A_37 = tpu.memref_slice %arg6[%mul3A_29, %dma_wait3A_36] : memref<10240x128xf32, #tpu.memory_space<vmem_shared>> -> memref<640x128xf32, #tpu.memory_space<vmem_shared>>
        tpu.wait_dma2 semaphore(%run_scoped3A : memref<!tpu.dma_semaphore, #tpu.memory_space<semaphore_mem>>) src(%dma_wait3A_37 : memref<640x128xf32, #tpu.memory_space<vmem_shared>>) dst(%dma_wait3A_35 : memref<640x128xf32, #tpu.memory_space<hbm>>)
        tpu.yield
      }) : () -> ()
    } else {
    }
    %eq3A_2 = arith.constant 1 : i32
    %eq3A_3 = arith.cmpi eq, %arg0, %eq3A_2 : i32
    %convert_element_type3A_4 = arith.extui %eq3A_3 : i1 to i32
    %cond3A_5 = arith.constant 0 : i32
    %cond3A_6 = arith.cmpi ne, %convert_element_type3A_4, %cond3A_5 : i32
    scf.if %cond3A_6 {
      %mul3A = arith.constant 160 : i32
      %mul3A_7 = arith.muli %arg1, %mul3A : i32
      "tpu.region"() ({
        %run_scoped3A = tpu.sem_alloc : memref<!tpu.dma_semaphore, #tpu.memory_space<semaphore_mem>>
        %dma_start3A = arith.constant 0 : i32
        %dma_start3A_32 = tpu.memref_slice %arg3[%mul3A_7, %dma_start3A] : memref<2560x128xi32, #tpu.memory_space<hbm>> -> memref<160x128xi32, #tpu.memory_space<hbm>>
        %dma_start3A_33 = arith.constant 0 : i32
        %dma_start3A_34 = tpu.memref_slice %arg3[%mul3A_7, %dma_start3A_33] : memref<2560x128xi32, #tpu.memory_space<hbm>> -> memref<160x128xi32, #tpu.memory_space<hbm>>
        tpu.enqueue_dma source(%dma_start3A_34 : memref<160x128xi32, #tpu.memory_space<hbm>>) target(%arg7 : memref<160x128xi32, #tpu.memory_space<vmem>>) target_semaphore(%run_scoped3A : memref<!tpu.dma_semaphore, #tpu.memory_space<semaphore_mem>>)
        %dma_wait3A = arith.constant 0 : i32
        %dma_wait3A_35 = tpu.memref_slice %arg3[%mul3A_7, %dma_wait3A] : memref<2560x128xi32, #tpu.memory_space<hbm>> -> memref<160x128xi32, #tpu.memory_space<hbm>>
        %dma_wait3A_36 = arith.constant 0 : i32
        %dma_wait3A_37 = tpu.memref_slice %arg3[%mul3A_7, %dma_wait3A_36] : memref<2560x128xi32, #tpu.memory_space<hbm>> -> memref<160x128xi32, #tpu.memory_space<hbm>>
        tpu.wait_dma2 semaphore(%run_scoped3A : memref<!tpu.dma_semaphore, #tpu.memory_space<semaphore_mem>>) src(%dma_wait3A_37 : memref<160x128xi32, #tpu.memory_space<hbm>>) dst(%arg7 : memref<160x128xi32, #tpu.memory_space<vmem>>)
        tpu.yield
      }) : () -> ()
      %scan3A = arith.constant 0 : i32
      %scan3A_8 = arith.constant 128 : i32
      %scan3A_9 = arith.addi %scan3A, %scan3A_8 : i32
      %scan3A_10 = arith.constant 1 : i32
      scf.for %scan3A_32 = %scan3A to %scan3A_9 step %scan3A_10  : i32 {
        %mul3A_33 = arith.constant 1 : i32
        %mul3A_34 = arith.muli %scan3A_32, %mul3A_33 : i32
        %add3A = arith.constant 0 : i32
        %add3A_35 = arith.addi %add3A, %mul3A_34 : i32
        %scan3A_36 = arith.constant 0 : i32
        %scan3A_37 = arith.constant 8 : i32
        %scan3A_38 = arith.addi %scan3A_36, %scan3A_37 : i32
        %scan3A_39 = arith.constant 1 : i32
        scf.for %scan3A_41 = %scan3A_36 to %scan3A_38 step %scan3A_39  : i32 {
          %mul3A_42 = arith.constant 1 : i32
          %mul3A_43 = arith.muli %scan3A_41, %mul3A_42 : i32
          %add3A_44 = arith.constant 0 : i32
          %add3A_45 = arith.addi %add3A_44, %mul3A_43 : i32
          %broadcast_in_dim3A = arith.constant 0.000000e+00 : f32
          %broadcast_in_dim3A_46 = vector.broadcast %broadcast_in_dim3A : f32 to vector<16xf32>
          %mul3A_47 = arith.constant 16 : i32
          %mul3A_48 = arith.muli %add3A_45, %mul3A_47 : i32
          %swap3A = arith.index_cast %add3A_35 : i32 to index
          %swap3A_49 = arith.index_cast %mul3A_48 : i32 to index
          %swap3A_50 = tpu.vector_load %arg8[%swap3A, %swap3A_49] {strides = array<i32>} : memref<128x128xf32, #tpu.memory_space<vmem>>, vector<1x16xf32>,
          %swap3A_51 = vector.shape_cast %swap3A_50 : vector<1x16xf32> to vector<16xf32>
          %swap3A_52 = vector.shape_cast %broadcast_in_dim3A_46 : vector<16xf32> to vector<1x16xf32>
          tpu.vector_store %arg8[%swap3A, %swap3A_49], %swap3A_52 {strides = array<i32>} : memref<128x128xf32, #tpu.memory_space<vmem>>, vector<1x16xf32>,
        }
        %scan3A_40 = arith.constant 8 : i32
      }
      %scan3A_11 = arith.constant 128 : i32
      %scan3A_12 = arith.constant 0 : i32
      %scan3A_13 = arith.constant 5 : i32
      %scan3A_14 = arith.addi %scan3A_12, %scan3A_13 : i32
      %scan3A_15 = arith.constant 1 : i32
      scf.for %scan3A_32 = %scan3A_12 to %scan3A_14 step %scan3A_15  : i32 {
        %mul3A_33 = arith.constant 1 : i32
        %mul3A_34 = arith.muli %scan3A_32, %mul3A_33 : i32
        %add3A = arith.constant 0 : i32
        %add3A_35 = arith.addi %add3A, %mul3A_34 : i32
        %mul3A_36 = arith.constant 640 : i32
        %mul3A_37 = arith.muli %arg1, %mul3A_36 : i32
        %mul3A_38 = arith.constant 128 : i32
        %mul3A_39 = arith.muli %add3A_35, %mul3A_38 : i32
        %add3A_40 = arith.addi %mul3A_37, %mul3A_39 : i32
        "tpu.region"() ({
          %run_scoped3A = tpu.sem_alloc : memref<!tpu.dma_semaphore, #tpu.memory_space<semaphore_mem>>
          %dma_start3A = arith.constant 0 : i32
          %dma_start3A_41 = tpu.memref_slice %arg6[%add3A_40, %dma_start3A] : memref<10240x128xf32, #tpu.memory_space<vmem_shared>> -> memref<128x128xf32, #tpu.memory_space<vmem_shared>>
          %dma_start3A_42 = arith.constant 0 : i32
          %dma_start3A_43 = tpu.memref_slice %arg6[%add3A_40, %dma_start3A_42] : memref<10240x128xf32, #tpu.memory_space<vmem_shared>> -> memref<128x128xf32, #tpu.memory_space<vmem_shared>>
          tpu.enqueue_dma source(%arg8 : memref<128x128xf32, #tpu.memory_space<vmem>>) target(%dma_start3A_43 : memref<128x128xf32, #tpu.memory_space<vmem_shared>>) target_semaphore(%run_scoped3A : memref<!tpu.dma_semaphore, #tpu.memory_space<semaphore_mem>>)
          %dma_wait3A = arith.constant 0 : i32
          %dma_wait3A_44 = tpu.memref_slice %arg6[%add3A_40, %dma_wait3A] : memref<10240x128xf32, #tpu.memory_space<vmem_shared>> -> memref<128x128xf32, #tpu.memory_space<vmem_shared>>
          %dma_wait3A_45 = arith.constant 0 : i32
          %dma_wait3A_46 = tpu.memref_slice %arg6[%add3A_40, %dma_wait3A_45] : memref<10240x128xf32, #tpu.memory_space<vmem_shared>> -> memref<128x128xf32, #tpu.memory_space<vmem_shared>>
          tpu.wait_dma2 semaphore(%run_scoped3A : memref<!tpu.dma_semaphore, #tpu.memory_space<semaphore_mem>>) src(%arg8 : memref<128x128xf32, #tpu.memory_space<vmem>>) dst(%dma_wait3A_46 : memref<128x128xf32, #tpu.memory_space<vmem_shared>>)
          tpu.yield
        }) : () -> ()
      }
      %scan3A_16 = arith.constant 5 : i32
      %scan3A_17 = arith.constant 0 : i32
      %scan3A_18 = arith.constant 128 : i32
      %scan3A_19 = arith.addi %scan3A_17, %scan3A_18 : i32
      %scan3A_20 = arith.constant 1 : i32
      scf.for %scan3A_32 = %scan3A_17 to %scan3A_19 step %scan3A_20  : i32 {
        %mul3A_33 = arith.constant 1 : i32
        %mul3A_34 = arith.muli %scan3A_32, %mul3A_33 : i32
        %add3A = arith.constant 0 : i32
        %add3A_35 = arith.addi %add3A, %mul3A_34 : i32
        %scan3A_36 = arith.constant 0 : i32
        %scan3A_37 = arith.constant 8 : i32
        %scan3A_38 = arith.addi %scan3A_36, %scan3A_37 : i32
        %scan3A_39 = arith.constant 1 : i32
        scf.for %scan3A_41 = %scan3A_36 to %scan3A_38 step %scan3A_39  : i32 {
          %mul3A_42 = arith.constant 1 : i32
          %mul3A_43 = arith.muli %scan3A_41, %mul3A_42 : i32
          %add3A_44 = arith.constant 0 : i32
          %add3A_45 = arith.addi %add3A_44, %mul3A_43 : i32
          %broadcast_in_dim3A = arith.constant 1.000000e+00 : f32
          %broadcast_in_dim3A_46 = vector.broadcast %broadcast_in_dim3A : f32 to vector<16xf32>
          %mul3A_47 = arith.constant 16 : i32
          %mul3A_48 = arith.muli %add3A_45, %mul3A_47 : i32
          %swap3A = arith.index_cast %add3A_35 : i32 to index
          %swap3A_49 = arith.index_cast %mul3A_48 : i32 to index
          %swap3A_50 = tpu.vector_load %arg8[%swap3A, %swap3A_49] {strides = array<i32>} : memref<128x128xf32, #tpu.memory_space<vmem>>, vector<1x16xf32>,
          %swap3A_51 = vector.shape_cast %swap3A_50 : vector<1x16xf32> to vector<16xf32>
          %swap3A_52 = vector.shape_cast %broadcast_in_dim3A_46 : vector<16xf32> to vector<1x16xf32>
          tpu.vector_store %arg8[%swap3A, %swap3A_49], %swap3A_52 {strides = array<i32>} : memref<128x128xf32, #tpu.memory_space<vmem>>, vector<1x16xf32>,
        }
        %scan3A_40 = arith.constant 8 : i32
      }
      %scan3A_21 = arith.constant 128 : i32
      %barrier3A = arith.constant 0 : index
      tpu.barrier barrier_id(%barrier3A)
      %scan3A_22 = arith.constant 0 : i32
      %scan3A_23 = arith.constant 160 : i32
      %scan3A_24 = arith.addi %scan3A_22, %scan3A_23 : i32
      %scan3A_25 = arith.constant 1 : i32
      scf.for %scan3A_32 = %scan3A_22 to %scan3A_24 step %scan3A_25  : i32 {
        %mul3A_33 = arith.constant 1 : i32
        %mul3A_34 = arith.muli %scan3A_32, %mul3A_33 : i32
        %add3A = arith.constant 0 : i32
        %add3A_35 = arith.addi %add3A, %mul3A_34 : i32
        "tpu.region"() ({
          %run_scoped3A = tpu.sem_alloc : memref<!tpu.dma_semaphore, #tpu.memory_space<semaphore_mem>>
          %dma_start3A = arith.constant 0 : i32
          %dma_start3A_36 = tpu.memref_slice %arg7[%add3A_35, %dma_start3A] : memref<160x128xi32, #tpu.memory_space<vmem>> -> memref<1x128xi32, #tpu.memory_space<vmem>>
          %dma_start3A_37 = tpu.memref_squeeze %dma_start3A_36 : memref<1x128xi32, #tpu.memory_space<vmem>> -> memref<128xi32, #tpu.memory_space<vmem>>
          %dma_start3A_38 = arith.constant 0 : i32
          %dma_start3A_39 = arith.constant 0 : i32
          %dma_start3A_40 = tpu.memref_slice %arg6[%dma_start3A_38, %dma_start3A_39] : memref<10240x128xf32, #tpu.memory_space<vmem_shared>> -> memref<10240x128xf32, #tpu.memory_space<vmem_shared>>
          tpu.enqueue_indirect_dma source(%arg8 : memref<128x128xf32, #tpu.memory_space<vmem>>) target(%dma_start3A_40 : memref<10240x128xf32, #tpu.memory_space<vmem_shared>>) offsets(%dma_start3A_37 : memref<128xi32, #tpu.memory_space<vmem>>) semaphore(%run_scoped3A : memref<!tpu.dma_semaphore, #tpu.memory_space<semaphore_mem>>) {add = true}
          %dma_wait3A = arith.constant 0 : i32
          %dma_wait3A_41 = tpu.memref_slice %arg7[%add3A_35, %dma_wait3A] : memref<160x128xi32, #tpu.memory_space<vmem>> -> memref<1x128xi32, #tpu.memory_space<vmem>>
          %dma_wait3A_42 = tpu.memref_squeeze %dma_wait3A_41 : memref<1x128xi32, #tpu.memory_space<vmem>> -> memref<128xi32, #tpu.memory_space<vmem>>
          %dma_wait3A_43 = arith.constant 0 : i32
          %dma_wait3A_44 = arith.constant 0 : i32
          %dma_wait3A_45 = tpu.memref_slice %arg6[%dma_wait3A_43, %dma_wait3A_44] : memref<10240x128xf32, #tpu.memory_space<vmem_shared>> -> memref<10240x128xf32, #tpu.memory_space<vmem_shared>>
          tpu.wait_indirect_dma semaphore(%run_scoped3A : memref<!tpu.dma_semaphore, #tpu.memory_space<semaphore_mem>>) src(%arg8 : memref<128x128xf32, #tpu.memory_space<vmem>>) dst(%dma_wait3A_45 : memref<10240x128xf32, #tpu.memory_space<vmem_shared>>)
          tpu.yield
        }) : () -> ()
      }
      %scan3A_26 = arith.constant 160 : i32
      %barrier3A_27 = arith.constant 0 : index
      tpu.barrier barrier_id(%barrier3A_27)
      %mul3A_28 = arith.constant 640 : i32
      %mul3A_29 = arith.muli %arg1, %mul3A_28 : i32
      %mul3A_30 = arith.constant 640 : i32
      %mul3A_31 = arith.muli %arg1, %mul3A_30 : i32
      "tpu.region"() ({
        %run_scoped3A = tpu.sem_alloc : memref<!tpu.dma_semaphore, #tpu.memory_space<semaphore_mem>>
        %dma_start3A = arith.constant 0 : i32
        %dma_start3A_32 = tpu.memref_slice %arg5[%mul3A_31, %dma_start3A] : memref<10240x128xf32, #tpu.memory_space<hbm>> -> memref<640x128xf32, #tpu.memory_space<hbm>>
        %dma_start3A_33 = arith.constant 0 : i32
        %dma_start3A_34 = tpu.memref_slice %arg6[%mul3A_29, %dma_start3A_33] : memref<10240x128xf32, #tpu.memory_space<vmem_shared>> -> memref<640x128xf32, #tpu.memory_space<vmem_shared>>
        tpu.enqueue_dma source(%dma_start3A_34 : memref<640x128xf32, #tpu.memory_space<vmem_shared>>) target(%dma_start3A_32 : memref<640x128xf32, #tpu.memory_space<hbm>>) target_semaphore(%run_scoped3A : memref<!tpu.dma_semaphore, #tpu.memory_space<semaphore_mem>>)
        %dma_wait3A = arith.constant 0 : i32
        %dma_wait3A_35 = tpu.memref_slice %arg5[%mul3A_31, %dma_wait3A] : memref<10240x128xf32, #tpu.memory_space<hbm>> -> memref<640x128xf32, #tpu.memory_space<hbm>>
        %dma_wait3A_36 = arith.constant 0 : i32
        %dma_wait3A_37 = tpu.memref_slice %arg6[%mul3A_29, %dma_wait3A_36] : memref<10240x128xf32, #tpu.memory_space<vmem_shared>> -> memref<640x128xf32, #tpu.memory_space<vmem_shared>>
        tpu.wait_dma2 semaphore(%run_scoped3A : memref<!tpu.dma_semaphore, #tpu.memory_space<semaphore_mem>>) src(%dma_wait3A_37 : memref<640x128xf32, #tpu.memory_space<vmem_shared>>) dst(%dma_wait3A_35 : memref<640x128xf32, #tpu.memory_space<hbm>>)
        tpu.yield
      }) : () -> ()
    } else {
    }
    return
  }
}

#map = affine_map<(d0, d1) -> (0, 0)>
module attributes {stable_mosaic.version = 14 : i64} {
  func.func @k(%arg0: i32, %arg1: i32, %arg2: memref<10240x128xf32, #tpu.memory_space<hbm>>, %arg3: memref<10240x128xf32, #tpu.memory_space<hbm>>, %arg4: memref<2560x128xi32, #tpu.memory_space<hbm>>, %arg5: memref<2560x128xi32, #tpu.memory_space<hbm>>, %arg6: memref<10240x128xf32, #tpu.memory_space<hbm>>, %arg7: memref<10240x128xf32, #tpu.memory_space<hbm>>, %arg8: memref<10240x128xf32, #tpu.memory_space<vmem_shared>>, %arg9: memref<32x128xi32, #tpu.memory_space<vmem>>, %arg10: memref<32x128xi32, #tpu.memory_space<vmem>>, %arg11: memref<2x128x128xf32, #tpu.memory_space<vmem>>, %arg12: memref<!tpu.dma_semaphore, #tpu.memory_space<semaphore_mem>>, %arg13: memref<!tpu.dma_semaphore, #tpu.memory_space<semaphore_mem>>) attributes {dimension_semantics = [#tpu.dimension_semantics<core_parallel>, #tpu.dimension_semantics<subcore_parallel>], iteration_bounds = array<i64: 2, 16>, scalar_prefetch = 0 : i64, scratch_operands = 6 : i64, tpu.core_type = #tpu.core_type<sc_vector_subcore>, window_params = [{transform_indices = #map}, {transform_indices = #map}, {transform_indices = #map}, {transform_indices = #map}, {transform_indices = #map}, {transform_indices = #map}]} {
    %eq3A = arith.constant 0 : i32
    %eq3A_0 = arith.cmpi eq, %arg0, %eq3A : i32
    %convert_element_type3A = arith.extui %eq3A_0 : i1 to i32
    %cond3A = arith.constant 0 : i32
    %cond3A_1 = arith.cmpi ne, %convert_element_type3A, %cond3A : i32
    scf.if %cond3A_1 {
      %scan3A = arith.constant 0 : i32
      %scan3A_7 = arith.constant 128 : i32
      %scan3A_8 = arith.addi %scan3A, %scan3A_7 : i32
      %scan3A_9 = arith.constant 1 : i32
      scf.for %scan3A_25 = %scan3A to %scan3A_8 step %scan3A_9  : i32 {
        %mul3A_26 = arith.constant 1 : i32
        %mul3A_27 = arith.muli %scan3A_25, %mul3A_26 : i32
        %add3A = arith.constant 0 : i32
        %add3A_28 = arith.addi %add3A, %mul3A_27 : i32
        %scan3A_29 = arith.constant 0 : i32
        %scan3A_30 = arith.constant 8 : i32
        %scan3A_31 = arith.addi %scan3A_29, %scan3A_30 : i32
        %scan3A_32 = arith.constant 1 : i32
        scf.for %scan3A_34 = %scan3A_29 to %scan3A_31 step %scan3A_32  : i32 {
          %mul3A_35 = arith.constant 1 : i32
          %mul3A_36 = arith.muli %scan3A_34, %mul3A_35 : i32
          %add3A_37 = arith.constant 0 : i32
          %add3A_38 = arith.addi %add3A_37, %mul3A_36 : i32
          %broadcast_in_dim3A = arith.constant 0.000000e+00 : f32
          %broadcast_in_dim3A_39 = vector.broadcast %broadcast_in_dim3A : f32 to vector<16xf32>
          %mul3A_40 = arith.constant 16 : i32
          %mul3A_41 = arith.muli %add3A_38, %mul3A_40 : i32
          %swap3A = arith.constant 0 : i32
          %swap3A_42 = arith.index_cast %swap3A : i32 to index
          %swap3A_43 = arith.index_cast %add3A_28 : i32 to index
          %swap3A_44 = arith.index_cast %mul3A_41 : i32 to index
          %swap3A_45 = tpu.vector_load %arg11[%swap3A_42, %swap3A_43, %swap3A_44] {strides = array<i32>} : memref<2x128x128xf32, #tpu.memory_space<vmem>>, vector<1x1x16xf32>,
          %swap3A_46 = vector.shape_cast %swap3A_45 : vector<1x1x16xf32> to vector<16xf32>
          %swap3A_47 = vector.shape_cast %broadcast_in_dim3A_39 : vector<16xf32> to vector<1x1x16xf32>
          tpu.vector_store %arg11[%swap3A_42, %swap3A_43, %swap3A_44], %swap3A_47 {strides = array<i32>} : memref<2x128x128xf32, #tpu.memory_space<vmem>>, vector<1x1x16xf32>,
        }
        %scan3A_33 = arith.constant 8 : i32
      }
      %scan3A_10 = arith.constant 128 : i32
      %scan3A_11 = arith.constant 0 : i32
      %scan3A_12 = arith.constant 5 : i32
      %scan3A_13 = arith.addi %scan3A_11, %scan3A_12 : i32
      %scan3A_14 = arith.constant 1 : i32
      scf.for %scan3A_25 = %scan3A_11 to %scan3A_13 step %scan3A_14  : i32 {
        %mul3A_26 = arith.constant 1 : i32
        %mul3A_27 = arith.muli %scan3A_25, %mul3A_26 : i32
        %add3A = arith.constant 0 : i32
        %add3A_28 = arith.addi %add3A, %mul3A_27 : i32
        %mul3A_29 = arith.constant 640 : i32
        %mul3A_30 = arith.muli %arg1, %mul3A_29 : i32
        %mul3A_31 = arith.constant 128 : i32
        %mul3A_32 = arith.muli %add3A_28, %mul3A_31 : i32
        %add3A_33 = arith.addi %mul3A_30, %mul3A_32 : i32
        %run_scoped3A = arith.constant 0 : i32
        "tpu.region"() ({
          %run_scoped3A_34 = tpu.sem_alloc : memref<!tpu.dma_semaphore, #tpu.memory_space<semaphore_mem>>
          %dma_start3A = arith.constant 0 : i32
          %dma_start3A_35 = arith.constant 0 : i32
          %dma_start3A_36 = tpu.memref_slice %arg11[%run_scoped3A, %dma_start3A, %dma_start3A_35] : memref<2x128x128xf32, #tpu.memory_space<vmem>> -> memref<1x128x128xf32, #tpu.memory_space<vmem>>
          %dma_start3A_37 = tpu.memref_squeeze %dma_start3A_36 : memref<1x128x128xf32, #tpu.memory_space<vmem>> -> memref<128x128xf32, #tpu.memory_space<vmem>>
          %dma_start3A_38 = arith.constant 0 : i32
          %dma_start3A_39 = tpu.memref_slice %arg8[%add3A_33, %dma_start3A_38] : memref<10240x128xf32, #tpu.memory_space<vmem_shared>> -> memref<128x128xf32, #tpu.memory_space<vmem_shared>>
          %dma_start3A_40 = arith.constant 0 : i32
          %dma_start3A_41 = tpu.memref_slice %arg8[%add3A_33, %dma_start3A_40] : memref<10240x128xf32, #tpu.memory_space<vmem_shared>> -> memref<128x128xf32, #tpu.memory_space<vmem_shared>>
          %dma_start3A_42 = arith.constant 0 : i32
          %dma_start3A_43 = arith.constant 0 : i32
          %dma_start3A_44 = tpu.memref_slice %arg11[%run_scoped3A, %dma_start3A_42, %dma_start3A_43] : memref<2x128x128xf32, #tpu.memory_space<vmem>> -> memref<1x128x128xf32, #tpu.memory_space<vmem>>
          %dma_start3A_45 = tpu.memref_squeeze %dma_start3A_44 : memref<1x128x128xf32, #tpu.memory_space<vmem>> -> memref<128x128xf32, #tpu.memory_space<vmem>>
          tpu.enqueue_dma source(%dma_start3A_45 : memref<128x128xf32, #tpu.memory_space<vmem>>) target(%dma_start3A_41 : memref<128x128xf32, #tpu.memory_space<vmem_shared>>) target_semaphore(%run_scoped3A_34 : memref<!tpu.dma_semaphore, #tpu.memory_space<semaphore_mem>>)
          %dma_wait3A = arith.constant 0 : i32
          %dma_wait3A_46 = arith.constant 0 : i32
          %dma_wait3A_47 = tpu.memref_slice %arg11[%run_scoped3A, %dma_wait3A, %dma_wait3A_46] : memref<2x128x128xf32, #tpu.memory_space<vmem>> -> memref<1x128x128xf32, #tpu.memory_space<vmem>>
          %dma_wait3A_48 = tpu.memref_squeeze %dma_wait3A_47 : memref<1x128x128xf32, #tpu.memory_space<vmem>> -> memref<128x128xf32, #tpu.memory_space<vmem>>
          %dma_wait3A_49 = arith.constant 0 : i32
          %dma_wait3A_50 = tpu.memref_slice %arg8[%add3A_33, %dma_wait3A_49] : memref<10240x128xf32, #tpu.memory_space<vmem_shared>> -> memref<128x128xf32, #tpu.memory_space<vmem_shared>>
          %dma_wait3A_51 = arith.constant 0 : i32
          %dma_wait3A_52 = tpu.memref_slice %arg8[%add3A_33, %dma_wait3A_51] : memref<10240x128xf32, #tpu.memory_space<vmem_shared>> -> memref<128x128xf32, #tpu.memory_space<vmem_shared>>
          %dma_wait3A_53 = arith.constant 0 : i32
          %dma_wait3A_54 = arith.constant 0 : i32
          %dma_wait3A_55 = tpu.memref_slice %arg11[%run_scoped3A, %dma_wait3A_53, %dma_wait3A_54] : memref<2x128x128xf32, #tpu.memory_space<vmem>> -> memref<1x128x128xf32, #tpu.memory_space<vmem>>
          %dma_wait3A_56 = tpu.memref_squeeze %dma_wait3A_55 : memref<1x128x128xf32, #tpu.memory_space<vmem>> -> memref<128x128xf32, #tpu.memory_space<vmem>>
          tpu.wait_dma2 semaphore(%run_scoped3A_34 : memref<!tpu.dma_semaphore, #tpu.memory_space<semaphore_mem>>) src(%dma_wait3A_56 : memref<128x128xf32, #tpu.memory_space<vmem>>) dst(%dma_wait3A_52 : memref<128x128xf32, #tpu.memory_space<vmem_shared>>)
          tpu.yield
        }) : () -> ()
      }
      %scan3A_15 = arith.constant 5 : i32
      %barrier3A = arith.constant 0 : index
      tpu.barrier barrier_id(%barrier3A)
      %scan3A_16 = arith.constant 0 : i32
      %scan3A_17 = arith.constant 5 : i32
      %scan3A_18 = arith.addi %scan3A_16, %scan3A_17 : i32
      %scan3A_19 = arith.constant 1 : i32
      scf.for %scan3A_25 = %scan3A_16 to %scan3A_18 step %scan3A_19  : i32 {
        %mul3A_26 = arith.constant 1 : i32
        %mul3A_27 = arith.muli %scan3A_25, %mul3A_26 : i32
        %add3A = arith.constant 0 : i32
        %add3A_28 = arith.addi %add3A, %mul3A_27 : i32
        %mul3A_29 = arith.constant 160 : i32
        %mul3A_30 = arith.muli %arg1, %mul3A_29 : i32
        %mul3A_31 = arith.constant 32 : i32
        %mul3A_32 = arith.muli %add3A_28, %mul3A_31 : i32
        %add3A_33 = arith.addi %mul3A_30, %mul3A_32 : i32
        "tpu.region"() ({
          %run_scoped3A = tpu.sem_alloc : memref<!tpu.dma_semaphore, #tpu.memory_space<semaphore_mem>>
          %dma_start3A = arith.constant 0 : i32
          %dma_start3A_39 = tpu.memref_slice %arg4[%add3A_33, %dma_start3A] : memref<2560x128xi32, #tpu.memory_space<hbm>> -> memref<32x128xi32, #tpu.memory_space<hbm>>
          %dma_start3A_40 = arith.constant 0 : i32
          %dma_start3A_41 = tpu.memref_slice %arg4[%add3A_33, %dma_start3A_40] : memref<2560x128xi32, #tpu.memory_space<hbm>> -> memref<32x128xi32, #tpu.memory_space<hbm>>
          tpu.enqueue_dma source(%dma_start3A_41 : memref<32x128xi32, #tpu.memory_space<hbm>>) target(%arg9 : memref<32x128xi32, #tpu.memory_space<vmem>>) target_semaphore(%run_scoped3A : memref<!tpu.dma_semaphore, #tpu.memory_space<semaphore_mem>>)
          %dma_wait3A = arith.constant 0 : i32
          %dma_wait3A_42 = tpu.memref_slice %arg4[%add3A_33, %dma_wait3A] : memref<2560x128xi32, #tpu.memory_space<hbm>> -> memref<32x128xi32, #tpu.memory_space<hbm>>
          %dma_wait3A_43 = arith.constant 0 : i32
          %dma_wait3A_44 = tpu.memref_slice %arg4[%add3A_33, %dma_wait3A_43] : memref<2560x128xi32, #tpu.memory_space<hbm>> -> memref<32x128xi32, #tpu.memory_space<hbm>>
          tpu.wait_dma2 semaphore(%run_scoped3A : memref<!tpu.dma_semaphore, #tpu.memory_space<semaphore_mem>>) src(%dma_wait3A_44 : memref<32x128xi32, #tpu.memory_space<hbm>>) dst(%arg9 : memref<32x128xi32, #tpu.memory_space<vmem>>)
          tpu.yield
        }) : () -> ()
        "tpu.region"() ({
          %run_scoped3A = tpu.sem_alloc : memref<!tpu.dma_semaphore, #tpu.memory_space<semaphore_mem>>
          %dma_start3A = arith.constant 0 : i32
          %dma_start3A_39 = tpu.memref_slice %arg5[%add3A_33, %dma_start3A] : memref<2560x128xi32, #tpu.memory_space<hbm>> -> memref<32x128xi32, #tpu.memory_space<hbm>>
          %dma_start3A_40 = arith.constant 0 : i32
          %dma_start3A_41 = tpu.memref_slice %arg5[%add3A_33, %dma_start3A_40] : memref<2560x128xi32, #tpu.memory_space<hbm>> -> memref<32x128xi32, #tpu.memory_space<hbm>>
          tpu.enqueue_dma source(%dma_start3A_41 : memref<32x128xi32, #tpu.memory_space<hbm>>) target(%arg10 : memref<32x128xi32, #tpu.memory_space<vmem>>) target_semaphore(%run_scoped3A : memref<!tpu.dma_semaphore, #tpu.memory_space<semaphore_mem>>)
          %dma_wait3A = arith.constant 0 : i32
          %dma_wait3A_42 = tpu.memref_slice %arg5[%add3A_33, %dma_wait3A] : memref<2560x128xi32, #tpu.memory_space<hbm>> -> memref<32x128xi32, #tpu.memory_space<hbm>>
          %dma_wait3A_43 = arith.constant 0 : i32
          %dma_wait3A_44 = tpu.memref_slice %arg5[%add3A_33, %dma_wait3A_43] : memref<2560x128xi32, #tpu.memory_space<hbm>> -> memref<32x128xi32, #tpu.memory_space<hbm>>
          tpu.wait_dma2 semaphore(%run_scoped3A : memref<!tpu.dma_semaphore, #tpu.memory_space<semaphore_mem>>) src(%dma_wait3A_44 : memref<32x128xi32, #tpu.memory_space<hbm>>) dst(%arg10 : memref<32x128xi32, #tpu.memory_space<vmem>>)
          tpu.yield
        }) : () -> ()
        %scan3A_34 = arith.constant 0 : i32
        %scan3A_35 = arith.constant 32 : i32
        %scan3A_36 = arith.addi %scan3A_34, %scan3A_35 : i32
        %scan3A_37 = arith.constant 1 : i32
        scf.for %scan3A_39 = %scan3A_34 to %scan3A_36 step %scan3A_37  : i32 {
          %mul3A_40 = arith.constant 1 : i32
          %mul3A_41 = arith.muli %scan3A_39, %mul3A_40 : i32
          %add3A_42 = arith.constant 0 : i32
          %add3A_43 = arith.addi %add3A_42, %mul3A_41 : i32
          %run_scoped3A = arith.constant 0 : i32
          "tpu.region"() ({
            %run_scoped3A_45 = tpu.sem_alloc : memref<!tpu.dma_semaphore, #tpu.memory_space<semaphore_mem>>
            %dma_start3A = arith.constant 0 : i32
            %dma_start3A_46 = arith.constant 0 : i32
            %dma_start3A_47 = tpu.memref_slice %arg11[%run_scoped3A, %dma_start3A, %dma_start3A_46] : memref<2x128x128xf32, #tpu.memory_space<vmem>> -> memref<1x128x128xf32, #tpu.memory_space<vmem>>
            %dma_start3A_48 = tpu.memref_squeeze %dma_start3A_47 : memref<1x128x128xf32, #tpu.memory_space<vmem>> -> memref<128x128xf32, #tpu.memory_space<vmem>>
            %dma_start3A_49 = arith.constant 0 : i32
            %dma_start3A_50 = tpu.memref_slice %arg9[%add3A_43, %dma_start3A_49] : memref<32x128xi32, #tpu.memory_space<vmem>> -> memref<1x128xi32, #tpu.memory_space<vmem>>
            %dma_start3A_51 = tpu.memref_squeeze %dma_start3A_50 : memref<1x128xi32, #tpu.memory_space<vmem>> -> memref<128xi32, #tpu.memory_space<vmem>>
            %dma_start3A_52 = arith.constant 0 : i32
            %dma_start3A_53 = arith.constant 0 : i32
            %dma_start3A_54 = tpu.memref_slice %arg2[%dma_start3A_52, %dma_start3A_53] : memref<10240x128xf32, #tpu.memory_space<hbm>> -> memref<10240x128xf32, #tpu.memory_space<hbm>>
            tpu.enqueue_indirect_dma source(%dma_start3A_54 : memref<10240x128xf32, #tpu.memory_space<hbm>>) target(%dma_start3A_48 : memref<128x128xf32, #tpu.memory_space<vmem>>) offsets(%dma_start3A_51 : memref<128xi32, #tpu.memory_space<vmem>>) semaphore(%run_scoped3A_45 : memref<!tpu.dma_semaphore, #tpu.memory_space<semaphore_mem>>)
            %dma_wait3A = arith.constant 0 : i32
            %dma_wait3A_55 = arith.constant 0 : i32
            %dma_wait3A_56 = tpu.memref_slice %arg11[%run_scoped3A, %dma_wait3A, %dma_wait3A_55] : memref<2x128x128xf32, #tpu.memory_space<vmem>> -> memref<1x128x128xf32, #tpu.memory_space<vmem>>
            %dma_wait3A_57 = tpu.memref_squeeze %dma_wait3A_56 : memref<1x128x128xf32, #tpu.memory_space<vmem>> -> memref<128x128xf32, #tpu.memory_space<vmem>>
            %dma_wait3A_58 = arith.constant 0 : i32
            %dma_wait3A_59 = tpu.memref_slice %arg9[%add3A_43, %dma_wait3A_58] : memref<32x128xi32, #tpu.memory_space<vmem>> -> memref<1x128xi32, #tpu.memory_space<vmem>>
            %dma_wait3A_60 = tpu.memref_squeeze %dma_wait3A_59 : memref<1x128xi32, #tpu.memory_space<vmem>> -> memref<128xi32, #tpu.memory_space<vmem>>
            %dma_wait3A_61 = arith.constant 0 : i32
            %dma_wait3A_62 = arith.constant 0 : i32
            %dma_wait3A_63 = tpu.memref_slice %arg2[%dma_wait3A_61, %dma_wait3A_62] : memref<10240x128xf32, #tpu.memory_space<hbm>> -> memref<10240x128xf32, #tpu.memory_space<hbm>>
            tpu.wait_indirect_dma semaphore(%run_scoped3A_45 : memref<!tpu.dma_semaphore, #tpu.memory_space<semaphore_mem>>) src(%dma_wait3A_63 : memref<10240x128xf32, #tpu.memory_space<hbm>>) dst(%dma_wait3A_57 : memref<128x128xf32, #tpu.memory_space<vmem>>)
            tpu.yield
          }) : () -> ()
          %run_scoped3A_44 = arith.constant 0 : i32
          "tpu.region"() ({
            %run_scoped3A_45 = tpu.sem_alloc : memref<!tpu.dma_semaphore, #tpu.memory_space<semaphore_mem>>
            %dma_start3A = arith.constant 0 : i32
            %dma_start3A_46 = arith.constant 0 : i32
            %dma_start3A_47 = tpu.memref_slice %arg11[%run_scoped3A_44, %dma_start3A, %dma_start3A_46] : memref<2x128x128xf32, #tpu.memory_space<vmem>> -> memref<1x128x128xf32, #tpu.memory_space<vmem>>
            %dma_start3A_48 = tpu.memref_squeeze %dma_start3A_47 : memref<1x128x128xf32, #tpu.memory_space<vmem>> -> memref<128x128xf32, #tpu.memory_space<vmem>>
            %dma_start3A_49 = arith.constant 0 : i32
            %dma_start3A_50 = tpu.memref_slice %arg10[%add3A_43, %dma_start3A_49] : memref<32x128xi32, #tpu.memory_space<vmem>> -> memref<1x128xi32, #tpu.memory_space<vmem>>
            %dma_start3A_51 = tpu.memref_squeeze %dma_start3A_50 : memref<1x128xi32, #tpu.memory_space<vmem>> -> memref<128xi32, #tpu.memory_space<vmem>>
            %dma_start3A_52 = arith.constant 0 : i32
            %dma_start3A_53 = arith.constant 0 : i32
            %dma_start3A_54 = tpu.memref_slice %arg8[%dma_start3A_52, %dma_start3A_53] : memref<10240x128xf32, #tpu.memory_space<vmem_shared>> -> memref<10240x128xf32, #tpu.memory_space<vmem_shared>>
            tpu.enqueue_indirect_dma source(%dma_start3A_48 : memref<128x128xf32, #tpu.memory_space<vmem>>) target(%dma_start3A_54 : memref<10240x128xf32, #tpu.memory_space<vmem_shared>>) offsets(%dma_start3A_51 : memref<128xi32, #tpu.memory_space<vmem>>) semaphore(%run_scoped3A_45 : memref<!tpu.dma_semaphore, #tpu.memory_space<semaphore_mem>>) {add = true}
            %dma_wait3A = arith.constant 0 : i32
            %dma_wait3A_55 = arith.constant 0 : i32
            %dma_wait3A_56 = tpu.memref_slice %arg11[%run_scoped3A_44, %dma_wait3A, %dma_wait3A_55] : memref<2x128x128xf32, #tpu.memory_space<vmem>> -> memref<1x128x128xf32, #tpu.memory_space<vmem>>
            %dma_wait3A_57 = tpu.memref_squeeze %dma_wait3A_56 : memref<1x128x128xf32, #tpu.memory_space<vmem>> -> memref<128x128xf32, #tpu.memory_space<vmem>>
            %dma_wait3A_58 = arith.constant 0 : i32
            %dma_wait3A_59 = tpu.memref_slice %arg10[%add3A_43, %dma_wait3A_58] : memref<32x128xi32, #tpu.memory_space<vmem>> -> memref<1x128xi32, #tpu.memory_space<vmem>>
            %dma_wait3A_60 = tpu.memref_squeeze %dma_wait3A_59 : memref<1x128xi32, #tpu.memory_space<vmem>> -> memref<128xi32, #tpu.memory_space<vmem>>
            %dma_wait3A_61 = arith.constant 0 : i32
            %dma_wait3A_62 = arith.constant 0 : i32
            %dma_wait3A_63 = tpu.memref_slice %arg8[%dma_wait3A_61, %dma_wait3A_62] : memref<10240x128xf32, #tpu.memory_space<vmem_shared>> -> memref<10240x128xf32, #tpu.memory_space<vmem_shared>>
            tpu.wait_indirect_dma semaphore(%run_scoped3A_45 : memref<!tpu.dma_semaphore, #tpu.memory_space<semaphore_mem>>) src(%dma_wait3A_57 : memref<128x128xf32, #tpu.memory_space<vmem>>) dst(%dma_wait3A_63 : memref<10240x128xf32, #tpu.memory_space<vmem_shared>>)
            tpu.yield
          }) : () -> ()
        }
        %scan3A_38 = arith.constant 32 : i32
      }
      %scan3A_20 = arith.constant 5 : i32
      %barrier3A_21 = arith.constant 0 : index
      tpu.barrier barrier_id(%barrier3A_21)
      %mul3A = arith.constant 640 : i32
      %mul3A_22 = arith.muli %arg1, %mul3A : i32
      %mul3A_23 = arith.constant 640 : i32
      %mul3A_24 = arith.muli %arg1, %mul3A_23 : i32
      "tpu.region"() ({
        %run_scoped3A = tpu.sem_alloc : memref<!tpu.dma_semaphore, #tpu.memory_space<semaphore_mem>>
        %dma_start3A = arith.constant 0 : i32
        %dma_start3A_25 = tpu.memref_slice %arg6[%mul3A_24, %dma_start3A] : memref<10240x128xf32, #tpu.memory_space<hbm>> -> memref<640x128xf32, #tpu.memory_space<hbm>>
        %dma_start3A_26 = arith.constant 0 : i32
        %dma_start3A_27 = tpu.memref_slice %arg8[%mul3A_22, %dma_start3A_26] : memref<10240x128xf32, #tpu.memory_space<vmem_shared>> -> memref<640x128xf32, #tpu.memory_space<vmem_shared>>
        tpu.enqueue_dma source(%dma_start3A_27 : memref<640x128xf32, #tpu.memory_space<vmem_shared>>) target(%dma_start3A_25 : memref<640x128xf32, #tpu.memory_space<hbm>>) target_semaphore(%run_scoped3A : memref<!tpu.dma_semaphore, #tpu.memory_space<semaphore_mem>>)
        %dma_wait3A = arith.constant 0 : i32
        %dma_wait3A_28 = tpu.memref_slice %arg6[%mul3A_24, %dma_wait3A] : memref<10240x128xf32, #tpu.memory_space<hbm>> -> memref<640x128xf32, #tpu.memory_space<hbm>>
        %dma_wait3A_29 = arith.constant 0 : i32
        %dma_wait3A_30 = tpu.memref_slice %arg8[%mul3A_22, %dma_wait3A_29] : memref<10240x128xf32, #tpu.memory_space<vmem_shared>> -> memref<640x128xf32, #tpu.memory_space<vmem_shared>>
        tpu.wait_dma2 semaphore(%run_scoped3A : memref<!tpu.dma_semaphore, #tpu.memory_space<semaphore_mem>>) src(%dma_wait3A_30 : memref<640x128xf32, #tpu.memory_space<vmem_shared>>) dst(%dma_wait3A_28 : memref<640x128xf32, #tpu.memory_space<hbm>>)
        tpu.yield
      }) : () -> ()
    } else {
    }
    %eq3A_2 = arith.constant 1 : i32
    %eq3A_3 = arith.cmpi eq, %arg0, %eq3A_2 : i32
    %convert_element_type3A_4 = arith.extui %eq3A_3 : i1 to i32
    %cond3A_5 = arith.constant 0 : i32
    %cond3A_6 = arith.cmpi ne, %convert_element_type3A_4, %cond3A_5 : i32
    scf.if %cond3A_6 {
      %scan3A = arith.constant 0 : i32
      %scan3A_7 = arith.constant 128 : i32
      %scan3A_8 = arith.addi %scan3A, %scan3A_7 : i32
      %scan3A_9 = arith.constant 1 : i32
      scf.for %scan3A_25 = %scan3A to %scan3A_8 step %scan3A_9  : i32 {
        %mul3A_26 = arith.constant 1 : i32
        %mul3A_27 = arith.muli %scan3A_25, %mul3A_26 : i32
        %add3A = arith.constant 0 : i32
        %add3A_28 = arith.addi %add3A, %mul3A_27 : i32
        %scan3A_29 = arith.constant 0 : i32
        %scan3A_30 = arith.constant 8 : i32
        %scan3A_31 = arith.addi %scan3A_29, %scan3A_30 : i32
        %scan3A_32 = arith.constant 1 : i32
        scf.for %scan3A_34 = %scan3A_29 to %scan3A_31 step %scan3A_32  : i32 {
          %mul3A_35 = arith.constant 1 : i32
          %mul3A_36 = arith.muli %scan3A_34, %mul3A_35 : i32
          %add3A_37 = arith.constant 0 : i32
          %add3A_38 = arith.addi %add3A_37, %mul3A_36 : i32
          %broadcast_in_dim3A = arith.constant 0.000000e+00 : f32
          %broadcast_in_dim3A_39 = vector.broadcast %broadcast_in_dim3A : f32 to vector<16xf32>
          %mul3A_40 = arith.constant 16 : i32
          %mul3A_41 = arith.muli %add3A_38, %mul3A_40 : i32
          %swap3A = arith.constant 0 : i32
          %swap3A_42 = arith.index_cast %swap3A : i32 to index
          %swap3A_43 = arith.index_cast %add3A_28 : i32 to index
          %swap3A_44 = arith.index_cast %mul3A_41 : i32 to index
          %swap3A_45 = tpu.vector_load %arg11[%swap3A_42, %swap3A_43, %swap3A_44] {strides = array<i32>} : memref<2x128x128xf32, #tpu.memory_space<vmem>>, vector<1x1x16xf32>,
          %swap3A_46 = vector.shape_cast %swap3A_45 : vector<1x1x16xf32> to vector<16xf32>
          %swap3A_47 = vector.shape_cast %broadcast_in_dim3A_39 : vector<16xf32> to vector<1x1x16xf32>
          tpu.vector_store %arg11[%swap3A_42, %swap3A_43, %swap3A_44], %swap3A_47 {strides = array<i32>} : memref<2x128x128xf32, #tpu.memory_space<vmem>>, vector<1x1x16xf32>,
        }
        %scan3A_33 = arith.constant 8 : i32
      }
      %scan3A_10 = arith.constant 128 : i32
      %scan3A_11 = arith.constant 0 : i32
      %scan3A_12 = arith.constant 5 : i32
      %scan3A_13 = arith.addi %scan3A_11, %scan3A_12 : i32
      %scan3A_14 = arith.constant 1 : i32
      scf.for %scan3A_25 = %scan3A_11 to %scan3A_13 step %scan3A_14  : i32 {
        %mul3A_26 = arith.constant 1 : i32
        %mul3A_27 = arith.muli %scan3A_25, %mul3A_26 : i32
        %add3A = arith.constant 0 : i32
        %add3A_28 = arith.addi %add3A, %mul3A_27 : i32
        %mul3A_29 = arith.constant 640 : i32
        %mul3A_30 = arith.muli %arg1, %mul3A_29 : i32
        %mul3A_31 = arith.constant 128 : i32
        %mul3A_32 = arith.muli %add3A_28, %mul3A_31 : i32
        %add3A_33 = arith.addi %mul3A_30, %mul3A_32 : i32
        %run_scoped3A = arith.constant 0 : i32
        "tpu.region"() ({
          %run_scoped3A_34 = tpu.sem_alloc : memref<!tpu.dma_semaphore, #tpu.memory_space<semaphore_mem>>
          %dma_start3A = arith.constant 0 : i32
          %dma_start3A_35 = arith.constant 0 : i32
          %dma_start3A_36 = tpu.memref_slice %arg11[%run_scoped3A, %dma_start3A, %dma_start3A_35] : memref<2x128x128xf32, #tpu.memory_space<vmem>> -> memref<1x128x128xf32, #tpu.memory_space<vmem>>
          %dma_start3A_37 = tpu.memref_squeeze %dma_start3A_36 : memref<1x128x128xf32, #tpu.memory_space<vmem>> -> memref<128x128xf32, #tpu.memory_space<vmem>>
          %dma_start3A_38 = arith.constant 0 : i32
          %dma_start3A_39 = tpu.memref_slice %arg8[%add3A_33, %dma_start3A_38] : memref<10240x128xf32, #tpu.memory_space<vmem_shared>> -> memref<128x128xf32, #tpu.memory_space<vmem_shared>>
          %dma_start3A_40 = arith.constant 0 : i32
          %dma_start3A_41 = tpu.memref_slice %arg8[%add3A_33, %dma_start3A_40] : memref<10240x128xf32, #tpu.memory_space<vmem_shared>> -> memref<128x128xf32, #tpu.memory_space<vmem_shared>>
          %dma_start3A_42 = arith.constant 0 : i32
          %dma_start3A_43 = arith.constant 0 : i32
          %dma_start3A_44 = tpu.memref_slice %arg11[%run_scoped3A, %dma_start3A_42, %dma_start3A_43] : memref<2x128x128xf32, #tpu.memory_space<vmem>> -> memref<1x128x128xf32, #tpu.memory_space<vmem>>
          %dma_start3A_45 = tpu.memref_squeeze %dma_start3A_44 : memref<1x128x128xf32, #tpu.memory_space<vmem>> -> memref<128x128xf32, #tpu.memory_space<vmem>>
          tpu.enqueue_dma source(%dma_start3A_45 : memref<128x128xf32, #tpu.memory_space<vmem>>) target(%dma_start3A_41 : memref<128x128xf32, #tpu.memory_space<vmem_shared>>) target_semaphore(%run_scoped3A_34 : memref<!tpu.dma_semaphore, #tpu.memory_space<semaphore_mem>>)
          %dma_wait3A = arith.constant 0 : i32
          %dma_wait3A_46 = arith.constant 0 : i32
          %dma_wait3A_47 = tpu.memref_slice %arg11[%run_scoped3A, %dma_wait3A, %dma_wait3A_46] : memref<2x128x128xf32, #tpu.memory_space<vmem>> -> memref<1x128x128xf32, #tpu.memory_space<vmem>>
          %dma_wait3A_48 = tpu.memref_squeeze %dma_wait3A_47 : memref<1x128x128xf32, #tpu.memory_space<vmem>> -> memref<128x128xf32, #tpu.memory_space<vmem>>
          %dma_wait3A_49 = arith.constant 0 : i32
          %dma_wait3A_50 = tpu.memref_slice %arg8[%add3A_33, %dma_wait3A_49] : memref<10240x128xf32, #tpu.memory_space<vmem_shared>> -> memref<128x128xf32, #tpu.memory_space<vmem_shared>>
          %dma_wait3A_51 = arith.constant 0 : i32
          %dma_wait3A_52 = tpu.memref_slice %arg8[%add3A_33, %dma_wait3A_51] : memref<10240x128xf32, #tpu.memory_space<vmem_shared>> -> memref<128x128xf32, #tpu.memory_space<vmem_shared>>
          %dma_wait3A_53 = arith.constant 0 : i32
          %dma_wait3A_54 = arith.constant 0 : i32
          %dma_wait3A_55 = tpu.memref_slice %arg11[%run_scoped3A, %dma_wait3A_53, %dma_wait3A_54] : memref<2x128x128xf32, #tpu.memory_space<vmem>> -> memref<1x128x128xf32, #tpu.memory_space<vmem>>
          %dma_wait3A_56 = tpu.memref_squeeze %dma_wait3A_55 : memref<1x128x128xf32, #tpu.memory_space<vmem>> -> memref<128x128xf32, #tpu.memory_space<vmem>>
          tpu.wait_dma2 semaphore(%run_scoped3A_34 : memref<!tpu.dma_semaphore, #tpu.memory_space<semaphore_mem>>) src(%dma_wait3A_56 : memref<128x128xf32, #tpu.memory_space<vmem>>) dst(%dma_wait3A_52 : memref<128x128xf32, #tpu.memory_space<vmem_shared>>)
          tpu.yield
        }) : () -> ()
      }
      %scan3A_15 = arith.constant 5 : i32
      %barrier3A = arith.constant 0 : index
      tpu.barrier barrier_id(%barrier3A)
      %scan3A_16 = arith.constant 0 : i32
      %scan3A_17 = arith.constant 5 : i32
      %scan3A_18 = arith.addi %scan3A_16, %scan3A_17 : i32
      %scan3A_19 = arith.constant 1 : i32
      scf.for %scan3A_25 = %scan3A_16 to %scan3A_18 step %scan3A_19  : i32 {
        %mul3A_26 = arith.constant 1 : i32
        %mul3A_27 = arith.muli %scan3A_25, %mul3A_26 : i32
        %add3A = arith.constant 0 : i32
        %add3A_28 = arith.addi %add3A, %mul3A_27 : i32
        %mul3A_29 = arith.constant 160 : i32
        %mul3A_30 = arith.muli %arg1, %mul3A_29 : i32
        %mul3A_31 = arith.constant 32 : i32
        %mul3A_32 = arith.muli %add3A_28, %mul3A_31 : i32
        %add3A_33 = arith.addi %mul3A_30, %mul3A_32 : i32
        "tpu.region"() ({
          %run_scoped3A = tpu.sem_alloc : memref<!tpu.dma_semaphore, #tpu.memory_space<semaphore_mem>>
          %dma_start3A = arith.constant 0 : i32
          %dma_start3A_39 = tpu.memref_slice %arg5[%add3A_33, %dma_start3A] : memref<2560x128xi32, #tpu.memory_space<hbm>> -> memref<32x128xi32, #tpu.memory_space<hbm>>
          %dma_start3A_40 = arith.constant 0 : i32
          %dma_start3A_41 = tpu.memref_slice %arg5[%add3A_33, %dma_start3A_40] : memref<2560x128xi32, #tpu.memory_space<hbm>> -> memref<32x128xi32, #tpu.memory_space<hbm>>
          tpu.enqueue_dma source(%dma_start3A_41 : memref<32x128xi32, #tpu.memory_space<hbm>>) target(%arg9 : memref<32x128xi32, #tpu.memory_space<vmem>>) target_semaphore(%run_scoped3A : memref<!tpu.dma_semaphore, #tpu.memory_space<semaphore_mem>>)
          %dma_wait3A = arith.constant 0 : i32
          %dma_wait3A_42 = tpu.memref_slice %arg5[%add3A_33, %dma_wait3A] : memref<2560x128xi32, #tpu.memory_space<hbm>> -> memref<32x128xi32, #tpu.memory_space<hbm>>
          %dma_wait3A_43 = arith.constant 0 : i32
          %dma_wait3A_44 = tpu.memref_slice %arg5[%add3A_33, %dma_wait3A_43] : memref<2560x128xi32, #tpu.memory_space<hbm>> -> memref<32x128xi32, #tpu.memory_space<hbm>>
          tpu.wait_dma2 semaphore(%run_scoped3A : memref<!tpu.dma_semaphore, #tpu.memory_space<semaphore_mem>>) src(%dma_wait3A_44 : memref<32x128xi32, #tpu.memory_space<hbm>>) dst(%arg9 : memref<32x128xi32, #tpu.memory_space<vmem>>)
          tpu.yield
        }) : () -> ()
        "tpu.region"() ({
          %run_scoped3A = tpu.sem_alloc : memref<!tpu.dma_semaphore, #tpu.memory_space<semaphore_mem>>
          %dma_start3A = arith.constant 0 : i32
          %dma_start3A_39 = tpu.memref_slice %arg4[%add3A_33, %dma_start3A] : memref<2560x128xi32, #tpu.memory_space<hbm>> -> memref<32x128xi32, #tpu.memory_space<hbm>>
          %dma_start3A_40 = arith.constant 0 : i32
          %dma_start3A_41 = tpu.memref_slice %arg4[%add3A_33, %dma_start3A_40] : memref<2560x128xi32, #tpu.memory_space<hbm>> -> memref<32x128xi32, #tpu.memory_space<hbm>>
          tpu.enqueue_dma source(%dma_start3A_41 : memref<32x128xi32, #tpu.memory_space<hbm>>) target(%arg10 : memref<32x128xi32, #tpu.memory_space<vmem>>) target_semaphore(%run_scoped3A : memref<!tpu.dma_semaphore, #tpu.memory_space<semaphore_mem>>)
          %dma_wait3A = arith.constant 0 : i32
          %dma_wait3A_42 = tpu.memref_slice %arg4[%add3A_33, %dma_wait3A] : memref<2560x128xi32, #tpu.memory_space<hbm>> -> memref<32x128xi32, #tpu.memory_space<hbm>>
          %dma_wait3A_43 = arith.constant 0 : i32
          %dma_wait3A_44 = tpu.memref_slice %arg4[%add3A_33, %dma_wait3A_43] : memref<2560x128xi32, #tpu.memory_space<hbm>> -> memref<32x128xi32, #tpu.memory_space<hbm>>
          tpu.wait_dma2 semaphore(%run_scoped3A : memref<!tpu.dma_semaphore, #tpu.memory_space<semaphore_mem>>) src(%dma_wait3A_44 : memref<32x128xi32, #tpu.memory_space<hbm>>) dst(%arg10 : memref<32x128xi32, #tpu.memory_space<vmem>>)
          tpu.yield
        }) : () -> ()
        %scan3A_34 = arith.constant 0 : i32
        %scan3A_35 = arith.constant 32 : i32
        %scan3A_36 = arith.addi %scan3A_34, %scan3A_35 : i32
        %scan3A_37 = arith.constant 1 : i32
        scf.for %scan3A_39 = %scan3A_34 to %scan3A_36 step %scan3A_37  : i32 {
          %mul3A_40 = arith.constant 1 : i32
          %mul3A_41 = arith.muli %scan3A_39, %mul3A_40 : i32
          %add3A_42 = arith.constant 0 : i32
          %add3A_43 = arith.addi %add3A_42, %mul3A_41 : i32
          %run_scoped3A = arith.constant 0 : i32
          "tpu.region"() ({
            %run_scoped3A_45 = tpu.sem_alloc : memref<!tpu.dma_semaphore, #tpu.memory_space<semaphore_mem>>
            %dma_start3A = arith.constant 0 : i32
            %dma_start3A_46 = arith.constant 0 : i32
            %dma_start3A_47 = tpu.memref_slice %arg11[%run_scoped3A, %dma_start3A, %dma_start3A_46] : memref<2x128x128xf32, #tpu.memory_space<vmem>> -> memref<1x128x128xf32, #tpu.memory_space<vmem>>
            %dma_start3A_48 = tpu.memref_squeeze %dma_start3A_47 : memref<1x128x128xf32, #tpu.memory_space<vmem>> -> memref<128x128xf32, #tpu.memory_space<vmem>>
            %dma_start3A_49 = arith.constant 0 : i32
            %dma_start3A_50 = tpu.memref_slice %arg9[%add3A_43, %dma_start3A_49] : memref<32x128xi32, #tpu.memory_space<vmem>> -> memref<1x128xi32, #tpu.memory_space<vmem>>
            %dma_start3A_51 = tpu.memref_squeeze %dma_start3A_50 : memref<1x128xi32, #tpu.memory_space<vmem>> -> memref<128xi32, #tpu.memory_space<vmem>>
            %dma_start3A_52 = arith.constant 0 : i32
            %dma_start3A_53 = arith.constant 0 : i32
            %dma_start3A_54 = tpu.memref_slice %arg3[%dma_start3A_52, %dma_start3A_53] : memref<10240x128xf32, #tpu.memory_space<hbm>> -> memref<10240x128xf32, #tpu.memory_space<hbm>>
            tpu.enqueue_indirect_dma source(%dma_start3A_54 : memref<10240x128xf32, #tpu.memory_space<hbm>>) target(%dma_start3A_48 : memref<128x128xf32, #tpu.memory_space<vmem>>) offsets(%dma_start3A_51 : memref<128xi32, #tpu.memory_space<vmem>>) semaphore(%run_scoped3A_45 : memref<!tpu.dma_semaphore, #tpu.memory_space<semaphore_mem>>)
            %dma_wait3A = arith.constant 0 : i32
            %dma_wait3A_55 = arith.constant 0 : i32
            %dma_wait3A_56 = tpu.memref_slice %arg11[%run_scoped3A, %dma_wait3A, %dma_wait3A_55] : memref<2x128x128xf32, #tpu.memory_space<vmem>> -> memref<1x128x128xf32, #tpu.memory_space<vmem>>
            %dma_wait3A_57 = tpu.memref_squeeze %dma_wait3A_56 : memref<1x128x128xf32, #tpu.memory_space<vmem>> -> memref<128x128xf32, #tpu.memory_space<vmem>>
            %dma_wait3A_58 = arith.constant 0 : i32
            %dma_wait3A_59 = tpu.memref_slice %arg9[%add3A_43, %dma_wait3A_58] : memref<32x128xi32, #tpu.memory_space<vmem>> -> memref<1x128xi32, #tpu.memory_space<vmem>>
            %dma_wait3A_60 = tpu.memref_squeeze %dma_wait3A_59 : memref<1x128xi32, #tpu.memory_space<vmem>> -> memref<128xi32, #tpu.memory_space<vmem>>
            %dma_wait3A_61 = arith.constant 0 : i32
            %dma_wait3A_62 = arith.constant 0 : i32
            %dma_wait3A_63 = tpu.memref_slice %arg3[%dma_wait3A_61, %dma_wait3A_62] : memref<10240x128xf32, #tpu.memory_space<hbm>> -> memref<10240x128xf32, #tpu.memory_space<hbm>>
            tpu.wait_indirect_dma semaphore(%run_scoped3A_45 : memref<!tpu.dma_semaphore, #tpu.memory_space<semaphore_mem>>) src(%dma_wait3A_63 : memref<10240x128xf32, #tpu.memory_space<hbm>>) dst(%dma_wait3A_57 : memref<128x128xf32, #tpu.memory_space<vmem>>)
            tpu.yield
          }) : () -> ()
          %run_scoped3A_44 = arith.constant 0 : i32
          "tpu.region"() ({
            %run_scoped3A_45 = tpu.sem_alloc : memref<!tpu.dma_semaphore, #tpu.memory_space<semaphore_mem>>
            %dma_start3A = arith.constant 0 : i32
            %dma_start3A_46 = arith.constant 0 : i32
            %dma_start3A_47 = tpu.memref_slice %arg11[%run_scoped3A_44, %dma_start3A, %dma_start3A_46] : memref<2x128x128xf32, #tpu.memory_space<vmem>> -> memref<1x128x128xf32, #tpu.memory_space<vmem>>
            %dma_start3A_48 = tpu.memref_squeeze %dma_start3A_47 : memref<1x128x128xf32, #tpu.memory_space<vmem>> -> memref<128x128xf32, #tpu.memory_space<vmem>>
            %dma_start3A_49 = arith.constant 0 : i32
            %dma_start3A_50 = tpu.memref_slice %arg10[%add3A_43, %dma_start3A_49] : memref<32x128xi32, #tpu.memory_space<vmem>> -> memref<1x128xi32, #tpu.memory_space<vmem>>
            %dma_start3A_51 = tpu.memref_squeeze %dma_start3A_50 : memref<1x128xi32, #tpu.memory_space<vmem>> -> memref<128xi32, #tpu.memory_space<vmem>>
            %dma_start3A_52 = arith.constant 0 : i32
            %dma_start3A_53 = arith.constant 0 : i32
            %dma_start3A_54 = tpu.memref_slice %arg8[%dma_start3A_52, %dma_start3A_53] : memref<10240x128xf32, #tpu.memory_space<vmem_shared>> -> memref<10240x128xf32, #tpu.memory_space<vmem_shared>>
            tpu.enqueue_indirect_dma source(%dma_start3A_48 : memref<128x128xf32, #tpu.memory_space<vmem>>) target(%dma_start3A_54 : memref<10240x128xf32, #tpu.memory_space<vmem_shared>>) offsets(%dma_start3A_51 : memref<128xi32, #tpu.memory_space<vmem>>) semaphore(%run_scoped3A_45 : memref<!tpu.dma_semaphore, #tpu.memory_space<semaphore_mem>>) {add = true}
            %dma_wait3A = arith.constant 0 : i32
            %dma_wait3A_55 = arith.constant 0 : i32
            %dma_wait3A_56 = tpu.memref_slice %arg11[%run_scoped3A_44, %dma_wait3A, %dma_wait3A_55] : memref<2x128x128xf32, #tpu.memory_space<vmem>> -> memref<1x128x128xf32, #tpu.memory_space<vmem>>
            %dma_wait3A_57 = tpu.memref_squeeze %dma_wait3A_56 : memref<1x128x128xf32, #tpu.memory_space<vmem>> -> memref<128x128xf32, #tpu.memory_space<vmem>>
            %dma_wait3A_58 = arith.constant 0 : i32
            %dma_wait3A_59 = tpu.memref_slice %arg10[%add3A_43, %dma_wait3A_58] : memref<32x128xi32, #tpu.memory_space<vmem>> -> memref<1x128xi32, #tpu.memory_space<vmem>>
            %dma_wait3A_60 = tpu.memref_squeeze %dma_wait3A_59 : memref<1x128xi32, #tpu.memory_space<vmem>> -> memref<128xi32, #tpu.memory_space<vmem>>
            %dma_wait3A_61 = arith.constant 0 : i32
            %dma_wait3A_62 = arith.constant 0 : i32
            %dma_wait3A_63 = tpu.memref_slice %arg8[%dma_wait3A_61, %dma_wait3A_62] : memref<10240x128xf32, #tpu.memory_space<vmem_shared>> -> memref<10240x128xf32, #tpu.memory_space<vmem_shared>>
            tpu.wait_indirect_dma semaphore(%run_scoped3A_45 : memref<!tpu.dma_semaphore, #tpu.memory_space<semaphore_mem>>) src(%dma_wait3A_57 : memref<128x128xf32, #tpu.memory_space<vmem>>) dst(%dma_wait3A_63 : memref<10240x128xf32, #tpu.memory_space<vmem_shared>>)
            tpu.yield
          }) : () -> ()
        }
        %scan3A_38 = arith.constant 32 : i32
      }
      %scan3A_20 = arith.constant 5 : i32
      %barrier3A_21 = arith.constant 0 : index
      tpu.barrier barrier_id(%barrier3A_21)
      %mul3A = arith.constant 640 : i32
      %mul3A_22 = arith.muli %arg1, %mul3A : i32
      %mul3A_23 = arith.constant 640 : i32
      %mul3A_24 = arith.muli %arg1, %mul3A_23 : i32
      "tpu.region"() ({
        %run_scoped3A = tpu.sem_alloc : memref<!tpu.dma_semaphore, #tpu.memory_space<semaphore_mem>>
        %dma_start3A = arith.constant 0 : i32
        %dma_start3A_25 = tpu.memref_slice %arg7[%mul3A_24, %dma_start3A] : memref<10240x128xf32, #tpu.memory_space<hbm>> -> memref<640x128xf32, #tpu.memory_space<hbm>>
        %dma_start3A_26 = arith.constant 0 : i32
        %dma_start3A_27 = tpu.memref_slice %arg8[%mul3A_22, %dma_start3A_26] : memref<10240x128xf32, #tpu.memory_space<vmem_shared>> -> memref<640x128xf32, #tpu.memory_space<vmem_shared>>
        tpu.enqueue_dma source(%dma_start3A_27 : memref<640x128xf32, #tpu.memory_space<vmem_shared>>) target(%dma_start3A_25 : memref<640x128xf32, #tpu.memory_space<hbm>>) target_semaphore(%run_scoped3A : memref<!tpu.dma_semaphore, #tpu.memory_space<semaphore_mem>>)
        %dma_wait3A = arith.constant 0 : i32
        %dma_wait3A_28 = tpu.memref_slice %arg7[%mul3A_24, %dma_wait3A] : memref<10240x128xf32, #tpu.memory_space<hbm>> -> memref<640x128xf32, #tpu.memory_space<hbm>>
        %dma_wait3A_29 = arith.constant 0 : i32
        %dma_wait3A_30 = tpu.memref_slice %arg8[%mul3A_22, %dma_wait3A_29] : memref<10240x128xf32, #tpu.memory_space<vmem_shared>> -> memref<640x128xf32, #tpu.memory_space<vmem_shared>>
        tpu.wait_dma2 semaphore(%run_scoped3A : memref<!tpu.dma_semaphore, #tpu.memory_space<semaphore_mem>>) src(%dma_wait3A_30 : memref<640x128xf32, #tpu.memory_space<vmem_shared>>) dst(%dma_wait3A_28 : memref<640x128xf32, #tpu.memory_space<hbm>>)
        tpu.yield
      }) : () -> ()
    } else {
    }
    return
  }
}

#map = affine_map<(d0, d1) -> (0, 0)>
module attributes {stable_mosaic.version = 14 : i64} {
  func.func @k(%arg0: i32, %arg1: i32, %arg2: memref<10240x128xf32, #tpu.memory_space<hbm>>, %arg3: memref<10240x128xf32, #tpu.memory_space<hbm>>, %arg4: memref<2560x128xi32, #tpu.memory_space<hbm>>, %arg5: memref<2560x128xi32, #tpu.memory_space<hbm>>, %arg6: memref<10240x128xf32, #tpu.memory_space<hbm>>, %arg7: memref<10240x128xf32, #tpu.memory_space<hbm>>, %arg8: memref<10240x128xf32, #tpu.memory_space<vmem_shared>>, %arg9: memref<32x128xi32, #tpu.memory_space<vmem>>, %arg10: memref<32x128xi32, #tpu.memory_space<vmem>>, %arg11: memref<2x128x128xf32, #tpu.memory_space<vmem>>, %arg12: memref<!tpu.dma_semaphore, #tpu.memory_space<semaphore_mem>>, %arg13: memref<!tpu.dma_semaphore, #tpu.memory_space<semaphore_mem>>) attributes {dimension_semantics = [#tpu.dimension_semantics<core_parallel>, #tpu.dimension_semantics<subcore_parallel>], iteration_bounds = array<i64: 2, 16>, scalar_prefetch = 0 : i64, scratch_operands = 6 : i64, tpu.core_type = #tpu.core_type<sc_vector_subcore>, window_params = [{transform_indices = #map}, {transform_indices = #map}, {transform_indices = #map}, {transform_indices = #map}, {transform_indices = #map}, {transform_indices = #map}]} {
    %eq3A = arith.constant 0 : i32
    %eq3A_0 = arith.cmpi eq, %arg0, %eq3A : i32
    %convert_element_type3A = arith.extui %eq3A_0 : i1 to i32
    %cond3A = arith.constant 0 : i32
    %cond3A_1 = arith.cmpi ne, %convert_element_type3A, %cond3A : i32
    scf.if %cond3A_1 {
      %scan3A = arith.constant 0 : i32
      %scan3A_7 = arith.constant 128 : i32
      %scan3A_8 = arith.addi %scan3A, %scan3A_7 : i32
      %scan3A_9 = arith.constant 1 : i32
      scf.for %scan3A_25 = %scan3A to %scan3A_8 step %scan3A_9  : i32 {
        %mul3A_26 = arith.constant 1 : i32
        %mul3A_27 = arith.muli %scan3A_25, %mul3A_26 : i32
        %add3A = arith.constant 0 : i32
        %add3A_28 = arith.addi %add3A, %mul3A_27 : i32
        %scan3A_29 = arith.constant 0 : i32
        %scan3A_30 = arith.constant 8 : i32
        %scan3A_31 = arith.addi %scan3A_29, %scan3A_30 : i32
        %scan3A_32 = arith.constant 1 : i32
        scf.for %scan3A_34 = %scan3A_29 to %scan3A_31 step %scan3A_32  : i32 {
          %mul3A_35 = arith.constant 1 : i32
          %mul3A_36 = arith.muli %scan3A_34, %mul3A_35 : i32
          %add3A_37 = arith.constant 0 : i32
          %add3A_38 = arith.addi %add3A_37, %mul3A_36 : i32
          %broadcast_in_dim3A = arith.constant 0.000000e+00 : f32
          %broadcast_in_dim3A_39 = vector.broadcast %broadcast_in_dim3A : f32 to vector<16xf32>
          %mul3A_40 = arith.constant 16 : i32
          %mul3A_41 = arith.muli %add3A_38, %mul3A_40 : i32
          %swap3A = arith.constant 0 : i32
          %swap3A_42 = arith.index_cast %swap3A : i32 to index
          %swap3A_43 = arith.index_cast %add3A_28 : i32 to index
          %swap3A_44 = arith.index_cast %mul3A_41 : i32 to index
          %swap3A_45 = tpu.vector_load %arg11[%swap3A_42, %swap3A_43, %swap3A_44] {strides = array<i32>} : memref<2x128x128xf32, #tpu.memory_space<vmem>>, vector<1x1x16xf32>,
          %swap3A_46 = vector.shape_cast %swap3A_45 : vector<1x1x16xf32> to vector<16xf32>
          %swap3A_47 = vector.shape_cast %broadcast_in_dim3A_39 : vector<16xf32> to vector<1x1x16xf32>
          tpu.vector_store %arg11[%swap3A_42, %swap3A_43, %swap3A_44], %swap3A_47 {strides = array<i32>} : memref<2x128x128xf32, #tpu.memory_space<vmem>>, vector<1x1x16xf32>,
        }
        %scan3A_33 = arith.constant 8 : i32
      }
      %scan3A_10 = arith.constant 128 : i32
      %scan3A_11 = arith.constant 0 : i32
      %scan3A_12 = arith.constant 5 : i32
      %scan3A_13 = arith.addi %scan3A_11, %scan3A_12 : i32
      %scan3A_14 = arith.constant 1 : i32
      scf.for %scan3A_25 = %scan3A_11 to %scan3A_13 step %scan3A_14  : i32 {
        %mul3A_26 = arith.constant 1 : i32
        %mul3A_27 = arith.muli %scan3A_25, %mul3A_26 : i32
        %add3A = arith.constant 0 : i32
        %add3A_28 = arith.addi %add3A, %mul3A_27 : i32
        %mul3A_29 = arith.constant 640 : i32
        %mul3A_30 = arith.muli %arg1, %mul3A_29 : i32
        %mul3A_31 = arith.constant 128 : i32
        %mul3A_32 = arith.muli %add3A_28, %mul3A_31 : i32
        %add3A_33 = arith.addi %mul3A_30, %mul3A_32 : i32
        %run_scoped3A = arith.constant 0 : i32
        "tpu.region"() ({
          %run_scoped3A_34 = tpu.sem_alloc : memref<!tpu.dma_semaphore, #tpu.memory_space<semaphore_mem>>
          %dma_start3A = arith.constant 0 : i32
          %dma_start3A_35 = arith.constant 0 : i32
          %dma_start3A_36 = tpu.memref_slice %arg11[%run_scoped3A, %dma_start3A, %dma_start3A_35] : memref<2x128x128xf32, #tpu.memory_space<vmem>> -> memref<1x128x128xf32, #tpu.memory_space<vmem>>
          %dma_start3A_37 = tpu.memref_squeeze %dma_start3A_36 : memref<1x128x128xf32, #tpu.memory_space<vmem>> -> memref<128x128xf32, #tpu.memory_space<vmem>>
          %dma_start3A_38 = arith.constant 0 : i32
          %dma_start3A_39 = tpu.memref_slice %arg8[%add3A_33, %dma_start3A_38] : memref<10240x128xf32, #tpu.memory_space<vmem_shared>> -> memref<128x128xf32, #tpu.memory_space<vmem_shared>>
          %dma_start3A_40 = arith.constant 0 : i32
          %dma_start3A_41 = tpu.memref_slice %arg8[%add3A_33, %dma_start3A_40] : memref<10240x128xf32, #tpu.memory_space<vmem_shared>> -> memref<128x128xf32, #tpu.memory_space<vmem_shared>>
          %dma_start3A_42 = arith.constant 0 : i32
          %dma_start3A_43 = arith.constant 0 : i32
          %dma_start3A_44 = tpu.memref_slice %arg11[%run_scoped3A, %dma_start3A_42, %dma_start3A_43] : memref<2x128x128xf32, #tpu.memory_space<vmem>> -> memref<1x128x128xf32, #tpu.memory_space<vmem>>
          %dma_start3A_45 = tpu.memref_squeeze %dma_start3A_44 : memref<1x128x128xf32, #tpu.memory_space<vmem>> -> memref<128x128xf32, #tpu.memory_space<vmem>>
          tpu.enqueue_dma source(%dma_start3A_45 : memref<128x128xf32, #tpu.memory_space<vmem>>) target(%dma_start3A_41 : memref<128x128xf32, #tpu.memory_space<vmem_shared>>) target_semaphore(%run_scoped3A_34 : memref<!tpu.dma_semaphore, #tpu.memory_space<semaphore_mem>>)
          %dma_wait3A = arith.constant 0 : i32
          %dma_wait3A_46 = arith.constant 0 : i32
          %dma_wait3A_47 = tpu.memref_slice %arg11[%run_scoped3A, %dma_wait3A, %dma_wait3A_46] : memref<2x128x128xf32, #tpu.memory_space<vmem>> -> memref<1x128x128xf32, #tpu.memory_space<vmem>>
          %dma_wait3A_48 = tpu.memref_squeeze %dma_wait3A_47 : memref<1x128x128xf32, #tpu.memory_space<vmem>> -> memref<128x128xf32, #tpu.memory_space<vmem>>
          %dma_wait3A_49 = arith.constant 0 : i32
          %dma_wait3A_50 = tpu.memref_slice %arg8[%add3A_33, %dma_wait3A_49] : memref<10240x128xf32, #tpu.memory_space<vmem_shared>> -> memref<128x128xf32, #tpu.memory_space<vmem_shared>>
          %dma_wait3A_51 = arith.constant 0 : i32
          %dma_wait3A_52 = tpu.memref_slice %arg8[%add3A_33, %dma_wait3A_51] : memref<10240x128xf32, #tpu.memory_space<vmem_shared>> -> memref<128x128xf32, #tpu.memory_space<vmem_shared>>
          %dma_wait3A_53 = arith.constant 0 : i32
          %dma_wait3A_54 = arith.constant 0 : i32
          %dma_wait3A_55 = tpu.memref_slice %arg11[%run_scoped3A, %dma_wait3A_53, %dma_wait3A_54] : memref<2x128x128xf32, #tpu.memory_space<vmem>> -> memref<1x128x128xf32, #tpu.memory_space<vmem>>
          %dma_wait3A_56 = tpu.memref_squeeze %dma_wait3A_55 : memref<1x128x128xf32, #tpu.memory_space<vmem>> -> memref<128x128xf32, #tpu.memory_space<vmem>>
          tpu.wait_dma2 semaphore(%run_scoped3A_34 : memref<!tpu.dma_semaphore, #tpu.memory_space<semaphore_mem>>) src(%dma_wait3A_56 : memref<128x128xf32, #tpu.memory_space<vmem>>) dst(%dma_wait3A_52 : memref<128x128xf32, #tpu.memory_space<vmem_shared>>)
          tpu.yield
        }) : () -> ()
      }
      %scan3A_15 = arith.constant 5 : i32
      %barrier3A = arith.constant 0 : index
      tpu.barrier barrier_id(%barrier3A)
      %scan3A_16 = arith.constant 0 : i32
      %scan3A_17 = arith.constant 5 : i32
      %scan3A_18 = arith.addi %scan3A_16, %scan3A_17 : i32
      %scan3A_19 = arith.constant 1 : i32
      scf.for %scan3A_25 = %scan3A_16 to %scan3A_18 step %scan3A_19  : i32 {
        %mul3A_26 = arith.constant 1 : i32
        %mul3A_27 = arith.muli %scan3A_25, %mul3A_26 : i32
        %add3A = arith.constant 0 : i32
        %add3A_28 = arith.addi %add3A, %mul3A_27 : i32
        %mul3A_29 = arith.constant 160 : i32
        %mul3A_30 = arith.muli %arg1, %mul3A_29 : i32
        %mul3A_31 = arith.constant 32 : i32
        %mul3A_32 = arith.muli %add3A_28, %mul3A_31 : i32
        %add3A_33 = arith.addi %mul3A_30, %mul3A_32 : i32
        "tpu.region"() ({
          %run_scoped3A = tpu.sem_alloc : memref<!tpu.dma_semaphore, #tpu.memory_space<semaphore_mem>>
          %dma_start3A = arith.constant 0 : i32
          %dma_start3A_39 = tpu.memref_slice %arg4[%add3A_33, %dma_start3A] : memref<2560x128xi32, #tpu.memory_space<hbm>> -> memref<32x128xi32, #tpu.memory_space<hbm>>
          %dma_start3A_40 = arith.constant 0 : i32
          %dma_start3A_41 = tpu.memref_slice %arg4[%add3A_33, %dma_start3A_40] : memref<2560x128xi32, #tpu.memory_space<hbm>> -> memref<32x128xi32, #tpu.memory_space<hbm>>
          tpu.enqueue_dma source(%dma_start3A_41 : memref<32x128xi32, #tpu.memory_space<hbm>>) target(%arg9 : memref<32x128xi32, #tpu.memory_space<vmem>>) target_semaphore(%run_scoped3A : memref<!tpu.dma_semaphore, #tpu.memory_space<semaphore_mem>>)
          %dma_wait3A = arith.constant 0 : i32
          %dma_wait3A_42 = tpu.memref_slice %arg4[%add3A_33, %dma_wait3A] : memref<2560x128xi32, #tpu.memory_space<hbm>> -> memref<32x128xi32, #tpu.memory_space<hbm>>
          %dma_wait3A_43 = arith.constant 0 : i32
          %dma_wait3A_44 = tpu.memref_slice %arg4[%add3A_33, %dma_wait3A_43] : memref<2560x128xi32, #tpu.memory_space<hbm>> -> memref<32x128xi32, #tpu.memory_space<hbm>>
          tpu.wait_dma2 semaphore(%run_scoped3A : memref<!tpu.dma_semaphore, #tpu.memory_space<semaphore_mem>>) src(%dma_wait3A_44 : memref<32x128xi32, #tpu.memory_space<hbm>>) dst(%arg9 : memref<32x128xi32, #tpu.memory_space<vmem>>)
          tpu.yield
        }) : () -> ()
        "tpu.region"() ({
          %run_scoped3A = tpu.sem_alloc : memref<!tpu.dma_semaphore, #tpu.memory_space<semaphore_mem>>
          %dma_start3A = arith.constant 0 : i32
          %dma_start3A_39 = tpu.memref_slice %arg5[%add3A_33, %dma_start3A] : memref<2560x128xi32, #tpu.memory_space<hbm>> -> memref<32x128xi32, #tpu.memory_space<hbm>>
          %dma_start3A_40 = arith.constant 0 : i32
          %dma_start3A_41 = tpu.memref_slice %arg5[%add3A_33, %dma_start3A_40] : memref<2560x128xi32, #tpu.memory_space<hbm>> -> memref<32x128xi32, #tpu.memory_space<hbm>>
          tpu.enqueue_dma source(%dma_start3A_41 : memref<32x128xi32, #tpu.memory_space<hbm>>) target(%arg10 : memref<32x128xi32, #tpu.memory_space<vmem>>) target_semaphore(%run_scoped3A : memref<!tpu.dma_semaphore, #tpu.memory_space<semaphore_mem>>)
          %dma_wait3A = arith.constant 0 : i32
          %dma_wait3A_42 = tpu.memref_slice %arg5[%add3A_33, %dma_wait3A] : memref<2560x128xi32, #tpu.memory_space<hbm>> -> memref<32x128xi32, #tpu.memory_space<hbm>>
          %dma_wait3A_43 = arith.constant 0 : i32
          %dma_wait3A_44 = tpu.memref_slice %arg5[%add3A_33, %dma_wait3A_43] : memref<2560x128xi32, #tpu.memory_space<hbm>> -> memref<32x128xi32, #tpu.memory_space<hbm>>
          tpu.wait_dma2 semaphore(%run_scoped3A : memref<!tpu.dma_semaphore, #tpu.memory_space<semaphore_mem>>) src(%dma_wait3A_44 : memref<32x128xi32, #tpu.memory_space<hbm>>) dst(%arg10 : memref<32x128xi32, #tpu.memory_space<vmem>>)
          tpu.yield
        }) : () -> ()
        %scan3A_34 = arith.constant 0 : i32
        %scan3A_35 = arith.constant 32 : i32
        %scan3A_36 = arith.addi %scan3A_34, %scan3A_35 : i32
        %scan3A_37 = arith.constant 1 : i32
        scf.for %scan3A_39 = %scan3A_34 to %scan3A_36 step %scan3A_37  : i32 {
          %mul3A_40 = arith.constant 1 : i32
          %mul3A_41 = arith.muli %scan3A_39, %mul3A_40 : i32
          %add3A_42 = arith.constant 0 : i32
          %add3A_43 = arith.addi %add3A_42, %mul3A_41 : i32
          %run_scoped3A = arith.constant 0 : i32
          "tpu.region"() ({
            %run_scoped3A_45 = tpu.sem_alloc : memref<!tpu.dma_semaphore, #tpu.memory_space<semaphore_mem>>
            %dma_start3A = arith.constant 0 : i32
            %dma_start3A_46 = arith.constant 0 : i32
            %dma_start3A_47 = tpu.memref_slice %arg11[%run_scoped3A, %dma_start3A, %dma_start3A_46] : memref<2x128x128xf32, #tpu.memory_space<vmem>> -> memref<1x128x128xf32, #tpu.memory_space<vmem>>
            %dma_start3A_48 = tpu.memref_squeeze %dma_start3A_47 : memref<1x128x128xf32, #tpu.memory_space<vmem>> -> memref<128x128xf32, #tpu.memory_space<vmem>>
            %dma_start3A_49 = arith.constant 0 : i32
            %dma_start3A_50 = tpu.memref_slice %arg9[%add3A_43, %dma_start3A_49] : memref<32x128xi32, #tpu.memory_space<vmem>> -> memref<1x128xi32, #tpu.memory_space<vmem>>
            %dma_start3A_51 = tpu.memref_squeeze %dma_start3A_50 : memref<1x128xi32, #tpu.memory_space<vmem>> -> memref<128xi32, #tpu.memory_space<vmem>>
            %dma_start3A_52 = arith.constant 0 : i32
            %dma_start3A_53 = arith.constant 0 : i32
            %dma_start3A_54 = tpu.memref_slice %arg2[%dma_start3A_52, %dma_start3A_53] : memref<10240x128xf32, #tpu.memory_space<hbm>> -> memref<10240x128xf32, #tpu.memory_space<hbm>>
            tpu.enqueue_indirect_dma source(%dma_start3A_54 : memref<10240x128xf32, #tpu.memory_space<hbm>>) target(%dma_start3A_48 : memref<128x128xf32, #tpu.memory_space<vmem>>) offsets(%dma_start3A_51 : memref<128xi32, #tpu.memory_space<vmem>>) semaphore(%run_scoped3A_45 : memref<!tpu.dma_semaphore, #tpu.memory_space<semaphore_mem>>)
            %dma_wait3A = arith.constant 0 : i32
            %dma_wait3A_55 = arith.constant 0 : i32
            %dma_wait3A_56 = tpu.memref_slice %arg11[%run_scoped3A, %dma_wait3A, %dma_wait3A_55] : memref<2x128x128xf32, #tpu.memory_space<vmem>> -> memref<1x128x128xf32, #tpu.memory_space<vmem>>
            %dma_wait3A_57 = tpu.memref_squeeze %dma_wait3A_56 : memref<1x128x128xf32, #tpu.memory_space<vmem>> -> memref<128x128xf32, #tpu.memory_space<vmem>>
            %dma_wait3A_58 = arith.constant 0 : i32
            %dma_wait3A_59 = tpu.memref_slice %arg9[%add3A_43, %dma_wait3A_58] : memref<32x128xi32, #tpu.memory_space<vmem>> -> memref<1x128xi32, #tpu.memory_space<vmem>>
            %dma_wait3A_60 = tpu.memref_squeeze %dma_wait3A_59 : memref<1x128xi32, #tpu.memory_space<vmem>> -> memref<128xi32, #tpu.memory_space<vmem>>
            %dma_wait3A_61 = arith.constant 0 : i32
            %dma_wait3A_62 = arith.constant 0 : i32
            %dma_wait3A_63 = tpu.memref_slice %arg2[%dma_wait3A_61, %dma_wait3A_62] : memref<10240x128xf32, #tpu.memory_space<hbm>> -> memref<10240x128xf32, #tpu.memory_space<hbm>>
            tpu.wait_indirect_dma semaphore(%run_scoped3A_45 : memref<!tpu.dma_semaphore, #tpu.memory_space<semaphore_mem>>) src(%dma_wait3A_63 : memref<10240x128xf32, #tpu.memory_space<hbm>>) dst(%dma_wait3A_57 : memref<128x128xf32, #tpu.memory_space<vmem>>)
            tpu.yield
          }) : () -> ()
          %run_scoped3A_44 = arith.constant 0 : i32
          "tpu.region"() ({
            %run_scoped3A_45 = tpu.sem_alloc : memref<!tpu.dma_semaphore, #tpu.memory_space<semaphore_mem>>
            %dma_start3A = arith.constant 0 : i32
            %dma_start3A_46 = arith.constant 0 : i32
            %dma_start3A_47 = tpu.memref_slice %arg11[%run_scoped3A_44, %dma_start3A, %dma_start3A_46] : memref<2x128x128xf32, #tpu.memory_space<vmem>> -> memref<1x128x128xf32, #tpu.memory_space<vmem>>
            %dma_start3A_48 = tpu.memref_squeeze %dma_start3A_47 : memref<1x128x128xf32, #tpu.memory_space<vmem>> -> memref<128x128xf32, #tpu.memory_space<vmem>>
            %dma_start3A_49 = arith.constant 0 : i32
            %dma_start3A_50 = tpu.memref_slice %arg10[%add3A_43, %dma_start3A_49] : memref<32x128xi32, #tpu.memory_space<vmem>> -> memref<1x128xi32, #tpu.memory_space<vmem>>
            %dma_start3A_51 = tpu.memref_squeeze %dma_start3A_50 : memref<1x128xi32, #tpu.memory_space<vmem>> -> memref<128xi32, #tpu.memory_space<vmem>>
            %dma_start3A_52 = arith.constant 0 : i32
            %dma_start3A_53 = arith.constant 0 : i32
            %dma_start3A_54 = tpu.memref_slice %arg8[%dma_start3A_52, %dma_start3A_53] : memref<10240x128xf32, #tpu.memory_space<vmem_shared>> -> memref<10240x128xf32, #tpu.memory_space<vmem_shared>>
            tpu.enqueue_indirect_dma source(%dma_start3A_48 : memref<128x128xf32, #tpu.memory_space<vmem>>) target(%dma_start3A_54 : memref<10240x128xf32, #tpu.memory_space<vmem_shared>>) offsets(%dma_start3A_51 : memref<128xi32, #tpu.memory_space<vmem>>) semaphore(%run_scoped3A_45 : memref<!tpu.dma_semaphore, #tpu.memory_space<semaphore_mem>>) {add = true}
            %dma_wait3A = arith.constant 0 : i32
            %dma_wait3A_55 = arith.constant 0 : i32
            %dma_wait3A_56 = tpu.memref_slice %arg11[%run_scoped3A_44, %dma_wait3A, %dma_wait3A_55] : memref<2x128x128xf32, #tpu.memory_space<vmem>> -> memref<1x128x128xf32, #tpu.memory_space<vmem>>
            %dma_wait3A_57 = tpu.memref_squeeze %dma_wait3A_56 : memref<1x128x128xf32, #tpu.memory_space<vmem>> -> memref<128x128xf32, #tpu.memory_space<vmem>>
            %dma_wait3A_58 = arith.constant 0 : i32
            %dma_wait3A_59 = tpu.memref_slice %arg10[%add3A_43, %dma_wait3A_58] : memref<32x128xi32, #tpu.memory_space<vmem>> -> memref<1x128xi32, #tpu.memory_space<vmem>>
            %dma_wait3A_60 = tpu.memref_squeeze %dma_wait3A_59 : memref<1x128xi32, #tpu.memory_space<vmem>> -> memref<128xi32, #tpu.memory_space<vmem>>
            %dma_wait3A_61 = arith.constant 0 : i32
            %dma_wait3A_62 = arith.constant 0 : i32
            %dma_wait3A_63 = tpu.memref_slice %arg8[%dma_wait3A_61, %dma_wait3A_62] : memref<10240x128xf32, #tpu.memory_space<vmem_shared>> -> memref<10240x128xf32, #tpu.memory_space<vmem_shared>>
            tpu.wait_indirect_dma semaphore(%run_scoped3A_45 : memref<!tpu.dma_semaphore, #tpu.memory_space<semaphore_mem>>) src(%dma_wait3A_57 : memref<128x128xf32, #tpu.memory_space<vmem>>) dst(%dma_wait3A_63 : memref<10240x128xf32, #tpu.memory_space<vmem_shared>>)
            tpu.yield
          }) : () -> ()
        }
        %scan3A_38 = arith.constant 32 : i32
      }
      %scan3A_20 = arith.constant 5 : i32
      %barrier3A_21 = arith.constant 0 : index
      tpu.barrier barrier_id(%barrier3A_21)
      %mul3A = arith.constant 640 : i32
      %mul3A_22 = arith.muli %arg1, %mul3A : i32
      %mul3A_23 = arith.constant 640 : i32
      %mul3A_24 = arith.muli %arg1, %mul3A_23 : i32
      "tpu.region"() ({
        %run_scoped3A = tpu.sem_alloc : memref<!tpu.dma_semaphore, #tpu.memory_space<semaphore_mem>>
        %dma_start3A = arith.constant 0 : i32
        %dma_start3A_25 = tpu.memref_slice %arg6[%mul3A_24, %dma_start3A] : memref<10240x128xf32, #tpu.memory_space<hbm>> -> memref<640x128xf32, #tpu.memory_space<hbm>>
        %dma_start3A_26 = arith.constant 0 : i32
        %dma_start3A_27 = tpu.memref_slice %arg8[%mul3A_22, %dma_start3A_26] : memref<10240x128xf32, #tpu.memory_space<vmem_shared>> -> memref<640x128xf32, #tpu.memory_space<vmem_shared>>
        tpu.enqueue_dma source(%dma_start3A_27 : memref<640x128xf32, #tpu.memory_space<vmem_shared>>) target(%dma_start3A_25 : memref<640x128xf32, #tpu.memory_space<hbm>>) target_semaphore(%run_scoped3A : memref<!tpu.dma_semaphore, #tpu.memory_space<semaphore_mem>>)
        %dma_wait3A = arith.constant 0 : i32
        %dma_wait3A_28 = tpu.memref_slice %arg6[%mul3A_24, %dma_wait3A] : memref<10240x128xf32, #tpu.memory_space<hbm>> -> memref<640x128xf32, #tpu.memory_space<hbm>>
        %dma_wait3A_29 = arith.constant 0 : i32
        %dma_wait3A_30 = tpu.memref_slice %arg8[%mul3A_22, %dma_wait3A_29] : memref<10240x128xf32, #tpu.memory_space<vmem_shared>> -> memref<640x128xf32, #tpu.memory_space<vmem_shared>>
        tpu.wait_dma2 semaphore(%run_scoped3A : memref<!tpu.dma_semaphore, #tpu.memory_space<semaphore_mem>>) src(%dma_wait3A_30 : memref<640x128xf32, #tpu.memory_space<vmem_shared>>) dst(%dma_wait3A_28 : memref<640x128xf32, #tpu.memory_space<hbm>>)
        tpu.yield
      }) : () -> ()
    } else {
    }
    %eq3A_2 = arith.constant 1 : i32
    %eq3A_3 = arith.cmpi eq, %arg0, %eq3A_2 : i32
    %convert_element_type3A_4 = arith.extui %eq3A_3 : i1 to i32
    %cond3A_5 = arith.constant 0 : i32
    %cond3A_6 = arith.cmpi ne, %convert_element_type3A_4, %cond3A_5 : i32
    scf.if %cond3A_6 {
      %scan3A = arith.constant 0 : i32
      %scan3A_7 = arith.constant 128 : i32
      %scan3A_8 = arith.addi %scan3A, %scan3A_7 : i32
      %scan3A_9 = arith.constant 1 : i32
      scf.for %scan3A_25 = %scan3A to %scan3A_8 step %scan3A_9  : i32 {
        %mul3A_26 = arith.constant 1 : i32
        %mul3A_27 = arith.muli %scan3A_25, %mul3A_26 : i32
        %add3A = arith.constant 0 : i32
        %add3A_28 = arith.addi %add3A, %mul3A_27 : i32
        %scan3A_29 = arith.constant 0 : i32
        %scan3A_30 = arith.constant 8 : i32
        %scan3A_31 = arith.addi %scan3A_29, %scan3A_30 : i32
        %scan3A_32 = arith.constant 1 : i32
        scf.for %scan3A_34 = %scan3A_29 to %scan3A_31 step %scan3A_32  : i32 {
          %mul3A_35 = arith.constant 1 : i32
          %mul3A_36 = arith.muli %scan3A_34, %mul3A_35 : i32
          %add3A_37 = arith.constant 0 : i32
          %add3A_38 = arith.addi %add3A_37, %mul3A_36 : i32
          %broadcast_in_dim3A = arith.constant 0.000000e+00 : f32
          %broadcast_in_dim3A_39 = vector.broadcast %broadcast_in_dim3A : f32 to vector<16xf32>
          %mul3A_40 = arith.constant 16 : i32
          %mul3A_41 = arith.muli %add3A_38, %mul3A_40 : i32
          %swap3A = arith.constant 0 : i32
          %swap3A_42 = arith.index_cast %swap3A : i32 to index
          %swap3A_43 = arith.index_cast %add3A_28 : i32 to index
          %swap3A_44 = arith.index_cast %mul3A_41 : i32 to index
          %swap3A_45 = tpu.vector_load %arg11[%swap3A_42, %swap3A_43, %swap3A_44] {strides = array<i32>} : memref<2x128x128xf32, #tpu.memory_space<vmem>>, vector<1x1x16xf32>,
          %swap3A_46 = vector.shape_cast %swap3A_45 : vector<1x1x16xf32> to vector<16xf32>
          %swap3A_47 = vector.shape_cast %broadcast_in_dim3A_39 : vector<16xf32> to vector<1x1x16xf32>
          tpu.vector_store %arg11[%swap3A_42, %swap3A_43, %swap3A_44], %swap3A_47 {strides = array<i32>} : memref<2x128x128xf32, #tpu.memory_space<vmem>>, vector<1x1x16xf32>,
        }
        %scan3A_33 = arith.constant 8 : i32
      }
      %scan3A_10 = arith.constant 128 : i32
      %scan3A_11 = arith.constant 0 : i32
      %scan3A_12 = arith.constant 5 : i32
      %scan3A_13 = arith.addi %scan3A_11, %scan3A_12 : i32
      %scan3A_14 = arith.constant 1 : i32
      scf.for %scan3A_25 = %scan3A_11 to %scan3A_13 step %scan3A_14  : i32 {
        %mul3A_26 = arith.constant 1 : i32
        %mul3A_27 = arith.muli %scan3A_25, %mul3A_26 : i32
        %add3A = arith.constant 0 : i32
        %add3A_28 = arith.addi %add3A, %mul3A_27 : i32
        %mul3A_29 = arith.constant 640 : i32
        %mul3A_30 = arith.muli %arg1, %mul3A_29 : i32
        %mul3A_31 = arith.constant 128 : i32
        %mul3A_32 = arith.muli %add3A_28, %mul3A_31 : i32
        %add3A_33 = arith.addi %mul3A_30, %mul3A_32 : i32
        %run_scoped3A = arith.constant 0 : i32
        "tpu.region"() ({
          %run_scoped3A_34 = tpu.sem_alloc : memref<!tpu.dma_semaphore, #tpu.memory_space<semaphore_mem>>
          %dma_start3A = arith.constant 0 : i32
          %dma_start3A_35 = arith.constant 0 : i32
          %dma_start3A_36 = tpu.memref_slice %arg11[%run_scoped3A, %dma_start3A, %dma_start3A_35] : memref<2x128x128xf32, #tpu.memory_space<vmem>> -> memref<1x128x128xf32, #tpu.memory_space<vmem>>
          %dma_start3A_37 = tpu.memref_squeeze %dma_start3A_36 : memref<1x128x128xf32, #tpu.memory_space<vmem>> -> memref<128x128xf32, #tpu.memory_space<vmem>>
          %dma_start3A_38 = arith.constant 0 : i32
          %dma_start3A_39 = tpu.memref_slice %arg8[%add3A_33, %dma_start3A_38] : memref<10240x128xf32, #tpu.memory_space<vmem_shared>> -> memref<128x128xf32, #tpu.memory_space<vmem_shared>>
          %dma_start3A_40 = arith.constant 0 : i32
          %dma_start3A_41 = tpu.memref_slice %arg8[%add3A_33, %dma_start3A_40] : memref<10240x128xf32, #tpu.memory_space<vmem_shared>> -> memref<128x128xf32, #tpu.memory_space<vmem_shared>>
          %dma_start3A_42 = arith.constant 0 : i32
          %dma_start3A_43 = arith.constant 0 : i32
          %dma_start3A_44 = tpu.memref_slice %arg11[%run_scoped3A, %dma_start3A_42, %dma_start3A_43] : memref<2x128x128xf32, #tpu.memory_space<vmem>> -> memref<1x128x128xf32, #tpu.memory_space<vmem>>
          %dma_start3A_45 = tpu.memref_squeeze %dma_start3A_44 : memref<1x128x128xf32, #tpu.memory_space<vmem>> -> memref<128x128xf32, #tpu.memory_space<vmem>>
          tpu.enqueue_dma source(%dma_start3A_45 : memref<128x128xf32, #tpu.memory_space<vmem>>) target(%dma_start3A_41 : memref<128x128xf32, #tpu.memory_space<vmem_shared>>) target_semaphore(%run_scoped3A_34 : memref<!tpu.dma_semaphore, #tpu.memory_space<semaphore_mem>>)
          %dma_wait3A = arith.constant 0 : i32
          %dma_wait3A_46 = arith.constant 0 : i32
          %dma_wait3A_47 = tpu.memref_slice %arg11[%run_scoped3A, %dma_wait3A, %dma_wait3A_46] : memref<2x128x128xf32, #tpu.memory_space<vmem>> -> memref<1x128x128xf32, #tpu.memory_space<vmem>>
          %dma_wait3A_48 = tpu.memref_squeeze %dma_wait3A_47 : memref<1x128x128xf32, #tpu.memory_space<vmem>> -> memref<128x128xf32, #tpu.memory_space<vmem>>
          %dma_wait3A_49 = arith.constant 0 : i32
          %dma_wait3A_50 = tpu.memref_slice %arg8[%add3A_33, %dma_wait3A_49] : memref<10240x128xf32, #tpu.memory_space<vmem_shared>> -> memref<128x128xf32, #tpu.memory_space<vmem_shared>>
          %dma_wait3A_51 = arith.constant 0 : i32
          %dma_wait3A_52 = tpu.memref_slice %arg8[%add3A_33, %dma_wait3A_51] : memref<10240x128xf32, #tpu.memory_space<vmem_shared>> -> memref<128x128xf32, #tpu.memory_space<vmem_shared>>
          %dma_wait3A_53 = arith.constant 0 : i32
          %dma_wait3A_54 = arith.constant 0 : i32
          %dma_wait3A_55 = tpu.memref_slice %arg11[%run_scoped3A, %dma_wait3A_53, %dma_wait3A_54] : memref<2x128x128xf32, #tpu.memory_space<vmem>> -> memref<1x128x128xf32, #tpu.memory_space<vmem>>
          %dma_wait3A_56 = tpu.memref_squeeze %dma_wait3A_55 : memref<1x128x128xf32, #tpu.memory_space<vmem>> -> memref<128x128xf32, #tpu.memory_space<vmem>>
          tpu.wait_dma2 semaphore(%run_scoped3A_34 : memref<!tpu.dma_semaphore, #tpu.memory_space<semaphore_mem>>) src(%dma_wait3A_56 : memref<128x128xf32, #tpu.memory_space<vmem>>) dst(%dma_wait3A_52 : memref<128x128xf32, #tpu.memory_space<vmem_shared>>)
          tpu.yield
        }) : () -> ()
      }
      %scan3A_15 = arith.constant 5 : i32
      %barrier3A = arith.constant 0 : index
      tpu.barrier barrier_id(%barrier3A)
      %scan3A_16 = arith.constant 0 : i32
      %scan3A_17 = arith.constant 5 : i32
      %scan3A_18 = arith.addi %scan3A_16, %scan3A_17 : i32
      %scan3A_19 = arith.constant 1 : i32
      scf.for %scan3A_25 = %scan3A_16 to %scan3A_18 step %scan3A_19  : i32 {
        %mul3A_26 = arith.constant 1 : i32
        %mul3A_27 = arith.muli %scan3A_25, %mul3A_26 : i32
        %add3A = arith.constant 0 : i32
        %add3A_28 = arith.addi %add3A, %mul3A_27 : i32
        %mul3A_29 = arith.constant 160 : i32
        %mul3A_30 = arith.muli %arg1, %mul3A_29 : i32
        %mul3A_31 = arith.constant 32 : i32
        %mul3A_32 = arith.muli %add3A_28, %mul3A_31 : i32
        %add3A_33 = arith.addi %mul3A_30, %mul3A_32 : i32
        "tpu.region"() ({
          %run_scoped3A = tpu.sem_alloc : memref<!tpu.dma_semaphore, #tpu.memory_space<semaphore_mem>>
          %dma_start3A = arith.constant 0 : i32
          %dma_start3A_39 = tpu.memref_slice %arg5[%add3A_33, %dma_start3A] : memref<2560x128xi32, #tpu.memory_space<hbm>> -> memref<32x128xi32, #tpu.memory_space<hbm>>
          %dma_start3A_40 = arith.constant 0 : i32
          %dma_start3A_41 = tpu.memref_slice %arg5[%add3A_33, %dma_start3A_40] : memref<2560x128xi32, #tpu.memory_space<hbm>> -> memref<32x128xi32, #tpu.memory_space<hbm>>
          tpu.enqueue_dma source(%dma_start3A_41 : memref<32x128xi32, #tpu.memory_space<hbm>>) target(%arg9 : memref<32x128xi32, #tpu.memory_space<vmem>>) target_semaphore(%run_scoped3A : memref<!tpu.dma_semaphore, #tpu.memory_space<semaphore_mem>>)
          %dma_wait3A = arith.constant 0 : i32
          %dma_wait3A_42 = tpu.memref_slice %arg5[%add3A_33, %dma_wait3A] : memref<2560x128xi32, #tpu.memory_space<hbm>> -> memref<32x128xi32, #tpu.memory_space<hbm>>
          %dma_wait3A_43 = arith.constant 0 : i32
          %dma_wait3A_44 = tpu.memref_slice %arg5[%add3A_33, %dma_wait3A_43] : memref<2560x128xi32, #tpu.memory_space<hbm>> -> memref<32x128xi32, #tpu.memory_space<hbm>>
          tpu.wait_dma2 semaphore(%run_scoped3A : memref<!tpu.dma_semaphore, #tpu.memory_space<semaphore_mem>>) src(%dma_wait3A_44 : memref<32x128xi32, #tpu.memory_space<hbm>>) dst(%arg9 : memref<32x128xi32, #tpu.memory_space<vmem>>)
          tpu.yield
        }) : () -> ()
        "tpu.region"() ({
          %run_scoped3A = tpu.sem_alloc : memref<!tpu.dma_semaphore, #tpu.memory_space<semaphore_mem>>
          %dma_start3A = arith.constant 0 : i32
          %dma_start3A_39 = tpu.memref_slice %arg4[%add3A_33, %dma_start3A] : memref<2560x128xi32, #tpu.memory_space<hbm>> -> memref<32x128xi32, #tpu.memory_space<hbm>>
          %dma_start3A_40 = arith.constant 0 : i32
          %dma_start3A_41 = tpu.memref_slice %arg4[%add3A_33, %dma_start3A_40] : memref<2560x128xi32, #tpu.memory_space<hbm>> -> memref<32x128xi32, #tpu.memory_space<hbm>>
          tpu.enqueue_dma source(%dma_start3A_41 : memref<32x128xi32, #tpu.memory_space<hbm>>) target(%arg10 : memref<32x128xi32, #tpu.memory_space<vmem>>) target_semaphore(%run_scoped3A : memref<!tpu.dma_semaphore, #tpu.memory_space<semaphore_mem>>)
          %dma_wait3A = arith.constant 0 : i32
          %dma_wait3A_42 = tpu.memref_slice %arg4[%add3A_33, %dma_wait3A] : memref<2560x128xi32, #tpu.memory_space<hbm>> -> memref<32x128xi32, #tpu.memory_space<hbm>>
          %dma_wait3A_43 = arith.constant 0 : i32
          %dma_wait3A_44 = tpu.memref_slice %arg4[%add3A_33, %dma_wait3A_43] : memref<2560x128xi32, #tpu.memory_space<hbm>> -> memref<32x128xi32, #tpu.memory_space<hbm>>
          tpu.wait_dma2 semaphore(%run_scoped3A : memref<!tpu.dma_semaphore, #tpu.memory_space<semaphore_mem>>) src(%dma_wait3A_44 : memref<32x128xi32, #tpu.memory_space<hbm>>) dst(%arg10 : memref<32x128xi32, #tpu.memory_space<vmem>>)
          tpu.yield
        }) : () -> ()
        %scan3A_34 = arith.constant 0 : i32
        %scan3A_35 = arith.constant 32 : i32
        %scan3A_36 = arith.addi %scan3A_34, %scan3A_35 : i32
        %scan3A_37 = arith.constant 1 : i32
        scf.for %scan3A_39 = %scan3A_34 to %scan3A_36 step %scan3A_37  : i32 {
          %mul3A_40 = arith.constant 1 : i32
          %mul3A_41 = arith.muli %scan3A_39, %mul3A_40 : i32
          %add3A_42 = arith.constant 0 : i32
          %add3A_43 = arith.addi %add3A_42, %mul3A_41 : i32
          %run_scoped3A = arith.constant 0 : i32
          "tpu.region"() ({
            %run_scoped3A_45 = tpu.sem_alloc : memref<!tpu.dma_semaphore, #tpu.memory_space<semaphore_mem>>
            %dma_start3A = arith.constant 0 : i32
            %dma_start3A_46 = arith.constant 0 : i32
            %dma_start3A_47 = tpu.memref_slice %arg11[%run_scoped3A, %dma_start3A, %dma_start3A_46] : memref<2x128x128xf32, #tpu.memory_space<vmem>> -> memref<1x128x128xf32, #tpu.memory_space<vmem>>
            %dma_start3A_48 = tpu.memref_squeeze %dma_start3A_47 : memref<1x128x128xf32, #tpu.memory_space<vmem>> -> memref<128x128xf32, #tpu.memory_space<vmem>>
            %dma_start3A_49 = arith.constant 0 : i32
            %dma_start3A_50 = tpu.memref_slice %arg9[%add3A_43, %dma_start3A_49] : memref<32x128xi32, #tpu.memory_space<vmem>> -> memref<1x128xi32, #tpu.memory_space<vmem>>
            %dma_start3A_51 = tpu.memref_squeeze %dma_start3A_50 : memref<1x128xi32, #tpu.memory_space<vmem>> -> memref<128xi32, #tpu.memory_space<vmem>>
            %dma_start3A_52 = arith.constant 0 : i32
            %dma_start3A_53 = arith.constant 0 : i32
            %dma_start3A_54 = tpu.memref_slice %arg3[%dma_start3A_52, %dma_start3A_53] : memref<10240x128xf32, #tpu.memory_space<hbm>> -> memref<10240x128xf32, #tpu.memory_space<hbm>>
            tpu.enqueue_indirect_dma source(%dma_start3A_54 : memref<10240x128xf32, #tpu.memory_space<hbm>>) target(%dma_start3A_48 : memref<128x128xf32, #tpu.memory_space<vmem>>) offsets(%dma_start3A_51 : memref<128xi32, #tpu.memory_space<vmem>>) semaphore(%run_scoped3A_45 : memref<!tpu.dma_semaphore, #tpu.memory_space<semaphore_mem>>)
            %dma_wait3A = arith.constant 0 : i32
            %dma_wait3A_55 = arith.constant 0 : i32
            %dma_wait3A_56 = tpu.memref_slice %arg11[%run_scoped3A, %dma_wait3A, %dma_wait3A_55] : memref<2x128x128xf32, #tpu.memory_space<vmem>> -> memref<1x128x128xf32, #tpu.memory_space<vmem>>
            %dma_wait3A_57 = tpu.memref_squeeze %dma_wait3A_56 : memref<1x128x128xf32, #tpu.memory_space<vmem>> -> memref<128x128xf32, #tpu.memory_space<vmem>>
            %dma_wait3A_58 = arith.constant 0 : i32
            %dma_wait3A_59 = tpu.memref_slice %arg9[%add3A_43, %dma_wait3A_58] : memref<32x128xi32, #tpu.memory_space<vmem>> -> memref<1x128xi32, #tpu.memory_space<vmem>>
            %dma_wait3A_60 = tpu.memref_squeeze %dma_wait3A_59 : memref<1x128xi32, #tpu.memory_space<vmem>> -> memref<128xi32, #tpu.memory_space<vmem>>
            %dma_wait3A_61 = arith.constant 0 : i32
            %dma_wait3A_62 = arith.constant 0 : i32
            %dma_wait3A_63 = tpu.memref_slice %arg3[%dma_wait3A_61, %dma_wait3A_62] : memref<10240x128xf32, #tpu.memory_space<hbm>> -> memref<10240x128xf32, #tpu.memory_space<hbm>>
            tpu.wait_indirect_dma semaphore(%run_scoped3A_45 : memref<!tpu.dma_semaphore, #tpu.memory_space<semaphore_mem>>) src(%dma_wait3A_63 : memref<10240x128xf32, #tpu.memory_space<hbm>>) dst(%dma_wait3A_57 : memref<128x128xf32, #tpu.memory_space<vmem>>)
            tpu.yield
          }) : () -> ()
          %run_scoped3A_44 = arith.constant 0 : i32
          "tpu.region"() ({
            %run_scoped3A_45 = tpu.sem_alloc : memref<!tpu.dma_semaphore, #tpu.memory_space<semaphore_mem>>
            %dma_start3A = arith.constant 0 : i32
            %dma_start3A_46 = arith.constant 0 : i32
            %dma_start3A_47 = tpu.memref_slice %arg11[%run_scoped3A_44, %dma_start3A, %dma_start3A_46] : memref<2x128x128xf32, #tpu.memory_space<vmem>> -> memref<1x128x128xf32, #tpu.memory_space<vmem>>
            %dma_start3A_48 = tpu.memref_squeeze %dma_start3A_47 : memref<1x128x128xf32, #tpu.memory_space<vmem>> -> memref<128x128xf32, #tpu.memory_space<vmem>>
            %dma_start3A_49 = arith.constant 0 : i32
            %dma_start3A_50 = tpu.memref_slice %arg10[%add3A_43, %dma_start3A_49] : memref<32x128xi32, #tpu.memory_space<vmem>> -> memref<1x128xi32, #tpu.memory_space<vmem>>
            %dma_start3A_51 = tpu.memref_squeeze %dma_start3A_50 : memref<1x128xi32, #tpu.memory_space<vmem>> -> memref<128xi32, #tpu.memory_space<vmem>>
            %dma_start3A_52 = arith.constant 0 : i32
            %dma_start3A_53 = arith.constant 0 : i32
            %dma_start3A_54 = tpu.memref_slice %arg8[%dma_start3A_52, %dma_start3A_53] : memref<10240x128xf32, #tpu.memory_space<vmem_shared>> -> memref<10240x128xf32, #tpu.memory_space<vmem_shared>>
            tpu.enqueue_indirect_dma source(%dma_start3A_48 : memref<128x128xf32, #tpu.memory_space<vmem>>) target(%dma_start3A_54 : memref<10240x128xf32, #tpu.memory_space<vmem_shared>>) offsets(%dma_start3A_51 : memref<128xi32, #tpu.memory_space<vmem>>) semaphore(%run_scoped3A_45 : memref<!tpu.dma_semaphore, #tpu.memory_space<semaphore_mem>>) {add = true}
            %dma_wait3A = arith.constant 0 : i32
            %dma_wait3A_55 = arith.constant 0 : i32
            %dma_wait3A_56 = tpu.memref_slice %arg11[%run_scoped3A_44, %dma_wait3A, %dma_wait3A_55] : memref<2x128x128xf32, #tpu.memory_space<vmem>> -> memref<1x128x128xf32, #tpu.memory_space<vmem>>
            %dma_wait3A_57 = tpu.memref_squeeze %dma_wait3A_56 : memref<1x128x128xf32, #tpu.memory_space<vmem>> -> memref<128x128xf32, #tpu.memory_space<vmem>>
            %dma_wait3A_58 = arith.constant 0 : i32
            %dma_wait3A_59 = tpu.memref_slice %arg10[%add3A_43, %dma_wait3A_58] : memref<32x128xi32, #tpu.memory_space<vmem>> -> memref<1x128xi32, #tpu.memory_space<vmem>>
            %dma_wait3A_60 = tpu.memref_squeeze %dma_wait3A_59 : memref<1x128xi32, #tpu.memory_space<vmem>> -> memref<128xi32, #tpu.memory_space<vmem>>
            %dma_wait3A_61 = arith.constant 0 : i32
            %dma_wait3A_62 = arith.constant 0 : i32
            %dma_wait3A_63 = tpu.memref_slice %arg8[%dma_wait3A_61, %dma_wait3A_62] : memref<10240x128xf32, #tpu.memory_space<vmem_shared>> -> memref<10240x128xf32, #tpu.memory_space<vmem_shared>>
            tpu.wait_indirect_dma semaphore(%run_scoped3A_45 : memref<!tpu.dma_semaphore, #tpu.memory_space<semaphore_mem>>) src(%dma_wait3A_57 : memref<128x128xf32, #tpu.memory_space<vmem>>) dst(%dma_wait3A_63 : memref<10240x128xf32, #tpu.memory_space<vmem_shared>>)
            tpu.yield
          }) : () -> ()
        }
        %scan3A_38 = arith.constant 32 : i32
      }
      %scan3A_20 = arith.constant 5 : i32
      %barrier3A_21 = arith.constant 0 : index
      tpu.barrier barrier_id(%barrier3A_21)
      %mul3A = arith.constant 640 : i32
      %mul3A_22 = arith.muli %arg1, %mul3A : i32
      %mul3A_23 = arith.constant 640 : i32
      %mul3A_24 = arith.muli %arg1, %mul3A_23 : i32
      "tpu.region"() ({
        %run_scoped3A = tpu.sem_alloc : memref<!tpu.dma_semaphore, #tpu.memory_space<semaphore_mem>>
        %dma_start3A = arith.constant 0 : i32
        %dma_start3A_25 = tpu.memref_slice %arg7[%mul3A_24, %dma_start3A] : memref<10240x128xf32, #tpu.memory_space<hbm>> -> memref<640x128xf32, #tpu.memory_space<hbm>>
        %dma_start3A_26 = arith.constant 0 : i32
        %dma_start3A_27 = tpu.memref_slice %arg8[%mul3A_22, %dma_start3A_26] : memref<10240x128xf32, #tpu.memory_space<vmem_shared>> -> memref<640x128xf32, #tpu.memory_space<vmem_shared>>
        tpu.enqueue_dma source(%dma_start3A_27 : memref<640x128xf32, #tpu.memory_space<vmem_shared>>) target(%dma_start3A_25 : memref<640x128xf32, #tpu.memory_space<hbm>>) target_semaphore(%run_scoped3A : memref<!tpu.dma_semaphore, #tpu.memory_space<semaphore_mem>>)
        %dma_wait3A = arith.constant 0 : i32
        %dma_wait3A_28 = tpu.memref_slice %arg7[%mul3A_24, %dma_wait3A] : memref<10240x128xf32, #tpu.memory_space<hbm>> -> memref<640x128xf32, #tpu.memory_space<hbm>>
        %dma_wait3A_29 = arith.constant 0 : i32
        %dma_wait3A_30 = tpu.memref_slice %arg8[%mul3A_22, %dma_wait3A_29] : memref<10240x128xf32, #tpu.memory_space<vmem_shared>> -> memref<640x128xf32, #tpu.memory_space<vmem_shared>>
        tpu.wait_dma2 semaphore(%run_scoped3A : memref<!tpu.dma_semaphore, #tpu.memory_space<semaphore_mem>>) src(%dma_wait3A_30 : memref<640x128xf32, #tpu.memory_space<vmem_shared>>) dst(%dma_wait3A_28 : memref<640x128xf32, #tpu.memory_space<hbm>>)
        tpu.yield
      }) : () -> ()
    } else {
    }
    return
  }
}

#map = affine_map<(d0, d1) -> (0, 0)>
module attributes {stable_mosaic.version = 14 : i64} {
  func.func @k(%arg0: i32, %arg1: i32, %arg2: memref<10240x128xf32, #tpu.memory_space<hbm>>, %arg3: memref<10240x128xf32, #tpu.memory_space<hbm>>, %arg4: memref<2560x128xi32, #tpu.memory_space<hbm>>, %arg5: memref<2560x128xi32, #tpu.memory_space<hbm>>, %arg6: memref<10240x128xf32, #tpu.memory_space<hbm>>, %arg7: memref<10240x128xf32, #tpu.memory_space<hbm>>, %arg8: memref<10240x128xf32, #tpu.memory_space<vmem_shared>>, %arg9: memref<32x128xi32, #tpu.memory_space<vmem>>, %arg10: memref<32x128xi32, #tpu.memory_space<vmem>>, %arg11: memref<2x128x128xf32, #tpu.memory_space<vmem>>, %arg12: memref<!tpu.dma_semaphore, #tpu.memory_space<semaphore_mem>>, %arg13: memref<!tpu.dma_semaphore, #tpu.memory_space<semaphore_mem>>) attributes {dimension_semantics = [#tpu.dimension_semantics<core_parallel>, #tpu.dimension_semantics<subcore_parallel>], iteration_bounds = array<i64: 2, 16>, scalar_prefetch = 0 : i64, scratch_operands = 6 : i64, tpu.core_type = #tpu.core_type<sc_vector_subcore>, window_params = [{transform_indices = #map}, {transform_indices = #map}, {transform_indices = #map}, {transform_indices = #map}, {transform_indices = #map}, {transform_indices = #map}]} {
    %eq3A = arith.constant 0 : i32
    %eq3A_0 = arith.cmpi eq, %arg0, %eq3A : i32
    %convert_element_type3A = arith.extui %eq3A_0 : i1 to i32
    %cond3A = arith.constant 0 : i32
    %cond3A_1 = arith.cmpi ne, %convert_element_type3A, %cond3A : i32
    scf.if %cond3A_1 {
      %scan3A = arith.constant 0 : i32
      %scan3A_7 = arith.constant 128 : i32
      %scan3A_8 = arith.addi %scan3A, %scan3A_7 : i32
      %scan3A_9 = arith.constant 1 : i32
      scf.for %scan3A_25 = %scan3A to %scan3A_8 step %scan3A_9  : i32 {
        %mul3A_26 = arith.constant 1 : i32
        %mul3A_27 = arith.muli %scan3A_25, %mul3A_26 : i32
        %add3A = arith.constant 0 : i32
        %add3A_28 = arith.addi %add3A, %mul3A_27 : i32
        %scan3A_29 = arith.constant 0 : i32
        %scan3A_30 = arith.constant 8 : i32
        %scan3A_31 = arith.addi %scan3A_29, %scan3A_30 : i32
        %scan3A_32 = arith.constant 1 : i32
        scf.for %scan3A_34 = %scan3A_29 to %scan3A_31 step %scan3A_32  : i32 {
          %mul3A_35 = arith.constant 1 : i32
          %mul3A_36 = arith.muli %scan3A_34, %mul3A_35 : i32
          %add3A_37 = arith.constant 0 : i32
          %add3A_38 = arith.addi %add3A_37, %mul3A_36 : i32
          %broadcast_in_dim3A = arith.constant 0.000000e+00 : f32
          %broadcast_in_dim3A_39 = vector.broadcast %broadcast_in_dim3A : f32 to vector<16xf32>
          %mul3A_40 = arith.constant 16 : i32
          %mul3A_41 = arith.muli %add3A_38, %mul3A_40 : i32
          %swap3A = arith.constant 0 : i32
          %swap3A_42 = arith.index_cast %swap3A : i32 to index
          %swap3A_43 = arith.index_cast %add3A_28 : i32 to index
          %swap3A_44 = arith.index_cast %mul3A_41 : i32 to index
          %swap3A_45 = tpu.vector_load %arg11[%swap3A_42, %swap3A_43, %swap3A_44] {strides = array<i32>} : memref<2x128x128xf32, #tpu.memory_space<vmem>>, vector<1x1x16xf32>,
          %swap3A_46 = vector.shape_cast %swap3A_45 : vector<1x1x16xf32> to vector<16xf32>
          %swap3A_47 = vector.shape_cast %broadcast_in_dim3A_39 : vector<16xf32> to vector<1x1x16xf32>
          tpu.vector_store %arg11[%swap3A_42, %swap3A_43, %swap3A_44], %swap3A_47 {strides = array<i32>} : memref<2x128x128xf32, #tpu.memory_space<vmem>>, vector<1x1x16xf32>,
        }
        %scan3A_33 = arith.constant 8 : i32
      }
      %scan3A_10 = arith.constant 128 : i32
      %scan3A_11 = arith.constant 0 : i32
      %scan3A_12 = arith.constant 5 : i32
      %scan3A_13 = arith.addi %scan3A_11, %scan3A_12 : i32
      %scan3A_14 = arith.constant 1 : i32
      scf.for %scan3A_25 = %scan3A_11 to %scan3A_13 step %scan3A_14  : i32 {
        %mul3A_26 = arith.constant 1 : i32
        %mul3A_27 = arith.muli %scan3A_25, %mul3A_26 : i32
        %add3A = arith.constant 0 : i32
        %add3A_28 = arith.addi %add3A, %mul3A_27 : i32
        %mul3A_29 = arith.constant 640 : i32
        %mul3A_30 = arith.muli %arg1, %mul3A_29 : i32
        %mul3A_31 = arith.constant 128 : i32
        %mul3A_32 = arith.muli %add3A_28, %mul3A_31 : i32
        %add3A_33 = arith.addi %mul3A_30, %mul3A_32 : i32
        %run_scoped3A = arith.constant 0 : i32
        "tpu.region"() ({
          %run_scoped3A_34 = tpu.sem_alloc : memref<!tpu.dma_semaphore, #tpu.memory_space<semaphore_mem>>
          %dma_start3A = arith.constant 0 : i32
          %dma_start3A_35 = arith.constant 0 : i32
          %dma_start3A_36 = tpu.memref_slice %arg11[%run_scoped3A, %dma_start3A, %dma_start3A_35] : memref<2x128x128xf32, #tpu.memory_space<vmem>> -> memref<1x128x128xf32, #tpu.memory_space<vmem>>
          %dma_start3A_37 = tpu.memref_squeeze %dma_start3A_36 : memref<1x128x128xf32, #tpu.memory_space<vmem>> -> memref<128x128xf32, #tpu.memory_space<vmem>>
          %dma_start3A_38 = arith.constant 0 : i32
          %dma_start3A_39 = tpu.memref_slice %arg8[%add3A_33, %dma_start3A_38] : memref<10240x128xf32, #tpu.memory_space<vmem_shared>> -> memref<128x128xf32, #tpu.memory_space<vmem_shared>>
          %dma_start3A_40 = arith.constant 0 : i32
          %dma_start3A_41 = tpu.memref_slice %arg8[%add3A_33, %dma_start3A_40] : memref<10240x128xf32, #tpu.memory_space<vmem_shared>> -> memref<128x128xf32, #tpu.memory_space<vmem_shared>>
          %dma_start3A_42 = arith.constant 0 : i32
          %dma_start3A_43 = arith.constant 0 : i32
          %dma_start3A_44 = tpu.memref_slice %arg11[%run_scoped3A, %dma_start3A_42, %dma_start3A_43] : memref<2x128x128xf32, #tpu.memory_space<vmem>> -> memref<1x128x128xf32, #tpu.memory_space<vmem>>
          %dma_start3A_45 = tpu.memref_squeeze %dma_start3A_44 : memref<1x128x128xf32, #tpu.memory_space<vmem>> -> memref<128x128xf32, #tpu.memory_space<vmem>>
          tpu.enqueue_dma source(%dma_start3A_45 : memref<128x128xf32, #tpu.memory_space<vmem>>) target(%dma_start3A_41 : memref<128x128xf32, #tpu.memory_space<vmem_shared>>) target_semaphore(%run_scoped3A_34 : memref<!tpu.dma_semaphore, #tpu.memory_space<semaphore_mem>>)
          %dma_wait3A = arith.constant 0 : i32
          %dma_wait3A_46 = arith.constant 0 : i32
          %dma_wait3A_47 = tpu.memref_slice %arg11[%run_scoped3A, %dma_wait3A, %dma_wait3A_46] : memref<2x128x128xf32, #tpu.memory_space<vmem>> -> memref<1x128x128xf32, #tpu.memory_space<vmem>>
          %dma_wait3A_48 = tpu.memref_squeeze %dma_wait3A_47 : memref<1x128x128xf32, #tpu.memory_space<vmem>> -> memref<128x128xf32, #tpu.memory_space<vmem>>
          %dma_wait3A_49 = arith.constant 0 : i32
          %dma_wait3A_50 = tpu.memref_slice %arg8[%add3A_33, %dma_wait3A_49] : memref<10240x128xf32, #tpu.memory_space<vmem_shared>> -> memref<128x128xf32, #tpu.memory_space<vmem_shared>>
          %dma_wait3A_51 = arith.constant 0 : i32
          %dma_wait3A_52 = tpu.memref_slice %arg8[%add3A_33, %dma_wait3A_51] : memref<10240x128xf32, #tpu.memory_space<vmem_shared>> -> memref<128x128xf32, #tpu.memory_space<vmem_shared>>
          %dma_wait3A_53 = arith.constant 0 : i32
          %dma_wait3A_54 = arith.constant 0 : i32
          %dma_wait3A_55 = tpu.memref_slice %arg11[%run_scoped3A, %dma_wait3A_53, %dma_wait3A_54] : memref<2x128x128xf32, #tpu.memory_space<vmem>> -> memref<1x128x128xf32, #tpu.memory_space<vmem>>
          %dma_wait3A_56 = tpu.memref_squeeze %dma_wait3A_55 : memref<1x128x128xf32, #tpu.memory_space<vmem>> -> memref<128x128xf32, #tpu.memory_space<vmem>>
          tpu.wait_dma2 semaphore(%run_scoped3A_34 : memref<!tpu.dma_semaphore, #tpu.memory_space<semaphore_mem>>) src(%dma_wait3A_56 : memref<128x128xf32, #tpu.memory_space<vmem>>) dst(%dma_wait3A_52 : memref<128x128xf32, #tpu.memory_space<vmem_shared>>)
          tpu.yield
        }) : () -> ()
      }
      %scan3A_15 = arith.constant 5 : i32
      %barrier3A = arith.constant 0 : index
      tpu.barrier barrier_id(%barrier3A)
      %scan3A_16 = arith.constant 0 : i32
      %scan3A_17 = arith.constant 5 : i32
      %scan3A_18 = arith.addi %scan3A_16, %scan3A_17 : i32
      %scan3A_19 = arith.constant 1 : i32
      scf.for %scan3A_25 = %scan3A_16 to %scan3A_18 step %scan3A_19  : i32 {
        %mul3A_26 = arith.constant 1 : i32
        %mul3A_27 = arith.muli %scan3A_25, %mul3A_26 : i32
        %add3A = arith.constant 0 : i32
        %add3A_28 = arith.addi %add3A, %mul3A_27 : i32
        %mul3A_29 = arith.constant 160 : i32
        %mul3A_30 = arith.muli %arg1, %mul3A_29 : i32
        %mul3A_31 = arith.constant 32 : i32
        %mul3A_32 = arith.muli %add3A_28, %mul3A_31 : i32
        %add3A_33 = arith.addi %mul3A_30, %mul3A_32 : i32
        "tpu.region"() ({
          %run_scoped3A = tpu.sem_alloc : memref<!tpu.dma_semaphore, #tpu.memory_space<semaphore_mem>>
          %dma_start3A = arith.constant 0 : i32
          %dma_start3A_39 = tpu.memref_slice %arg4[%add3A_33, %dma_start3A] : memref<2560x128xi32, #tpu.memory_space<hbm>> -> memref<32x128xi32, #tpu.memory_space<hbm>>
          %dma_start3A_40 = arith.constant 0 : i32
          %dma_start3A_41 = tpu.memref_slice %arg4[%add3A_33, %dma_start3A_40] : memref<2560x128xi32, #tpu.memory_space<hbm>> -> memref<32x128xi32, #tpu.memory_space<hbm>>
          tpu.enqueue_dma source(%dma_start3A_41 : memref<32x128xi32, #tpu.memory_space<hbm>>) target(%arg9 : memref<32x128xi32, #tpu.memory_space<vmem>>) target_semaphore(%run_scoped3A : memref<!tpu.dma_semaphore, #tpu.memory_space<semaphore_mem>>)
          %dma_wait3A = arith.constant 0 : i32
          %dma_wait3A_42 = tpu.memref_slice %arg4[%add3A_33, %dma_wait3A] : memref<2560x128xi32, #tpu.memory_space<hbm>> -> memref<32x128xi32, #tpu.memory_space<hbm>>
          %dma_wait3A_43 = arith.constant 0 : i32
          %dma_wait3A_44 = tpu.memref_slice %arg4[%add3A_33, %dma_wait3A_43] : memref<2560x128xi32, #tpu.memory_space<hbm>> -> memref<32x128xi32, #tpu.memory_space<hbm>>
          tpu.wait_dma2 semaphore(%run_scoped3A : memref<!tpu.dma_semaphore, #tpu.memory_space<semaphore_mem>>) src(%dma_wait3A_44 : memref<32x128xi32, #tpu.memory_space<hbm>>) dst(%arg9 : memref<32x128xi32, #tpu.memory_space<vmem>>)
          tpu.yield
        }) : () -> ()
        "tpu.region"() ({
          %run_scoped3A = tpu.sem_alloc : memref<!tpu.dma_semaphore, #tpu.memory_space<semaphore_mem>>
          %dma_start3A = arith.constant 0 : i32
          %dma_start3A_39 = tpu.memref_slice %arg5[%add3A_33, %dma_start3A] : memref<2560x128xi32, #tpu.memory_space<hbm>> -> memref<32x128xi32, #tpu.memory_space<hbm>>
          %dma_start3A_40 = arith.constant 0 : i32
          %dma_start3A_41 = tpu.memref_slice %arg5[%add3A_33, %dma_start3A_40] : memref<2560x128xi32, #tpu.memory_space<hbm>> -> memref<32x128xi32, #tpu.memory_space<hbm>>
          tpu.enqueue_dma source(%dma_start3A_41 : memref<32x128xi32, #tpu.memory_space<hbm>>) target(%arg10 : memref<32x128xi32, #tpu.memory_space<vmem>>) target_semaphore(%run_scoped3A : memref<!tpu.dma_semaphore, #tpu.memory_space<semaphore_mem>>)
          %dma_wait3A = arith.constant 0 : i32
          %dma_wait3A_42 = tpu.memref_slice %arg5[%add3A_33, %dma_wait3A] : memref<2560x128xi32, #tpu.memory_space<hbm>> -> memref<32x128xi32, #tpu.memory_space<hbm>>
          %dma_wait3A_43 = arith.constant 0 : i32
          %dma_wait3A_44 = tpu.memref_slice %arg5[%add3A_33, %dma_wait3A_43] : memref<2560x128xi32, #tpu.memory_space<hbm>> -> memref<32x128xi32, #tpu.memory_space<hbm>>
          tpu.wait_dma2 semaphore(%run_scoped3A : memref<!tpu.dma_semaphore, #tpu.memory_space<semaphore_mem>>) src(%dma_wait3A_44 : memref<32x128xi32, #tpu.memory_space<hbm>>) dst(%arg10 : memref<32x128xi32, #tpu.memory_space<vmem>>)
          tpu.yield
        }) : () -> ()
        %scan3A_34 = arith.constant 0 : i32
        %scan3A_35 = arith.constant 32 : i32
        %scan3A_36 = arith.addi %scan3A_34, %scan3A_35 : i32
        %scan3A_37 = arith.constant 1 : i32
        scf.for %scan3A_39 = %scan3A_34 to %scan3A_36 step %scan3A_37  : i32 {
          %mul3A_40 = arith.constant 1 : i32
          %mul3A_41 = arith.muli %scan3A_39, %mul3A_40 : i32
          %add3A_42 = arith.constant 0 : i32
          %add3A_43 = arith.addi %add3A_42, %mul3A_41 : i32
          %run_scoped3A = arith.constant 0 : i32
          "tpu.region"() ({
            %run_scoped3A_45 = tpu.sem_alloc : memref<!tpu.dma_semaphore, #tpu.memory_space<semaphore_mem>>
            %dma_start3A = arith.constant 0 : i32
            %dma_start3A_46 = arith.constant 0 : i32
            %dma_start3A_47 = tpu.memref_slice %arg11[%run_scoped3A, %dma_start3A, %dma_start3A_46] : memref<2x128x128xf32, #tpu.memory_space<vmem>> -> memref<1x128x128xf32, #tpu.memory_space<vmem>>
            %dma_start3A_48 = tpu.memref_squeeze %dma_start3A_47 : memref<1x128x128xf32, #tpu.memory_space<vmem>> -> memref<128x128xf32, #tpu.memory_space<vmem>>
            %dma_start3A_49 = arith.constant 0 : i32
            %dma_start3A_50 = tpu.memref_slice %arg9[%add3A_43, %dma_start3A_49] : memref<32x128xi32, #tpu.memory_space<vmem>> -> memref<1x128xi32, #tpu.memory_space<vmem>>
            %dma_start3A_51 = tpu.memref_squeeze %dma_start3A_50 : memref<1x128xi32, #tpu.memory_space<vmem>> -> memref<128xi32, #tpu.memory_space<vmem>>
            %dma_start3A_52 = arith.constant 0 : i32
            %dma_start3A_53 = arith.constant 0 : i32
            %dma_start3A_54 = tpu.memref_slice %arg2[%dma_start3A_52, %dma_start3A_53] : memref<10240x128xf32, #tpu.memory_space<hbm>> -> memref<10240x128xf32, #tpu.memory_space<hbm>>
            tpu.enqueue_indirect_dma source(%dma_start3A_54 : memref<10240x128xf32, #tpu.memory_space<hbm>>) target(%dma_start3A_48 : memref<128x128xf32, #tpu.memory_space<vmem>>) offsets(%dma_start3A_51 : memref<128xi32, #tpu.memory_space<vmem>>) semaphore(%run_scoped3A_45 : memref<!tpu.dma_semaphore, #tpu.memory_space<semaphore_mem>>)
            %dma_wait3A = arith.constant 0 : i32
            %dma_wait3A_55 = arith.constant 0 : i32
            %dma_wait3A_56 = tpu.memref_slice %arg11[%run_scoped3A, %dma_wait3A, %dma_wait3A_55] : memref<2x128x128xf32, #tpu.memory_space<vmem>> -> memref<1x128x128xf32, #tpu.memory_space<vmem>>
            %dma_wait3A_57 = tpu.memref_squeeze %dma_wait3A_56 : memref<1x128x128xf32, #tpu.memory_space<vmem>> -> memref<128x128xf32, #tpu.memory_space<vmem>>
            %dma_wait3A_58 = arith.constant 0 : i32
            %dma_wait3A_59 = tpu.memref_slice %arg9[%add3A_43, %dma_wait3A_58] : memref<32x128xi32, #tpu.memory_space<vmem>> -> memref<1x128xi32, #tpu.memory_space<vmem>>
            %dma_wait3A_60 = tpu.memref_squeeze %dma_wait3A_59 : memref<1x128xi32, #tpu.memory_space<vmem>> -> memref<128xi32, #tpu.memory_space<vmem>>
            %dma_wait3A_61 = arith.constant 0 : i32
            %dma_wait3A_62 = arith.constant 0 : i32
            %dma_wait3A_63 = tpu.memref_slice %arg2[%dma_wait3A_61, %dma_wait3A_62] : memref<10240x128xf32, #tpu.memory_space<hbm>> -> memref<10240x128xf32, #tpu.memory_space<hbm>>
            tpu.wait_indirect_dma semaphore(%run_scoped3A_45 : memref<!tpu.dma_semaphore, #tpu.memory_space<semaphore_mem>>) src(%dma_wait3A_63 : memref<10240x128xf32, #tpu.memory_space<hbm>>) dst(%dma_wait3A_57 : memref<128x128xf32, #tpu.memory_space<vmem>>)
            tpu.yield
          }) : () -> ()
          %run_scoped3A_44 = arith.constant 0 : i32
          "tpu.region"() ({
            %run_scoped3A_45 = tpu.sem_alloc : memref<!tpu.dma_semaphore, #tpu.memory_space<semaphore_mem>>
            %dma_start3A = arith.constant 0 : i32
            %dma_start3A_46 = arith.constant 0 : i32
            %dma_start3A_47 = tpu.memref_slice %arg11[%run_scoped3A_44, %dma_start3A, %dma_start3A_46] : memref<2x128x128xf32, #tpu.memory_space<vmem>> -> memref<1x128x128xf32, #tpu.memory_space<vmem>>
            %dma_start3A_48 = tpu.memref_squeeze %dma_start3A_47 : memref<1x128x128xf32, #tpu.memory_space<vmem>> -> memref<128x128xf32, #tpu.memory_space<vmem>>
            %dma_start3A_49 = arith.constant 0 : i32
            %dma_start3A_50 = tpu.memref_slice %arg10[%add3A_43, %dma_start3A_49] : memref<32x128xi32, #tpu.memory_space<vmem>> -> memref<1x128xi32, #tpu.memory_space<vmem>>
            %dma_start3A_51 = tpu.memref_squeeze %dma_start3A_50 : memref<1x128xi32, #tpu.memory_space<vmem>> -> memref<128xi32, #tpu.memory_space<vmem>>
            %dma_start3A_52 = arith.constant 0 : i32
            %dma_start3A_53 = arith.constant 0 : i32
            %dma_start3A_54 = tpu.memref_slice %arg8[%dma_start3A_52, %dma_start3A_53] : memref<10240x128xf32, #tpu.memory_space<vmem_shared>> -> memref<10240x128xf32, #tpu.memory_space<vmem_shared>>
            tpu.enqueue_indirect_dma source(%dma_start3A_48 : memref<128x128xf32, #tpu.memory_space<vmem>>) target(%dma_start3A_54 : memref<10240x128xf32, #tpu.memory_space<vmem_shared>>) offsets(%dma_start3A_51 : memref<128xi32, #tpu.memory_space<vmem>>) semaphore(%run_scoped3A_45 : memref<!tpu.dma_semaphore, #tpu.memory_space<semaphore_mem>>) {add = true}
            %dma_wait3A = arith.constant 0 : i32
            %dma_wait3A_55 = arith.constant 0 : i32
            %dma_wait3A_56 = tpu.memref_slice %arg11[%run_scoped3A_44, %dma_wait3A, %dma_wait3A_55] : memref<2x128x128xf32, #tpu.memory_space<vmem>> -> memref<1x128x128xf32, #tpu.memory_space<vmem>>
            %dma_wait3A_57 = tpu.memref_squeeze %dma_wait3A_56 : memref<1x128x128xf32, #tpu.memory_space<vmem>> -> memref<128x128xf32, #tpu.memory_space<vmem>>
            %dma_wait3A_58 = arith.constant 0 : i32
            %dma_wait3A_59 = tpu.memref_slice %arg10[%add3A_43, %dma_wait3A_58] : memref<32x128xi32, #tpu.memory_space<vmem>> -> memref<1x128xi32, #tpu.memory_space<vmem>>
            %dma_wait3A_60 = tpu.memref_squeeze %dma_wait3A_59 : memref<1x128xi32, #tpu.memory_space<vmem>> -> memref<128xi32, #tpu.memory_space<vmem>>
            %dma_wait3A_61 = arith.constant 0 : i32
            %dma_wait3A_62 = arith.constant 0 : i32
            %dma_wait3A_63 = tpu.memref_slice %arg8[%dma_wait3A_61, %dma_wait3A_62] : memref<10240x128xf32, #tpu.memory_space<vmem_shared>> -> memref<10240x128xf32, #tpu.memory_space<vmem_shared>>
            tpu.wait_indirect_dma semaphore(%run_scoped3A_45 : memref<!tpu.dma_semaphore, #tpu.memory_space<semaphore_mem>>) src(%dma_wait3A_57 : memref<128x128xf32, #tpu.memory_space<vmem>>) dst(%dma_wait3A_63 : memref<10240x128xf32, #tpu.memory_space<vmem_shared>>)
            tpu.yield
          }) : () -> ()
        }
        %scan3A_38 = arith.constant 32 : i32
      }
      %scan3A_20 = arith.constant 5 : i32
      %barrier3A_21 = arith.constant 0 : index
      tpu.barrier barrier_id(%barrier3A_21)
      %mul3A = arith.constant 640 : i32
      %mul3A_22 = arith.muli %arg1, %mul3A : i32
      %mul3A_23 = arith.constant 640 : i32
      %mul3A_24 = arith.muli %arg1, %mul3A_23 : i32
      "tpu.region"() ({
        %run_scoped3A = tpu.sem_alloc : memref<!tpu.dma_semaphore, #tpu.memory_space<semaphore_mem>>
        %dma_start3A = arith.constant 0 : i32
        %dma_start3A_25 = tpu.memref_slice %arg6[%mul3A_24, %dma_start3A] : memref<10240x128xf32, #tpu.memory_space<hbm>> -> memref<640x128xf32, #tpu.memory_space<hbm>>
        %dma_start3A_26 = arith.constant 0 : i32
        %dma_start3A_27 = tpu.memref_slice %arg8[%mul3A_22, %dma_start3A_26] : memref<10240x128xf32, #tpu.memory_space<vmem_shared>> -> memref<640x128xf32, #tpu.memory_space<vmem_shared>>
        tpu.enqueue_dma source(%dma_start3A_27 : memref<640x128xf32, #tpu.memory_space<vmem_shared>>) target(%dma_start3A_25 : memref<640x128xf32, #tpu.memory_space<hbm>>) target_semaphore(%run_scoped3A : memref<!tpu.dma_semaphore, #tpu.memory_space<semaphore_mem>>)
        %dma_wait3A = arith.constant 0 : i32
        %dma_wait3A_28 = tpu.memref_slice %arg6[%mul3A_24, %dma_wait3A] : memref<10240x128xf32, #tpu.memory_space<hbm>> -> memref<640x128xf32, #tpu.memory_space<hbm>>
        %dma_wait3A_29 = arith.constant 0 : i32
        %dma_wait3A_30 = tpu.memref_slice %arg8[%mul3A_22, %dma_wait3A_29] : memref<10240x128xf32, #tpu.memory_space<vmem_shared>> -> memref<640x128xf32, #tpu.memory_space<vmem_shared>>
        tpu.wait_dma2 semaphore(%run_scoped3A : memref<!tpu.dma_semaphore, #tpu.memory_space<semaphore_mem>>) src(%dma_wait3A_30 : memref<640x128xf32, #tpu.memory_space<vmem_shared>>) dst(%dma_wait3A_28 : memref<640x128xf32, #tpu.memory_space<hbm>>)
        tpu.yield
      }) : () -> ()
    } else {
    }
    %eq3A_2 = arith.constant 1 : i32
    %eq3A_3 = arith.cmpi eq, %arg0, %eq3A_2 : i32
    %convert_element_type3A_4 = arith.extui %eq3A_3 : i1 to i32
    %cond3A_5 = arith.constant 0 : i32
    %cond3A_6 = arith.cmpi ne, %convert_element_type3A_4, %cond3A_5 : i32
    scf.if %cond3A_6 {
      %scan3A = arith.constant 0 : i32
      %scan3A_7 = arith.constant 128 : i32
      %scan3A_8 = arith.addi %scan3A, %scan3A_7 : i32
      %scan3A_9 = arith.constant 1 : i32
      scf.for %scan3A_25 = %scan3A to %scan3A_8 step %scan3A_9  : i32 {
        %mul3A_26 = arith.constant 1 : i32
        %mul3A_27 = arith.muli %scan3A_25, %mul3A_26 : i32
        %add3A = arith.constant 0 : i32
        %add3A_28 = arith.addi %add3A, %mul3A_27 : i32
        %scan3A_29 = arith.constant 0 : i32
        %scan3A_30 = arith.constant 8 : i32
        %scan3A_31 = arith.addi %scan3A_29, %scan3A_30 : i32
        %scan3A_32 = arith.constant 1 : i32
        scf.for %scan3A_34 = %scan3A_29 to %scan3A_31 step %scan3A_32  : i32 {
          %mul3A_35 = arith.constant 1 : i32
          %mul3A_36 = arith.muli %scan3A_34, %mul3A_35 : i32
          %add3A_37 = arith.constant 0 : i32
          %add3A_38 = arith.addi %add3A_37, %mul3A_36 : i32
          %broadcast_in_dim3A = arith.constant 0.000000e+00 : f32
          %broadcast_in_dim3A_39 = vector.broadcast %broadcast_in_dim3A : f32 to vector<16xf32>
          %mul3A_40 = arith.constant 16 : i32
          %mul3A_41 = arith.muli %add3A_38, %mul3A_40 : i32
          %swap3A = arith.constant 0 : i32
          %swap3A_42 = arith.index_cast %swap3A : i32 to index
          %swap3A_43 = arith.index_cast %add3A_28 : i32 to index
          %swap3A_44 = arith.index_cast %mul3A_41 : i32 to index
          %swap3A_45 = tpu.vector_load %arg11[%swap3A_42, %swap3A_43, %swap3A_44] {strides = array<i32>} : memref<2x128x128xf32, #tpu.memory_space<vmem>>, vector<1x1x16xf32>,
          %swap3A_46 = vector.shape_cast %swap3A_45 : vector<1x1x16xf32> to vector<16xf32>
          %swap3A_47 = vector.shape_cast %broadcast_in_dim3A_39 : vector<16xf32> to vector<1x1x16xf32>
          tpu.vector_store %arg11[%swap3A_42, %swap3A_43, %swap3A_44], %swap3A_47 {strides = array<i32>} : memref<2x128x128xf32, #tpu.memory_space<vmem>>, vector<1x1x16xf32>,
        }
        %scan3A_33 = arith.constant 8 : i32
      }
      %scan3A_10 = arith.constant 128 : i32
      %scan3A_11 = arith.constant 0 : i32
      %scan3A_12 = arith.constant 5 : i32
      %scan3A_13 = arith.addi %scan3A_11, %scan3A_12 : i32
      %scan3A_14 = arith.constant 1 : i32
      scf.for %scan3A_25 = %scan3A_11 to %scan3A_13 step %scan3A_14  : i32 {
        %mul3A_26 = arith.constant 1 : i32
        %mul3A_27 = arith.muli %scan3A_25, %mul3A_26 : i32
        %add3A = arith.constant 0 : i32
        %add3A_28 = arith.addi %add3A, %mul3A_27 : i32
        %mul3A_29 = arith.constant 640 : i32
        %mul3A_30 = arith.muli %arg1, %mul3A_29 : i32
        %mul3A_31 = arith.constant 128 : i32
        %mul3A_32 = arith.muli %add3A_28, %mul3A_31 : i32
        %add3A_33 = arith.addi %mul3A_30, %mul3A_32 : i32
        %run_scoped3A = arith.constant 0 : i32
        "tpu.region"() ({
          %run_scoped3A_34 = tpu.sem_alloc : memref<!tpu.dma_semaphore, #tpu.memory_space<semaphore_mem>>
          %dma_start3A = arith.constant 0 : i32
          %dma_start3A_35 = arith.constant 0 : i32
          %dma_start3A_36 = tpu.memref_slice %arg11[%run_scoped3A, %dma_start3A, %dma_start3A_35] : memref<2x128x128xf32, #tpu.memory_space<vmem>> -> memref<1x128x128xf32, #tpu.memory_space<vmem>>
          %dma_start3A_37 = tpu.memref_squeeze %dma_start3A_36 : memref<1x128x128xf32, #tpu.memory_space<vmem>> -> memref<128x128xf32, #tpu.memory_space<vmem>>
          %dma_start3A_38 = arith.constant 0 : i32
          %dma_start3A_39 = tpu.memref_slice %arg8[%add3A_33, %dma_start3A_38] : memref<10240x128xf32, #tpu.memory_space<vmem_shared>> -> memref<128x128xf32, #tpu.memory_space<vmem_shared>>
          %dma_start3A_40 = arith.constant 0 : i32
          %dma_start3A_41 = tpu.memref_slice %arg8[%add3A_33, %dma_start3A_40] : memref<10240x128xf32, #tpu.memory_space<vmem_shared>> -> memref<128x128xf32, #tpu.memory_space<vmem_shared>>
          %dma_start3A_42 = arith.constant 0 : i32
          %dma_start3A_43 = arith.constant 0 : i32
          %dma_start3A_44 = tpu.memref_slice %arg11[%run_scoped3A, %dma_start3A_42, %dma_start3A_43] : memref<2x128x128xf32, #tpu.memory_space<vmem>> -> memref<1x128x128xf32, #tpu.memory_space<vmem>>
          %dma_start3A_45 = tpu.memref_squeeze %dma_start3A_44 : memref<1x128x128xf32, #tpu.memory_space<vmem>> -> memref<128x128xf32, #tpu.memory_space<vmem>>
          tpu.enqueue_dma source(%dma_start3A_45 : memref<128x128xf32, #tpu.memory_space<vmem>>) target(%dma_start3A_41 : memref<128x128xf32, #tpu.memory_space<vmem_shared>>) target_semaphore(%run_scoped3A_34 : memref<!tpu.dma_semaphore, #tpu.memory_space<semaphore_mem>>)
          %dma_wait3A = arith.constant 0 : i32
          %dma_wait3A_46 = arith.constant 0 : i32
          %dma_wait3A_47 = tpu.memref_slice %arg11[%run_scoped3A, %dma_wait3A, %dma_wait3A_46] : memref<2x128x128xf32, #tpu.memory_space<vmem>> -> memref<1x128x128xf32, #tpu.memory_space<vmem>>
          %dma_wait3A_48 = tpu.memref_squeeze %dma_wait3A_47 : memref<1x128x128xf32, #tpu.memory_space<vmem>> -> memref<128x128xf32, #tpu.memory_space<vmem>>
          %dma_wait3A_49 = arith.constant 0 : i32
          %dma_wait3A_50 = tpu.memref_slice %arg8[%add3A_33, %dma_wait3A_49] : memref<10240x128xf32, #tpu.memory_space<vmem_shared>> -> memref<128x128xf32, #tpu.memory_space<vmem_shared>>
          %dma_wait3A_51 = arith.constant 0 : i32
          %dma_wait3A_52 = tpu.memref_slice %arg8[%add3A_33, %dma_wait3A_51] : memref<10240x128xf32, #tpu.memory_space<vmem_shared>> -> memref<128x128xf32, #tpu.memory_space<vmem_shared>>
          %dma_wait3A_53 = arith.constant 0 : i32
          %dma_wait3A_54 = arith.constant 0 : i32
          %dma_wait3A_55 = tpu.memref_slice %arg11[%run_scoped3A, %dma_wait3A_53, %dma_wait3A_54] : memref<2x128x128xf32, #tpu.memory_space<vmem>> -> memref<1x128x128xf32, #tpu.memory_space<vmem>>
          %dma_wait3A_56 = tpu.memref_squeeze %dma_wait3A_55 : memref<1x128x128xf32, #tpu.memory_space<vmem>> -> memref<128x128xf32, #tpu.memory_space<vmem>>
          tpu.wait_dma2 semaphore(%run_scoped3A_34 : memref<!tpu.dma_semaphore, #tpu.memory_space<semaphore_mem>>) src(%dma_wait3A_56 : memref<128x128xf32, #tpu.memory_space<vmem>>) dst(%dma_wait3A_52 : memref<128x128xf32, #tpu.memory_space<vmem_shared>>)
          tpu.yield
        }) : () -> ()
      }
      %scan3A_15 = arith.constant 5 : i32
      %barrier3A = arith.constant 0 : index
      tpu.barrier barrier_id(%barrier3A)
      %scan3A_16 = arith.constant 0 : i32
      %scan3A_17 = arith.constant 5 : i32
      %scan3A_18 = arith.addi %scan3A_16, %scan3A_17 : i32
      %scan3A_19 = arith.constant 1 : i32
      scf.for %scan3A_25 = %scan3A_16 to %scan3A_18 step %scan3A_19  : i32 {
        %mul3A_26 = arith.constant 1 : i32
        %mul3A_27 = arith.muli %scan3A_25, %mul3A_26 : i32
        %add3A = arith.constant 0 : i32
        %add3A_28 = arith.addi %add3A, %mul3A_27 : i32
        %mul3A_29 = arith.constant 160 : i32
        %mul3A_30 = arith.muli %arg1, %mul3A_29 : i32
        %mul3A_31 = arith.constant 32 : i32
        %mul3A_32 = arith.muli %add3A_28, %mul3A_31 : i32
        %add3A_33 = arith.addi %mul3A_30, %mul3A_32 : i32
        "tpu.region"() ({
          %run_scoped3A = tpu.sem_alloc : memref<!tpu.dma_semaphore, #tpu.memory_space<semaphore_mem>>
          %dma_start3A = arith.constant 0 : i32
          %dma_start3A_39 = tpu.memref_slice %arg5[%add3A_33, %dma_start3A] : memref<2560x128xi32, #tpu.memory_space<hbm>> -> memref<32x128xi32, #tpu.memory_space<hbm>>
          %dma_start3A_40 = arith.constant 0 : i32
          %dma_start3A_41 = tpu.memref_slice %arg5[%add3A_33, %dma_start3A_40] : memref<2560x128xi32, #tpu.memory_space<hbm>> -> memref<32x128xi32, #tpu.memory_space<hbm>>
          tpu.enqueue_dma source(%dma_start3A_41 : memref<32x128xi32, #tpu.memory_space<hbm>>) target(%arg9 : memref<32x128xi32, #tpu.memory_space<vmem>>) target_semaphore(%run_scoped3A : memref<!tpu.dma_semaphore, #tpu.memory_space<semaphore_mem>>)
          %dma_wait3A = arith.constant 0 : i32
          %dma_wait3A_42 = tpu.memref_slice %arg5[%add3A_33, %dma_wait3A] : memref<2560x128xi32, #tpu.memory_space<hbm>> -> memref<32x128xi32, #tpu.memory_space<hbm>>
          %dma_wait3A_43 = arith.constant 0 : i32
          %dma_wait3A_44 = tpu.memref_slice %arg5[%add3A_33, %dma_wait3A_43] : memref<2560x128xi32, #tpu.memory_space<hbm>> -> memref<32x128xi32, #tpu.memory_space<hbm>>
          tpu.wait_dma2 semaphore(%run_scoped3A : memref<!tpu.dma_semaphore, #tpu.memory_space<semaphore_mem>>) src(%dma_wait3A_44 : memref<32x128xi32, #tpu.memory_space<hbm>>) dst(%arg9 : memref<32x128xi32, #tpu.memory_space<vmem>>)
          tpu.yield
        }) : () -> ()
        "tpu.region"() ({
          %run_scoped3A = tpu.sem_alloc : memref<!tpu.dma_semaphore, #tpu.memory_space<semaphore_mem>>
          %dma_start3A = arith.constant 0 : i32
          %dma_start3A_39 = tpu.memref_slice %arg4[%add3A_33, %dma_start3A] : memref<2560x128xi32, #tpu.memory_space<hbm>> -> memref<32x128xi32, #tpu.memory_space<hbm>>
          %dma_start3A_40 = arith.constant 0 : i32
          %dma_start3A_41 = tpu.memref_slice %arg4[%add3A_33, %dma_start3A_40] : memref<2560x128xi32, #tpu.memory_space<hbm>> -> memref<32x128xi32, #tpu.memory_space<hbm>>
          tpu.enqueue_dma source(%dma_start3A_41 : memref<32x128xi32, #tpu.memory_space<hbm>>) target(%arg10 : memref<32x128xi32, #tpu.memory_space<vmem>>) target_semaphore(%run_scoped3A : memref<!tpu.dma_semaphore, #tpu.memory_space<semaphore_mem>>)
          %dma_wait3A = arith.constant 0 : i32
          %dma_wait3A_42 = tpu.memref_slice %arg4[%add3A_33, %dma_wait3A] : memref<2560x128xi32, #tpu.memory_space<hbm>> -> memref<32x128xi32, #tpu.memory_space<hbm>>
          %dma_wait3A_43 = arith.constant 0 : i32
          %dma_wait3A_44 = tpu.memref_slice %arg4[%add3A_33, %dma_wait3A_43] : memref<2560x128xi32, #tpu.memory_space<hbm>> -> memref<32x128xi32, #tpu.memory_space<hbm>>
          tpu.wait_dma2 semaphore(%run_scoped3A : memref<!tpu.dma_semaphore, #tpu.memory_space<semaphore_mem>>) src(%dma_wait3A_44 : memref<32x128xi32, #tpu.memory_space<hbm>>) dst(%arg10 : memref<32x128xi32, #tpu.memory_space<vmem>>)
          tpu.yield
        }) : () -> ()
        %scan3A_34 = arith.constant 0 : i32
        %scan3A_35 = arith.constant 32 : i32
        %scan3A_36 = arith.addi %scan3A_34, %scan3A_35 : i32
        %scan3A_37 = arith.constant 1 : i32
        scf.for %scan3A_39 = %scan3A_34 to %scan3A_36 step %scan3A_37  : i32 {
          %mul3A_40 = arith.constant 1 : i32
          %mul3A_41 = arith.muli %scan3A_39, %mul3A_40 : i32
          %add3A_42 = arith.constant 0 : i32
          %add3A_43 = arith.addi %add3A_42, %mul3A_41 : i32
          %run_scoped3A = arith.constant 0 : i32
          "tpu.region"() ({
            %run_scoped3A_45 = tpu.sem_alloc : memref<!tpu.dma_semaphore, #tpu.memory_space<semaphore_mem>>
            %dma_start3A = arith.constant 0 : i32
            %dma_start3A_46 = arith.constant 0 : i32
            %dma_start3A_47 = tpu.memref_slice %arg11[%run_scoped3A, %dma_start3A, %dma_start3A_46] : memref<2x128x128xf32, #tpu.memory_space<vmem>> -> memref<1x128x128xf32, #tpu.memory_space<vmem>>
            %dma_start3A_48 = tpu.memref_squeeze %dma_start3A_47 : memref<1x128x128xf32, #tpu.memory_space<vmem>> -> memref<128x128xf32, #tpu.memory_space<vmem>>
            %dma_start3A_49 = arith.constant 0 : i32
            %dma_start3A_50 = tpu.memref_slice %arg9[%add3A_43, %dma_start3A_49] : memref<32x128xi32, #tpu.memory_space<vmem>> -> memref<1x128xi32, #tpu.memory_space<vmem>>
            %dma_start3A_51 = tpu.memref_squeeze %dma_start3A_50 : memref<1x128xi32, #tpu.memory_space<vmem>> -> memref<128xi32, #tpu.memory_space<vmem>>
            %dma_start3A_52 = arith.constant 0 : i32
            %dma_start3A_53 = arith.constant 0 : i32
            %dma_start3A_54 = tpu.memref_slice %arg3[%dma_start3A_52, %dma_start3A_53] : memref<10240x128xf32, #tpu.memory_space<hbm>> -> memref<10240x128xf32, #tpu.memory_space<hbm>>
            tpu.enqueue_indirect_dma source(%dma_start3A_54 : memref<10240x128xf32, #tpu.memory_space<hbm>>) target(%dma_start3A_48 : memref<128x128xf32, #tpu.memory_space<vmem>>) offsets(%dma_start3A_51 : memref<128xi32, #tpu.memory_space<vmem>>) semaphore(%run_scoped3A_45 : memref<!tpu.dma_semaphore, #tpu.memory_space<semaphore_mem>>)
            %dma_wait3A = arith.constant 0 : i32
            %dma_wait3A_55 = arith.constant 0 : i32
            %dma_wait3A_56 = tpu.memref_slice %arg11[%run_scoped3A, %dma_wait3A, %dma_wait3A_55] : memref<2x128x128xf32, #tpu.memory_space<vmem>> -> memref<1x128x128xf32, #tpu.memory_space<vmem>>
            %dma_wait3A_57 = tpu.memref_squeeze %dma_wait3A_56 : memref<1x128x128xf32, #tpu.memory_space<vmem>> -> memref<128x128xf32, #tpu.memory_space<vmem>>
            %dma_wait3A_58 = arith.constant 0 : i32
            %dma_wait3A_59 = tpu.memref_slice %arg9[%add3A_43, %dma_wait3A_58] : memref<32x128xi32, #tpu.memory_space<vmem>> -> memref<1x128xi32, #tpu.memory_space<vmem>>
            %dma_wait3A_60 = tpu.memref_squeeze %dma_wait3A_59 : memref<1x128xi32, #tpu.memory_space<vmem>> -> memref<128xi32, #tpu.memory_space<vmem>>
            %dma_wait3A_61 = arith.constant 0 : i32
            %dma_wait3A_62 = arith.constant 0 : i32
            %dma_wait3A_63 = tpu.memref_slice %arg3[%dma_wait3A_61, %dma_wait3A_62] : memref<10240x128xf32, #tpu.memory_space<hbm>> -> memref<10240x128xf32, #tpu.memory_space<hbm>>
            tpu.wait_indirect_dma semaphore(%run_scoped3A_45 : memref<!tpu.dma_semaphore, #tpu.memory_space<semaphore_mem>>) src(%dma_wait3A_63 : memref<10240x128xf32, #tpu.memory_space<hbm>>) dst(%dma_wait3A_57 : memref<128x128xf32, #tpu.memory_space<vmem>>)
            tpu.yield
          }) : () -> ()
          %run_scoped3A_44 = arith.constant 0 : i32
          "tpu.region"() ({
            %run_scoped3A_45 = tpu.sem_alloc : memref<!tpu.dma_semaphore, #tpu.memory_space<semaphore_mem>>
            %dma_start3A = arith.constant 0 : i32
            %dma_start3A_46 = arith.constant 0 : i32
            %dma_start3A_47 = tpu.memref_slice %arg11[%run_scoped3A_44, %dma_start3A, %dma_start3A_46] : memref<2x128x128xf32, #tpu.memory_space<vmem>> -> memref<1x128x128xf32, #tpu.memory_space<vmem>>
            %dma_start3A_48 = tpu.memref_squeeze %dma_start3A_47 : memref<1x128x128xf32, #tpu.memory_space<vmem>> -> memref<128x128xf32, #tpu.memory_space<vmem>>
            %dma_start3A_49 = arith.constant 0 : i32
            %dma_start3A_50 = tpu.memref_slice %arg10[%add3A_43, %dma_start3A_49] : memref<32x128xi32, #tpu.memory_space<vmem>> -> memref<1x128xi32, #tpu.memory_space<vmem>>
            %dma_start3A_51 = tpu.memref_squeeze %dma_start3A_50 : memref<1x128xi32, #tpu.memory_space<vmem>> -> memref<128xi32, #tpu.memory_space<vmem>>
            %dma_start3A_52 = arith.constant 0 : i32
            %dma_start3A_53 = arith.constant 0 : i32
            %dma_start3A_54 = tpu.memref_slice %arg8[%dma_start3A_52, %dma_start3A_53] : memref<10240x128xf32, #tpu.memory_space<vmem_shared>> -> memref<10240x128xf32, #tpu.memory_space<vmem_shared>>
            tpu.enqueue_indirect_dma source(%dma_start3A_48 : memref<128x128xf32, #tpu.memory_space<vmem>>) target(%dma_start3A_54 : memref<10240x128xf32, #tpu.memory_space<vmem_shared>>) offsets(%dma_start3A_51 : memref<128xi32, #tpu.memory_space<vmem>>) semaphore(%run_scoped3A_45 : memref<!tpu.dma_semaphore, #tpu.memory_space<semaphore_mem>>) {add = true}
            %dma_wait3A = arith.constant 0 : i32
            %dma_wait3A_55 = arith.constant 0 : i32
            %dma_wait3A_56 = tpu.memref_slice %arg11[%run_scoped3A_44, %dma_wait3A, %dma_wait3A_55] : memref<2x128x128xf32, #tpu.memory_space<vmem>> -> memref<1x128x128xf32, #tpu.memory_space<vmem>>
            %dma_wait3A_57 = tpu.memref_squeeze %dma_wait3A_56 : memref<1x128x128xf32, #tpu.memory_space<vmem>> -> memref<128x128xf32, #tpu.memory_space<vmem>>
            %dma_wait3A_58 = arith.constant 0 : i32
            %dma_wait3A_59 = tpu.memref_slice %arg10[%add3A_43, %dma_wait3A_58] : memref<32x128xi32, #tpu.memory_space<vmem>> -> memref<1x128xi32, #tpu.memory_space<vmem>>
            %dma_wait3A_60 = tpu.memref_squeeze %dma_wait3A_59 : memref<1x128xi32, #tpu.memory_space<vmem>> -> memref<128xi32, #tpu.memory_space<vmem>>
            %dma_wait3A_61 = arith.constant 0 : i32
            %dma_wait3A_62 = arith.constant 0 : i32
            %dma_wait3A_63 = tpu.memref_slice %arg8[%dma_wait3A_61, %dma_wait3A_62] : memref<10240x128xf32, #tpu.memory_space<vmem_shared>> -> memref<10240x128xf32, #tpu.memory_space<vmem_shared>>
            tpu.wait_indirect_dma semaphore(%run_scoped3A_45 : memref<!tpu.dma_semaphore, #tpu.memory_space<semaphore_mem>>) src(%dma_wait3A_57 : memref<128x128xf32, #tpu.memory_space<vmem>>) dst(%dma_wait3A_63 : memref<10240x128xf32, #tpu.memory_space<vmem_shared>>)
            tpu.yield
          }) : () -> ()
        }
        %scan3A_38 = arith.constant 32 : i32
      }
      %scan3A_20 = arith.constant 5 : i32
      %barrier3A_21 = arith.constant 0 : index
      tpu.barrier barrier_id(%barrier3A_21)
      %mul3A = arith.constant 640 : i32
      %mul3A_22 = arith.muli %arg1, %mul3A : i32
      %mul3A_23 = arith.constant 640 : i32
      %mul3A_24 = arith.muli %arg1, %mul3A_23 : i32
      "tpu.region"() ({
        %run_scoped3A = tpu.sem_alloc : memref<!tpu.dma_semaphore, #tpu.memory_space<semaphore_mem>>
        %dma_start3A = arith.constant 0 : i32
        %dma_start3A_25 = tpu.memref_slice %arg7[%mul3A_24, %dma_start3A] : memref<10240x128xf32, #tpu.memory_space<hbm>> -> memref<640x128xf32, #tpu.memory_space<hbm>>
        %dma_start3A_26 = arith.constant 0 : i32
        %dma_start3A_27 = tpu.memref_slice %arg8[%mul3A_22, %dma_start3A_26] : memref<10240x128xf32, #tpu.memory_space<vmem_shared>> -> memref<640x128xf32, #tpu.memory_space<vmem_shared>>
        tpu.enqueue_dma source(%dma_start3A_27 : memref<640x128xf32, #tpu.memory_space<vmem_shared>>) target(%dma_start3A_25 : memref<640x128xf32, #tpu.memory_space<hbm>>) target_semaphore(%run_scoped3A : memref<!tpu.dma_semaphore, #tpu.memory_space<semaphore_mem>>)
        %dma_wait3A = arith.constant 0 : i32
        %dma_wait3A_28 = tpu.memref_slice %arg7[%mul3A_24, %dma_wait3A] : memref<10240x128xf32, #tpu.memory_space<hbm>> -> memref<640x128xf32, #tpu.memory_space<hbm>>
        %dma_wait3A_29 = arith.constant 0 : i32
        %dma_wait3A_30 = tpu.memref_slice %arg8[%mul3A_22, %dma_wait3A_29] : memref<10240x128xf32, #tpu.memory_space<vmem_shared>> -> memref<640x128xf32, #tpu.memory_space<vmem_shared>>
        tpu.wait_dma2 semaphore(%run_scoped3A : memref<!tpu.dma_semaphore, #tpu.memory_space<semaphore_mem>>) src(%dma_wait3A_30 : memref<640x128xf32, #tpu.memory_space<vmem_shared>>) dst(%dma_wait3A_28 : memref<640x128xf32, #tpu.memory_space<hbm>>)
        tpu.yield
      }) : () -> ()
    } else {
    }
    return
  }
}

#map = affine_map<(d0, d1) -> (0, 0)>
module attributes {stable_mosaic.version = 14 : i64} {
  func.func @k(%arg0: i32, %arg1: i32, %arg2: memref<10240x128xf32, #tpu.memory_space<hbm>>, %arg3: memref<10240x128xf32, #tpu.memory_space<hbm>>, %arg4: memref<2560x128xi32, #tpu.memory_space<hbm>>, %arg5: memref<2560x128xi32, #tpu.memory_space<hbm>>, %arg6: memref<10240x128xf32, #tpu.memory_space<hbm>>, %arg7: memref<10240x128xf32, #tpu.memory_space<hbm>>, %arg8: memref<10240x128xf32, #tpu.memory_space<vmem_shared>>, %arg9: memref<32x128xi32, #tpu.memory_space<vmem>>, %arg10: memref<32x128xi32, #tpu.memory_space<vmem>>, %arg11: memref<2x128x128xf32, #tpu.memory_space<vmem>>, %arg12: memref<!tpu.dma_semaphore, #tpu.memory_space<semaphore_mem>>, %arg13: memref<!tpu.dma_semaphore, #tpu.memory_space<semaphore_mem>>) attributes {dimension_semantics = [#tpu.dimension_semantics<core_parallel>, #tpu.dimension_semantics<subcore_parallel>], iteration_bounds = array<i64: 2, 16>, scalar_prefetch = 0 : i64, scratch_operands = 6 : i64, tpu.core_type = #tpu.core_type<sc_vector_subcore>, window_params = [{transform_indices = #map}, {transform_indices = #map}, {transform_indices = #map}, {transform_indices = #map}, {transform_indices = #map}, {transform_indices = #map}]} {
    %eq3A = arith.constant 0 : i32
    %eq3A_0 = arith.cmpi eq, %arg0, %eq3A : i32
    %convert_element_type3A = arith.extui %eq3A_0 : i1 to i32
    %cond3A = arith.constant 0 : i32
    %cond3A_1 = arith.cmpi ne, %convert_element_type3A, %cond3A : i32
    scf.if %cond3A_1 {
      %scan3A = arith.constant 0 : i32
      %scan3A_7 = arith.constant 128 : i32
      %scan3A_8 = arith.addi %scan3A, %scan3A_7 : i32
      %scan3A_9 = arith.constant 1 : i32
      scf.for %scan3A_25 = %scan3A to %scan3A_8 step %scan3A_9  : i32 {
        %mul3A_26 = arith.constant 1 : i32
        %mul3A_27 = arith.muli %scan3A_25, %mul3A_26 : i32
        %add3A = arith.constant 0 : i32
        %add3A_28 = arith.addi %add3A, %mul3A_27 : i32
        %scan3A_29 = arith.constant 0 : i32
        %scan3A_30 = arith.constant 8 : i32
        %scan3A_31 = arith.addi %scan3A_29, %scan3A_30 : i32
        %scan3A_32 = arith.constant 1 : i32
        scf.for %scan3A_34 = %scan3A_29 to %scan3A_31 step %scan3A_32  : i32 {
          %mul3A_35 = arith.constant 1 : i32
          %mul3A_36 = arith.muli %scan3A_34, %mul3A_35 : i32
          %add3A_37 = arith.constant 0 : i32
          %add3A_38 = arith.addi %add3A_37, %mul3A_36 : i32
          %broadcast_in_dim3A = arith.constant 0.000000e+00 : f32
          %broadcast_in_dim3A_39 = vector.broadcast %broadcast_in_dim3A : f32 to vector<16xf32>
          %mul3A_40 = arith.constant 16 : i32
          %mul3A_41 = arith.muli %add3A_38, %mul3A_40 : i32
          %swap3A = arith.constant 0 : i32
          %swap3A_42 = arith.index_cast %swap3A : i32 to index
          %swap3A_43 = arith.index_cast %add3A_28 : i32 to index
          %swap3A_44 = arith.index_cast %mul3A_41 : i32 to index
          %swap3A_45 = tpu.vector_load %arg11[%swap3A_42, %swap3A_43, %swap3A_44] {strides = array<i32>} : memref<2x128x128xf32, #tpu.memory_space<vmem>>, vector<1x1x16xf32>,
          %swap3A_46 = vector.shape_cast %swap3A_45 : vector<1x1x16xf32> to vector<16xf32>
          %swap3A_47 = vector.shape_cast %broadcast_in_dim3A_39 : vector<16xf32> to vector<1x1x16xf32>
          tpu.vector_store %arg11[%swap3A_42, %swap3A_43, %swap3A_44], %swap3A_47 {strides = array<i32>} : memref<2x128x128xf32, #tpu.memory_space<vmem>>, vector<1x1x16xf32>,
        }
        %scan3A_33 = arith.constant 8 : i32
      }
      %scan3A_10 = arith.constant 128 : i32
      %scan3A_11 = arith.constant 0 : i32
      %scan3A_12 = arith.constant 5 : i32
      %scan3A_13 = arith.addi %scan3A_11, %scan3A_12 : i32
      %scan3A_14 = arith.constant 1 : i32
      scf.for %scan3A_25 = %scan3A_11 to %scan3A_13 step %scan3A_14  : i32 {
        %mul3A_26 = arith.constant 1 : i32
        %mul3A_27 = arith.muli %scan3A_25, %mul3A_26 : i32
        %add3A = arith.constant 0 : i32
        %add3A_28 = arith.addi %add3A, %mul3A_27 : i32
        %mul3A_29 = arith.constant 640 : i32
        %mul3A_30 = arith.muli %arg1, %mul3A_29 : i32
        %mul3A_31 = arith.constant 128 : i32
        %mul3A_32 = arith.muli %add3A_28, %mul3A_31 : i32
        %add3A_33 = arith.addi %mul3A_30, %mul3A_32 : i32
        %run_scoped3A = arith.constant 0 : i32
        "tpu.region"() ({
          %run_scoped3A_34 = tpu.sem_alloc : memref<!tpu.dma_semaphore, #tpu.memory_space<semaphore_mem>>
          %dma_start3A = arith.constant 0 : i32
          %dma_start3A_35 = arith.constant 0 : i32
          %dma_start3A_36 = tpu.memref_slice %arg11[%run_scoped3A, %dma_start3A, %dma_start3A_35] : memref<2x128x128xf32, #tpu.memory_space<vmem>> -> memref<1x128x128xf32, #tpu.memory_space<vmem>>
          %dma_start3A_37 = tpu.memref_squeeze %dma_start3A_36 : memref<1x128x128xf32, #tpu.memory_space<vmem>> -> memref<128x128xf32, #tpu.memory_space<vmem>>
          %dma_start3A_38 = arith.constant 0 : i32
          %dma_start3A_39 = tpu.memref_slice %arg8[%add3A_33, %dma_start3A_38] : memref<10240x128xf32, #tpu.memory_space<vmem_shared>> -> memref<128x128xf32, #tpu.memory_space<vmem_shared>>
          %dma_start3A_40 = arith.constant 0 : i32
          %dma_start3A_41 = tpu.memref_slice %arg8[%add3A_33, %dma_start3A_40] : memref<10240x128xf32, #tpu.memory_space<vmem_shared>> -> memref<128x128xf32, #tpu.memory_space<vmem_shared>>
          %dma_start3A_42 = arith.constant 0 : i32
          %dma_start3A_43 = arith.constant 0 : i32
          %dma_start3A_44 = tpu.memref_slice %arg11[%run_scoped3A, %dma_start3A_42, %dma_start3A_43] : memref<2x128x128xf32, #tpu.memory_space<vmem>> -> memref<1x128x128xf32, #tpu.memory_space<vmem>>
          %dma_start3A_45 = tpu.memref_squeeze %dma_start3A_44 : memref<1x128x128xf32, #tpu.memory_space<vmem>> -> memref<128x128xf32, #tpu.memory_space<vmem>>
          tpu.enqueue_dma source(%dma_start3A_45 : memref<128x128xf32, #tpu.memory_space<vmem>>) target(%dma_start3A_41 : memref<128x128xf32, #tpu.memory_space<vmem_shared>>) target_semaphore(%run_scoped3A_34 : memref<!tpu.dma_semaphore, #tpu.memory_space<semaphore_mem>>)
          %dma_wait3A = arith.constant 0 : i32
          %dma_wait3A_46 = arith.constant 0 : i32
          %dma_wait3A_47 = tpu.memref_slice %arg11[%run_scoped3A, %dma_wait3A, %dma_wait3A_46] : memref<2x128x128xf32, #tpu.memory_space<vmem>> -> memref<1x128x128xf32, #tpu.memory_space<vmem>>
          %dma_wait3A_48 = tpu.memref_squeeze %dma_wait3A_47 : memref<1x128x128xf32, #tpu.memory_space<vmem>> -> memref<128x128xf32, #tpu.memory_space<vmem>>
          %dma_wait3A_49 = arith.constant 0 : i32
          %dma_wait3A_50 = tpu.memref_slice %arg8[%add3A_33, %dma_wait3A_49] : memref<10240x128xf32, #tpu.memory_space<vmem_shared>> -> memref<128x128xf32, #tpu.memory_space<vmem_shared>>
          %dma_wait3A_51 = arith.constant 0 : i32
          %dma_wait3A_52 = tpu.memref_slice %arg8[%add3A_33, %dma_wait3A_51] : memref<10240x128xf32, #tpu.memory_space<vmem_shared>> -> memref<128x128xf32, #tpu.memory_space<vmem_shared>>
          %dma_wait3A_53 = arith.constant 0 : i32
          %dma_wait3A_54 = arith.constant 0 : i32
          %dma_wait3A_55 = tpu.memref_slice %arg11[%run_scoped3A, %dma_wait3A_53, %dma_wait3A_54] : memref<2x128x128xf32, #tpu.memory_space<vmem>> -> memref<1x128x128xf32, #tpu.memory_space<vmem>>
          %dma_wait3A_56 = tpu.memref_squeeze %dma_wait3A_55 : memref<1x128x128xf32, #tpu.memory_space<vmem>> -> memref<128x128xf32, #tpu.memory_space<vmem>>
          tpu.wait_dma2 semaphore(%run_scoped3A_34 : memref<!tpu.dma_semaphore, #tpu.memory_space<semaphore_mem>>) src(%dma_wait3A_56 : memref<128x128xf32, #tpu.memory_space<vmem>>) dst(%dma_wait3A_52 : memref<128x128xf32, #tpu.memory_space<vmem_shared>>)
          tpu.yield
        }) : () -> ()
      }
      %scan3A_15 = arith.constant 5 : i32
      %barrier3A = arith.constant 0 : index
      tpu.barrier barrier_id(%barrier3A)
      %scan3A_16 = arith.constant 0 : i32
      %scan3A_17 = arith.constant 5 : i32
      %scan3A_18 = arith.addi %scan3A_16, %scan3A_17 : i32
      %scan3A_19 = arith.constant 1 : i32
      scf.for %scan3A_25 = %scan3A_16 to %scan3A_18 step %scan3A_19  : i32 {
        %mul3A_26 = arith.constant 1 : i32
        %mul3A_27 = arith.muli %scan3A_25, %mul3A_26 : i32
        %add3A = arith.constant 0 : i32
        %add3A_28 = arith.addi %add3A, %mul3A_27 : i32
        %mul3A_29 = arith.constant 160 : i32
        %mul3A_30 = arith.muli %arg1, %mul3A_29 : i32
        %mul3A_31 = arith.constant 32 : i32
        %mul3A_32 = arith.muli %add3A_28, %mul3A_31 : i32
        %add3A_33 = arith.addi %mul3A_30, %mul3A_32 : i32
        "tpu.region"() ({
          %run_scoped3A = tpu.sem_alloc : memref<!tpu.dma_semaphore, #tpu.memory_space<semaphore_mem>>
          %dma_start3A = arith.constant 0 : i32
          %dma_start3A_39 = tpu.memref_slice %arg4[%add3A_33, %dma_start3A] : memref<2560x128xi32, #tpu.memory_space<hbm>> -> memref<32x128xi32, #tpu.memory_space<hbm>>
          %dma_start3A_40 = arith.constant 0 : i32
          %dma_start3A_41 = tpu.memref_slice %arg4[%add3A_33, %dma_start3A_40] : memref<2560x128xi32, #tpu.memory_space<hbm>> -> memref<32x128xi32, #tpu.memory_space<hbm>>
          tpu.enqueue_dma source(%dma_start3A_41 : memref<32x128xi32, #tpu.memory_space<hbm>>) target(%arg9 : memref<32x128xi32, #tpu.memory_space<vmem>>) target_semaphore(%run_scoped3A : memref<!tpu.dma_semaphore, #tpu.memory_space<semaphore_mem>>)
          %dma_wait3A = arith.constant 0 : i32
          %dma_wait3A_42 = tpu.memref_slice %arg4[%add3A_33, %dma_wait3A] : memref<2560x128xi32, #tpu.memory_space<hbm>> -> memref<32x128xi32, #tpu.memory_space<hbm>>
          %dma_wait3A_43 = arith.constant 0 : i32
          %dma_wait3A_44 = tpu.memref_slice %arg4[%add3A_33, %dma_wait3A_43] : memref<2560x128xi32, #tpu.memory_space<hbm>> -> memref<32x128xi32, #tpu.memory_space<hbm>>
          tpu.wait_dma2 semaphore(%run_scoped3A : memref<!tpu.dma_semaphore, #tpu.memory_space<semaphore_mem>>) src(%dma_wait3A_44 : memref<32x128xi32, #tpu.memory_space<hbm>>) dst(%arg9 : memref<32x128xi32, #tpu.memory_space<vmem>>)
          tpu.yield
        }) : () -> ()
        "tpu.region"() ({
          %run_scoped3A = tpu.sem_alloc : memref<!tpu.dma_semaphore, #tpu.memory_space<semaphore_mem>>
          %dma_start3A = arith.constant 0 : i32
          %dma_start3A_39 = tpu.memref_slice %arg5[%add3A_33, %dma_start3A] : memref<2560x128xi32, #tpu.memory_space<hbm>> -> memref<32x128xi32, #tpu.memory_space<hbm>>
          %dma_start3A_40 = arith.constant 0 : i32
          %dma_start3A_41 = tpu.memref_slice %arg5[%add3A_33, %dma_start3A_40] : memref<2560x128xi32, #tpu.memory_space<hbm>> -> memref<32x128xi32, #tpu.memory_space<hbm>>
          tpu.enqueue_dma source(%dma_start3A_41 : memref<32x128xi32, #tpu.memory_space<hbm>>) target(%arg10 : memref<32x128xi32, #tpu.memory_space<vmem>>) target_semaphore(%run_scoped3A : memref<!tpu.dma_semaphore, #tpu.memory_space<semaphore_mem>>)
          %dma_wait3A = arith.constant 0 : i32
          %dma_wait3A_42 = tpu.memref_slice %arg5[%add3A_33, %dma_wait3A] : memref<2560x128xi32, #tpu.memory_space<hbm>> -> memref<32x128xi32, #tpu.memory_space<hbm>>
          %dma_wait3A_43 = arith.constant 0 : i32
          %dma_wait3A_44 = tpu.memref_slice %arg5[%add3A_33, %dma_wait3A_43] : memref<2560x128xi32, #tpu.memory_space<hbm>> -> memref<32x128xi32, #tpu.memory_space<hbm>>
          tpu.wait_dma2 semaphore(%run_scoped3A : memref<!tpu.dma_semaphore, #tpu.memory_space<semaphore_mem>>) src(%dma_wait3A_44 : memref<32x128xi32, #tpu.memory_space<hbm>>) dst(%arg10 : memref<32x128xi32, #tpu.memory_space<vmem>>)
          tpu.yield
        }) : () -> ()
        %scan3A_34 = arith.constant 0 : i32
        %scan3A_35 = arith.constant 32 : i32
        %scan3A_36 = arith.addi %scan3A_34, %scan3A_35 : i32
        %scan3A_37 = arith.constant 1 : i32
        scf.for %scan3A_39 = %scan3A_34 to %scan3A_36 step %scan3A_37  : i32 {
          %mul3A_40 = arith.constant 1 : i32
          %mul3A_41 = arith.muli %scan3A_39, %mul3A_40 : i32
          %add3A_42 = arith.constant 0 : i32
          %add3A_43 = arith.addi %add3A_42, %mul3A_41 : i32
          %run_scoped3A = arith.constant 0 : i32
          "tpu.region"() ({
            %run_scoped3A_45 = tpu.sem_alloc : memref<!tpu.dma_semaphore, #tpu.memory_space<semaphore_mem>>
            %dma_start3A = arith.constant 0 : i32
            %dma_start3A_46 = arith.constant 0 : i32
            %dma_start3A_47 = tpu.memref_slice %arg11[%run_scoped3A, %dma_start3A, %dma_start3A_46] : memref<2x128x128xf32, #tpu.memory_space<vmem>> -> memref<1x128x128xf32, #tpu.memory_space<vmem>>
            %dma_start3A_48 = tpu.memref_squeeze %dma_start3A_47 : memref<1x128x128xf32, #tpu.memory_space<vmem>> -> memref<128x128xf32, #tpu.memory_space<vmem>>
            %dma_start3A_49 = arith.constant 0 : i32
            %dma_start3A_50 = tpu.memref_slice %arg9[%add3A_43, %dma_start3A_49] : memref<32x128xi32, #tpu.memory_space<vmem>> -> memref<1x128xi32, #tpu.memory_space<vmem>>
            %dma_start3A_51 = tpu.memref_squeeze %dma_start3A_50 : memref<1x128xi32, #tpu.memory_space<vmem>> -> memref<128xi32, #tpu.memory_space<vmem>>
            %dma_start3A_52 = arith.constant 0 : i32
            %dma_start3A_53 = arith.constant 0 : i32
            %dma_start3A_54 = tpu.memref_slice %arg2[%dma_start3A_52, %dma_start3A_53] : memref<10240x128xf32, #tpu.memory_space<hbm>> -> memref<10240x128xf32, #tpu.memory_space<hbm>>
            tpu.enqueue_indirect_dma source(%dma_start3A_54 : memref<10240x128xf32, #tpu.memory_space<hbm>>) target(%dma_start3A_48 : memref<128x128xf32, #tpu.memory_space<vmem>>) offsets(%dma_start3A_51 : memref<128xi32, #tpu.memory_space<vmem>>) semaphore(%run_scoped3A_45 : memref<!tpu.dma_semaphore, #tpu.memory_space<semaphore_mem>>)
            %dma_wait3A = arith.constant 0 : i32
            %dma_wait3A_55 = arith.constant 0 : i32
            %dma_wait3A_56 = tpu.memref_slice %arg11[%run_scoped3A, %dma_wait3A, %dma_wait3A_55] : memref<2x128x128xf32, #tpu.memory_space<vmem>> -> memref<1x128x128xf32, #tpu.memory_space<vmem>>
            %dma_wait3A_57 = tpu.memref_squeeze %dma_wait3A_56 : memref<1x128x128xf32, #tpu.memory_space<vmem>> -> memref<128x128xf32, #tpu.memory_space<vmem>>
            %dma_wait3A_58 = arith.constant 0 : i32
            %dma_wait3A_59 = tpu.memref_slice %arg9[%add3A_43, %dma_wait3A_58] : memref<32x128xi32, #tpu.memory_space<vmem>> -> memref<1x128xi32, #tpu.memory_space<vmem>>
            %dma_wait3A_60 = tpu.memref_squeeze %dma_wait3A_59 : memref<1x128xi32, #tpu.memory_space<vmem>> -> memref<128xi32, #tpu.memory_space<vmem>>
            %dma_wait3A_61 = arith.constant 0 : i32
            %dma_wait3A_62 = arith.constant 0 : i32
            %dma_wait3A_63 = tpu.memref_slice %arg2[%dma_wait3A_61, %dma_wait3A_62] : memref<10240x128xf32, #tpu.memory_space<hbm>> -> memref<10240x128xf32, #tpu.memory_space<hbm>>
            tpu.wait_indirect_dma semaphore(%run_scoped3A_45 : memref<!tpu.dma_semaphore, #tpu.memory_space<semaphore_mem>>) src(%dma_wait3A_63 : memref<10240x128xf32, #tpu.memory_space<hbm>>) dst(%dma_wait3A_57 : memref<128x128xf32, #tpu.memory_space<vmem>>)
            tpu.yield
          }) : () -> ()
          %run_scoped3A_44 = arith.constant 0 : i32
          "tpu.region"() ({
            %run_scoped3A_45 = tpu.sem_alloc : memref<!tpu.dma_semaphore, #tpu.memory_space<semaphore_mem>>
            %dma_start3A = arith.constant 0 : i32
            %dma_start3A_46 = arith.constant 0 : i32
            %dma_start3A_47 = tpu.memref_slice %arg11[%run_scoped3A_44, %dma_start3A, %dma_start3A_46] : memref<2x128x128xf32, #tpu.memory_space<vmem>> -> memref<1x128x128xf32, #tpu.memory_space<vmem>>
            %dma_start3A_48 = tpu.memref_squeeze %dma_start3A_47 : memref<1x128x128xf32, #tpu.memory_space<vmem>> -> memref<128x128xf32, #tpu.memory_space<vmem>>
            %dma_start3A_49 = arith.constant 0 : i32
            %dma_start3A_50 = tpu.memref_slice %arg10[%add3A_43, %dma_start3A_49] : memref<32x128xi32, #tpu.memory_space<vmem>> -> memref<1x128xi32, #tpu.memory_space<vmem>>
            %dma_start3A_51 = tpu.memref_squeeze %dma_start3A_50 : memref<1x128xi32, #tpu.memory_space<vmem>> -> memref<128xi32, #tpu.memory_space<vmem>>
            %dma_start3A_52 = arith.constant 0 : i32
            %dma_start3A_53 = arith.constant 0 : i32
            %dma_start3A_54 = tpu.memref_slice %arg8[%dma_start3A_52, %dma_start3A_53] : memref<10240x128xf32, #tpu.memory_space<vmem_shared>> -> memref<10240x128xf32, #tpu.memory_space<vmem_shared>>
            tpu.enqueue_indirect_dma source(%dma_start3A_48 : memref<128x128xf32, #tpu.memory_space<vmem>>) target(%dma_start3A_54 : memref<10240x128xf32, #tpu.memory_space<vmem_shared>>) offsets(%dma_start3A_51 : memref<128xi32, #tpu.memory_space<vmem>>) semaphore(%run_scoped3A_45 : memref<!tpu.dma_semaphore, #tpu.memory_space<semaphore_mem>>) {add = true}
            %dma_wait3A = arith.constant 0 : i32
            %dma_wait3A_55 = arith.constant 0 : i32
            %dma_wait3A_56 = tpu.memref_slice %arg11[%run_scoped3A_44, %dma_wait3A, %dma_wait3A_55] : memref<2x128x128xf32, #tpu.memory_space<vmem>> -> memref<1x128x128xf32, #tpu.memory_space<vmem>>
            %dma_wait3A_57 = tpu.memref_squeeze %dma_wait3A_56 : memref<1x128x128xf32, #tpu.memory_space<vmem>> -> memref<128x128xf32, #tpu.memory_space<vmem>>
            %dma_wait3A_58 = arith.constant 0 : i32
            %dma_wait3A_59 = tpu.memref_slice %arg10[%add3A_43, %dma_wait3A_58] : memref<32x128xi32, #tpu.memory_space<vmem>> -> memref<1x128xi32, #tpu.memory_space<vmem>>
            %dma_wait3A_60 = tpu.memref_squeeze %dma_wait3A_59 : memref<1x128xi32, #tpu.memory_space<vmem>> -> memref<128xi32, #tpu.memory_space<vmem>>
            %dma_wait3A_61 = arith.constant 0 : i32
            %dma_wait3A_62 = arith.constant 0 : i32
            %dma_wait3A_63 = tpu.memref_slice %arg8[%dma_wait3A_61, %dma_wait3A_62] : memref<10240x128xf32, #tpu.memory_space<vmem_shared>> -> memref<10240x128xf32, #tpu.memory_space<vmem_shared>>
            tpu.wait_indirect_dma semaphore(%run_scoped3A_45 : memref<!tpu.dma_semaphore, #tpu.memory_space<semaphore_mem>>) src(%dma_wait3A_57 : memref<128x128xf32, #tpu.memory_space<vmem>>) dst(%dma_wait3A_63 : memref<10240x128xf32, #tpu.memory_space<vmem_shared>>)
            tpu.yield
          }) : () -> ()
        }
        %scan3A_38 = arith.constant 32 : i32
      }
      %scan3A_20 = arith.constant 5 : i32
      %barrier3A_21 = arith.constant 0 : index
      tpu.barrier barrier_id(%barrier3A_21)
      %mul3A = arith.constant 640 : i32
      %mul3A_22 = arith.muli %arg1, %mul3A : i32
      %mul3A_23 = arith.constant 640 : i32
      %mul3A_24 = arith.muli %arg1, %mul3A_23 : i32
      "tpu.region"() ({
        %run_scoped3A = tpu.sem_alloc : memref<!tpu.dma_semaphore, #tpu.memory_space<semaphore_mem>>
        %dma_start3A = arith.constant 0 : i32
        %dma_start3A_25 = tpu.memref_slice %arg6[%mul3A_24, %dma_start3A] : memref<10240x128xf32, #tpu.memory_space<hbm>> -> memref<640x128xf32, #tpu.memory_space<hbm>>
        %dma_start3A_26 = arith.constant 0 : i32
        %dma_start3A_27 = tpu.memref_slice %arg8[%mul3A_22, %dma_start3A_26] : memref<10240x128xf32, #tpu.memory_space<vmem_shared>> -> memref<640x128xf32, #tpu.memory_space<vmem_shared>>
        tpu.enqueue_dma source(%dma_start3A_27 : memref<640x128xf32, #tpu.memory_space<vmem_shared>>) target(%dma_start3A_25 : memref<640x128xf32, #tpu.memory_space<hbm>>) target_semaphore(%run_scoped3A : memref<!tpu.dma_semaphore, #tpu.memory_space<semaphore_mem>>)
        %dma_wait3A = arith.constant 0 : i32
        %dma_wait3A_28 = tpu.memref_slice %arg6[%mul3A_24, %dma_wait3A] : memref<10240x128xf32, #tpu.memory_space<hbm>> -> memref<640x128xf32, #tpu.memory_space<hbm>>
        %dma_wait3A_29 = arith.constant 0 : i32
        %dma_wait3A_30 = tpu.memref_slice %arg8[%mul3A_22, %dma_wait3A_29] : memref<10240x128xf32, #tpu.memory_space<vmem_shared>> -> memref<640x128xf32, #tpu.memory_space<vmem_shared>>
        tpu.wait_dma2 semaphore(%run_scoped3A : memref<!tpu.dma_semaphore, #tpu.memory_space<semaphore_mem>>) src(%dma_wait3A_30 : memref<640x128xf32, #tpu.memory_space<vmem_shared>>) dst(%dma_wait3A_28 : memref<640x128xf32, #tpu.memory_space<hbm>>)
        tpu.yield
      }) : () -> ()
    } else {
    }
    %eq3A_2 = arith.constant 1 : i32
    %eq3A_3 = arith.cmpi eq, %arg0, %eq3A_2 : i32
    %convert_element_type3A_4 = arith.extui %eq3A_3 : i1 to i32
    %cond3A_5 = arith.constant 0 : i32
    %cond3A_6 = arith.cmpi ne, %convert_element_type3A_4, %cond3A_5 : i32
    scf.if %cond3A_6 {
      %scan3A = arith.constant 0 : i32
      %scan3A_7 = arith.constant 128 : i32
      %scan3A_8 = arith.addi %scan3A, %scan3A_7 : i32
      %scan3A_9 = arith.constant 1 : i32
      scf.for %scan3A_25 = %scan3A to %scan3A_8 step %scan3A_9  : i32 {
        %mul3A_26 = arith.constant 1 : i32
        %mul3A_27 = arith.muli %scan3A_25, %mul3A_26 : i32
        %add3A = arith.constant 0 : i32
        %add3A_28 = arith.addi %add3A, %mul3A_27 : i32
        %scan3A_29 = arith.constant 0 : i32
        %scan3A_30 = arith.constant 8 : i32
        %scan3A_31 = arith.addi %scan3A_29, %scan3A_30 : i32
        %scan3A_32 = arith.constant 1 : i32
        scf.for %scan3A_34 = %scan3A_29 to %scan3A_31 step %scan3A_32  : i32 {
          %mul3A_35 = arith.constant 1 : i32
          %mul3A_36 = arith.muli %scan3A_34, %mul3A_35 : i32
          %add3A_37 = arith.constant 0 : i32
          %add3A_38 = arith.addi %add3A_37, %mul3A_36 : i32
          %broadcast_in_dim3A = arith.constant 0.000000e+00 : f32
          %broadcast_in_dim3A_39 = vector.broadcast %broadcast_in_dim3A : f32 to vector<16xf32>
          %mul3A_40 = arith.constant 16 : i32
          %mul3A_41 = arith.muli %add3A_38, %mul3A_40 : i32
          %swap3A = arith.constant 0 : i32
          %swap3A_42 = arith.index_cast %swap3A : i32 to index
          %swap3A_43 = arith.index_cast %add3A_28 : i32 to index
          %swap3A_44 = arith.index_cast %mul3A_41 : i32 to index
          %swap3A_45 = tpu.vector_load %arg11[%swap3A_42, %swap3A_43, %swap3A_44] {strides = array<i32>} : memref<2x128x128xf32, #tpu.memory_space<vmem>>, vector<1x1x16xf32>,
          %swap3A_46 = vector.shape_cast %swap3A_45 : vector<1x1x16xf32> to vector<16xf32>
          %swap3A_47 = vector.shape_cast %broadcast_in_dim3A_39 : vector<16xf32> to vector<1x1x16xf32>
          tpu.vector_store %arg11[%swap3A_42, %swap3A_43, %swap3A_44], %swap3A_47 {strides = array<i32>} : memref<2x128x128xf32, #tpu.memory_space<vmem>>, vector<1x1x16xf32>,
        }
        %scan3A_33 = arith.constant 8 : i32
      }
      %scan3A_10 = arith.constant 128 : i32
      %scan3A_11 = arith.constant 0 : i32
      %scan3A_12 = arith.constant 5 : i32
      %scan3A_13 = arith.addi %scan3A_11, %scan3A_12 : i32
      %scan3A_14 = arith.constant 1 : i32
      scf.for %scan3A_25 = %scan3A_11 to %scan3A_13 step %scan3A_14  : i32 {
        %mul3A_26 = arith.constant 1 : i32
        %mul3A_27 = arith.muli %scan3A_25, %mul3A_26 : i32
        %add3A = arith.constant 0 : i32
        %add3A_28 = arith.addi %add3A, %mul3A_27 : i32
        %mul3A_29 = arith.constant 640 : i32
        %mul3A_30 = arith.muli %arg1, %mul3A_29 : i32
        %mul3A_31 = arith.constant 128 : i32
        %mul3A_32 = arith.muli %add3A_28, %mul3A_31 : i32
        %add3A_33 = arith.addi %mul3A_30, %mul3A_32 : i32
        %run_scoped3A = arith.constant 0 : i32
        "tpu.region"() ({
          %run_scoped3A_34 = tpu.sem_alloc : memref<!tpu.dma_semaphore, #tpu.memory_space<semaphore_mem>>
          %dma_start3A = arith.constant 0 : i32
          %dma_start3A_35 = arith.constant 0 : i32
          %dma_start3A_36 = tpu.memref_slice %arg11[%run_scoped3A, %dma_start3A, %dma_start3A_35] : memref<2x128x128xf32, #tpu.memory_space<vmem>> -> memref<1x128x128xf32, #tpu.memory_space<vmem>>
          %dma_start3A_37 = tpu.memref_squeeze %dma_start3A_36 : memref<1x128x128xf32, #tpu.memory_space<vmem>> -> memref<128x128xf32, #tpu.memory_space<vmem>>
          %dma_start3A_38 = arith.constant 0 : i32
          %dma_start3A_39 = tpu.memref_slice %arg8[%add3A_33, %dma_start3A_38] : memref<10240x128xf32, #tpu.memory_space<vmem_shared>> -> memref<128x128xf32, #tpu.memory_space<vmem_shared>>
          %dma_start3A_40 = arith.constant 0 : i32
          %dma_start3A_41 = tpu.memref_slice %arg8[%add3A_33, %dma_start3A_40] : memref<10240x128xf32, #tpu.memory_space<vmem_shared>> -> memref<128x128xf32, #tpu.memory_space<vmem_shared>>
          %dma_start3A_42 = arith.constant 0 : i32
          %dma_start3A_43 = arith.constant 0 : i32
          %dma_start3A_44 = tpu.memref_slice %arg11[%run_scoped3A, %dma_start3A_42, %dma_start3A_43] : memref<2x128x128xf32, #tpu.memory_space<vmem>> -> memref<1x128x128xf32, #tpu.memory_space<vmem>>
          %dma_start3A_45 = tpu.memref_squeeze %dma_start3A_44 : memref<1x128x128xf32, #tpu.memory_space<vmem>> -> memref<128x128xf32, #tpu.memory_space<vmem>>
          tpu.enqueue_dma source(%dma_start3A_45 : memref<128x128xf32, #tpu.memory_space<vmem>>) target(%dma_start3A_41 : memref<128x128xf32, #tpu.memory_space<vmem_shared>>) target_semaphore(%run_scoped3A_34 : memref<!tpu.dma_semaphore, #tpu.memory_space<semaphore_mem>>)
          %dma_wait3A = arith.constant 0 : i32
          %dma_wait3A_46 = arith.constant 0 : i32
          %dma_wait3A_47 = tpu.memref_slice %arg11[%run_scoped3A, %dma_wait3A, %dma_wait3A_46] : memref<2x128x128xf32, #tpu.memory_space<vmem>> -> memref<1x128x128xf32, #tpu.memory_space<vmem>>
          %dma_wait3A_48 = tpu.memref_squeeze %dma_wait3A_47 : memref<1x128x128xf32, #tpu.memory_space<vmem>> -> memref<128x128xf32, #tpu.memory_space<vmem>>
          %dma_wait3A_49 = arith.constant 0 : i32
          %dma_wait3A_50 = tpu.memref_slice %arg8[%add3A_33, %dma_wait3A_49] : memref<10240x128xf32, #tpu.memory_space<vmem_shared>> -> memref<128x128xf32, #tpu.memory_space<vmem_shared>>
          %dma_wait3A_51 = arith.constant 0 : i32
          %dma_wait3A_52 = tpu.memref_slice %arg8[%add3A_33, %dma_wait3A_51] : memref<10240x128xf32, #tpu.memory_space<vmem_shared>> -> memref<128x128xf32, #tpu.memory_space<vmem_shared>>
          %dma_wait3A_53 = arith.constant 0 : i32
          %dma_wait3A_54 = arith.constant 0 : i32
          %dma_wait3A_55 = tpu.memref_slice %arg11[%run_scoped3A, %dma_wait3A_53, %dma_wait3A_54] : memref<2x128x128xf32, #tpu.memory_space<vmem>> -> memref<1x128x128xf32, #tpu.memory_space<vmem>>
          %dma_wait3A_56 = tpu.memref_squeeze %dma_wait3A_55 : memref<1x128x128xf32, #tpu.memory_space<vmem>> -> memref<128x128xf32, #tpu.memory_space<vmem>>
          tpu.wait_dma2 semaphore(%run_scoped3A_34 : memref<!tpu.dma_semaphore, #tpu.memory_space<semaphore_mem>>) src(%dma_wait3A_56 : memref<128x128xf32, #tpu.memory_space<vmem>>) dst(%dma_wait3A_52 : memref<128x128xf32, #tpu.memory_space<vmem_shared>>)
          tpu.yield
        }) : () -> ()
      }
      %scan3A_15 = arith.constant 5 : i32
      %barrier3A = arith.constant 0 : index
      tpu.barrier barrier_id(%barrier3A)
      %scan3A_16 = arith.constant 0 : i32
      %scan3A_17 = arith.constant 5 : i32
      %scan3A_18 = arith.addi %scan3A_16, %scan3A_17 : i32
      %scan3A_19 = arith.constant 1 : i32
      scf.for %scan3A_25 = %scan3A_16 to %scan3A_18 step %scan3A_19  : i32 {
        %mul3A_26 = arith.constant 1 : i32
        %mul3A_27 = arith.muli %scan3A_25, %mul3A_26 : i32
        %add3A = arith.constant 0 : i32
        %add3A_28 = arith.addi %add3A, %mul3A_27 : i32
        %mul3A_29 = arith.constant 160 : i32
        %mul3A_30 = arith.muli %arg1, %mul3A_29 : i32
        %mul3A_31 = arith.constant 32 : i32
        %mul3A_32 = arith.muli %add3A_28, %mul3A_31 : i32
        %add3A_33 = arith.addi %mul3A_30, %mul3A_32 : i32
        "tpu.region"() ({
          %run_scoped3A = tpu.sem_alloc : memref<!tpu.dma_semaphore, #tpu.memory_space<semaphore_mem>>
          %dma_start3A = arith.constant 0 : i32
          %dma_start3A_39 = tpu.memref_slice %arg5[%add3A_33, %dma_start3A] : memref<2560x128xi32, #tpu.memory_space<hbm>> -> memref<32x128xi32, #tpu.memory_space<hbm>>
          %dma_start3A_40 = arith.constant 0 : i32
          %dma_start3A_41 = tpu.memref_slice %arg5[%add3A_33, %dma_start3A_40] : memref<2560x128xi32, #tpu.memory_space<hbm>> -> memref<32x128xi32, #tpu.memory_space<hbm>>
          tpu.enqueue_dma source(%dma_start3A_41 : memref<32x128xi32, #tpu.memory_space<hbm>>) target(%arg9 : memref<32x128xi32, #tpu.memory_space<vmem>>) target_semaphore(%run_scoped3A : memref<!tpu.dma_semaphore, #tpu.memory_space<semaphore_mem>>)
          %dma_wait3A = arith.constant 0 : i32
          %dma_wait3A_42 = tpu.memref_slice %arg5[%add3A_33, %dma_wait3A] : memref<2560x128xi32, #tpu.memory_space<hbm>> -> memref<32x128xi32, #tpu.memory_space<hbm>>
          %dma_wait3A_43 = arith.constant 0 : i32
          %dma_wait3A_44 = tpu.memref_slice %arg5[%add3A_33, %dma_wait3A_43] : memref<2560x128xi32, #tpu.memory_space<hbm>> -> memref<32x128xi32, #tpu.memory_space<hbm>>
          tpu.wait_dma2 semaphore(%run_scoped3A : memref<!tpu.dma_semaphore, #tpu.memory_space<semaphore_mem>>) src(%dma_wait3A_44 : memref<32x128xi32, #tpu.memory_space<hbm>>) dst(%arg9 : memref<32x128xi32, #tpu.memory_space<vmem>>)
          tpu.yield
        }) : () -> ()
        "tpu.region"() ({
          %run_scoped3A = tpu.sem_alloc : memref<!tpu.dma_semaphore, #tpu.memory_space<semaphore_mem>>
          %dma_start3A = arith.constant 0 : i32
          %dma_start3A_39 = tpu.memref_slice %arg4[%add3A_33, %dma_start3A] : memref<2560x128xi32, #tpu.memory_space<hbm>> -> memref<32x128xi32, #tpu.memory_space<hbm>>
          %dma_start3A_40 = arith.constant 0 : i32
          %dma_start3A_41 = tpu.memref_slice %arg4[%add3A_33, %dma_start3A_40] : memref<2560x128xi32, #tpu.memory_space<hbm>> -> memref<32x128xi32, #tpu.memory_space<hbm>>
          tpu.enqueue_dma source(%dma_start3A_41 : memref<32x128xi32, #tpu.memory_space<hbm>>) target(%arg10 : memref<32x128xi32, #tpu.memory_space<vmem>>) target_semaphore(%run_scoped3A : memref<!tpu.dma_semaphore, #tpu.memory_space<semaphore_mem>>)
          %dma_wait3A = arith.constant 0 : i32
          %dma_wait3A_42 = tpu.memref_slice %arg4[%add3A_33, %dma_wait3A] : memref<2560x128xi32, #tpu.memory_space<hbm>> -> memref<32x128xi32, #tpu.memory_space<hbm>>
          %dma_wait3A_43 = arith.constant 0 : i32
          %dma_wait3A_44 = tpu.memref_slice %arg4[%add3A_33, %dma_wait3A_43] : memref<2560x128xi32, #tpu.memory_space<hbm>> -> memref<32x128xi32, #tpu.memory_space<hbm>>
          tpu.wait_dma2 semaphore(%run_scoped3A : memref<!tpu.dma_semaphore, #tpu.memory_space<semaphore_mem>>) src(%dma_wait3A_44 : memref<32x128xi32, #tpu.memory_space<hbm>>) dst(%arg10 : memref<32x128xi32, #tpu.memory_space<vmem>>)
          tpu.yield
        }) : () -> ()
        %scan3A_34 = arith.constant 0 : i32
        %scan3A_35 = arith.constant 32 : i32
        %scan3A_36 = arith.addi %scan3A_34, %scan3A_35 : i32
        %scan3A_37 = arith.constant 1 : i32
        scf.for %scan3A_39 = %scan3A_34 to %scan3A_36 step %scan3A_37  : i32 {
          %mul3A_40 = arith.constant 1 : i32
          %mul3A_41 = arith.muli %scan3A_39, %mul3A_40 : i32
          %add3A_42 = arith.constant 0 : i32
          %add3A_43 = arith.addi %add3A_42, %mul3A_41 : i32
          %run_scoped3A = arith.constant 0 : i32
          "tpu.region"() ({
            %run_scoped3A_45 = tpu.sem_alloc : memref<!tpu.dma_semaphore, #tpu.memory_space<semaphore_mem>>
            %dma_start3A = arith.constant 0 : i32
            %dma_start3A_46 = arith.constant 0 : i32
            %dma_start3A_47 = tpu.memref_slice %arg11[%run_scoped3A, %dma_start3A, %dma_start3A_46] : memref<2x128x128xf32, #tpu.memory_space<vmem>> -> memref<1x128x128xf32, #tpu.memory_space<vmem>>
            %dma_start3A_48 = tpu.memref_squeeze %dma_start3A_47 : memref<1x128x128xf32, #tpu.memory_space<vmem>> -> memref<128x128xf32, #tpu.memory_space<vmem>>
            %dma_start3A_49 = arith.constant 0 : i32
            %dma_start3A_50 = tpu.memref_slice %arg9[%add3A_43, %dma_start3A_49] : memref<32x128xi32, #tpu.memory_space<vmem>> -> memref<1x128xi32, #tpu.memory_space<vmem>>
            %dma_start3A_51 = tpu.memref_squeeze %dma_start3A_50 : memref<1x128xi32, #tpu.memory_space<vmem>> -> memref<128xi32, #tpu.memory_space<vmem>>
            %dma_start3A_52 = arith.constant 0 : i32
            %dma_start3A_53 = arith.constant 0 : i32
            %dma_start3A_54 = tpu.memref_slice %arg3[%dma_start3A_52, %dma_start3A_53] : memref<10240x128xf32, #tpu.memory_space<hbm>> -> memref<10240x128xf32, #tpu.memory_space<hbm>>
            tpu.enqueue_indirect_dma source(%dma_start3A_54 : memref<10240x128xf32, #tpu.memory_space<hbm>>) target(%dma_start3A_48 : memref<128x128xf32, #tpu.memory_space<vmem>>) offsets(%dma_start3A_51 : memref<128xi32, #tpu.memory_space<vmem>>) semaphore(%run_scoped3A_45 : memref<!tpu.dma_semaphore, #tpu.memory_space<semaphore_mem>>)
            %dma_wait3A = arith.constant 0 : i32
            %dma_wait3A_55 = arith.constant 0 : i32
            %dma_wait3A_56 = tpu.memref_slice %arg11[%run_scoped3A, %dma_wait3A, %dma_wait3A_55] : memref<2x128x128xf32, #tpu.memory_space<vmem>> -> memref<1x128x128xf32, #tpu.memory_space<vmem>>
            %dma_wait3A_57 = tpu.memref_squeeze %dma_wait3A_56 : memref<1x128x128xf32, #tpu.memory_space<vmem>> -> memref<128x128xf32, #tpu.memory_space<vmem>>
            %dma_wait3A_58 = arith.constant 0 : i32
            %dma_wait3A_59 = tpu.memref_slice %arg9[%add3A_43, %dma_wait3A_58] : memref<32x128xi32, #tpu.memory_space<vmem>> -> memref<1x128xi32, #tpu.memory_space<vmem>>
            %dma_wait3A_60 = tpu.memref_squeeze %dma_wait3A_59 : memref<1x128xi32, #tpu.memory_space<vmem>> -> memref<128xi32, #tpu.memory_space<vmem>>
            %dma_wait3A_61 = arith.constant 0 : i32
            %dma_wait3A_62 = arith.constant 0 : i32
            %dma_wait3A_63 = tpu.memref_slice %arg3[%dma_wait3A_61, %dma_wait3A_62] : memref<10240x128xf32, #tpu.memory_space<hbm>> -> memref<10240x128xf32, #tpu.memory_space<hbm>>
            tpu.wait_indirect_dma semaphore(%run_scoped3A_45 : memref<!tpu.dma_semaphore, #tpu.memory_space<semaphore_mem>>) src(%dma_wait3A_63 : memref<10240x128xf32, #tpu.memory_space<hbm>>) dst(%dma_wait3A_57 : memref<128x128xf32, #tpu.memory_space<vmem>>)
            tpu.yield
          }) : () -> ()
          %run_scoped3A_44 = arith.constant 0 : i32
          "tpu.region"() ({
            %run_scoped3A_45 = tpu.sem_alloc : memref<!tpu.dma_semaphore, #tpu.memory_space<semaphore_mem>>
            %dma_start3A = arith.constant 0 : i32
            %dma_start3A_46 = arith.constant 0 : i32
            %dma_start3A_47 = tpu.memref_slice %arg11[%run_scoped3A_44, %dma_start3A, %dma_start3A_46] : memref<2x128x128xf32, #tpu.memory_space<vmem>> -> memref<1x128x128xf32, #tpu.memory_space<vmem>>
            %dma_start3A_48 = tpu.memref_squeeze %dma_start3A_47 : memref<1x128x128xf32, #tpu.memory_space<vmem>> -> memref<128x128xf32, #tpu.memory_space<vmem>>
            %dma_start3A_49 = arith.constant 0 : i32
            %dma_start3A_50 = tpu.memref_slice %arg10[%add3A_43, %dma_start3A_49] : memref<32x128xi32, #tpu.memory_space<vmem>> -> memref<1x128xi32, #tpu.memory_space<vmem>>
            %dma_start3A_51 = tpu.memref_squeeze %dma_start3A_50 : memref<1x128xi32, #tpu.memory_space<vmem>> -> memref<128xi32, #tpu.memory_space<vmem>>
            %dma_start3A_52 = arith.constant 0 : i32
            %dma_start3A_53 = arith.constant 0 : i32
            %dma_start3A_54 = tpu.memref_slice %arg8[%dma_start3A_52, %dma_start3A_53] : memref<10240x128xf32, #tpu.memory_space<vmem_shared>> -> memref<10240x128xf32, #tpu.memory_space<vmem_shared>>
            tpu.enqueue_indirect_dma source(%dma_start3A_48 : memref<128x128xf32, #tpu.memory_space<vmem>>) target(%dma_start3A_54 : memref<10240x128xf32, #tpu.memory_space<vmem_shared>>) offsets(%dma_start3A_51 : memref<128xi32, #tpu.memory_space<vmem>>) semaphore(%run_scoped3A_45 : memref<!tpu.dma_semaphore, #tpu.memory_space<semaphore_mem>>) {add = true}
            %dma_wait3A = arith.constant 0 : i32
            %dma_wait3A_55 = arith.constant 0 : i32
            %dma_wait3A_56 = tpu.memref_slice %arg11[%run_scoped3A_44, %dma_wait3A, %dma_wait3A_55] : memref<2x128x128xf32, #tpu.memory_space<vmem>> -> memref<1x128x128xf32, #tpu.memory_space<vmem>>
            %dma_wait3A_57 = tpu.memref_squeeze %dma_wait3A_56 : memref<1x128x128xf32, #tpu.memory_space<vmem>> -> memref<128x128xf32, #tpu.memory_space<vmem>>
            %dma_wait3A_58 = arith.constant 0 : i32
            %dma_wait3A_59 = tpu.memref_slice %arg10[%add3A_43, %dma_wait3A_58] : memref<32x128xi32, #tpu.memory_space<vmem>> -> memref<1x128xi32, #tpu.memory_space<vmem>>
            %dma_wait3A_60 = tpu.memref_squeeze %dma_wait3A_59 : memref<1x128xi32, #tpu.memory_space<vmem>> -> memref<128xi32, #tpu.memory_space<vmem>>
            %dma_wait3A_61 = arith.constant 0 : i32
            %dma_wait3A_62 = arith.constant 0 : i32
            %dma_wait3A_63 = tpu.memref_slice %arg8[%dma_wait3A_61, %dma_wait3A_62] : memref<10240x128xf32, #tpu.memory_space<vmem_shared>> -> memref<10240x128xf32, #tpu.memory_space<vmem_shared>>
            tpu.wait_indirect_dma semaphore(%run_scoped3A_45 : memref<!tpu.dma_semaphore, #tpu.memory_space<semaphore_mem>>) src(%dma_wait3A_57 : memref<128x128xf32, #tpu.memory_space<vmem>>) dst(%dma_wait3A_63 : memref<10240x128xf32, #tpu.memory_space<vmem_shared>>)
            tpu.yield
          }) : () -> ()
        }
        %scan3A_38 = arith.constant 32 : i32
      }
      %scan3A_20 = arith.constant 5 : i32
      %barrier3A_21 = arith.constant 0 : index
      tpu.barrier barrier_id(%barrier3A_21)
      %mul3A = arith.constant 640 : i32
      %mul3A_22 = arith.muli %arg1, %mul3A : i32
      %mul3A_23 = arith.constant 640 : i32
      %mul3A_24 = arith.muli %arg1, %mul3A_23 : i32
      "tpu.region"() ({
        %run_scoped3A = tpu.sem_alloc : memref<!tpu.dma_semaphore, #tpu.memory_space<semaphore_mem>>
        %dma_start3A = arith.constant 0 : i32
        %dma_start3A_25 = tpu.memref_slice %arg7[%mul3A_24, %dma_start3A] : memref<10240x128xf32, #tpu.memory_space<hbm>> -> memref<640x128xf32, #tpu.memory_space<hbm>>
        %dma_start3A_26 = arith.constant 0 : i32
        %dma_start3A_27 = tpu.memref_slice %arg8[%mul3A_22, %dma_start3A_26] : memref<10240x128xf32, #tpu.memory_space<vmem_shared>> -> memref<640x128xf32, #tpu.memory_space<vmem_shared>>
        tpu.enqueue_dma source(%dma_start3A_27 : memref<640x128xf32, #tpu.memory_space<vmem_shared>>) target(%dma_start3A_25 : memref<640x128xf32, #tpu.memory_space<hbm>>) target_semaphore(%run_scoped3A : memref<!tpu.dma_semaphore, #tpu.memory_space<semaphore_mem>>)
        %dma_wait3A = arith.constant 0 : i32
        %dma_wait3A_28 = tpu.memref_slice %arg7[%mul3A_24, %dma_wait3A] : memref<10240x128xf32, #tpu.memory_space<hbm>> -> memref<640x128xf32, #tpu.memory_space<hbm>>
        %dma_wait3A_29 = arith.constant 0 : i32
        %dma_wait3A_30 = tpu.memref_slice %arg8[%mul3A_22, %dma_wait3A_29] : memref<10240x128xf32, #tpu.memory_space<vmem_shared>> -> memref<640x128xf32, #tpu.memory_space<vmem_shared>>
        tpu.wait_dma2 semaphore(%run_scoped3A : memref<!tpu.dma_semaphore, #tpu.memory_space<semaphore_mem>>) src(%dma_wait3A_30 : memref<640x128xf32, #tpu.memory_space<vmem_shared>>) dst(%dma_wait3A_28 : memref<640x128xf32, #tpu.memory_space<hbm>>)
        tpu.yield
      }) : () -> ()
    } else {
    }
    return
  }
}

#map = affine_map<(d0, d1) -> (0, 0)>
module attributes {stable_mosaic.version = 14 : i64} {
  func.func @k(%arg0: i32, %arg1: i32, %arg2: memref<10240x128xf32, #tpu.memory_space<hbm>>, %arg3: memref<10240x128xf32, #tpu.memory_space<hbm>>, %arg4: memref<2560x128xi32, #tpu.memory_space<hbm>>, %arg5: memref<2560x128xi32, #tpu.memory_space<hbm>>, %arg6: memref<10240x128xf32, #tpu.memory_space<hbm>>, %arg7: memref<10240x128xf32, #tpu.memory_space<hbm>>, %arg8: memref<10240x128xf32, #tpu.memory_space<vmem_shared>>, %arg9: memref<32x128xi32, #tpu.memory_space<vmem>>, %arg10: memref<32x128xi32, #tpu.memory_space<vmem>>, %arg11: memref<2x128x128xf32, #tpu.memory_space<vmem>>, %arg12: memref<!tpu.dma_semaphore, #tpu.memory_space<semaphore_mem>>, %arg13: memref<!tpu.dma_semaphore, #tpu.memory_space<semaphore_mem>>) attributes {dimension_semantics = [#tpu.dimension_semantics<core_parallel>, #tpu.dimension_semantics<subcore_parallel>], iteration_bounds = array<i64: 2, 16>, scalar_prefetch = 0 : i64, scratch_operands = 6 : i64, tpu.core_type = #tpu.core_type<sc_vector_subcore>, window_params = [{transform_indices = #map}, {transform_indices = #map}, {transform_indices = #map}, {transform_indices = #map}, {transform_indices = #map}, {transform_indices = #map}]} {
    %eq3A = arith.constant 0 : i32
    %eq3A_0 = arith.cmpi eq, %arg0, %eq3A : i32
    %convert_element_type3A = arith.extui %eq3A_0 : i1 to i32
    %cond3A = arith.constant 0 : i32
    %cond3A_1 = arith.cmpi ne, %convert_element_type3A, %cond3A : i32
    scf.if %cond3A_1 {
      %scan3A = arith.constant 0 : i32
      %scan3A_7 = arith.constant 128 : i32
      %scan3A_8 = arith.addi %scan3A, %scan3A_7 : i32
      %scan3A_9 = arith.constant 1 : i32
      scf.for %scan3A_25 = %scan3A to %scan3A_8 step %scan3A_9  : i32 {
        %mul3A_26 = arith.constant 1 : i32
        %mul3A_27 = arith.muli %scan3A_25, %mul3A_26 : i32
        %add3A = arith.constant 0 : i32
        %add3A_28 = arith.addi %add3A, %mul3A_27 : i32
        %scan3A_29 = arith.constant 0 : i32
        %scan3A_30 = arith.constant 8 : i32
        %scan3A_31 = arith.addi %scan3A_29, %scan3A_30 : i32
        %scan3A_32 = arith.constant 1 : i32
        scf.for %scan3A_34 = %scan3A_29 to %scan3A_31 step %scan3A_32  : i32 {
          %mul3A_35 = arith.constant 1 : i32
          %mul3A_36 = arith.muli %scan3A_34, %mul3A_35 : i32
          %add3A_37 = arith.constant 0 : i32
          %add3A_38 = arith.addi %add3A_37, %mul3A_36 : i32
          %broadcast_in_dim3A = arith.constant 0.000000e+00 : f32
          %broadcast_in_dim3A_39 = vector.broadcast %broadcast_in_dim3A : f32 to vector<16xf32>
          %mul3A_40 = arith.constant 16 : i32
          %mul3A_41 = arith.muli %add3A_38, %mul3A_40 : i32
          %swap3A = arith.constant 0 : i32
          %swap3A_42 = arith.index_cast %swap3A : i32 to index
          %swap3A_43 = arith.index_cast %add3A_28 : i32 to index
          %swap3A_44 = arith.index_cast %mul3A_41 : i32 to index
          %swap3A_45 = tpu.vector_load %arg11[%swap3A_42, %swap3A_43, %swap3A_44] {strides = array<i32>} : memref<2x128x128xf32, #tpu.memory_space<vmem>>, vector<1x1x16xf32>,
          %swap3A_46 = vector.shape_cast %swap3A_45 : vector<1x1x16xf32> to vector<16xf32>
          %swap3A_47 = vector.shape_cast %broadcast_in_dim3A_39 : vector<16xf32> to vector<1x1x16xf32>
          tpu.vector_store %arg11[%swap3A_42, %swap3A_43, %swap3A_44], %swap3A_47 {strides = array<i32>} : memref<2x128x128xf32, #tpu.memory_space<vmem>>, vector<1x1x16xf32>,
        }
        %scan3A_33 = arith.constant 8 : i32
      }
      %scan3A_10 = arith.constant 128 : i32
      %scan3A_11 = arith.constant 0 : i32
      %scan3A_12 = arith.constant 5 : i32
      %scan3A_13 = arith.addi %scan3A_11, %scan3A_12 : i32
      %scan3A_14 = arith.constant 1 : i32
      scf.for %scan3A_25 = %scan3A_11 to %scan3A_13 step %scan3A_14  : i32 {
        %mul3A_26 = arith.constant 1 : i32
        %mul3A_27 = arith.muli %scan3A_25, %mul3A_26 : i32
        %add3A = arith.constant 0 : i32
        %add3A_28 = arith.addi %add3A, %mul3A_27 : i32
        %mul3A_29 = arith.constant 640 : i32
        %mul3A_30 = arith.muli %arg1, %mul3A_29 : i32
        %mul3A_31 = arith.constant 128 : i32
        %mul3A_32 = arith.muli %add3A_28, %mul3A_31 : i32
        %add3A_33 = arith.addi %mul3A_30, %mul3A_32 : i32
        %run_scoped3A = arith.constant 0 : i32
        "tpu.region"() ({
          %run_scoped3A_34 = tpu.sem_alloc : memref<!tpu.dma_semaphore, #tpu.memory_space<semaphore_mem>>
          %dma_start3A = arith.constant 0 : i32
          %dma_start3A_35 = arith.constant 0 : i32
          %dma_start3A_36 = tpu.memref_slice %arg11[%run_scoped3A, %dma_start3A, %dma_start3A_35] : memref<2x128x128xf32, #tpu.memory_space<vmem>> -> memref<1x128x128xf32, #tpu.memory_space<vmem>>
          %dma_start3A_37 = tpu.memref_squeeze %dma_start3A_36 : memref<1x128x128xf32, #tpu.memory_space<vmem>> -> memref<128x128xf32, #tpu.memory_space<vmem>>
          %dma_start3A_38 = arith.constant 0 : i32
          %dma_start3A_39 = tpu.memref_slice %arg8[%add3A_33, %dma_start3A_38] : memref<10240x128xf32, #tpu.memory_space<vmem_shared>> -> memref<128x128xf32, #tpu.memory_space<vmem_shared>>
          %dma_start3A_40 = arith.constant 0 : i32
          %dma_start3A_41 = tpu.memref_slice %arg8[%add3A_33, %dma_start3A_40] : memref<10240x128xf32, #tpu.memory_space<vmem_shared>> -> memref<128x128xf32, #tpu.memory_space<vmem_shared>>
          %dma_start3A_42 = arith.constant 0 : i32
          %dma_start3A_43 = arith.constant 0 : i32
          %dma_start3A_44 = tpu.memref_slice %arg11[%run_scoped3A, %dma_start3A_42, %dma_start3A_43] : memref<2x128x128xf32, #tpu.memory_space<vmem>> -> memref<1x128x128xf32, #tpu.memory_space<vmem>>
          %dma_start3A_45 = tpu.memref_squeeze %dma_start3A_44 : memref<1x128x128xf32, #tpu.memory_space<vmem>> -> memref<128x128xf32, #tpu.memory_space<vmem>>
          tpu.enqueue_dma source(%dma_start3A_45 : memref<128x128xf32, #tpu.memory_space<vmem>>) target(%dma_start3A_41 : memref<128x128xf32, #tpu.memory_space<vmem_shared>>) target_semaphore(%run_scoped3A_34 : memref<!tpu.dma_semaphore, #tpu.memory_space<semaphore_mem>>)
          %dma_wait3A = arith.constant 0 : i32
          %dma_wait3A_46 = arith.constant 0 : i32
          %dma_wait3A_47 = tpu.memref_slice %arg11[%run_scoped3A, %dma_wait3A, %dma_wait3A_46] : memref<2x128x128xf32, #tpu.memory_space<vmem>> -> memref<1x128x128xf32, #tpu.memory_space<vmem>>
          %dma_wait3A_48 = tpu.memref_squeeze %dma_wait3A_47 : memref<1x128x128xf32, #tpu.memory_space<vmem>> -> memref<128x128xf32, #tpu.memory_space<vmem>>
          %dma_wait3A_49 = arith.constant 0 : i32
          %dma_wait3A_50 = tpu.memref_slice %arg8[%add3A_33, %dma_wait3A_49] : memref<10240x128xf32, #tpu.memory_space<vmem_shared>> -> memref<128x128xf32, #tpu.memory_space<vmem_shared>>
          %dma_wait3A_51 = arith.constant 0 : i32
          %dma_wait3A_52 = tpu.memref_slice %arg8[%add3A_33, %dma_wait3A_51] : memref<10240x128xf32, #tpu.memory_space<vmem_shared>> -> memref<128x128xf32, #tpu.memory_space<vmem_shared>>
          %dma_wait3A_53 = arith.constant 0 : i32
          %dma_wait3A_54 = arith.constant 0 : i32
          %dma_wait3A_55 = tpu.memref_slice %arg11[%run_scoped3A, %dma_wait3A_53, %dma_wait3A_54] : memref<2x128x128xf32, #tpu.memory_space<vmem>> -> memref<1x128x128xf32, #tpu.memory_space<vmem>>
          %dma_wait3A_56 = tpu.memref_squeeze %dma_wait3A_55 : memref<1x128x128xf32, #tpu.memory_space<vmem>> -> memref<128x128xf32, #tpu.memory_space<vmem>>
          tpu.wait_dma2 semaphore(%run_scoped3A_34 : memref<!tpu.dma_semaphore, #tpu.memory_space<semaphore_mem>>) src(%dma_wait3A_56 : memref<128x128xf32, #tpu.memory_space<vmem>>) dst(%dma_wait3A_52 : memref<128x128xf32, #tpu.memory_space<vmem_shared>>)
          tpu.yield
        }) : () -> ()
      }
      %scan3A_15 = arith.constant 5 : i32
      %barrier3A = arith.constant 0 : index
      tpu.barrier barrier_id(%barrier3A)
      %scan3A_16 = arith.constant 0 : i32
      %scan3A_17 = arith.constant 5 : i32
      %scan3A_18 = arith.addi %scan3A_16, %scan3A_17 : i32
      %scan3A_19 = arith.constant 1 : i32
      scf.for %scan3A_25 = %scan3A_16 to %scan3A_18 step %scan3A_19  : i32 {
        %mul3A_26 = arith.constant 1 : i32
        %mul3A_27 = arith.muli %scan3A_25, %mul3A_26 : i32
        %add3A = arith.constant 0 : i32
        %add3A_28 = arith.addi %add3A, %mul3A_27 : i32
        %mul3A_29 = arith.constant 160 : i32
        %mul3A_30 = arith.muli %arg1, %mul3A_29 : i32
        %mul3A_31 = arith.constant 32 : i32
        %mul3A_32 = arith.muli %add3A_28, %mul3A_31 : i32
        %add3A_33 = arith.addi %mul3A_30, %mul3A_32 : i32
        "tpu.region"() ({
          %run_scoped3A = tpu.sem_alloc : memref<!tpu.dma_semaphore, #tpu.memory_space<semaphore_mem>>
          %dma_start3A = arith.constant 0 : i32
          %dma_start3A_39 = tpu.memref_slice %arg4[%add3A_33, %dma_start3A] : memref<2560x128xi32, #tpu.memory_space<hbm>> -> memref<32x128xi32, #tpu.memory_space<hbm>>
          %dma_start3A_40 = arith.constant 0 : i32
          %dma_start3A_41 = tpu.memref_slice %arg4[%add3A_33, %dma_start3A_40] : memref<2560x128xi32, #tpu.memory_space<hbm>> -> memref<32x128xi32, #tpu.memory_space<hbm>>
          tpu.enqueue_dma source(%dma_start3A_41 : memref<32x128xi32, #tpu.memory_space<hbm>>) target(%arg9 : memref<32x128xi32, #tpu.memory_space<vmem>>) target_semaphore(%run_scoped3A : memref<!tpu.dma_semaphore, #tpu.memory_space<semaphore_mem>>)
          %dma_wait3A = arith.constant 0 : i32
          %dma_wait3A_42 = tpu.memref_slice %arg4[%add3A_33, %dma_wait3A] : memref<2560x128xi32, #tpu.memory_space<hbm>> -> memref<32x128xi32, #tpu.memory_space<hbm>>
          %dma_wait3A_43 = arith.constant 0 : i32
          %dma_wait3A_44 = tpu.memref_slice %arg4[%add3A_33, %dma_wait3A_43] : memref<2560x128xi32, #tpu.memory_space<hbm>> -> memref<32x128xi32, #tpu.memory_space<hbm>>
          tpu.wait_dma2 semaphore(%run_scoped3A : memref<!tpu.dma_semaphore, #tpu.memory_space<semaphore_mem>>) src(%dma_wait3A_44 : memref<32x128xi32, #tpu.memory_space<hbm>>) dst(%arg9 : memref<32x128xi32, #tpu.memory_space<vmem>>)
          tpu.yield
        }) : () -> ()
        "tpu.region"() ({
          %run_scoped3A = tpu.sem_alloc : memref<!tpu.dma_semaphore, #tpu.memory_space<semaphore_mem>>
          %dma_start3A = arith.constant 0 : i32
          %dma_start3A_39 = tpu.memref_slice %arg5[%add3A_33, %dma_start3A] : memref<2560x128xi32, #tpu.memory_space<hbm>> -> memref<32x128xi32, #tpu.memory_space<hbm>>
          %dma_start3A_40 = arith.constant 0 : i32
          %dma_start3A_41 = tpu.memref_slice %arg5[%add3A_33, %dma_start3A_40] : memref<2560x128xi32, #tpu.memory_space<hbm>> -> memref<32x128xi32, #tpu.memory_space<hbm>>
          tpu.enqueue_dma source(%dma_start3A_41 : memref<32x128xi32, #tpu.memory_space<hbm>>) target(%arg10 : memref<32x128xi32, #tpu.memory_space<vmem>>) target_semaphore(%run_scoped3A : memref<!tpu.dma_semaphore, #tpu.memory_space<semaphore_mem>>)
          %dma_wait3A = arith.constant 0 : i32
          %dma_wait3A_42 = tpu.memref_slice %arg5[%add3A_33, %dma_wait3A] : memref<2560x128xi32, #tpu.memory_space<hbm>> -> memref<32x128xi32, #tpu.memory_space<hbm>>
          %dma_wait3A_43 = arith.constant 0 : i32
          %dma_wait3A_44 = tpu.memref_slice %arg5[%add3A_33, %dma_wait3A_43] : memref<2560x128xi32, #tpu.memory_space<hbm>> -> memref<32x128xi32, #tpu.memory_space<hbm>>
          tpu.wait_dma2 semaphore(%run_scoped3A : memref<!tpu.dma_semaphore, #tpu.memory_space<semaphore_mem>>) src(%dma_wait3A_44 : memref<32x128xi32, #tpu.memory_space<hbm>>) dst(%arg10 : memref<32x128xi32, #tpu.memory_space<vmem>>)
          tpu.yield
        }) : () -> ()
        %scan3A_34 = arith.constant 0 : i32
        %scan3A_35 = arith.constant 32 : i32
        %scan3A_36 = arith.addi %scan3A_34, %scan3A_35 : i32
        %scan3A_37 = arith.constant 1 : i32
        scf.for %scan3A_39 = %scan3A_34 to %scan3A_36 step %scan3A_37  : i32 {
          %mul3A_40 = arith.constant 1 : i32
          %mul3A_41 = arith.muli %scan3A_39, %mul3A_40 : i32
          %add3A_42 = arith.constant 0 : i32
          %add3A_43 = arith.addi %add3A_42, %mul3A_41 : i32
          %run_scoped3A = arith.constant 0 : i32
          "tpu.region"() ({
            %run_scoped3A_45 = tpu.sem_alloc : memref<!tpu.dma_semaphore, #tpu.memory_space<semaphore_mem>>
            %dma_start3A = arith.constant 0 : i32
            %dma_start3A_46 = arith.constant 0 : i32
            %dma_start3A_47 = tpu.memref_slice %arg11[%run_scoped3A, %dma_start3A, %dma_start3A_46] : memref<2x128x128xf32, #tpu.memory_space<vmem>> -> memref<1x128x128xf32, #tpu.memory_space<vmem>>
            %dma_start3A_48 = tpu.memref_squeeze %dma_start3A_47 : memref<1x128x128xf32, #tpu.memory_space<vmem>> -> memref<128x128xf32, #tpu.memory_space<vmem>>
            %dma_start3A_49 = arith.constant 0 : i32
            %dma_start3A_50 = tpu.memref_slice %arg9[%add3A_43, %dma_start3A_49] : memref<32x128xi32, #tpu.memory_space<vmem>> -> memref<1x128xi32, #tpu.memory_space<vmem>>
            %dma_start3A_51 = tpu.memref_squeeze %dma_start3A_50 : memref<1x128xi32, #tpu.memory_space<vmem>> -> memref<128xi32, #tpu.memory_space<vmem>>
            %dma_start3A_52 = arith.constant 0 : i32
            %dma_start3A_53 = arith.constant 0 : i32
            %dma_start3A_54 = tpu.memref_slice %arg2[%dma_start3A_52, %dma_start3A_53] : memref<10240x128xf32, #tpu.memory_space<hbm>> -> memref<10240x128xf32, #tpu.memory_space<hbm>>
            tpu.enqueue_indirect_dma source(%dma_start3A_54 : memref<10240x128xf32, #tpu.memory_space<hbm>>) target(%dma_start3A_48 : memref<128x128xf32, #tpu.memory_space<vmem>>) offsets(%dma_start3A_51 : memref<128xi32, #tpu.memory_space<vmem>>) semaphore(%run_scoped3A_45 : memref<!tpu.dma_semaphore, #tpu.memory_space<semaphore_mem>>)
            %dma_wait3A = arith.constant 0 : i32
            %dma_wait3A_55 = arith.constant 0 : i32
            %dma_wait3A_56 = tpu.memref_slice %arg11[%run_scoped3A, %dma_wait3A, %dma_wait3A_55] : memref<2x128x128xf32, #tpu.memory_space<vmem>> -> memref<1x128x128xf32, #tpu.memory_space<vmem>>
            %dma_wait3A_57 = tpu.memref_squeeze %dma_wait3A_56 : memref<1x128x128xf32, #tpu.memory_space<vmem>> -> memref<128x128xf32, #tpu.memory_space<vmem>>
            %dma_wait3A_58 = arith.constant 0 : i32
            %dma_wait3A_59 = tpu.memref_slice %arg9[%add3A_43, %dma_wait3A_58] : memref<32x128xi32, #tpu.memory_space<vmem>> -> memref<1x128xi32, #tpu.memory_space<vmem>>
            %dma_wait3A_60 = tpu.memref_squeeze %dma_wait3A_59 : memref<1x128xi32, #tpu.memory_space<vmem>> -> memref<128xi32, #tpu.memory_space<vmem>>
            %dma_wait3A_61 = arith.constant 0 : i32
            %dma_wait3A_62 = arith.constant 0 : i32
            %dma_wait3A_63 = tpu.memref_slice %arg2[%dma_wait3A_61, %dma_wait3A_62] : memref<10240x128xf32, #tpu.memory_space<hbm>> -> memref<10240x128xf32, #tpu.memory_space<hbm>>
            tpu.wait_indirect_dma semaphore(%run_scoped3A_45 : memref<!tpu.dma_semaphore, #tpu.memory_space<semaphore_mem>>) src(%dma_wait3A_63 : memref<10240x128xf32, #tpu.memory_space<hbm>>) dst(%dma_wait3A_57 : memref<128x128xf32, #tpu.memory_space<vmem>>)
            tpu.yield
          }) : () -> ()
          %run_scoped3A_44 = arith.constant 0 : i32
          "tpu.region"() ({
            %run_scoped3A_45 = tpu.sem_alloc : memref<!tpu.dma_semaphore, #tpu.memory_space<semaphore_mem>>
            %dma_start3A = arith.constant 0 : i32
            %dma_start3A_46 = arith.constant 0 : i32
            %dma_start3A_47 = tpu.memref_slice %arg11[%run_scoped3A_44, %dma_start3A, %dma_start3A_46] : memref<2x128x128xf32, #tpu.memory_space<vmem>> -> memref<1x128x128xf32, #tpu.memory_space<vmem>>
            %dma_start3A_48 = tpu.memref_squeeze %dma_start3A_47 : memref<1x128x128xf32, #tpu.memory_space<vmem>> -> memref<128x128xf32, #tpu.memory_space<vmem>>
            %dma_start3A_49 = arith.constant 0 : i32
            %dma_start3A_50 = tpu.memref_slice %arg10[%add3A_43, %dma_start3A_49] : memref<32x128xi32, #tpu.memory_space<vmem>> -> memref<1x128xi32, #tpu.memory_space<vmem>>
            %dma_start3A_51 = tpu.memref_squeeze %dma_start3A_50 : memref<1x128xi32, #tpu.memory_space<vmem>> -> memref<128xi32, #tpu.memory_space<vmem>>
            %dma_start3A_52 = arith.constant 0 : i32
            %dma_start3A_53 = arith.constant 0 : i32
            %dma_start3A_54 = tpu.memref_slice %arg8[%dma_start3A_52, %dma_start3A_53] : memref<10240x128xf32, #tpu.memory_space<vmem_shared>> -> memref<10240x128xf32, #tpu.memory_space<vmem_shared>>
            tpu.enqueue_indirect_dma source(%dma_start3A_48 : memref<128x128xf32, #tpu.memory_space<vmem>>) target(%dma_start3A_54 : memref<10240x128xf32, #tpu.memory_space<vmem_shared>>) offsets(%dma_start3A_51 : memref<128xi32, #tpu.memory_space<vmem>>) semaphore(%run_scoped3A_45 : memref<!tpu.dma_semaphore, #tpu.memory_space<semaphore_mem>>) {add = true}
            %dma_wait3A = arith.constant 0 : i32
            %dma_wait3A_55 = arith.constant 0 : i32
            %dma_wait3A_56 = tpu.memref_slice %arg11[%run_scoped3A_44, %dma_wait3A, %dma_wait3A_55] : memref<2x128x128xf32, #tpu.memory_space<vmem>> -> memref<1x128x128xf32, #tpu.memory_space<vmem>>
            %dma_wait3A_57 = tpu.memref_squeeze %dma_wait3A_56 : memref<1x128x128xf32, #tpu.memory_space<vmem>> -> memref<128x128xf32, #tpu.memory_space<vmem>>
            %dma_wait3A_58 = arith.constant 0 : i32
            %dma_wait3A_59 = tpu.memref_slice %arg10[%add3A_43, %dma_wait3A_58] : memref<32x128xi32, #tpu.memory_space<vmem>> -> memref<1x128xi32, #tpu.memory_space<vmem>>
            %dma_wait3A_60 = tpu.memref_squeeze %dma_wait3A_59 : memref<1x128xi32, #tpu.memory_space<vmem>> -> memref<128xi32, #tpu.memory_space<vmem>>
            %dma_wait3A_61 = arith.constant 0 : i32
            %dma_wait3A_62 = arith.constant 0 : i32
            %dma_wait3A_63 = tpu.memref_slice %arg8[%dma_wait3A_61, %dma_wait3A_62] : memref<10240x128xf32, #tpu.memory_space<vmem_shared>> -> memref<10240x128xf32, #tpu.memory_space<vmem_shared>>
            tpu.wait_indirect_dma semaphore(%run_scoped3A_45 : memref<!tpu.dma_semaphore, #tpu.memory_space<semaphore_mem>>) src(%dma_wait3A_57 : memref<128x128xf32, #tpu.memory_space<vmem>>) dst(%dma_wait3A_63 : memref<10240x128xf32, #tpu.memory_space<vmem_shared>>)
            tpu.yield
          }) : () -> ()
        }
        %scan3A_38 = arith.constant 32 : i32
      }
      %scan3A_20 = arith.constant 5 : i32
      %barrier3A_21 = arith.constant 0 : index
      tpu.barrier barrier_id(%barrier3A_21)
      %mul3A = arith.constant 640 : i32
      %mul3A_22 = arith.muli %arg1, %mul3A : i32
      %mul3A_23 = arith.constant 640 : i32
      %mul3A_24 = arith.muli %arg1, %mul3A_23 : i32
      "tpu.region"() ({
        %run_scoped3A = tpu.sem_alloc : memref<!tpu.dma_semaphore, #tpu.memory_space<semaphore_mem>>
        %dma_start3A = arith.constant 0 : i32
        %dma_start3A_25 = tpu.memref_slice %arg6[%mul3A_24, %dma_start3A] : memref<10240x128xf32, #tpu.memory_space<hbm>> -> memref<640x128xf32, #tpu.memory_space<hbm>>
        %dma_start3A_26 = arith.constant 0 : i32
        %dma_start3A_27 = tpu.memref_slice %arg8[%mul3A_22, %dma_start3A_26] : memref<10240x128xf32, #tpu.memory_space<vmem_shared>> -> memref<640x128xf32, #tpu.memory_space<vmem_shared>>
        tpu.enqueue_dma source(%dma_start3A_27 : memref<640x128xf32, #tpu.memory_space<vmem_shared>>) target(%dma_start3A_25 : memref<640x128xf32, #tpu.memory_space<hbm>>) target_semaphore(%run_scoped3A : memref<!tpu.dma_semaphore, #tpu.memory_space<semaphore_mem>>)
        %dma_wait3A = arith.constant 0 : i32
        %dma_wait3A_28 = tpu.memref_slice %arg6[%mul3A_24, %dma_wait3A] : memref<10240x128xf32, #tpu.memory_space<hbm>> -> memref<640x128xf32, #tpu.memory_space<hbm>>
        %dma_wait3A_29 = arith.constant 0 : i32
        %dma_wait3A_30 = tpu.memref_slice %arg8[%mul3A_22, %dma_wait3A_29] : memref<10240x128xf32, #tpu.memory_space<vmem_shared>> -> memref<640x128xf32, #tpu.memory_space<vmem_shared>>
        tpu.wait_dma2 semaphore(%run_scoped3A : memref<!tpu.dma_semaphore, #tpu.memory_space<semaphore_mem>>) src(%dma_wait3A_30 : memref<640x128xf32, #tpu.memory_space<vmem_shared>>) dst(%dma_wait3A_28 : memref<640x128xf32, #tpu.memory_space<hbm>>)
        tpu.yield
      }) : () -> ()
    } else {
    }
    %eq3A_2 = arith.constant 1 : i32
    %eq3A_3 = arith.cmpi eq, %arg0, %eq3A_2 : i32
    %convert_element_type3A_4 = arith.extui %eq3A_3 : i1 to i32
    %cond3A_5 = arith.constant 0 : i32
    %cond3A_6 = arith.cmpi ne, %convert_element_type3A_4, %cond3A_5 : i32
    scf.if %cond3A_6 {
      %scan3A = arith.constant 0 : i32
      %scan3A_7 = arith.constant 128 : i32
      %scan3A_8 = arith.addi %scan3A, %scan3A_7 : i32
      %scan3A_9 = arith.constant 1 : i32
      scf.for %scan3A_25 = %scan3A to %scan3A_8 step %scan3A_9  : i32 {
        %mul3A_26 = arith.constant 1 : i32
        %mul3A_27 = arith.muli %scan3A_25, %mul3A_26 : i32
        %add3A = arith.constant 0 : i32
        %add3A_28 = arith.addi %add3A, %mul3A_27 : i32
        %scan3A_29 = arith.constant 0 : i32
        %scan3A_30 = arith.constant 8 : i32
        %scan3A_31 = arith.addi %scan3A_29, %scan3A_30 : i32
        %scan3A_32 = arith.constant 1 : i32
        scf.for %scan3A_34 = %scan3A_29 to %scan3A_31 step %scan3A_32  : i32 {
          %mul3A_35 = arith.constant 1 : i32
          %mul3A_36 = arith.muli %scan3A_34, %mul3A_35 : i32
          %add3A_37 = arith.constant 0 : i32
          %add3A_38 = arith.addi %add3A_37, %mul3A_36 : i32
          %broadcast_in_dim3A = arith.constant 0.000000e+00 : f32
          %broadcast_in_dim3A_39 = vector.broadcast %broadcast_in_dim3A : f32 to vector<16xf32>
          %mul3A_40 = arith.constant 16 : i32
          %mul3A_41 = arith.muli %add3A_38, %mul3A_40 : i32
          %swap3A = arith.constant 0 : i32
          %swap3A_42 = arith.index_cast %swap3A : i32 to index
          %swap3A_43 = arith.index_cast %add3A_28 : i32 to index
          %swap3A_44 = arith.index_cast %mul3A_41 : i32 to index
          %swap3A_45 = tpu.vector_load %arg11[%swap3A_42, %swap3A_43, %swap3A_44] {strides = array<i32>} : memref<2x128x128xf32, #tpu.memory_space<vmem>>, vector<1x1x16xf32>,
          %swap3A_46 = vector.shape_cast %swap3A_45 : vector<1x1x16xf32> to vector<16xf32>
          %swap3A_47 = vector.shape_cast %broadcast_in_dim3A_39 : vector<16xf32> to vector<1x1x16xf32>
          tpu.vector_store %arg11[%swap3A_42, %swap3A_43, %swap3A_44], %swap3A_47 {strides = array<i32>} : memref<2x128x128xf32, #tpu.memory_space<vmem>>, vector<1x1x16xf32>,
        }
        %scan3A_33 = arith.constant 8 : i32
      }
      %scan3A_10 = arith.constant 128 : i32
      %scan3A_11 = arith.constant 0 : i32
      %scan3A_12 = arith.constant 5 : i32
      %scan3A_13 = arith.addi %scan3A_11, %scan3A_12 : i32
      %scan3A_14 = arith.constant 1 : i32
      scf.for %scan3A_25 = %scan3A_11 to %scan3A_13 step %scan3A_14  : i32 {
        %mul3A_26 = arith.constant 1 : i32
        %mul3A_27 = arith.muli %scan3A_25, %mul3A_26 : i32
        %add3A = arith.constant 0 : i32
        %add3A_28 = arith.addi %add3A, %mul3A_27 : i32
        %mul3A_29 = arith.constant 640 : i32
        %mul3A_30 = arith.muli %arg1, %mul3A_29 : i32
        %mul3A_31 = arith.constant 128 : i32
        %mul3A_32 = arith.muli %add3A_28, %mul3A_31 : i32
        %add3A_33 = arith.addi %mul3A_30, %mul3A_32 : i32
        %run_scoped3A = arith.constant 0 : i32
        "tpu.region"() ({
          %run_scoped3A_34 = tpu.sem_alloc : memref<!tpu.dma_semaphore, #tpu.memory_space<semaphore_mem>>
          %dma_start3A = arith.constant 0 : i32
          %dma_start3A_35 = arith.constant 0 : i32
          %dma_start3A_36 = tpu.memref_slice %arg11[%run_scoped3A, %dma_start3A, %dma_start3A_35] : memref<2x128x128xf32, #tpu.memory_space<vmem>> -> memref<1x128x128xf32, #tpu.memory_space<vmem>>
          %dma_start3A_37 = tpu.memref_squeeze %dma_start3A_36 : memref<1x128x128xf32, #tpu.memory_space<vmem>> -> memref<128x128xf32, #tpu.memory_space<vmem>>
          %dma_start3A_38 = arith.constant 0 : i32
          %dma_start3A_39 = tpu.memref_slice %arg8[%add3A_33, %dma_start3A_38] : memref<10240x128xf32, #tpu.memory_space<vmem_shared>> -> memref<128x128xf32, #tpu.memory_space<vmem_shared>>
          %dma_start3A_40 = arith.constant 0 : i32
          %dma_start3A_41 = tpu.memref_slice %arg8[%add3A_33, %dma_start3A_40] : memref<10240x128xf32, #tpu.memory_space<vmem_shared>> -> memref<128x128xf32, #tpu.memory_space<vmem_shared>>
          %dma_start3A_42 = arith.constant 0 : i32
          %dma_start3A_43 = arith.constant 0 : i32
          %dma_start3A_44 = tpu.memref_slice %arg11[%run_scoped3A, %dma_start3A_42, %dma_start3A_43] : memref<2x128x128xf32, #tpu.memory_space<vmem>> -> memref<1x128x128xf32, #tpu.memory_space<vmem>>
          %dma_start3A_45 = tpu.memref_squeeze %dma_start3A_44 : memref<1x128x128xf32, #tpu.memory_space<vmem>> -> memref<128x128xf32, #tpu.memory_space<vmem>>
          tpu.enqueue_dma source(%dma_start3A_45 : memref<128x128xf32, #tpu.memory_space<vmem>>) target(%dma_start3A_41 : memref<128x128xf32, #tpu.memory_space<vmem_shared>>) target_semaphore(%run_scoped3A_34 : memref<!tpu.dma_semaphore, #tpu.memory_space<semaphore_mem>>)
          %dma_wait3A = arith.constant 0 : i32
          %dma_wait3A_46 = arith.constant 0 : i32
          %dma_wait3A_47 = tpu.memref_slice %arg11[%run_scoped3A, %dma_wait3A, %dma_wait3A_46] : memref<2x128x128xf32, #tpu.memory_space<vmem>> -> memref<1x128x128xf32, #tpu.memory_space<vmem>>
          %dma_wait3A_48 = tpu.memref_squeeze %dma_wait3A_47 : memref<1x128x128xf32, #tpu.memory_space<vmem>> -> memref<128x128xf32, #tpu.memory_space<vmem>>
          %dma_wait3A_49 = arith.constant 0 : i32
          %dma_wait3A_50 = tpu.memref_slice %arg8[%add3A_33, %dma_wait3A_49] : memref<10240x128xf32, #tpu.memory_space<vmem_shared>> -> memref<128x128xf32, #tpu.memory_space<vmem_shared>>
          %dma_wait3A_51 = arith.constant 0 : i32
          %dma_wait3A_52 = tpu.memref_slice %arg8[%add3A_33, %dma_wait3A_51] : memref<10240x128xf32, #tpu.memory_space<vmem_shared>> -> memref<128x128xf32, #tpu.memory_space<vmem_shared>>
          %dma_wait3A_53 = arith.constant 0 : i32
          %dma_wait3A_54 = arith.constant 0 : i32
          %dma_wait3A_55 = tpu.memref_slice %arg11[%run_scoped3A, %dma_wait3A_53, %dma_wait3A_54] : memref<2x128x128xf32, #tpu.memory_space<vmem>> -> memref<1x128x128xf32, #tpu.memory_space<vmem>>
          %dma_wait3A_56 = tpu.memref_squeeze %dma_wait3A_55 : memref<1x128x128xf32, #tpu.memory_space<vmem>> -> memref<128x128xf32, #tpu.memory_space<vmem>>
          tpu.wait_dma2 semaphore(%run_scoped3A_34 : memref<!tpu.dma_semaphore, #tpu.memory_space<semaphore_mem>>) src(%dma_wait3A_56 : memref<128x128xf32, #tpu.memory_space<vmem>>) dst(%dma_wait3A_52 : memref<128x128xf32, #tpu.memory_space<vmem_shared>>)
          tpu.yield
        }) : () -> ()
      }
      %scan3A_15 = arith.constant 5 : i32
      %barrier3A = arith.constant 0 : index
      tpu.barrier barrier_id(%barrier3A)
      %scan3A_16 = arith.constant 0 : i32
      %scan3A_17 = arith.constant 5 : i32
      %scan3A_18 = arith.addi %scan3A_16, %scan3A_17 : i32
      %scan3A_19 = arith.constant 1 : i32
      scf.for %scan3A_25 = %scan3A_16 to %scan3A_18 step %scan3A_19  : i32 {
        %mul3A_26 = arith.constant 1 : i32
        %mul3A_27 = arith.muli %scan3A_25, %mul3A_26 : i32
        %add3A = arith.constant 0 : i32
        %add3A_28 = arith.addi %add3A, %mul3A_27 : i32
        %mul3A_29 = arith.constant 160 : i32
        %mul3A_30 = arith.muli %arg1, %mul3A_29 : i32
        %mul3A_31 = arith.constant 32 : i32
        %mul3A_32 = arith.muli %add3A_28, %mul3A_31 : i32
        %add3A_33 = arith.addi %mul3A_30, %mul3A_32 : i32
        "tpu.region"() ({
          %run_scoped3A = tpu.sem_alloc : memref<!tpu.dma_semaphore, #tpu.memory_space<semaphore_mem>>
          %dma_start3A = arith.constant 0 : i32
          %dma_start3A_39 = tpu.memref_slice %arg5[%add3A_33, %dma_start3A] : memref<2560x128xi32, #tpu.memory_space<hbm>> -> memref<32x128xi32, #tpu.memory_space<hbm>>
          %dma_start3A_40 = arith.constant 0 : i32
          %dma_start3A_41 = tpu.memref_slice %arg5[%add3A_33, %dma_start3A_40] : memref<2560x128xi32, #tpu.memory_space<hbm>> -> memref<32x128xi32, #tpu.memory_space<hbm>>
          tpu.enqueue_dma source(%dma_start3A_41 : memref<32x128xi32, #tpu.memory_space<hbm>>) target(%arg9 : memref<32x128xi32, #tpu.memory_space<vmem>>) target_semaphore(%run_scoped3A : memref<!tpu.dma_semaphore, #tpu.memory_space<semaphore_mem>>)
          %dma_wait3A = arith.constant 0 : i32
          %dma_wait3A_42 = tpu.memref_slice %arg5[%add3A_33, %dma_wait3A] : memref<2560x128xi32, #tpu.memory_space<hbm>> -> memref<32x128xi32, #tpu.memory_space<hbm>>
          %dma_wait3A_43 = arith.constant 0 : i32
          %dma_wait3A_44 = tpu.memref_slice %arg5[%add3A_33, %dma_wait3A_43] : memref<2560x128xi32, #tpu.memory_space<hbm>> -> memref<32x128xi32, #tpu.memory_space<hbm>>
          tpu.wait_dma2 semaphore(%run_scoped3A : memref<!tpu.dma_semaphore, #tpu.memory_space<semaphore_mem>>) src(%dma_wait3A_44 : memref<32x128xi32, #tpu.memory_space<hbm>>) dst(%arg9 : memref<32x128xi32, #tpu.memory_space<vmem>>)
          tpu.yield
        }) : () -> ()
        "tpu.region"() ({
          %run_scoped3A = tpu.sem_alloc : memref<!tpu.dma_semaphore, #tpu.memory_space<semaphore_mem>>
          %dma_start3A = arith.constant 0 : i32
          %dma_start3A_39 = tpu.memref_slice %arg4[%add3A_33, %dma_start3A] : memref<2560x128xi32, #tpu.memory_space<hbm>> -> memref<32x128xi32, #tpu.memory_space<hbm>>
          %dma_start3A_40 = arith.constant 0 : i32
          %dma_start3A_41 = tpu.memref_slice %arg4[%add3A_33, %dma_start3A_40] : memref<2560x128xi32, #tpu.memory_space<hbm>> -> memref<32x128xi32, #tpu.memory_space<hbm>>
          tpu.enqueue_dma source(%dma_start3A_41 : memref<32x128xi32, #tpu.memory_space<hbm>>) target(%arg10 : memref<32x128xi32, #tpu.memory_space<vmem>>) target_semaphore(%run_scoped3A : memref<!tpu.dma_semaphore, #tpu.memory_space<semaphore_mem>>)
          %dma_wait3A = arith.constant 0 : i32
          %dma_wait3A_42 = tpu.memref_slice %arg4[%add3A_33, %dma_wait3A] : memref<2560x128xi32, #tpu.memory_space<hbm>> -> memref<32x128xi32, #tpu.memory_space<hbm>>
          %dma_wait3A_43 = arith.constant 0 : i32
          %dma_wait3A_44 = tpu.memref_slice %arg4[%add3A_33, %dma_wait3A_43] : memref<2560x128xi32, #tpu.memory_space<hbm>> -> memref<32x128xi32, #tpu.memory_space<hbm>>
          tpu.wait_dma2 semaphore(%run_scoped3A : memref<!tpu.dma_semaphore, #tpu.memory_space<semaphore_mem>>) src(%dma_wait3A_44 : memref<32x128xi32, #tpu.memory_space<hbm>>) dst(%arg10 : memref<32x128xi32, #tpu.memory_space<vmem>>)
          tpu.yield
        }) : () -> ()
        %scan3A_34 = arith.constant 0 : i32
        %scan3A_35 = arith.constant 32 : i32
        %scan3A_36 = arith.addi %scan3A_34, %scan3A_35 : i32
        %scan3A_37 = arith.constant 1 : i32
        scf.for %scan3A_39 = %scan3A_34 to %scan3A_36 step %scan3A_37  : i32 {
          %mul3A_40 = arith.constant 1 : i32
          %mul3A_41 = arith.muli %scan3A_39, %mul3A_40 : i32
          %add3A_42 = arith.constant 0 : i32
          %add3A_43 = arith.addi %add3A_42, %mul3A_41 : i32
          %run_scoped3A = arith.constant 0 : i32
          "tpu.region"() ({
            %run_scoped3A_45 = tpu.sem_alloc : memref<!tpu.dma_semaphore, #tpu.memory_space<semaphore_mem>>
            %dma_start3A = arith.constant 0 : i32
            %dma_start3A_46 = arith.constant 0 : i32
            %dma_start3A_47 = tpu.memref_slice %arg11[%run_scoped3A, %dma_start3A, %dma_start3A_46] : memref<2x128x128xf32, #tpu.memory_space<vmem>> -> memref<1x128x128xf32, #tpu.memory_space<vmem>>
            %dma_start3A_48 = tpu.memref_squeeze %dma_start3A_47 : memref<1x128x128xf32, #tpu.memory_space<vmem>> -> memref<128x128xf32, #tpu.memory_space<vmem>>
            %dma_start3A_49 = arith.constant 0 : i32
            %dma_start3A_50 = tpu.memref_slice %arg9[%add3A_43, %dma_start3A_49] : memref<32x128xi32, #tpu.memory_space<vmem>> -> memref<1x128xi32, #tpu.memory_space<vmem>>
            %dma_start3A_51 = tpu.memref_squeeze %dma_start3A_50 : memref<1x128xi32, #tpu.memory_space<vmem>> -> memref<128xi32, #tpu.memory_space<vmem>>
            %dma_start3A_52 = arith.constant 0 : i32
            %dma_start3A_53 = arith.constant 0 : i32
            %dma_start3A_54 = tpu.memref_slice %arg3[%dma_start3A_52, %dma_start3A_53] : memref<10240x128xf32, #tpu.memory_space<hbm>> -> memref<10240x128xf32, #tpu.memory_space<hbm>>
            tpu.enqueue_indirect_dma source(%dma_start3A_54 : memref<10240x128xf32, #tpu.memory_space<hbm>>) target(%dma_start3A_48 : memref<128x128xf32, #tpu.memory_space<vmem>>) offsets(%dma_start3A_51 : memref<128xi32, #tpu.memory_space<vmem>>) semaphore(%run_scoped3A_45 : memref<!tpu.dma_semaphore, #tpu.memory_space<semaphore_mem>>)
            %dma_wait3A = arith.constant 0 : i32
            %dma_wait3A_55 = arith.constant 0 : i32
            %dma_wait3A_56 = tpu.memref_slice %arg11[%run_scoped3A, %dma_wait3A, %dma_wait3A_55] : memref<2x128x128xf32, #tpu.memory_space<vmem>> -> memref<1x128x128xf32, #tpu.memory_space<vmem>>
            %dma_wait3A_57 = tpu.memref_squeeze %dma_wait3A_56 : memref<1x128x128xf32, #tpu.memory_space<vmem>> -> memref<128x128xf32, #tpu.memory_space<vmem>>
            %dma_wait3A_58 = arith.constant 0 : i32
            %dma_wait3A_59 = tpu.memref_slice %arg9[%add3A_43, %dma_wait3A_58] : memref<32x128xi32, #tpu.memory_space<vmem>> -> memref<1x128xi32, #tpu.memory_space<vmem>>
            %dma_wait3A_60 = tpu.memref_squeeze %dma_wait3A_59 : memref<1x128xi32, #tpu.memory_space<vmem>> -> memref<128xi32, #tpu.memory_space<vmem>>
            %dma_wait3A_61 = arith.constant 0 : i32
            %dma_wait3A_62 = arith.constant 0 : i32
            %dma_wait3A_63 = tpu.memref_slice %arg3[%dma_wait3A_61, %dma_wait3A_62] : memref<10240x128xf32, #tpu.memory_space<hbm>> -> memref<10240x128xf32, #tpu.memory_space<hbm>>
            tpu.wait_indirect_dma semaphore(%run_scoped3A_45 : memref<!tpu.dma_semaphore, #tpu.memory_space<semaphore_mem>>) src(%dma_wait3A_63 : memref<10240x128xf32, #tpu.memory_space<hbm>>) dst(%dma_wait3A_57 : memref<128x128xf32, #tpu.memory_space<vmem>>)
            tpu.yield
          }) : () -> ()
          %run_scoped3A_44 = arith.constant 0 : i32
          "tpu.region"() ({
            %run_scoped3A_45 = tpu.sem_alloc : memref<!tpu.dma_semaphore, #tpu.memory_space<semaphore_mem>>
            %dma_start3A = arith.constant 0 : i32
            %dma_start3A_46 = arith.constant 0 : i32
            %dma_start3A_47 = tpu.memref_slice %arg11[%run_scoped3A_44, %dma_start3A, %dma_start3A_46] : memref<2x128x128xf32, #tpu.memory_space<vmem>> -> memref<1x128x128xf32, #tpu.memory_space<vmem>>
            %dma_start3A_48 = tpu.memref_squeeze %dma_start3A_47 : memref<1x128x128xf32, #tpu.memory_space<vmem>> -> memref<128x128xf32, #tpu.memory_space<vmem>>
            %dma_start3A_49 = arith.constant 0 : i32
            %dma_start3A_50 = tpu.memref_slice %arg10[%add3A_43, %dma_start3A_49] : memref<32x128xi32, #tpu.memory_space<vmem>> -> memref<1x128xi32, #tpu.memory_space<vmem>>
            %dma_start3A_51 = tpu.memref_squeeze %dma_start3A_50 : memref<1x128xi32, #tpu.memory_space<vmem>> -> memref<128xi32, #tpu.memory_space<vmem>>
            %dma_start3A_52 = arith.constant 0 : i32
            %dma_start3A_53 = arith.constant 0 : i32
            %dma_start3A_54 = tpu.memref_slice %arg8[%dma_start3A_52, %dma_start3A_53] : memref<10240x128xf32, #tpu.memory_space<vmem_shared>> -> memref<10240x128xf32, #tpu.memory_space<vmem_shared>>
            tpu.enqueue_indirect_dma source(%dma_start3A_48 : memref<128x128xf32, #tpu.memory_space<vmem>>) target(%dma_start3A_54 : memref<10240x128xf32, #tpu.memory_space<vmem_shared>>) offsets(%dma_start3A_51 : memref<128xi32, #tpu.memory_space<vmem>>) semaphore(%run_scoped3A_45 : memref<!tpu.dma_semaphore, #tpu.memory_space<semaphore_mem>>) {add = true}
            %dma_wait3A = arith.constant 0 : i32
            %dma_wait3A_55 = arith.constant 0 : i32
            %dma_wait3A_56 = tpu.memref_slice %arg11[%run_scoped3A_44, %dma_wait3A, %dma_wait3A_55] : memref<2x128x128xf32, #tpu.memory_space<vmem>> -> memref<1x128x128xf32, #tpu.memory_space<vmem>>
            %dma_wait3A_57 = tpu.memref_squeeze %dma_wait3A_56 : memref<1x128x128xf32, #tpu.memory_space<vmem>> -> memref<128x128xf32, #tpu.memory_space<vmem>>
            %dma_wait3A_58 = arith.constant 0 : i32
            %dma_wait3A_59 = tpu.memref_slice %arg10[%add3A_43, %dma_wait3A_58] : memref<32x128xi32, #tpu.memory_space<vmem>> -> memref<1x128xi32, #tpu.memory_space<vmem>>
            %dma_wait3A_60 = tpu.memref_squeeze %dma_wait3A_59 : memref<1x128xi32, #tpu.memory_space<vmem>> -> memref<128xi32, #tpu.memory_space<vmem>>
            %dma_wait3A_61 = arith.constant 0 : i32
            %dma_wait3A_62 = arith.constant 0 : i32
            %dma_wait3A_63 = tpu.memref_slice %arg8[%dma_wait3A_61, %dma_wait3A_62] : memref<10240x128xf32, #tpu.memory_space<vmem_shared>> -> memref<10240x128xf32, #tpu.memory_space<vmem_shared>>
            tpu.wait_indirect_dma semaphore(%run_scoped3A_45 : memref<!tpu.dma_semaphore, #tpu.memory_space<semaphore_mem>>) src(%dma_wait3A_57 : memref<128x128xf32, #tpu.memory_space<vmem>>) dst(%dma_wait3A_63 : memref<10240x128xf32, #tpu.memory_space<vmem_shared>>)
            tpu.yield
          }) : () -> ()
        }
        %scan3A_38 = arith.constant 32 : i32
      }
      %scan3A_20 = arith.constant 5 : i32
      %barrier3A_21 = arith.constant 0 : index
      tpu.barrier barrier_id(%barrier3A_21)
      %mul3A = arith.constant 640 : i32
      %mul3A_22 = arith.muli %arg1, %mul3A : i32
      %mul3A_23 = arith.constant 640 : i32
      %mul3A_24 = arith.muli %arg1, %mul3A_23 : i32
      "tpu.region"() ({
        %run_scoped3A = tpu.sem_alloc : memref<!tpu.dma_semaphore, #tpu.memory_space<semaphore_mem>>
        %dma_start3A = arith.constant 0 : i32
        %dma_start3A_25 = tpu.memref_slice %arg7[%mul3A_24, %dma_start3A] : memref<10240x128xf32, #tpu.memory_space<hbm>> -> memref<640x128xf32, #tpu.memory_space<hbm>>
        %dma_start3A_26 = arith.constant 0 : i32
        %dma_start3A_27 = tpu.memref_slice %arg8[%mul3A_22, %dma_start3A_26] : memref<10240x128xf32, #tpu.memory_space<vmem_shared>> -> memref<640x128xf32, #tpu.memory_space<vmem_shared>>
        tpu.enqueue_dma source(%dma_start3A_27 : memref<640x128xf32, #tpu.memory_space<vmem_shared>>) target(%dma_start3A_25 : memref<640x128xf32, #tpu.memory_space<hbm>>) target_semaphore(%run_scoped3A : memref<!tpu.dma_semaphore, #tpu.memory_space<semaphore_mem>>)
        %dma_wait3A = arith.constant 0 : i32
        %dma_wait3A_28 = tpu.memref_slice %arg7[%mul3A_24, %dma_wait3A] : memref<10240x128xf32, #tpu.memory_space<hbm>> -> memref<640x128xf32, #tpu.memory_space<hbm>>
        %dma_wait3A_29 = arith.constant 0 : i32
        %dma_wait3A_30 = tpu.memref_slice %arg8[%mul3A_22, %dma_wait3A_29] : memref<10240x128xf32, #tpu.memory_space<vmem_shared>> -> memref<640x128xf32, #tpu.memory_space<vmem_shared>>
        tpu.wait_dma2 semaphore(%run_scoped3A : memref<!tpu.dma_semaphore, #tpu.memory_space<semaphore_mem>>) src(%dma_wait3A_30 : memref<640x128xf32, #tpu.memory_space<vmem_shared>>) dst(%dma_wait3A_28 : memref<640x128xf32, #tpu.memory_space<hbm>>)
        tpu.yield
      }) : () -> ()
    } else {
    }
    return
  }
}

#map = affine_map<(d0, d1) -> (0, 0)>
module attributes {stable_mosaic.version = 14 : i64} {
  func.func @k(%arg0: i32, %arg1: i32, %arg2: memref<10240x128xf32, #tpu.memory_space<hbm>>, %arg3: memref<10240x128xf32, #tpu.memory_space<hbm>>, %arg4: memref<2560x128xi32, #tpu.memory_space<hbm>>, %arg5: memref<2560x128xi32, #tpu.memory_space<hbm>>, %arg6: memref<10240x128xf32, #tpu.memory_space<hbm>>, %arg7: memref<10240x128xf32, #tpu.memory_space<hbm>>, %arg8: memref<10240x128xf32, #tpu.memory_space<vmem_shared>>, %arg9: memref<32x128xi32, #tpu.memory_space<vmem>>, %arg10: memref<32x128xi32, #tpu.memory_space<vmem>>, %arg11: memref<2x128x128xf32, #tpu.memory_space<vmem>>, %arg12: memref<!tpu.dma_semaphore, #tpu.memory_space<semaphore_mem>>, %arg13: memref<!tpu.dma_semaphore, #tpu.memory_space<semaphore_mem>>) attributes {dimension_semantics = [#tpu.dimension_semantics<core_parallel>, #tpu.dimension_semantics<subcore_parallel>], iteration_bounds = array<i64: 2, 16>, scalar_prefetch = 0 : i64, scratch_operands = 6 : i64, tpu.core_type = #tpu.core_type<sc_vector_subcore>, window_params = [{transform_indices = #map}, {transform_indices = #map}, {transform_indices = #map}, {transform_indices = #map}, {transform_indices = #map}, {transform_indices = #map}]} {
    %eq3A = arith.constant 0 : i32
    %eq3A_0 = arith.cmpi eq, %arg0, %eq3A : i32
    %convert_element_type3A = arith.extui %eq3A_0 : i1 to i32
    %cond3A = arith.constant 0 : i32
    %cond3A_1 = arith.cmpi ne, %convert_element_type3A, %cond3A : i32
    scf.if %cond3A_1 {
      %scan3A = arith.constant 0 : i32
      %scan3A_7 = arith.constant 128 : i32
      %scan3A_8 = arith.addi %scan3A, %scan3A_7 : i32
      %scan3A_9 = arith.constant 1 : i32
      scf.for %scan3A_25 = %scan3A to %scan3A_8 step %scan3A_9  : i32 {
        %mul3A_26 = arith.constant 1 : i32
        %mul3A_27 = arith.muli %scan3A_25, %mul3A_26 : i32
        %add3A = arith.constant 0 : i32
        %add3A_28 = arith.addi %add3A, %mul3A_27 : i32
        %scan3A_29 = arith.constant 0 : i32
        %scan3A_30 = arith.constant 8 : i32
        %scan3A_31 = arith.addi %scan3A_29, %scan3A_30 : i32
        %scan3A_32 = arith.constant 1 : i32
        scf.for %scan3A_34 = %scan3A_29 to %scan3A_31 step %scan3A_32  : i32 {
          %mul3A_35 = arith.constant 1 : i32
          %mul3A_36 = arith.muli %scan3A_34, %mul3A_35 : i32
          %add3A_37 = arith.constant 0 : i32
          %add3A_38 = arith.addi %add3A_37, %mul3A_36 : i32
          %broadcast_in_dim3A = arith.constant 0.000000e+00 : f32
          %broadcast_in_dim3A_39 = vector.broadcast %broadcast_in_dim3A : f32 to vector<16xf32>
          %mul3A_40 = arith.constant 16 : i32
          %mul3A_41 = arith.muli %add3A_38, %mul3A_40 : i32
          %swap3A = arith.constant 0 : i32
          %swap3A_42 = arith.index_cast %swap3A : i32 to index
          %swap3A_43 = arith.index_cast %add3A_28 : i32 to index
          %swap3A_44 = arith.index_cast %mul3A_41 : i32 to index
          %swap3A_45 = tpu.vector_load %arg11[%swap3A_42, %swap3A_43, %swap3A_44] {strides = array<i32>} : memref<2x128x128xf32, #tpu.memory_space<vmem>>, vector<1x1x16xf32>,
          %swap3A_46 = vector.shape_cast %swap3A_45 : vector<1x1x16xf32> to vector<16xf32>
          %swap3A_47 = vector.shape_cast %broadcast_in_dim3A_39 : vector<16xf32> to vector<1x1x16xf32>
          tpu.vector_store %arg11[%swap3A_42, %swap3A_43, %swap3A_44], %swap3A_47 {strides = array<i32>} : memref<2x128x128xf32, #tpu.memory_space<vmem>>, vector<1x1x16xf32>,
        }
        %scan3A_33 = arith.constant 8 : i32
      }
      %scan3A_10 = arith.constant 128 : i32
      %scan3A_11 = arith.constant 0 : i32
      %scan3A_12 = arith.constant 5 : i32
      %scan3A_13 = arith.addi %scan3A_11, %scan3A_12 : i32
      %scan3A_14 = arith.constant 1 : i32
      scf.for %scan3A_25 = %scan3A_11 to %scan3A_13 step %scan3A_14  : i32 {
        %mul3A_26 = arith.constant 1 : i32
        %mul3A_27 = arith.muli %scan3A_25, %mul3A_26 : i32
        %add3A = arith.constant 0 : i32
        %add3A_28 = arith.addi %add3A, %mul3A_27 : i32
        %mul3A_29 = arith.constant 640 : i32
        %mul3A_30 = arith.muli %arg1, %mul3A_29 : i32
        %mul3A_31 = arith.constant 128 : i32
        %mul3A_32 = arith.muli %add3A_28, %mul3A_31 : i32
        %add3A_33 = arith.addi %mul3A_30, %mul3A_32 : i32
        %run_scoped3A = arith.constant 0 : i32
        "tpu.region"() ({
          %run_scoped3A_34 = tpu.sem_alloc : memref<!tpu.dma_semaphore, #tpu.memory_space<semaphore_mem>>
          %dma_start3A = arith.constant 0 : i32
          %dma_start3A_35 = arith.constant 0 : i32
          %dma_start3A_36 = tpu.memref_slice %arg11[%run_scoped3A, %dma_start3A, %dma_start3A_35] : memref<2x128x128xf32, #tpu.memory_space<vmem>> -> memref<1x128x128xf32, #tpu.memory_space<vmem>>
          %dma_start3A_37 = tpu.memref_squeeze %dma_start3A_36 : memref<1x128x128xf32, #tpu.memory_space<vmem>> -> memref<128x128xf32, #tpu.memory_space<vmem>>
          %dma_start3A_38 = arith.constant 0 : i32
          %dma_start3A_39 = tpu.memref_slice %arg8[%add3A_33, %dma_start3A_38] : memref<10240x128xf32, #tpu.memory_space<vmem_shared>> -> memref<128x128xf32, #tpu.memory_space<vmem_shared>>
          %dma_start3A_40 = arith.constant 0 : i32
          %dma_start3A_41 = tpu.memref_slice %arg8[%add3A_33, %dma_start3A_40] : memref<10240x128xf32, #tpu.memory_space<vmem_shared>> -> memref<128x128xf32, #tpu.memory_space<vmem_shared>>
          %dma_start3A_42 = arith.constant 0 : i32
          %dma_start3A_43 = arith.constant 0 : i32
          %dma_start3A_44 = tpu.memref_slice %arg11[%run_scoped3A, %dma_start3A_42, %dma_start3A_43] : memref<2x128x128xf32, #tpu.memory_space<vmem>> -> memref<1x128x128xf32, #tpu.memory_space<vmem>>
          %dma_start3A_45 = tpu.memref_squeeze %dma_start3A_44 : memref<1x128x128xf32, #tpu.memory_space<vmem>> -> memref<128x128xf32, #tpu.memory_space<vmem>>
          tpu.enqueue_dma source(%dma_start3A_45 : memref<128x128xf32, #tpu.memory_space<vmem>>) target(%dma_start3A_41 : memref<128x128xf32, #tpu.memory_space<vmem_shared>>) target_semaphore(%run_scoped3A_34 : memref<!tpu.dma_semaphore, #tpu.memory_space<semaphore_mem>>)
          %dma_wait3A = arith.constant 0 : i32
          %dma_wait3A_46 = arith.constant 0 : i32
          %dma_wait3A_47 = tpu.memref_slice %arg11[%run_scoped3A, %dma_wait3A, %dma_wait3A_46] : memref<2x128x128xf32, #tpu.memory_space<vmem>> -> memref<1x128x128xf32, #tpu.memory_space<vmem>>
          %dma_wait3A_48 = tpu.memref_squeeze %dma_wait3A_47 : memref<1x128x128xf32, #tpu.memory_space<vmem>> -> memref<128x128xf32, #tpu.memory_space<vmem>>
          %dma_wait3A_49 = arith.constant 0 : i32
          %dma_wait3A_50 = tpu.memref_slice %arg8[%add3A_33, %dma_wait3A_49] : memref<10240x128xf32, #tpu.memory_space<vmem_shared>> -> memref<128x128xf32, #tpu.memory_space<vmem_shared>>
          %dma_wait3A_51 = arith.constant 0 : i32
          %dma_wait3A_52 = tpu.memref_slice %arg8[%add3A_33, %dma_wait3A_51] : memref<10240x128xf32, #tpu.memory_space<vmem_shared>> -> memref<128x128xf32, #tpu.memory_space<vmem_shared>>
          %dma_wait3A_53 = arith.constant 0 : i32
          %dma_wait3A_54 = arith.constant 0 : i32
          %dma_wait3A_55 = tpu.memref_slice %arg11[%run_scoped3A, %dma_wait3A_53, %dma_wait3A_54] : memref<2x128x128xf32, #tpu.memory_space<vmem>> -> memref<1x128x128xf32, #tpu.memory_space<vmem>>
          %dma_wait3A_56 = tpu.memref_squeeze %dma_wait3A_55 : memref<1x128x128xf32, #tpu.memory_space<vmem>> -> memref<128x128xf32, #tpu.memory_space<vmem>>
          tpu.wait_dma2 semaphore(%run_scoped3A_34 : memref<!tpu.dma_semaphore, #tpu.memory_space<semaphore_mem>>) src(%dma_wait3A_56 : memref<128x128xf32, #tpu.memory_space<vmem>>) dst(%dma_wait3A_52 : memref<128x128xf32, #tpu.memory_space<vmem_shared>>)
          tpu.yield
        }) : () -> ()
      }
      %scan3A_15 = arith.constant 5 : i32
      %barrier3A = arith.constant 0 : index
      tpu.barrier barrier_id(%barrier3A)
      %scan3A_16 = arith.constant 0 : i32
      %scan3A_17 = arith.constant 5 : i32
      %scan3A_18 = arith.addi %scan3A_16, %scan3A_17 : i32
      %scan3A_19 = arith.constant 1 : i32
      scf.for %scan3A_25 = %scan3A_16 to %scan3A_18 step %scan3A_19  : i32 {
        %mul3A_26 = arith.constant 1 : i32
        %mul3A_27 = arith.muli %scan3A_25, %mul3A_26 : i32
        %add3A = arith.constant 0 : i32
        %add3A_28 = arith.addi %add3A, %mul3A_27 : i32
        %mul3A_29 = arith.constant 160 : i32
        %mul3A_30 = arith.muli %arg1, %mul3A_29 : i32
        %mul3A_31 = arith.constant 32 : i32
        %mul3A_32 = arith.muli %add3A_28, %mul3A_31 : i32
        %add3A_33 = arith.addi %mul3A_30, %mul3A_32 : i32
        "tpu.region"() ({
          %run_scoped3A = tpu.sem_alloc : memref<!tpu.dma_semaphore, #tpu.memory_space<semaphore_mem>>
          %dma_start3A = arith.constant 0 : i32
          %dma_start3A_39 = tpu.memref_slice %arg4[%add3A_33, %dma_start3A] : memref<2560x128xi32, #tpu.memory_space<hbm>> -> memref<32x128xi32, #tpu.memory_space<hbm>>
          %dma_start3A_40 = arith.constant 0 : i32
          %dma_start3A_41 = tpu.memref_slice %arg4[%add3A_33, %dma_start3A_40] : memref<2560x128xi32, #tpu.memory_space<hbm>> -> memref<32x128xi32, #tpu.memory_space<hbm>>
          tpu.enqueue_dma source(%dma_start3A_41 : memref<32x128xi32, #tpu.memory_space<hbm>>) target(%arg9 : memref<32x128xi32, #tpu.memory_space<vmem>>) target_semaphore(%run_scoped3A : memref<!tpu.dma_semaphore, #tpu.memory_space<semaphore_mem>>)
          %dma_wait3A = arith.constant 0 : i32
          %dma_wait3A_42 = tpu.memref_slice %arg4[%add3A_33, %dma_wait3A] : memref<2560x128xi32, #tpu.memory_space<hbm>> -> memref<32x128xi32, #tpu.memory_space<hbm>>
          %dma_wait3A_43 = arith.constant 0 : i32
          %dma_wait3A_44 = tpu.memref_slice %arg4[%add3A_33, %dma_wait3A_43] : memref<2560x128xi32, #tpu.memory_space<hbm>> -> memref<32x128xi32, #tpu.memory_space<hbm>>
          tpu.wait_dma2 semaphore(%run_scoped3A : memref<!tpu.dma_semaphore, #tpu.memory_space<semaphore_mem>>) src(%dma_wait3A_44 : memref<32x128xi32, #tpu.memory_space<hbm>>) dst(%arg9 : memref<32x128xi32, #tpu.memory_space<vmem>>)
          tpu.yield
        }) : () -> ()
        "tpu.region"() ({
          %run_scoped3A = tpu.sem_alloc : memref<!tpu.dma_semaphore, #tpu.memory_space<semaphore_mem>>
          %dma_start3A = arith.constant 0 : i32
          %dma_start3A_39 = tpu.memref_slice %arg5[%add3A_33, %dma_start3A] : memref<2560x128xi32, #tpu.memory_space<hbm>> -> memref<32x128xi32, #tpu.memory_space<hbm>>
          %dma_start3A_40 = arith.constant 0 : i32
          %dma_start3A_41 = tpu.memref_slice %arg5[%add3A_33, %dma_start3A_40] : memref<2560x128xi32, #tpu.memory_space<hbm>> -> memref<32x128xi32, #tpu.memory_space<hbm>>
          tpu.enqueue_dma source(%dma_start3A_41 : memref<32x128xi32, #tpu.memory_space<hbm>>) target(%arg10 : memref<32x128xi32, #tpu.memory_space<vmem>>) target_semaphore(%run_scoped3A : memref<!tpu.dma_semaphore, #tpu.memory_space<semaphore_mem>>)
          %dma_wait3A = arith.constant 0 : i32
          %dma_wait3A_42 = tpu.memref_slice %arg5[%add3A_33, %dma_wait3A] : memref<2560x128xi32, #tpu.memory_space<hbm>> -> memref<32x128xi32, #tpu.memory_space<hbm>>
          %dma_wait3A_43 = arith.constant 0 : i32
          %dma_wait3A_44 = tpu.memref_slice %arg5[%add3A_33, %dma_wait3A_43] : memref<2560x128xi32, #tpu.memory_space<hbm>> -> memref<32x128xi32, #tpu.memory_space<hbm>>
          tpu.wait_dma2 semaphore(%run_scoped3A : memref<!tpu.dma_semaphore, #tpu.memory_space<semaphore_mem>>) src(%dma_wait3A_44 : memref<32x128xi32, #tpu.memory_space<hbm>>) dst(%arg10 : memref<32x128xi32, #tpu.memory_space<vmem>>)
          tpu.yield
        }) : () -> ()
        %scan3A_34 = arith.constant 0 : i32
        %scan3A_35 = arith.constant 32 : i32
        %scan3A_36 = arith.addi %scan3A_34, %scan3A_35 : i32
        %scan3A_37 = arith.constant 1 : i32
        scf.for %scan3A_39 = %scan3A_34 to %scan3A_36 step %scan3A_37  : i32 {
          %mul3A_40 = arith.constant 1 : i32
          %mul3A_41 = arith.muli %scan3A_39, %mul3A_40 : i32
          %add3A_42 = arith.constant 0 : i32
          %add3A_43 = arith.addi %add3A_42, %mul3A_41 : i32
          %run_scoped3A = arith.constant 0 : i32
          "tpu.region"() ({
            %run_scoped3A_45 = tpu.sem_alloc : memref<!tpu.dma_semaphore, #tpu.memory_space<semaphore_mem>>
            %dma_start3A = arith.constant 0 : i32
            %dma_start3A_46 = arith.constant 0 : i32
            %dma_start3A_47 = tpu.memref_slice %arg11[%run_scoped3A, %dma_start3A, %dma_start3A_46] : memref<2x128x128xf32, #tpu.memory_space<vmem>> -> memref<1x128x128xf32, #tpu.memory_space<vmem>>
            %dma_start3A_48 = tpu.memref_squeeze %dma_start3A_47 : memref<1x128x128xf32, #tpu.memory_space<vmem>> -> memref<128x128xf32, #tpu.memory_space<vmem>>
            %dma_start3A_49 = arith.constant 0 : i32
            %dma_start3A_50 = tpu.memref_slice %arg9[%add3A_43, %dma_start3A_49] : memref<32x128xi32, #tpu.memory_space<vmem>> -> memref<1x128xi32, #tpu.memory_space<vmem>>
            %dma_start3A_51 = tpu.memref_squeeze %dma_start3A_50 : memref<1x128xi32, #tpu.memory_space<vmem>> -> memref<128xi32, #tpu.memory_space<vmem>>
            %dma_start3A_52 = arith.constant 0 : i32
            %dma_start3A_53 = arith.constant 0 : i32
            %dma_start3A_54 = tpu.memref_slice %arg2[%dma_start3A_52, %dma_start3A_53] : memref<10240x128xf32, #tpu.memory_space<hbm>> -> memref<10240x128xf32, #tpu.memory_space<hbm>>
            tpu.enqueue_indirect_dma source(%dma_start3A_54 : memref<10240x128xf32, #tpu.memory_space<hbm>>) target(%dma_start3A_48 : memref<128x128xf32, #tpu.memory_space<vmem>>) offsets(%dma_start3A_51 : memref<128xi32, #tpu.memory_space<vmem>>) semaphore(%run_scoped3A_45 : memref<!tpu.dma_semaphore, #tpu.memory_space<semaphore_mem>>)
            %dma_wait3A = arith.constant 0 : i32
            %dma_wait3A_55 = arith.constant 0 : i32
            %dma_wait3A_56 = tpu.memref_slice %arg11[%run_scoped3A, %dma_wait3A, %dma_wait3A_55] : memref<2x128x128xf32, #tpu.memory_space<vmem>> -> memref<1x128x128xf32, #tpu.memory_space<vmem>>
            %dma_wait3A_57 = tpu.memref_squeeze %dma_wait3A_56 : memref<1x128x128xf32, #tpu.memory_space<vmem>> -> memref<128x128xf32, #tpu.memory_space<vmem>>
            %dma_wait3A_58 = arith.constant 0 : i32
            %dma_wait3A_59 = tpu.memref_slice %arg9[%add3A_43, %dma_wait3A_58] : memref<32x128xi32, #tpu.memory_space<vmem>> -> memref<1x128xi32, #tpu.memory_space<vmem>>
            %dma_wait3A_60 = tpu.memref_squeeze %dma_wait3A_59 : memref<1x128xi32, #tpu.memory_space<vmem>> -> memref<128xi32, #tpu.memory_space<vmem>>
            %dma_wait3A_61 = arith.constant 0 : i32
            %dma_wait3A_62 = arith.constant 0 : i32
            %dma_wait3A_63 = tpu.memref_slice %arg2[%dma_wait3A_61, %dma_wait3A_62] : memref<10240x128xf32, #tpu.memory_space<hbm>> -> memref<10240x128xf32, #tpu.memory_space<hbm>>
            tpu.wait_indirect_dma semaphore(%run_scoped3A_45 : memref<!tpu.dma_semaphore, #tpu.memory_space<semaphore_mem>>) src(%dma_wait3A_63 : memref<10240x128xf32, #tpu.memory_space<hbm>>) dst(%dma_wait3A_57 : memref<128x128xf32, #tpu.memory_space<vmem>>)
            tpu.yield
          }) : () -> ()
          %run_scoped3A_44 = arith.constant 0 : i32
          "tpu.region"() ({
            %run_scoped3A_45 = tpu.sem_alloc : memref<!tpu.dma_semaphore, #tpu.memory_space<semaphore_mem>>
            %dma_start3A = arith.constant 0 : i32
            %dma_start3A_46 = arith.constant 0 : i32
            %dma_start3A_47 = tpu.memref_slice %arg11[%run_scoped3A_44, %dma_start3A, %dma_start3A_46] : memref<2x128x128xf32, #tpu.memory_space<vmem>> -> memref<1x128x128xf32, #tpu.memory_space<vmem>>
            %dma_start3A_48 = tpu.memref_squeeze %dma_start3A_47 : memref<1x128x128xf32, #tpu.memory_space<vmem>> -> memref<128x128xf32, #tpu.memory_space<vmem>>
            %dma_start3A_49 = arith.constant 0 : i32
            %dma_start3A_50 = tpu.memref_slice %arg10[%add3A_43, %dma_start3A_49] : memref<32x128xi32, #tpu.memory_space<vmem>> -> memref<1x128xi32, #tpu.memory_space<vmem>>
            %dma_start3A_51 = tpu.memref_squeeze %dma_start3A_50 : memref<1x128xi32, #tpu.memory_space<vmem>> -> memref<128xi32, #tpu.memory_space<vmem>>
            %dma_start3A_52 = arith.constant 0 : i32
            %dma_start3A_53 = arith.constant 0 : i32
            %dma_start3A_54 = tpu.memref_slice %arg8[%dma_start3A_52, %dma_start3A_53] : memref<10240x128xf32, #tpu.memory_space<vmem_shared>> -> memref<10240x128xf32, #tpu.memory_space<vmem_shared>>
            tpu.enqueue_indirect_dma source(%dma_start3A_48 : memref<128x128xf32, #tpu.memory_space<vmem>>) target(%dma_start3A_54 : memref<10240x128xf32, #tpu.memory_space<vmem_shared>>) offsets(%dma_start3A_51 : memref<128xi32, #tpu.memory_space<vmem>>) semaphore(%run_scoped3A_45 : memref<!tpu.dma_semaphore, #tpu.memory_space<semaphore_mem>>) {add = true}
            %dma_wait3A = arith.constant 0 : i32
            %dma_wait3A_55 = arith.constant 0 : i32
            %dma_wait3A_56 = tpu.memref_slice %arg11[%run_scoped3A_44, %dma_wait3A, %dma_wait3A_55] : memref<2x128x128xf32, #tpu.memory_space<vmem>> -> memref<1x128x128xf32, #tpu.memory_space<vmem>>
            %dma_wait3A_57 = tpu.memref_squeeze %dma_wait3A_56 : memref<1x128x128xf32, #tpu.memory_space<vmem>> -> memref<128x128xf32, #tpu.memory_space<vmem>>
            %dma_wait3A_58 = arith.constant 0 : i32
            %dma_wait3A_59 = tpu.memref_slice %arg10[%add3A_43, %dma_wait3A_58] : memref<32x128xi32, #tpu.memory_space<vmem>> -> memref<1x128xi32, #tpu.memory_space<vmem>>
            %dma_wait3A_60 = tpu.memref_squeeze %dma_wait3A_59 : memref<1x128xi32, #tpu.memory_space<vmem>> -> memref<128xi32, #tpu.memory_space<vmem>>
            %dma_wait3A_61 = arith.constant 0 : i32
            %dma_wait3A_62 = arith.constant 0 : i32
            %dma_wait3A_63 = tpu.memref_slice %arg8[%dma_wait3A_61, %dma_wait3A_62] : memref<10240x128xf32, #tpu.memory_space<vmem_shared>> -> memref<10240x128xf32, #tpu.memory_space<vmem_shared>>
            tpu.wait_indirect_dma semaphore(%run_scoped3A_45 : memref<!tpu.dma_semaphore, #tpu.memory_space<semaphore_mem>>) src(%dma_wait3A_57 : memref<128x128xf32, #tpu.memory_space<vmem>>) dst(%dma_wait3A_63 : memref<10240x128xf32, #tpu.memory_space<vmem_shared>>)
            tpu.yield
          }) : () -> ()
        }
        %scan3A_38 = arith.constant 32 : i32
      }
      %scan3A_20 = arith.constant 5 : i32
      %barrier3A_21 = arith.constant 0 : index
      tpu.barrier barrier_id(%barrier3A_21)
      %mul3A = arith.constant 640 : i32
      %mul3A_22 = arith.muli %arg1, %mul3A : i32
      %mul3A_23 = arith.constant 640 : i32
      %mul3A_24 = arith.muli %arg1, %mul3A_23 : i32
      "tpu.region"() ({
        %run_scoped3A = tpu.sem_alloc : memref<!tpu.dma_semaphore, #tpu.memory_space<semaphore_mem>>
        %dma_start3A = arith.constant 0 : i32
        %dma_start3A_25 = tpu.memref_slice %arg6[%mul3A_24, %dma_start3A] : memref<10240x128xf32, #tpu.memory_space<hbm>> -> memref<640x128xf32, #tpu.memory_space<hbm>>
        %dma_start3A_26 = arith.constant 0 : i32
        %dma_start3A_27 = tpu.memref_slice %arg8[%mul3A_22, %dma_start3A_26] : memref<10240x128xf32, #tpu.memory_space<vmem_shared>> -> memref<640x128xf32, #tpu.memory_space<vmem_shared>>
        tpu.enqueue_dma source(%dma_start3A_27 : memref<640x128xf32, #tpu.memory_space<vmem_shared>>) target(%dma_start3A_25 : memref<640x128xf32, #tpu.memory_space<hbm>>) target_semaphore(%run_scoped3A : memref<!tpu.dma_semaphore, #tpu.memory_space<semaphore_mem>>)
        %dma_wait3A = arith.constant 0 : i32
        %dma_wait3A_28 = tpu.memref_slice %arg6[%mul3A_24, %dma_wait3A] : memref<10240x128xf32, #tpu.memory_space<hbm>> -> memref<640x128xf32, #tpu.memory_space<hbm>>
        %dma_wait3A_29 = arith.constant 0 : i32
        %dma_wait3A_30 = tpu.memref_slice %arg8[%mul3A_22, %dma_wait3A_29] : memref<10240x128xf32, #tpu.memory_space<vmem_shared>> -> memref<640x128xf32, #tpu.memory_space<vmem_shared>>
        tpu.wait_dma2 semaphore(%run_scoped3A : memref<!tpu.dma_semaphore, #tpu.memory_space<semaphore_mem>>) src(%dma_wait3A_30 : memref<640x128xf32, #tpu.memory_space<vmem_shared>>) dst(%dma_wait3A_28 : memref<640x128xf32, #tpu.memory_space<hbm>>)
        tpu.yield
      }) : () -> ()
    } else {
    }
    %eq3A_2 = arith.constant 1 : i32
    %eq3A_3 = arith.cmpi eq, %arg0, %eq3A_2 : i32
    %convert_element_type3A_4 = arith.extui %eq3A_3 : i1 to i32
    %cond3A_5 = arith.constant 0 : i32
    %cond3A_6 = arith.cmpi ne, %convert_element_type3A_4, %cond3A_5 : i32
    scf.if %cond3A_6 {
      %scan3A = arith.constant 0 : i32
      %scan3A_7 = arith.constant 128 : i32
      %scan3A_8 = arith.addi %scan3A, %scan3A_7 : i32
      %scan3A_9 = arith.constant 1 : i32
      scf.for %scan3A_25 = %scan3A to %scan3A_8 step %scan3A_9  : i32 {
        %mul3A_26 = arith.constant 1 : i32
        %mul3A_27 = arith.muli %scan3A_25, %mul3A_26 : i32
        %add3A = arith.constant 0 : i32
        %add3A_28 = arith.addi %add3A, %mul3A_27 : i32
        %scan3A_29 = arith.constant 0 : i32
        %scan3A_30 = arith.constant 8 : i32
        %scan3A_31 = arith.addi %scan3A_29, %scan3A_30 : i32
        %scan3A_32 = arith.constant 1 : i32
        scf.for %scan3A_34 = %scan3A_29 to %scan3A_31 step %scan3A_32  : i32 {
          %mul3A_35 = arith.constant 1 : i32
          %mul3A_36 = arith.muli %scan3A_34, %mul3A_35 : i32
          %add3A_37 = arith.constant 0 : i32
          %add3A_38 = arith.addi %add3A_37, %mul3A_36 : i32
          %broadcast_in_dim3A = arith.constant 0.000000e+00 : f32
          %broadcast_in_dim3A_39 = vector.broadcast %broadcast_in_dim3A : f32 to vector<16xf32>
          %mul3A_40 = arith.constant 16 : i32
          %mul3A_41 = arith.muli %add3A_38, %mul3A_40 : i32
          %swap3A = arith.constant 0 : i32
          %swap3A_42 = arith.index_cast %swap3A : i32 to index
          %swap3A_43 = arith.index_cast %add3A_28 : i32 to index
          %swap3A_44 = arith.index_cast %mul3A_41 : i32 to index
          %swap3A_45 = tpu.vector_load %arg11[%swap3A_42, %swap3A_43, %swap3A_44] {strides = array<i32>} : memref<2x128x128xf32, #tpu.memory_space<vmem>>, vector<1x1x16xf32>,
          %swap3A_46 = vector.shape_cast %swap3A_45 : vector<1x1x16xf32> to vector<16xf32>
          %swap3A_47 = vector.shape_cast %broadcast_in_dim3A_39 : vector<16xf32> to vector<1x1x16xf32>
          tpu.vector_store %arg11[%swap3A_42, %swap3A_43, %swap3A_44], %swap3A_47 {strides = array<i32>} : memref<2x128x128xf32, #tpu.memory_space<vmem>>, vector<1x1x16xf32>,
        }
        %scan3A_33 = arith.constant 8 : i32
      }
      %scan3A_10 = arith.constant 128 : i32
      %scan3A_11 = arith.constant 0 : i32
      %scan3A_12 = arith.constant 5 : i32
      %scan3A_13 = arith.addi %scan3A_11, %scan3A_12 : i32
      %scan3A_14 = arith.constant 1 : i32
      scf.for %scan3A_25 = %scan3A_11 to %scan3A_13 step %scan3A_14  : i32 {
        %mul3A_26 = arith.constant 1 : i32
        %mul3A_27 = arith.muli %scan3A_25, %mul3A_26 : i32
        %add3A = arith.constant 0 : i32
        %add3A_28 = arith.addi %add3A, %mul3A_27 : i32
        %mul3A_29 = arith.constant 640 : i32
        %mul3A_30 = arith.muli %arg1, %mul3A_29 : i32
        %mul3A_31 = arith.constant 128 : i32
        %mul3A_32 = arith.muli %add3A_28, %mul3A_31 : i32
        %add3A_33 = arith.addi %mul3A_30, %mul3A_32 : i32
        %run_scoped3A = arith.constant 0 : i32
        "tpu.region"() ({
          %run_scoped3A_34 = tpu.sem_alloc : memref<!tpu.dma_semaphore, #tpu.memory_space<semaphore_mem>>
          %dma_start3A = arith.constant 0 : i32
          %dma_start3A_35 = arith.constant 0 : i32
          %dma_start3A_36 = tpu.memref_slice %arg11[%run_scoped3A, %dma_start3A, %dma_start3A_35] : memref<2x128x128xf32, #tpu.memory_space<vmem>> -> memref<1x128x128xf32, #tpu.memory_space<vmem>>
          %dma_start3A_37 = tpu.memref_squeeze %dma_start3A_36 : memref<1x128x128xf32, #tpu.memory_space<vmem>> -> memref<128x128xf32, #tpu.memory_space<vmem>>
          %dma_start3A_38 = arith.constant 0 : i32
          %dma_start3A_39 = tpu.memref_slice %arg8[%add3A_33, %dma_start3A_38] : memref<10240x128xf32, #tpu.memory_space<vmem_shared>> -> memref<128x128xf32, #tpu.memory_space<vmem_shared>>
          %dma_start3A_40 = arith.constant 0 : i32
          %dma_start3A_41 = tpu.memref_slice %arg8[%add3A_33, %dma_start3A_40] : memref<10240x128xf32, #tpu.memory_space<vmem_shared>> -> memref<128x128xf32, #tpu.memory_space<vmem_shared>>
          %dma_start3A_42 = arith.constant 0 : i32
          %dma_start3A_43 = arith.constant 0 : i32
          %dma_start3A_44 = tpu.memref_slice %arg11[%run_scoped3A, %dma_start3A_42, %dma_start3A_43] : memref<2x128x128xf32, #tpu.memory_space<vmem>> -> memref<1x128x128xf32, #tpu.memory_space<vmem>>
          %dma_start3A_45 = tpu.memref_squeeze %dma_start3A_44 : memref<1x128x128xf32, #tpu.memory_space<vmem>> -> memref<128x128xf32, #tpu.memory_space<vmem>>
          tpu.enqueue_dma source(%dma_start3A_45 : memref<128x128xf32, #tpu.memory_space<vmem>>) target(%dma_start3A_41 : memref<128x128xf32, #tpu.memory_space<vmem_shared>>) target_semaphore(%run_scoped3A_34 : memref<!tpu.dma_semaphore, #tpu.memory_space<semaphore_mem>>)
          %dma_wait3A = arith.constant 0 : i32
          %dma_wait3A_46 = arith.constant 0 : i32
          %dma_wait3A_47 = tpu.memref_slice %arg11[%run_scoped3A, %dma_wait3A, %dma_wait3A_46] : memref<2x128x128xf32, #tpu.memory_space<vmem>> -> memref<1x128x128xf32, #tpu.memory_space<vmem>>
          %dma_wait3A_48 = tpu.memref_squeeze %dma_wait3A_47 : memref<1x128x128xf32, #tpu.memory_space<vmem>> -> memref<128x128xf32, #tpu.memory_space<vmem>>
          %dma_wait3A_49 = arith.constant 0 : i32
          %dma_wait3A_50 = tpu.memref_slice %arg8[%add3A_33, %dma_wait3A_49] : memref<10240x128xf32, #tpu.memory_space<vmem_shared>> -> memref<128x128xf32, #tpu.memory_space<vmem_shared>>
          %dma_wait3A_51 = arith.constant 0 : i32
          %dma_wait3A_52 = tpu.memref_slice %arg8[%add3A_33, %dma_wait3A_51] : memref<10240x128xf32, #tpu.memory_space<vmem_shared>> -> memref<128x128xf32, #tpu.memory_space<vmem_shared>>
          %dma_wait3A_53 = arith.constant 0 : i32
          %dma_wait3A_54 = arith.constant 0 : i32
          %dma_wait3A_55 = tpu.memref_slice %arg11[%run_scoped3A, %dma_wait3A_53, %dma_wait3A_54] : memref<2x128x128xf32, #tpu.memory_space<vmem>> -> memref<1x128x128xf32, #tpu.memory_space<vmem>>
          %dma_wait3A_56 = tpu.memref_squeeze %dma_wait3A_55 : memref<1x128x128xf32, #tpu.memory_space<vmem>> -> memref<128x128xf32, #tpu.memory_space<vmem>>
          tpu.wait_dma2 semaphore(%run_scoped3A_34 : memref<!tpu.dma_semaphore, #tpu.memory_space<semaphore_mem>>) src(%dma_wait3A_56 : memref<128x128xf32, #tpu.memory_space<vmem>>) dst(%dma_wait3A_52 : memref<128x128xf32, #tpu.memory_space<vmem_shared>>)
          tpu.yield
        }) : () -> ()
      }
      %scan3A_15 = arith.constant 5 : i32
      %barrier3A = arith.constant 0 : index
      tpu.barrier barrier_id(%barrier3A)
      %scan3A_16 = arith.constant 0 : i32
      %scan3A_17 = arith.constant 5 : i32
      %scan3A_18 = arith.addi %scan3A_16, %scan3A_17 : i32
      %scan3A_19 = arith.constant 1 : i32
      scf.for %scan3A_25 = %scan3A_16 to %scan3A_18 step %scan3A_19  : i32 {
        %mul3A_26 = arith.constant 1 : i32
        %mul3A_27 = arith.muli %scan3A_25, %mul3A_26 : i32
        %add3A = arith.constant 0 : i32
        %add3A_28 = arith.addi %add3A, %mul3A_27 : i32
        %mul3A_29 = arith.constant 160 : i32
        %mul3A_30 = arith.muli %arg1, %mul3A_29 : i32
        %mul3A_31 = arith.constant 32 : i32
        %mul3A_32 = arith.muli %add3A_28, %mul3A_31 : i32
        %add3A_33 = arith.addi %mul3A_30, %mul3A_32 : i32
        "tpu.region"() ({
          %run_scoped3A = tpu.sem_alloc : memref<!tpu.dma_semaphore, #tpu.memory_space<semaphore_mem>>
          %dma_start3A = arith.constant 0 : i32
          %dma_start3A_39 = tpu.memref_slice %arg5[%add3A_33, %dma_start3A] : memref<2560x128xi32, #tpu.memory_space<hbm>> -> memref<32x128xi32, #tpu.memory_space<hbm>>
          %dma_start3A_40 = arith.constant 0 : i32
          %dma_start3A_41 = tpu.memref_slice %arg5[%add3A_33, %dma_start3A_40] : memref<2560x128xi32, #tpu.memory_space<hbm>> -> memref<32x128xi32, #tpu.memory_space<hbm>>
          tpu.enqueue_dma source(%dma_start3A_41 : memref<32x128xi32, #tpu.memory_space<hbm>>) target(%arg9 : memref<32x128xi32, #tpu.memory_space<vmem>>) target_semaphore(%run_scoped3A : memref<!tpu.dma_semaphore, #tpu.memory_space<semaphore_mem>>)
          %dma_wait3A = arith.constant 0 : i32
          %dma_wait3A_42 = tpu.memref_slice %arg5[%add3A_33, %dma_wait3A] : memref<2560x128xi32, #tpu.memory_space<hbm>> -> memref<32x128xi32, #tpu.memory_space<hbm>>
          %dma_wait3A_43 = arith.constant 0 : i32
          %dma_wait3A_44 = tpu.memref_slice %arg5[%add3A_33, %dma_wait3A_43] : memref<2560x128xi32, #tpu.memory_space<hbm>> -> memref<32x128xi32, #tpu.memory_space<hbm>>
          tpu.wait_dma2 semaphore(%run_scoped3A : memref<!tpu.dma_semaphore, #tpu.memory_space<semaphore_mem>>) src(%dma_wait3A_44 : memref<32x128xi32, #tpu.memory_space<hbm>>) dst(%arg9 : memref<32x128xi32, #tpu.memory_space<vmem>>)
          tpu.yield
        }) : () -> ()
        "tpu.region"() ({
          %run_scoped3A = tpu.sem_alloc : memref<!tpu.dma_semaphore, #tpu.memory_space<semaphore_mem>>
          %dma_start3A = arith.constant 0 : i32
          %dma_start3A_39 = tpu.memref_slice %arg4[%add3A_33, %dma_start3A] : memref<2560x128xi32, #tpu.memory_space<hbm>> -> memref<32x128xi32, #tpu.memory_space<hbm>>
          %dma_start3A_40 = arith.constant 0 : i32
          %dma_start3A_41 = tpu.memref_slice %arg4[%add3A_33, %dma_start3A_40] : memref<2560x128xi32, #tpu.memory_space<hbm>> -> memref<32x128xi32, #tpu.memory_space<hbm>>
          tpu.enqueue_dma source(%dma_start3A_41 : memref<32x128xi32, #tpu.memory_space<hbm>>) target(%arg10 : memref<32x128xi32, #tpu.memory_space<vmem>>) target_semaphore(%run_scoped3A : memref<!tpu.dma_semaphore, #tpu.memory_space<semaphore_mem>>)
          %dma_wait3A = arith.constant 0 : i32
          %dma_wait3A_42 = tpu.memref_slice %arg4[%add3A_33, %dma_wait3A] : memref<2560x128xi32, #tpu.memory_space<hbm>> -> memref<32x128xi32, #tpu.memory_space<hbm>>
          %dma_wait3A_43 = arith.constant 0 : i32
          %dma_wait3A_44 = tpu.memref_slice %arg4[%add3A_33, %dma_wait3A_43] : memref<2560x128xi32, #tpu.memory_space<hbm>> -> memref<32x128xi32, #tpu.memory_space<hbm>>
          tpu.wait_dma2 semaphore(%run_scoped3A : memref<!tpu.dma_semaphore, #tpu.memory_space<semaphore_mem>>) src(%dma_wait3A_44 : memref<32x128xi32, #tpu.memory_space<hbm>>) dst(%arg10 : memref<32x128xi32, #tpu.memory_space<vmem>>)
          tpu.yield
        }) : () -> ()
        %scan3A_34 = arith.constant 0 : i32
        %scan3A_35 = arith.constant 32 : i32
        %scan3A_36 = arith.addi %scan3A_34, %scan3A_35 : i32
        %scan3A_37 = arith.constant 1 : i32
        scf.for %scan3A_39 = %scan3A_34 to %scan3A_36 step %scan3A_37  : i32 {
          %mul3A_40 = arith.constant 1 : i32
          %mul3A_41 = arith.muli %scan3A_39, %mul3A_40 : i32
          %add3A_42 = arith.constant 0 : i32
          %add3A_43 = arith.addi %add3A_42, %mul3A_41 : i32
          %run_scoped3A = arith.constant 0 : i32
          "tpu.region"() ({
            %run_scoped3A_45 = tpu.sem_alloc : memref<!tpu.dma_semaphore, #tpu.memory_space<semaphore_mem>>
            %dma_start3A = arith.constant 0 : i32
            %dma_start3A_46 = arith.constant 0 : i32
            %dma_start3A_47 = tpu.memref_slice %arg11[%run_scoped3A, %dma_start3A, %dma_start3A_46] : memref<2x128x128xf32, #tpu.memory_space<vmem>> -> memref<1x128x128xf32, #tpu.memory_space<vmem>>
            %dma_start3A_48 = tpu.memref_squeeze %dma_start3A_47 : memref<1x128x128xf32, #tpu.memory_space<vmem>> -> memref<128x128xf32, #tpu.memory_space<vmem>>
            %dma_start3A_49 = arith.constant 0 : i32
            %dma_start3A_50 = tpu.memref_slice %arg9[%add3A_43, %dma_start3A_49] : memref<32x128xi32, #tpu.memory_space<vmem>> -> memref<1x128xi32, #tpu.memory_space<vmem>>
            %dma_start3A_51 = tpu.memref_squeeze %dma_start3A_50 : memref<1x128xi32, #tpu.memory_space<vmem>> -> memref<128xi32, #tpu.memory_space<vmem>>
            %dma_start3A_52 = arith.constant 0 : i32
            %dma_start3A_53 = arith.constant 0 : i32
            %dma_start3A_54 = tpu.memref_slice %arg3[%dma_start3A_52, %dma_start3A_53] : memref<10240x128xf32, #tpu.memory_space<hbm>> -> memref<10240x128xf32, #tpu.memory_space<hbm>>
            tpu.enqueue_indirect_dma source(%dma_start3A_54 : memref<10240x128xf32, #tpu.memory_space<hbm>>) target(%dma_start3A_48 : memref<128x128xf32, #tpu.memory_space<vmem>>) offsets(%dma_start3A_51 : memref<128xi32, #tpu.memory_space<vmem>>) semaphore(%run_scoped3A_45 : memref<!tpu.dma_semaphore, #tpu.memory_space<semaphore_mem>>)
            %dma_wait3A = arith.constant 0 : i32
            %dma_wait3A_55 = arith.constant 0 : i32
            %dma_wait3A_56 = tpu.memref_slice %arg11[%run_scoped3A, %dma_wait3A, %dma_wait3A_55] : memref<2x128x128xf32, #tpu.memory_space<vmem>> -> memref<1x128x128xf32, #tpu.memory_space<vmem>>
            %dma_wait3A_57 = tpu.memref_squeeze %dma_wait3A_56 : memref<1x128x128xf32, #tpu.memory_space<vmem>> -> memref<128x128xf32, #tpu.memory_space<vmem>>
            %dma_wait3A_58 = arith.constant 0 : i32
            %dma_wait3A_59 = tpu.memref_slice %arg9[%add3A_43, %dma_wait3A_58] : memref<32x128xi32, #tpu.memory_space<vmem>> -> memref<1x128xi32, #tpu.memory_space<vmem>>
            %dma_wait3A_60 = tpu.memref_squeeze %dma_wait3A_59 : memref<1x128xi32, #tpu.memory_space<vmem>> -> memref<128xi32, #tpu.memory_space<vmem>>
            %dma_wait3A_61 = arith.constant 0 : i32
            %dma_wait3A_62 = arith.constant 0 : i32
            %dma_wait3A_63 = tpu.memref_slice %arg3[%dma_wait3A_61, %dma_wait3A_62] : memref<10240x128xf32, #tpu.memory_space<hbm>> -> memref<10240x128xf32, #tpu.memory_space<hbm>>
            tpu.wait_indirect_dma semaphore(%run_scoped3A_45 : memref<!tpu.dma_semaphore, #tpu.memory_space<semaphore_mem>>) src(%dma_wait3A_63 : memref<10240x128xf32, #tpu.memory_space<hbm>>) dst(%dma_wait3A_57 : memref<128x128xf32, #tpu.memory_space<vmem>>)
            tpu.yield
          }) : () -> ()
          %run_scoped3A_44 = arith.constant 0 : i32
          "tpu.region"() ({
            %run_scoped3A_45 = tpu.sem_alloc : memref<!tpu.dma_semaphore, #tpu.memory_space<semaphore_mem>>
            %dma_start3A = arith.constant 0 : i32
            %dma_start3A_46 = arith.constant 0 : i32
            %dma_start3A_47 = tpu.memref_slice %arg11[%run_scoped3A_44, %dma_start3A, %dma_start3A_46] : memref<2x128x128xf32, #tpu.memory_space<vmem>> -> memref<1x128x128xf32, #tpu.memory_space<vmem>>
            %dma_start3A_48 = tpu.memref_squeeze %dma_start3A_47 : memref<1x128x128xf32, #tpu.memory_space<vmem>> -> memref<128x128xf32, #tpu.memory_space<vmem>>
            %dma_start3A_49 = arith.constant 0 : i32
            %dma_start3A_50 = tpu.memref_slice %arg10[%add3A_43, %dma_start3A_49] : memref<32x128xi32, #tpu.memory_space<vmem>> -> memref<1x128xi32, #tpu.memory_space<vmem>>
            %dma_start3A_51 = tpu.memref_squeeze %dma_start3A_50 : memref<1x128xi32, #tpu.memory_space<vmem>> -> memref<128xi32, #tpu.memory_space<vmem>>
            %dma_start3A_52 = arith.constant 0 : i32
            %dma_start3A_53 = arith.constant 0 : i32
            %dma_start3A_54 = tpu.memref_slice %arg8[%dma_start3A_52, %dma_start3A_53] : memref<10240x128xf32, #tpu.memory_space<vmem_shared>> -> memref<10240x128xf32, #tpu.memory_space<vmem_shared>>
            tpu.enqueue_indirect_dma source(%dma_start3A_48 : memref<128x128xf32, #tpu.memory_space<vmem>>) target(%dma_start3A_54 : memref<10240x128xf32, #tpu.memory_space<vmem_shared>>) offsets(%dma_start3A_51 : memref<128xi32, #tpu.memory_space<vmem>>) semaphore(%run_scoped3A_45 : memref<!tpu.dma_semaphore, #tpu.memory_space<semaphore_mem>>) {add = true}
            %dma_wait3A = arith.constant 0 : i32
            %dma_wait3A_55 = arith.constant 0 : i32
            %dma_wait3A_56 = tpu.memref_slice %arg11[%run_scoped3A_44, %dma_wait3A, %dma_wait3A_55] : memref<2x128x128xf32, #tpu.memory_space<vmem>> -> memref<1x128x128xf32, #tpu.memory_space<vmem>>
            %dma_wait3A_57 = tpu.memref_squeeze %dma_wait3A_56 : memref<1x128x128xf32, #tpu.memory_space<vmem>> -> memref<128x128xf32, #tpu.memory_space<vmem>>
            %dma_wait3A_58 = arith.constant 0 : i32
            %dma_wait3A_59 = tpu.memref_slice %arg10[%add3A_43, %dma_wait3A_58] : memref<32x128xi32, #tpu.memory_space<vmem>> -> memref<1x128xi32, #tpu.memory_space<vmem>>
            %dma_wait3A_60 = tpu.memref_squeeze %dma_wait3A_59 : memref<1x128xi32, #tpu.memory_space<vmem>> -> memref<128xi32, #tpu.memory_space<vmem>>
            %dma_wait3A_61 = arith.constant 0 : i32
            %dma_wait3A_62 = arith.constant 0 : i32
            %dma_wait3A_63 = tpu.memref_slice %arg8[%dma_wait3A_61, %dma_wait3A_62] : memref<10240x128xf32, #tpu.memory_space<vmem_shared>> -> memref<10240x128xf32, #tpu.memory_space<vmem_shared>>
            tpu.wait_indirect_dma semaphore(%run_scoped3A_45 : memref<!tpu.dma_semaphore, #tpu.memory_space<semaphore_mem>>) src(%dma_wait3A_57 : memref<128x128xf32, #tpu.memory_space<vmem>>) dst(%dma_wait3A_63 : memref<10240x128xf32, #tpu.memory_space<vmem_shared>>)
            tpu.yield
          }) : () -> ()
        }
        %scan3A_38 = arith.constant 32 : i32
      }
      %scan3A_20 = arith.constant 5 : i32
      %barrier3A_21 = arith.constant 0 : index
      tpu.barrier barrier_id(%barrier3A_21)
      %mul3A = arith.constant 640 : i32
      %mul3A_22 = arith.muli %arg1, %mul3A : i32
      %mul3A_23 = arith.constant 640 : i32
      %mul3A_24 = arith.muli %arg1, %mul3A_23 : i32
      "tpu.region"() ({
        %run_scoped3A = tpu.sem_alloc : memref<!tpu.dma_semaphore, #tpu.memory_space<semaphore_mem>>
        %dma_start3A = arith.constant 0 : i32
        %dma_start3A_25 = tpu.memref_slice %arg7[%mul3A_24, %dma_start3A] : memref<10240x128xf32, #tpu.memory_space<hbm>> -> memref<640x128xf32, #tpu.memory_space<hbm>>
        %dma_start3A_26 = arith.constant 0 : i32
        %dma_start3A_27 = tpu.memref_slice %arg8[%mul3A_22, %dma_start3A_26] : memref<10240x128xf32, #tpu.memory_space<vmem_shared>> -> memref<640x128xf32, #tpu.memory_space<vmem_shared>>
        tpu.enqueue_dma source(%dma_start3A_27 : memref<640x128xf32, #tpu.memory_space<vmem_shared>>) target(%dma_start3A_25 : memref<640x128xf32, #tpu.memory_space<hbm>>) target_semaphore(%run_scoped3A : memref<!tpu.dma_semaphore, #tpu.memory_space<semaphore_mem>>)
        %dma_wait3A = arith.constant 0 : i32
        %dma_wait3A_28 = tpu.memref_slice %arg7[%mul3A_24, %dma_wait3A] : memref<10240x128xf32, #tpu.memory_space<hbm>> -> memref<640x128xf32, #tpu.memory_space<hbm>>
        %dma_wait3A_29 = arith.constant 0 : i32
        %dma_wait3A_30 = tpu.memref_slice %arg8[%mul3A_22, %dma_wait3A_29] : memref<10240x128xf32, #tpu.memory_space<vmem_shared>> -> memref<640x128xf32, #tpu.memory_space<vmem_shared>>
        tpu.wait_dma2 semaphore(%run_scoped3A : memref<!tpu.dma_semaphore, #tpu.memory_space<semaphore_mem>>) src(%dma_wait3A_30 : memref<640x128xf32, #tpu.memory_space<vmem_shared>>) dst(%dma_wait3A_28 : memref<640x128xf32, #tpu.memory_space<hbm>>)
        tpu.yield
      }) : () -> ()
    } else {
    }
    return
  }
}

module attributes {stable_mosaic.version = 14 : i64} {
  func.func @body(%arg0: i32, %arg1: memref<1024x128xf32, #tpu.memory_space<vmem>>, %arg2: memref<1024x128xf32, #tpu.memory_space<vmem>>, %arg3: memref<1024x128xf32, #tpu.memory_space<vmem>>, %arg4: memref<1024x128xf32, #tpu.memory_space<vmem>>, %arg5: memref<1024x128xf32, #tpu.memory_space<vmem>>) attributes {dimension_semantics = [#tpu.dimension_semantics<arbitrary>], iteration_bounds = array<i64: 10>, scalar_prefetch = 0 : i64, scratch_operands = 0 : i64, tpu.core_type = #tpu.core_type<tc>, window_params = [{transform_indices = @transform_0, window_bounds = array<i64: 1024, 128>}, {transform_indices = @transform_1, window_bounds = array<i64: 1024, 128>}, {transform_indices = @transform_2, window_bounds = array<i64: 1024, 128>}, {transform_indices = @transform_3, window_bounds = array<i64: 1024, 128>}, {transform_indices = @transform_4, window_bounds = array<i64: 1024, 128>}]} {
    %get3A = arith.constant 0 : index
    %get3A_0 = arith.constant 0 : index
    %get3A_1 = vector.load %arg1[%get3A, %get3A_0] : memref<1024x128xf32, #tpu.memory_space<vmem>>, vector<1024x128xf32>
    %get3A_2 = arith.constant 0 : index
    %get3A_3 = arith.constant 0 : index
    %get3A_4 = vector.load %arg2[%get3A_2, %get3A_3] : memref<1024x128xf32, #tpu.memory_space<vmem>>, vector<1024x128xf32>
    %slice3A = vector.extract_strided_slice %get3A_4 {offsets = [0, 0], sizes = [1024, 1], strides = [1, 1]} : vector<1024x128xf32> to vector<1024x1xf32>
    %gt3A = arith.constant 0.000000e+00 : f32
    %gt3A_5 = vector.broadcast %gt3A : f32 to vector<1024x1xf32>
    %gt3A_6 = arith.cmpf ogt, %slice3A, %gt3A_5 : vector<1024x1xf32>
    %rsqrt3A = math.rsqrt %slice3A : vector<1024x1xf32>
    %jit3A = arith.constant 0.000000e+00 : f32
    %broadcast_in_dim3A = vector.broadcast %jit3A : f32 to vector<1024x1xf32>
    %select_n3A = arith.select %gt3A_6, %rsqrt3A, %broadcast_in_dim3A : vector<1024x1xi1>, vector<1024x1xf32>
    %mul3A = vector.broadcast %select_n3A : vector<1024x1xf32> to vector<1024x128xf32>
    %mul3A_7 = arith.mulf %mul3A, %get3A_1 : vector<1024x128xf32>
    %swap3A = arith.constant 0 : index
    %swap3A_8 = arith.constant 0 : index
    %swap3A_9 = vector.load %arg4[%swap3A, %swap3A_8] : memref<1024x128xf32, #tpu.memory_space<vmem>>, vector<1024x128xf32>
    tpu.vector_store %arg4[%swap3A, %swap3A_8], %mul3A_7 {strides = array<i32>} : memref<1024x128xf32, #tpu.memory_space<vmem>>, vector<1024x128xf32>,
    %get3A_10 = arith.constant 0 : index
    %get3A_11 = arith.constant 0 : index
    %get3A_12 = vector.load %arg3[%get3A_10, %get3A_11] : memref<1024x128xf32, #tpu.memory_space<vmem>>, vector<1024x128xf32>
    %slice3A_13 = vector.extract_strided_slice %get3A_12 {offsets = [0, 0], sizes = [1024, 1], strides = [1, 1]} : vector<1024x128xf32> to vector<1024x1xf32>
    %gt3A_14 = arith.constant 0.000000e+00 : f32
    %gt3A_15 = vector.broadcast %gt3A_14 : f32 to vector<1024x1xf32>
    %gt3A_16 = arith.cmpf ogt, %slice3A_13, %gt3A_15 : vector<1024x1xf32>
    %rsqrt3A_17 = math.rsqrt %slice3A_13 : vector<1024x1xf32>
    %jit3A_18 = arith.constant 0.000000e+00 : f32
    %broadcast_in_dim3A_19 = vector.broadcast %jit3A_18 : f32 to vector<1024x1xf32>
    %select_n3A_20 = arith.select %gt3A_16, %rsqrt3A_17, %broadcast_in_dim3A_19 : vector<1024x1xi1>, vector<1024x1xf32>
    %mul3A_21 = vector.broadcast %select_n3A_20 : vector<1024x1xf32> to vector<1024x128xf32>
    %mul3A_22 = arith.mulf %mul3A_21, %get3A_1 : vector<1024x128xf32>
    %swap3A_23 = arith.constant 0 : index
    %swap3A_24 = arith.constant 0 : index
    %swap3A_25 = vector.load %arg5[%swap3A_23, %swap3A_24] : memref<1024x128xf32, #tpu.memory_space<vmem>>, vector<1024x128xf32>
    tpu.vector_store %arg5[%swap3A_23, %swap3A_24], %mul3A_22 {strides = array<i32>} : memref<1024x128xf32, #tpu.memory_space<vmem>>, vector<1024x128xf32>,
    return
  }
  func.func @transform_0(%arg0: i32) -> (i32, i32) {
    %c0_i32 = arith.constant 0 : i32
    %c0_i32_0 = arith.constant 0 : i32
    return %arg0, %c0_i32 : i32, i32
  }
  func.func @transform_1(%arg0: i32) -> (i32, i32) {
    %c0_i32 = arith.constant 0 : i32
    %c0_i32_0 = arith.constant 0 : i32
    return %arg0, %c0_i32 : i32, i32
  }
  func.func @transform_2(%arg0: i32) -> (i32, i32) {
    %c0_i32 = arith.constant 0 : i32
    %c0_i32_0 = arith.constant 0 : i32
    return %arg0, %c0_i32 : i32, i32
  }
  func.func @transform_3(%arg0: i32) -> (i32, i32) {
    %c0_i32 = arith.constant 0 : i32
    %c0_i32_0 = arith.constant 0 : i32
    return %arg0, %c0_i32 : i32, i32
  }
  func.func @transform_4(%arg0: i32) -> (i32, i32) {
    %c0_i32 = arith.constant 0 : i32
    %c0_i32_0 = arith.constant 0 : i32
    return %arg0, %c0_i32 : i32, i32
  }
}

module attributes {stable_mosaic.version = 14 : i64} {
  func.func @body(%arg0: i32, %arg1: memref<1024x128xf32, #tpu.memory_space<vmem>>, %arg2: memref<1024x128xf32, #tpu.memory_space<vmem>>, %arg3: memref<1024x128xf32, #tpu.memory_space<vmem>>, %arg4: memref<1024x128xf32, #tpu.memory_space<vmem>>, %arg5: memref<1024x128xf32, #tpu.memory_space<vmem>>, %arg6: memref<1024x128xf32, #tpu.memory_space<vmem>>, %arg7: memref<1024x128xf32, #tpu.memory_space<vmem>>, %arg8: memref<1024x128xf32, #tpu.memory_space<vmem>>) attributes {dimension_semantics = [#tpu.dimension_semantics<arbitrary>], iteration_bounds = array<i64: 10>, scalar_prefetch = 0 : i64, scratch_operands = 0 : i64, tpu.core_type = #tpu.core_type<tc>, window_params = [{transform_indices = @transform_0, window_bounds = array<i64: 1024, 128>}, {transform_indices = @transform_1, window_bounds = array<i64: 1024, 128>}, {transform_indices = @transform_2, window_bounds = array<i64: 1024, 128>}, {transform_indices = @transform_3, window_bounds = array<i64: 1024, 128>}, {transform_indices = @transform_4, window_bounds = array<i64: 1024, 128>}, {transform_indices = @transform_5, window_bounds = array<i64: 1024, 128>}, {transform_indices = @transform_6, window_bounds = array<i64: 1024, 128>}, {transform_indices = @transform_7, window_bounds = array<i64: 1024, 128>}]} {
    %get3A = arith.constant 0 : index
    %get3A_0 = arith.constant 0 : index
    %get3A_1 = vector.load %arg3[%get3A, %get3A_0] : memref<1024x128xf32, #tpu.memory_space<vmem>>, vector<1024x128xf32>
    %slice3A = vector.extract_strided_slice %get3A_1 {offsets = [0, 0], sizes = [1024, 1], strides = [1, 1]} : vector<1024x128xf32> to vector<1024x1xf32>
    %gt3A = arith.constant 0.000000e+00 : f32
    %gt3A_2 = vector.broadcast %gt3A : f32 to vector<1024x1xf32>
    %gt3A_3 = arith.cmpf ogt, %slice3A, %gt3A_2 : vector<1024x1xf32>
    %rsqrt3A = math.rsqrt %slice3A : vector<1024x1xf32>
    %jit3A = arith.constant 0.000000e+00 : f32
    %broadcast_in_dim3A = vector.broadcast %jit3A : f32 to vector<1024x1xf32>
    %select_n3A = arith.select %gt3A_3, %rsqrt3A, %broadcast_in_dim3A : vector<1024x1xi1>, vector<1024x1xf32>
    %get3A_4 = arith.constant 0 : index
    %get3A_5 = arith.constant 0 : index
    %get3A_6 = vector.load %arg4[%get3A_4, %get3A_5] : memref<1024x128xf32, #tpu.memory_space<vmem>>, vector<1024x128xf32>
    %slice3A_7 = vector.extract_strided_slice %get3A_6 {offsets = [0, 0], sizes = [1024, 1], strides = [1, 1]} : vector<1024x128xf32> to vector<1024x1xf32>
    %gt3A_8 = arith.constant 0.000000e+00 : f32
    %gt3A_9 = vector.broadcast %gt3A_8 : f32 to vector<1024x1xf32>
    %gt3A_10 = arith.cmpf ogt, %slice3A_7, %gt3A_9 : vector<1024x1xf32>
    %rsqrt3A_11 = math.rsqrt %slice3A_7 : vector<1024x1xf32>
    %jit3A_12 = arith.constant 0.000000e+00 : f32
    %broadcast_in_dim3A_13 = vector.broadcast %jit3A_12 : f32 to vector<1024x1xf32>
    %select_n3A_14 = arith.select %gt3A_10, %rsqrt3A_11, %broadcast_in_dim3A_13 : vector<1024x1xi1>, vector<1024x1xf32>
    %mul3A = arith.constant -1.000000e+00 : f32
    %mul3A_15 = vector.broadcast %mul3A : f32 to vector<1024x1xf32>
    %mul3A_16 = arith.mulf %mul3A_15, %select_n3A : vector<1024x1xf32>
    %get3A_17 = arith.constant 0 : index
    %get3A_18 = arith.constant 0 : index
    %get3A_19 = vector.load %arg1[%get3A_17, %get3A_18] : memref<1024x128xf32, #tpu.memory_space<vmem>>, vector<1024x128xf32>
    %mul3A_20 = vector.broadcast %mul3A_16 : vector<1024x1xf32> to vector<1024x128xf32>
    %mul3A_21 = arith.mulf %mul3A_20, %get3A_19 : vector<1024x128xf32>
    %mul3A_22 = arith.constant -1.000000e+00 : f32
    %mul3A_23 = vector.broadcast %mul3A_22 : f32 to vector<1024x1xf32>
    %mul3A_24 = arith.mulf %mul3A_23, %select_n3A_14 : vector<1024x1xf32>
    %get3A_25 = arith.constant 0 : index
    %get3A_26 = arith.constant 0 : index
    %get3A_27 = vector.load %arg2[%get3A_25, %get3A_26] : memref<1024x128xf32, #tpu.memory_space<vmem>>, vector<1024x128xf32>
    %mul3A_28 = vector.broadcast %mul3A_24 : vector<1024x1xf32> to vector<1024x128xf32>
    %mul3A_29 = arith.mulf %mul3A_28, %get3A_27 : vector<1024x128xf32>
    %swap3A = arith.constant 0 : index
    %swap3A_30 = arith.constant 0 : index
    %swap3A_31 = vector.load %arg5[%swap3A, %swap3A_30] : memref<1024x128xf32, #tpu.memory_space<vmem>>, vector<1024x128xf32>
    tpu.vector_store %arg5[%swap3A, %swap3A_30], %mul3A_21 {strides = array<i32>} : memref<1024x128xf32, #tpu.memory_space<vmem>>, vector<1024x128xf32>,
    %swap3A_32 = arith.constant 0 : index
    %swap3A_33 = arith.constant 0 : index
    %swap3A_34 = vector.load %arg6[%swap3A_32, %swap3A_33] : memref<1024x128xf32, #tpu.memory_space<vmem>>, vector<1024x128xf32>
    tpu.vector_store %arg6[%swap3A_32, %swap3A_33], %mul3A_29 {strides = array<i32>} : memref<1024x128xf32, #tpu.memory_space<vmem>>, vector<1024x128xf32>,
    %mul3A_35 = vector.broadcast %select_n3A : vector<1024x1xf32> to vector<1024x128xf32>
    %mul3A_36 = arith.mulf %mul3A_35, %mul3A_21 : vector<1024x128xf32>
    %swap3A_37 = arith.constant 0 : index
    %swap3A_38 = arith.constant 0 : index
    %swap3A_39 = vector.load %arg7[%swap3A_37, %swap3A_38] : memref<1024x128xf32, #tpu.memory_space<vmem>>, vector<1024x128xf32>
    tpu.vector_store %arg7[%swap3A_37, %swap3A_38], %mul3A_36 {strides = array<i32>} : memref<1024x128xf32, #tpu.memory_space<vmem>>, vector<1024x128xf32>,
    %mul3A_40 = vector.broadcast %select_n3A_14 : vector<1024x1xf32> to vector<1024x128xf32>
    %mul3A_41 = arith.mulf %mul3A_40, %mul3A_29 : vector<1024x128xf32>
    %swap3A_42 = arith.constant 0 : index
    %swap3A_43 = arith.constant 0 : index
    %swap3A_44 = vector.load %arg8[%swap3A_42, %swap3A_43] : memref<1024x128xf32, #tpu.memory_space<vmem>>, vector<1024x128xf32>
    tpu.vector_store %arg8[%swap3A_42, %swap3A_43], %mul3A_41 {strides = array<i32>} : memref<1024x128xf32, #tpu.memory_space<vmem>>, vector<1024x128xf32>,
    return
  }
  func.func @transform_0(%arg0: i32) -> (i32, i32) {
    %c0_i32 = arith.constant 0 : i32
    %c0_i32_0 = arith.constant 0 : i32
    return %arg0, %c0_i32 : i32, i32
  }
  func.func @transform_1(%arg0: i32) -> (i32, i32) {
    %c0_i32 = arith.constant 0 : i32
    %c0_i32_0 = arith.constant 0 : i32
    return %arg0, %c0_i32 : i32, i32
  }
  func.func @transform_2(%arg0: i32) -> (i32, i32) {
    %c0_i32 = arith.constant 0 : i32
    %c0_i32_0 = arith.constant 0 : i32
    return %arg0, %c0_i32 : i32, i32
  }
  func.func @transform_3(%arg0: i32) -> (i32, i32) {
    %c0_i32 = arith.constant 0 : i32
    %c0_i32_0 = arith.constant 0 : i32
    return %arg0, %c0_i32 : i32, i32
  }
  func.func @transform_4(%arg0: i32) -> (i32, i32) {
    %c0_i32 = arith.constant 0 : i32
    %c0_i32_0 = arith.constant 0 : i32
    return %arg0, %c0_i32 : i32, i32
  }
  func.func @transform_5(%arg0: i32) -> (i32, i32) {
    %c0_i32 = arith.constant 0 : i32
    %c0_i32_0 = arith.constant 0 : i32
    return %arg0, %c0_i32 : i32, i32
  }
  func.func @transform_6(%arg0: i32) -> (i32, i32) {
    %c0_i32 = arith.constant 0 : i32
    %c0_i32_0 = arith.constant 0 : i32
    return %arg0, %c0_i32 : i32, i32
  }
  func.func @transform_7(%arg0: i32) -> (i32, i32) {
    %c0_i32 = arith.constant 0 : i32
    %c0_i32_0 = arith.constant 0 : i32
    return %arg0, %c0_i32 : i32, i32
  }
}

module attributes {stable_mosaic.version = 14 : i64} {
  func.func @body(%arg0: i32, %arg1: memref<1024x128xf32, #tpu.memory_space<vmem>>, %arg2: memref<1024x128xf32, #tpu.memory_space<vmem>>, %arg3: memref<1024x128xf32, #tpu.memory_space<vmem>>, %arg4: memref<1024x128xf32, #tpu.memory_space<vmem>>, %arg5: memref<1024x128xf32, #tpu.memory_space<vmem>>, %arg6: memref<1024x128xf32, #tpu.memory_space<vmem>>, %arg7: memref<1024x128xf32, #tpu.memory_space<vmem>>, %arg8: memref<1024x128xf32, #tpu.memory_space<vmem>>, %arg9: memref<1024x128xf32, #tpu.memory_space<vmem>>, %arg10: memref<1024x128xf32, #tpu.memory_space<vmem>>) attributes {dimension_semantics = [#tpu.dimension_semantics<arbitrary>], iteration_bounds = array<i64: 10>, scalar_prefetch = 0 : i64, scratch_operands = 0 : i64, tpu.core_type = #tpu.core_type<tc>, window_params = [{transform_indices = @transform_0, window_bounds = array<i64: 1024, 128>}, {transform_indices = @transform_1, window_bounds = array<i64: 1024, 128>}, {transform_indices = @transform_2, window_bounds = array<i64: 1024, 128>}, {transform_indices = @transform_3, window_bounds = array<i64: 1024, 128>}, {transform_indices = @transform_4, window_bounds = array<i64: 1024, 128>}, {transform_indices = @transform_5, window_bounds = array<i64: 1024, 128>}, {transform_indices = @transform_6, window_bounds = array<i64: 1024, 128>}, {transform_indices = @transform_7, window_bounds = array<i64: 1024, 128>}, {transform_indices = @transform_8, window_bounds = array<i64: 1024, 128>}, {transform_indices = @transform_9, window_bounds = array<i64: 1024, 128>}]} {
    %get3A = arith.constant 0 : index
    %get3A_0 = arith.constant 0 : index
    %get3A_1 = vector.load %arg5[%get3A, %get3A_0] : memref<1024x128xf32, #tpu.memory_space<vmem>>, vector<1024x128xf32>
    %slice3A = vector.extract_strided_slice %get3A_1 {offsets = [0, 0], sizes = [1024, 1], strides = [1, 1]} : vector<1024x128xf32> to vector<1024x1xf32>
    %gt3A = arith.constant 0.000000e+00 : f32
    %gt3A_2 = vector.broadcast %gt3A : f32 to vector<1024x1xf32>
    %gt3A_3 = arith.cmpf ogt, %slice3A, %gt3A_2 : vector<1024x1xf32>
    %rsqrt3A = math.rsqrt %slice3A : vector<1024x1xf32>
    %jit3A = arith.constant 0.000000e+00 : f32
    %broadcast_in_dim3A = vector.broadcast %jit3A : f32 to vector<1024x1xf32>
    %select_n3A = arith.select %gt3A_3, %rsqrt3A, %broadcast_in_dim3A : vector<1024x1xi1>, vector<1024x1xf32>
    %get3A_4 = arith.constant 0 : index
    %get3A_5 = arith.constant 0 : index
    %get3A_6 = vector.load %arg6[%get3A_4, %get3A_5] : memref<1024x128xf32, #tpu.memory_space<vmem>>, vector<1024x128xf32>
    %slice3A_7 = vector.extract_strided_slice %get3A_6 {offsets = [0, 0], sizes = [1024, 1], strides = [1, 1]} : vector<1024x128xf32> to vector<1024x1xf32>
    %gt3A_8 = arith.constant 0.000000e+00 : f32
    %gt3A_9 = vector.broadcast %gt3A_8 : f32 to vector<1024x1xf32>
    %gt3A_10 = arith.cmpf ogt, %slice3A_7, %gt3A_9 : vector<1024x1xf32>
    %rsqrt3A_11 = math.rsqrt %slice3A_7 : vector<1024x1xf32>
    %jit3A_12 = arith.constant 0.000000e+00 : f32
    %broadcast_in_dim3A_13 = vector.broadcast %jit3A_12 : f32 to vector<1024x1xf32>
    %select_n3A_14 = arith.select %gt3A_10, %rsqrt3A_11, %broadcast_in_dim3A_13 : vector<1024x1xi1>, vector<1024x1xf32>
    %mul3A = arith.constant -2.000000e+00 : f32
    %mul3A_15 = vector.broadcast %mul3A : f32 to vector<1024x1xf32>
    %mul3A_16 = arith.mulf %mul3A_15, %select_n3A : vector<1024x1xf32>
    %get3A_17 = arith.constant 0 : index
    %get3A_18 = arith.constant 0 : index
    %get3A_19 = vector.load %arg1[%get3A_17, %get3A_18] : memref<1024x128xf32, #tpu.memory_space<vmem>>, vector<1024x128xf32>
    %mul3A_20 = vector.broadcast %mul3A_16 : vector<1024x1xf32> to vector<1024x128xf32>
    %mul3A_21 = arith.mulf %mul3A_20, %get3A_19 : vector<1024x128xf32>
    %mul3A_22 = arith.constant -2.000000e+00 : f32
    %mul3A_23 = vector.broadcast %mul3A_22 : f32 to vector<1024x1xf32>
    %mul3A_24 = arith.mulf %mul3A_23, %select_n3A_14 : vector<1024x1xf32>
    %get3A_25 = arith.constant 0 : index
    %get3A_26 = arith.constant 0 : index
    %get3A_27 = vector.load %arg2[%get3A_25, %get3A_26] : memref<1024x128xf32, #tpu.memory_space<vmem>>, vector<1024x128xf32>
    %mul3A_28 = vector.broadcast %mul3A_24 : vector<1024x1xf32> to vector<1024x128xf32>
    %mul3A_29 = arith.mulf %mul3A_28, %get3A_27 : vector<1024x128xf32>
    %get3A_30 = arith.constant 0 : index
    %get3A_31 = arith.constant 0 : index
    %get3A_32 = vector.load %arg3[%get3A_30, %get3A_31] : memref<1024x128xf32, #tpu.memory_space<vmem>>, vector<1024x128xf32>
    %sub3A = arith.subf %mul3A_21, %get3A_32 : vector<1024x128xf32>
    %get3A_33 = arith.constant 0 : index
    %get3A_34 = arith.constant 0 : index
    %get3A_35 = vector.load %arg4[%get3A_33, %get3A_34] : memref<1024x128xf32, #tpu.memory_space<vmem>>, vector<1024x128xf32>
    %sub3A_36 = arith.subf %mul3A_29, %get3A_35 : vector<1024x128xf32>
    %swap3A = arith.constant 0 : index
    %swap3A_37 = arith.constant 0 : index
    %swap3A_38 = vector.load %arg7[%swap3A, %swap3A_37] : memref<1024x128xf32, #tpu.memory_space<vmem>>, vector<1024x128xf32>
    tpu.vector_store %arg7[%swap3A, %swap3A_37], %sub3A {strides = array<i32>} : memref<1024x128xf32, #tpu.memory_space<vmem>>, vector<1024x128xf32>,
    %swap3A_39 = arith.constant 0 : index
    %swap3A_40 = arith.constant 0 : index
    %swap3A_41 = vector.load %arg8[%swap3A_39, %swap3A_40] : memref<1024x128xf32, #tpu.memory_space<vmem>>, vector<1024x128xf32>
    tpu.vector_store %arg8[%swap3A_39, %swap3A_40], %sub3A_36 {strides = array<i32>} : memref<1024x128xf32, #tpu.memory_space<vmem>>, vector<1024x128xf32>,
    %mul3A_42 = vector.broadcast %select_n3A : vector<1024x1xf32> to vector<1024x128xf32>
    %mul3A_43 = arith.mulf %mul3A_42, %sub3A : vector<1024x128xf32>
    %swap3A_44 = arith.constant 0 : index
    %swap3A_45 = arith.constant 0 : index
    %swap3A_46 = vector.load %arg9[%swap3A_44, %swap3A_45] : memref<1024x128xf32, #tpu.memory_space<vmem>>, vector<1024x128xf32>
    tpu.vector_store %arg9[%swap3A_44, %swap3A_45], %mul3A_43 {strides = array<i32>} : memref<1024x128xf32, #tpu.memory_space<vmem>>, vector<1024x128xf32>,
    %mul3A_47 = vector.broadcast %select_n3A_14 : vector<1024x1xf32> to vector<1024x128xf32>
    %mul3A_48 = arith.mulf %mul3A_47, %sub3A_36 : vector<1024x128xf32>
    %swap3A_49 = arith.constant 0 : index
    %swap3A_50 = arith.constant 0 : index
    %swap3A_51 = vector.load %arg10[%swap3A_49, %swap3A_50] : memref<1024x128xf32, #tpu.memory_space<vmem>>, vector<1024x128xf32>
    tpu.vector_store %arg10[%swap3A_49, %swap3A_50], %mul3A_48 {strides = array<i32>} : memref<1024x128xf32, #tpu.memory_space<vmem>>, vector<1024x128xf32>,
    return
  }
  func.func @transform_0(%arg0: i32) -> (i32, i32) {
    %c0_i32 = arith.constant 0 : i32
    %c0_i32_0 = arith.constant 0 : i32
    return %arg0, %c0_i32 : i32, i32
  }
  func.func @transform_1(%arg0: i32) -> (i32, i32) {
    %c0_i32 = arith.constant 0 : i32
    %c0_i32_0 = arith.constant 0 : i32
    return %arg0, %c0_i32 : i32, i32
  }
  func.func @transform_2(%arg0: i32) -> (i32, i32) {
    %c0_i32 = arith.constant 0 : i32
    %c0_i32_0 = arith.constant 0 : i32
    return %arg0, %c0_i32 : i32, i32
  }
  func.func @transform_3(%arg0: i32) -> (i32, i32) {
    %c0_i32 = arith.constant 0 : i32
    %c0_i32_0 = arith.constant 0 : i32
    return %arg0, %c0_i32 : i32, i32
  }
  func.func @transform_4(%arg0: i32) -> (i32, i32) {
    %c0_i32 = arith.constant 0 : i32
    %c0_i32_0 = arith.constant 0 : i32
    return %arg0, %c0_i32 : i32, i32
  }
  func.func @transform_5(%arg0: i32) -> (i32, i32) {
    %c0_i32 = arith.constant 0 : i32
    %c0_i32_0 = arith.constant 0 : i32
    return %arg0, %c0_i32 : i32, i32
  }
  func.func @transform_6(%arg0: i32) -> (i32, i32) {
    %c0_i32 = arith.constant 0 : i32
    %c0_i32_0 = arith.constant 0 : i32
    return %arg0, %c0_i32 : i32, i32
  }
  func.func @transform_7(%arg0: i32) -> (i32, i32) {
    %c0_i32 = arith.constant 0 : i32
    %c0_i32_0 = arith.constant 0 : i32
    return %arg0, %c0_i32 : i32, i32
  }
  func.func @transform_8(%arg0: i32) -> (i32, i32) {
    %c0_i32 = arith.constant 0 : i32
    %c0_i32_0 = arith.constant 0 : i32
    return %arg0, %c0_i32 : i32, i32
  }
  func.func @transform_9(%arg0: i32) -> (i32, i32) {
    %c0_i32 = arith.constant 0 : i32
    %c0_i32_0 = arith.constant 0 : i32
    return %arg0, %c0_i32 : i32, i32
  }
}

module attributes {stable_mosaic.version = 14 : i64} {
  func.func @body(%arg0: i32, %arg1: memref<1024x128xf32, #tpu.memory_space<vmem>>, %arg2: memref<1024x128xf32, #tpu.memory_space<vmem>>, %arg3: memref<1024x128xf32, #tpu.memory_space<vmem>>, %arg4: memref<1024x128xf32, #tpu.memory_space<vmem>>, %arg5: memref<1024x128xf32, #tpu.memory_space<vmem>>, %arg6: memref<1024x128xf32, #tpu.memory_space<vmem>>, %arg7: memref<1024x128xf32, #tpu.memory_space<vmem>>, %arg8: memref<1024x128xf32, #tpu.memory_space<vmem>>, %arg9: memref<1024x128xf32, #tpu.memory_space<vmem>>, %arg10: memref<1024x128xf32, #tpu.memory_space<vmem>>) attributes {dimension_semantics = [#tpu.dimension_semantics<arbitrary>], iteration_bounds = array<i64: 10>, scalar_prefetch = 0 : i64, scratch_operands = 0 : i64, tpu.core_type = #tpu.core_type<tc>, window_params = [{transform_indices = @transform_0, window_bounds = array<i64: 1024, 128>}, {transform_indices = @transform_1, window_bounds = array<i64: 1024, 128>}, {transform_indices = @transform_2, window_bounds = array<i64: 1024, 128>}, {transform_indices = @transform_3, window_bounds = array<i64: 1024, 128>}, {transform_indices = @transform_4, window_bounds = array<i64: 1024, 128>}, {transform_indices = @transform_5, window_bounds = array<i64: 1024, 128>}, {transform_indices = @transform_6, window_bounds = array<i64: 1024, 128>}, {transform_indices = @transform_7, window_bounds = array<i64: 1024, 128>}, {transform_indices = @transform_8, window_bounds = array<i64: 1024, 128>}, {transform_indices = @transform_9, window_bounds = array<i64: 1024, 128>}]} {
    %get3A = arith.constant 0 : index
    %get3A_0 = arith.constant 0 : index
    %get3A_1 = vector.load %arg5[%get3A, %get3A_0] : memref<1024x128xf32, #tpu.memory_space<vmem>>, vector<1024x128xf32>
    %slice3A = vector.extract_strided_slice %get3A_1 {offsets = [0, 0], sizes = [1024, 1], strides = [1, 1]} : vector<1024x128xf32> to vector<1024x1xf32>
    %gt3A = arith.constant 0.000000e+00 : f32
    %gt3A_2 = vector.broadcast %gt3A : f32 to vector<1024x1xf32>
    %gt3A_3 = arith.cmpf ogt, %slice3A, %gt3A_2 : vector<1024x1xf32>
    %rsqrt3A = math.rsqrt %slice3A : vector<1024x1xf32>
    %jit3A = arith.constant 0.000000e+00 : f32
    %broadcast_in_dim3A = vector.broadcast %jit3A : f32 to vector<1024x1xf32>
    %select_n3A = arith.select %gt3A_3, %rsqrt3A, %broadcast_in_dim3A : vector<1024x1xi1>, vector<1024x1xf32>
    %get3A_4 = arith.constant 0 : index
    %get3A_5 = arith.constant 0 : index
    %get3A_6 = vector.load %arg6[%get3A_4, %get3A_5] : memref<1024x128xf32, #tpu.memory_space<vmem>>, vector<1024x128xf32>
    %slice3A_7 = vector.extract_strided_slice %get3A_6 {offsets = [0, 0], sizes = [1024, 1], strides = [1, 1]} : vector<1024x128xf32> to vector<1024x1xf32>
    %gt3A_8 = arith.constant 0.000000e+00 : f32
    %gt3A_9 = vector.broadcast %gt3A_8 : f32 to vector<1024x1xf32>
    %gt3A_10 = arith.cmpf ogt, %slice3A_7, %gt3A_9 : vector<1024x1xf32>
    %rsqrt3A_11 = math.rsqrt %slice3A_7 : vector<1024x1xf32>
    %jit3A_12 = arith.constant 0.000000e+00 : f32
    %broadcast_in_dim3A_13 = vector.broadcast %jit3A_12 : f32 to vector<1024x1xf32>
    %select_n3A_14 = arith.select %gt3A_10, %rsqrt3A_11, %broadcast_in_dim3A_13 : vector<1024x1xi1>, vector<1024x1xf32>
    %mul3A = arith.constant -2.000000e+00 : f32
    %mul3A_15 = vector.broadcast %mul3A : f32 to vector<1024x1xf32>
    %mul3A_16 = arith.mulf %mul3A_15, %select_n3A : vector<1024x1xf32>
    %get3A_17 = arith.constant 0 : index
    %get3A_18 = arith.constant 0 : index
    %get3A_19 = vector.load %arg1[%get3A_17, %get3A_18] : memref<1024x128xf32, #tpu.memory_space<vmem>>, vector<1024x128xf32>
    %mul3A_20 = vector.broadcast %mul3A_16 : vector<1024x1xf32> to vector<1024x128xf32>
    %mul3A_21 = arith.mulf %mul3A_20, %get3A_19 : vector<1024x128xf32>
    %mul3A_22 = arith.constant -2.000000e+00 : f32
    %mul3A_23 = vector.broadcast %mul3A_22 : f32 to vector<1024x1xf32>
    %mul3A_24 = arith.mulf %mul3A_23, %select_n3A_14 : vector<1024x1xf32>
    %get3A_25 = arith.constant 0 : index
    %get3A_26 = arith.constant 0 : index
    %get3A_27 = vector.load %arg2[%get3A_25, %get3A_26] : memref<1024x128xf32, #tpu.memory_space<vmem>>, vector<1024x128xf32>
    %mul3A_28 = vector.broadcast %mul3A_24 : vector<1024x1xf32> to vector<1024x128xf32>
    %mul3A_29 = arith.mulf %mul3A_28, %get3A_27 : vector<1024x128xf32>
    %get3A_30 = arith.constant 0 : index
    %get3A_31 = arith.constant 0 : index
    %get3A_32 = vector.load %arg3[%get3A_30, %get3A_31] : memref<1024x128xf32, #tpu.memory_space<vmem>>, vector<1024x128xf32>
    %sub3A = arith.subf %mul3A_21, %get3A_32 : vector<1024x128xf32>
    %get3A_33 = arith.constant 0 : index
    %get3A_34 = arith.constant 0 : index
    %get3A_35 = vector.load %arg4[%get3A_33, %get3A_34] : memref<1024x128xf32, #tpu.memory_space<vmem>>, vector<1024x128xf32>
    %sub3A_36 = arith.subf %mul3A_29, %get3A_35 : vector<1024x128xf32>
    %swap3A = arith.constant 0 : index
    %swap3A_37 = arith.constant 0 : index
    %swap3A_38 = vector.load %arg7[%swap3A, %swap3A_37] : memref<1024x128xf32, #tpu.memory_space<vmem>>, vector<1024x128xf32>
    tpu.vector_store %arg7[%swap3A, %swap3A_37], %sub3A {strides = array<i32>} : memref<1024x128xf32, #tpu.memory_space<vmem>>, vector<1024x128xf32>,
    %swap3A_39 = arith.constant 0 : index
    %swap3A_40 = arith.constant 0 : index
    %swap3A_41 = vector.load %arg8[%swap3A_39, %swap3A_40] : memref<1024x128xf32, #tpu.memory_space<vmem>>, vector<1024x128xf32>
    tpu.vector_store %arg8[%swap3A_39, %swap3A_40], %sub3A_36 {strides = array<i32>} : memref<1024x128xf32, #tpu.memory_space<vmem>>, vector<1024x128xf32>,
    %mul3A_42 = vector.broadcast %select_n3A : vector<1024x1xf32> to vector<1024x128xf32>
    %mul3A_43 = arith.mulf %mul3A_42, %sub3A : vector<1024x128xf32>
    %swap3A_44 = arith.constant 0 : index
    %swap3A_45 = arith.constant 0 : index
    %swap3A_46 = vector.load %arg9[%swap3A_44, %swap3A_45] : memref<1024x128xf32, #tpu.memory_space<vmem>>, vector<1024x128xf32>
    tpu.vector_store %arg9[%swap3A_44, %swap3A_45], %mul3A_43 {strides = array<i32>} : memref<1024x128xf32, #tpu.memory_space<vmem>>, vector<1024x128xf32>,
    %mul3A_47 = vector.broadcast %select_n3A_14 : vector<1024x1xf32> to vector<1024x128xf32>
    %mul3A_48 = arith.mulf %mul3A_47, %sub3A_36 : vector<1024x128xf32>
    %swap3A_49 = arith.constant 0 : index
    %swap3A_50 = arith.constant 0 : index
    %swap3A_51 = vector.load %arg10[%swap3A_49, %swap3A_50] : memref<1024x128xf32, #tpu.memory_space<vmem>>, vector<1024x128xf32>
    tpu.vector_store %arg10[%swap3A_49, %swap3A_50], %mul3A_48 {strides = array<i32>} : memref<1024x128xf32, #tpu.memory_space<vmem>>, vector<1024x128xf32>,
    return
  }
  func.func @transform_0(%arg0: i32) -> (i32, i32) {
    %c0_i32 = arith.constant 0 : i32
    %c0_i32_0 = arith.constant 0 : i32
    return %arg0, %c0_i32 : i32, i32
  }
  func.func @transform_1(%arg0: i32) -> (i32, i32) {
    %c0_i32 = arith.constant 0 : i32
    %c0_i32_0 = arith.constant 0 : i32
    return %arg0, %c0_i32 : i32, i32
  }
  func.func @transform_2(%arg0: i32) -> (i32, i32) {
    %c0_i32 = arith.constant 0 : i32
    %c0_i32_0 = arith.constant 0 : i32
    return %arg0, %c0_i32 : i32, i32
  }
  func.func @transform_3(%arg0: i32) -> (i32, i32) {
    %c0_i32 = arith.constant 0 : i32
    %c0_i32_0 = arith.constant 0 : i32
    return %arg0, %c0_i32 : i32, i32
  }
  func.func @transform_4(%arg0: i32) -> (i32, i32) {
    %c0_i32 = arith.constant 0 : i32
    %c0_i32_0 = arith.constant 0 : i32
    return %arg0, %c0_i32 : i32, i32
  }
  func.func @transform_5(%arg0: i32) -> (i32, i32) {
    %c0_i32 = arith.constant 0 : i32
    %c0_i32_0 = arith.constant 0 : i32
    return %arg0, %c0_i32 : i32, i32
  }
  func.func @transform_6(%arg0: i32) -> (i32, i32) {
    %c0_i32 = arith.constant 0 : i32
    %c0_i32_0 = arith.constant 0 : i32
    return %arg0, %c0_i32 : i32, i32
  }
  func.func @transform_7(%arg0: i32) -> (i32, i32) {
    %c0_i32 = arith.constant 0 : i32
    %c0_i32_0 = arith.constant 0 : i32
    return %arg0, %c0_i32 : i32, i32
  }
  func.func @transform_8(%arg0: i32) -> (i32, i32) {
    %c0_i32 = arith.constant 0 : i32
    %c0_i32_0 = arith.constant 0 : i32
    return %arg0, %c0_i32 : i32, i32
  }
  func.func @transform_9(%arg0: i32) -> (i32, i32) {
    %c0_i32 = arith.constant 0 : i32
    %c0_i32_0 = arith.constant 0 : i32
    return %arg0, %c0_i32 : i32, i32
  }
}

module attributes {stable_mosaic.version = 14 : i64} {
  func.func @body(%arg0: i32, %arg1: memref<1024x128xf32, #tpu.memory_space<vmem>>, %arg2: memref<1024x128xf32, #tpu.memory_space<vmem>>, %arg3: memref<1024x128xf32, #tpu.memory_space<vmem>>, %arg4: memref<1024x128xf32, #tpu.memory_space<vmem>>, %arg5: memref<1024x128xf32, #tpu.memory_space<vmem>>, %arg6: memref<1024x128xf32, #tpu.memory_space<vmem>>, %arg7: memref<1024x128xf32, #tpu.memory_space<vmem>>, %arg8: memref<1024x128xf32, #tpu.memory_space<vmem>>, %arg9: memref<512x64xf32, #tpu.memory_space<vmem>>, %arg10: memref<512x64xf32, #tpu.memory_space<vmem>>, %arg11: memref<1x64xf32, #tpu.memory_space<vmem>>, %arg12: memref<1x64xf32, #tpu.memory_space<vmem>>, %arg13: memref<1024x128xf32, #tpu.memory_space<vmem>>, %arg14: memref<1024x128xf32, #tpu.memory_space<vmem>>, %arg15: memref<1024x128xf32, #tpu.memory_space<vmem>>, %arg16: memref<1024x128xf32, #tpu.memory_space<vmem>>, %arg17: memref<1024x128xf32, #tpu.memory_space<vmem>>) attributes {dimension_semantics = [#tpu.dimension_semantics<arbitrary>], iteration_bounds = array<i64: 10>, scalar_prefetch = 0 : i64, scratch_operands = 0 : i64, tpu.core_type = #tpu.core_type<tc>, window_params = [{transform_indices = @transform_0, window_bounds = array<i64: 1024, 128>}, {transform_indices = @transform_1, window_bounds = array<i64: 1024, 128>}, {transform_indices = @transform_2, window_bounds = array<i64: 1024, 128>}, {transform_indices = @transform_3, window_bounds = array<i64: 1024, 128>}, {transform_indices = @transform_4, window_bounds = array<i64: 1024, 128>}, {transform_indices = @transform_5, window_bounds = array<i64: 1024, 128>}, {transform_indices = @transform_6, window_bounds = array<i64: 1024, 128>}, {transform_indices = @transform_7, window_bounds = array<i64: 1024, 128>}, {pipeline_mode = #tpu.pipeline_mode<synchronous>, transform_indices = @transform_8, window_bounds = array<i64: 512, 64>}, {pipeline_mode = #tpu.pipeline_mode<synchronous>, transform_indices = @transform_9, window_bounds = array<i64: 512, 64>}, {pipeline_mode = #tpu.pipeline_mode<synchronous>, transform_indices = @transform_10, window_bounds = array<i64: 1, 64>}, {pipeline_mode = #tpu.pipeline_mode<synchronous>, transform_indices = @transform_11, window_bounds = array<i64: 1, 64>}, {transform_indices = @transform_12, window_bounds = array<i64: 1024, 128>}, {transform_indices = @transform_13, window_bounds = array<i64: 1024, 128>}, {transform_indices = @transform_14, window_bounds = array<i64: 1024, 128>}, {transform_indices = @transform_15, window_bounds = array<i64: 1024, 128>}, {transform_indices = @transform_16, window_bounds = array<i64: 1024, 128>}]} {
    %get3A = arith.constant 0 : index
    %get3A_0 = arith.constant 0 : index
    %get3A_1 = vector.load %arg1[%get3A, %get3A_0] : memref<1024x128xf32, #tpu.memory_space<vmem>>, vector<1024x128xf32>
    %get3A_2 = arith.constant 0 : index
    %get3A_3 = arith.constant 0 : index
    %get3A_4 = vector.load %arg2[%get3A_2, %get3A_3] : memref<1024x128xf32, #tpu.memory_space<vmem>>, vector<1024x128xf32>
    %get3A_5 = arith.constant 0 : index
    %get3A_6 = arith.constant 0 : index
    %get3A_7 = vector.load %arg3[%get3A_5, %get3A_6] : memref<1024x128xf32, #tpu.memory_space<vmem>>, vector<1024x128xf32>
    %get3A_8 = arith.constant 0 : index
    %get3A_9 = arith.constant 0 : index
    %get3A_10 = vector.load %arg4[%get3A_8, %get3A_9] : memref<1024x128xf32, #tpu.memory_space<vmem>>, vector<1024x128xf32>
    %concatenate3A = tpu.concatenate %get3A_1, %get3A_4, %get3A_7, %get3A_10 in 1 : vector<1024x128xf32>, vector<1024x128xf32>, vector<1024x128xf32>, vector<1024x128xf32> -> vector<1024x512xf32>
    %get3A_11 = arith.constant 0 : index
    %get3A_12 = arith.constant 0 : index
    %get3A_13 = vector.load %arg5[%get3A_11, %get3A_12] : memref<1024x128xf32, #tpu.memory_space<vmem>>, vector<1024x128xf32>
    %get3A_14 = arith.constant 0 : index
    %get3A_15 = arith.constant 0 : index
    %get3A_16 = vector.load %arg6[%get3A_14, %get3A_15] : memref<1024x128xf32, #tpu.memory_space<vmem>>, vector<1024x128xf32>
    %get3A_17 = arith.constant 0 : index
    %get3A_18 = arith.constant 0 : index
    %get3A_19 = vector.load %arg7[%get3A_17, %get3A_18] : memref<1024x128xf32, #tpu.memory_space<vmem>>, vector<1024x128xf32>
    %get3A_20 = arith.constant 0 : index
    %get3A_21 = arith.constant 0 : index
    %get3A_22 = vector.load %arg8[%get3A_20, %get3A_21] : memref<1024x128xf32, #tpu.memory_space<vmem>>, vector<1024x128xf32>
    %concatenate3A_23 = tpu.concatenate %get3A_13, %get3A_16, %get3A_19, %get3A_22 in 1 : vector<1024x128xf32>, vector<1024x128xf32>, vector<1024x128xf32>, vector<1024x128xf32> -> vector<1024x512xf32>
    %get3A_24 = arith.constant 0 : index
    %get3A_25 = arith.constant 0 : index
    %get3A_26 = vector.load %arg9[%get3A_24, %get3A_25] : memref<512x64xf32, #tpu.memory_space<vmem>>, vector<512x64xf32>
    %dot_general3A = arith.constant dense<0.000000e+00> : vector<1024x64xf32>
    %dot_general3A_27 = tpu.matmul %concatenate3A, %get3A_26, %dot_general3A {dimension_numbers = #tpu.dot_dimension_numbers<[1], [0], [0], [1], [0, 0, 1, 1], [], []>, transpose_lhs_hint = false} : vector<1024x512xf32>, vector<512x64xf32>, vector<1024x64xf32> -> vector<1024x64xf32>
    %get3A_28 = arith.constant 0 : index
    %get3A_29 = arith.constant 0 : index
    %get3A_30 = vector.load %arg11[%get3A_28, %get3A_29] : memref<1x64xf32, #tpu.memory_space<vmem>>, vector<1x64xf32>
    %add3A = vector.broadcast %get3A_30 : vector<1x64xf32> to vector<1024x64xf32>
    %add3A_31 = arith.addf %dot_general3A_27, %add3A : vector<1024x64xf32>
    %max3A = arith.constant 0.000000e+00 : f32
    %max3A_32 = vector.broadcast %max3A : f32 to vector<1024x64xf32>
    %max3A_33 = arith.maximumf %add3A_31, %max3A_32 : vector<1024x64xf32>
    %get3A_34 = arith.constant 0 : index
    %get3A_35 = arith.constant 0 : index
    %get3A_36 = vector.load %arg10[%get3A_34, %get3A_35] : memref<512x64xf32, #tpu.memory_space<vmem>>, vector<512x64xf32>
    %dot_general3A_37 = arith.constant dense<0.000000e+00> : vector<1024x64xf32>
    %dot_general3A_38 = tpu.matmul %concatenate3A_23, %get3A_36, %dot_general3A_37 {dimension_numbers = #tpu.dot_dimension_numbers<[1], [0], [0], [1], [0, 0, 1, 1], [], []>, transpose_lhs_hint = false} : vector<1024x512xf32>, vector<512x64xf32>, vector<1024x64xf32> -> vector<1024x64xf32>
    %get3A_39 = arith.constant 0 : index
    %get3A_40 = arith.constant 0 : index
    %get3A_41 = vector.load %arg12[%get3A_39, %get3A_40] : memref<1x64xf32, #tpu.memory_space<vmem>>, vector<1x64xf32>
    %add3A_42 = vector.broadcast %get3A_41 : vector<1x64xf32> to vector<1024x64xf32>
    %add3A_43 = arith.addf %dot_general3A_38, %add3A_42 : vector<1024x64xf32>
    %max3A_44 = arith.constant 0.000000e+00 : f32
    %max3A_45 = vector.broadcast %max3A_44 : f32 to vector<1024x64xf32>
    %max3A_46 = arith.maximumf %add3A_43, %max3A_45 : vector<1024x64xf32>
    %concatenate3A_47 = tpu.concatenate %max3A_33, %max3A_46 in 1 : vector<1024x64xf32>, vector<1024x64xf32> -> vector<1024x128xf32>
    %swap3A = arith.constant 0 : index
    %swap3A_48 = arith.constant 0 : index
    %swap3A_49 = vector.load %arg15[%swap3A, %swap3A_48] : memref<1024x128xf32, #tpu.memory_space<vmem>>, vector<1024x128xf32>
    tpu.vector_store %arg15[%swap3A, %swap3A_48], %concatenate3A_47 {strides = array<i32>} : memref<1024x128xf32, #tpu.memory_space<vmem>>, vector<1024x128xf32>,
    %get3A_50 = arith.constant 0 : index
    %get3A_51 = arith.constant 0 : index
    %get3A_52 = vector.load %arg13[%get3A_50, %get3A_51] : memref<1024x128xf32, #tpu.memory_space<vmem>>, vector<1024x128xf32>
    %slice3A = vector.extract_strided_slice %get3A_52 {offsets = [0, 0], sizes = [1024, 1], strides = [1, 1]} : vector<1024x128xf32> to vector<1024x1xf32>
    %gt3A = arith.constant 0.000000e+00 : f32
    %gt3A_53 = vector.broadcast %gt3A : f32 to vector<1024x1xf32>
    %gt3A_54 = arith.cmpf ogt, %slice3A, %gt3A_53 : vector<1024x1xf32>
    %rsqrt3A = math.rsqrt %slice3A : vector<1024x1xf32>
    %jit3A = arith.constant 0.000000e+00 : f32
    %broadcast_in_dim3A = vector.broadcast %jit3A : f32 to vector<1024x1xf32>
    %select_n3A = arith.select %gt3A_54, %rsqrt3A, %broadcast_in_dim3A : vector<1024x1xi1>, vector<1024x1xf32>
    %mul3A = vector.broadcast %select_n3A : vector<1024x1xf32> to vector<1024x128xf32>
    %mul3A_55 = arith.mulf %mul3A, %concatenate3A_47 : vector<1024x128xf32>
    %swap3A_56 = arith.constant 0 : index
    %swap3A_57 = arith.constant 0 : index
    %swap3A_58 = vector.load %arg16[%swap3A_56, %swap3A_57] : memref<1024x128xf32, #tpu.memory_space<vmem>>, vector<1024x128xf32>
    tpu.vector_store %arg16[%swap3A_56, %swap3A_57], %mul3A_55 {strides = array<i32>} : memref<1024x128xf32, #tpu.memory_space<vmem>>, vector<1024x128xf32>,
    %get3A_59 = arith.constant 0 : index
    %get3A_60 = arith.constant 0 : index
    %get3A_61 = vector.load %arg14[%get3A_59, %get3A_60] : memref<1024x128xf32, #tpu.memory_space<vmem>>, vector<1024x128xf32>
    %slice3A_62 = vector.extract_strided_slice %get3A_61 {offsets = [0, 0], sizes = [1024, 1], strides = [1, 1]} : vector<1024x128xf32> to vector<1024x1xf32>
    %gt3A_63 = arith.constant 0.000000e+00 : f32
    %gt3A_64 = vector.broadcast %gt3A_63 : f32 to vector<1024x1xf32>
    %gt3A_65 = arith.cmpf ogt, %slice3A_62, %gt3A_64 : vector<1024x1xf32>
    %rsqrt3A_66 = math.rsqrt %slice3A_62 : vector<1024x1xf32>
    %jit3A_67 = arith.constant 0.000000e+00 : f32
    %broadcast_in_dim3A_68 = vector.broadcast %jit3A_67 : f32 to vector<1024x1xf32>
    %select_n3A_69 = arith.select %gt3A_65, %rsqrt3A_66, %broadcast_in_dim3A_68 : vector<1024x1xi1>, vector<1024x1xf32>
    %mul3A_70 = vector.broadcast %select_n3A_69 : vector<1024x1xf32> to vector<1024x128xf32>
    %mul3A_71 = arith.mulf %mul3A_70, %concatenate3A_47 : vector<1024x128xf32>
    %swap3A_72 = arith.constant 0 : index
    %swap3A_73 = arith.constant 0 : index
    %swap3A_74 = vector.load %arg17[%swap3A_72, %swap3A_73] : memref<1024x128xf32, #tpu.memory_space<vmem>>, vector<1024x128xf32>
    tpu.vector_store %arg17[%swap3A_72, %swap3A_73], %mul3A_71 {strides = array<i32>} : memref<1024x128xf32, #tpu.memory_space<vmem>>, vector<1024x128xf32>,
    return
  }
  func.func @transform_0(%arg0: i32) -> (i32, i32) {
    %c0_i32 = arith.constant 0 : i32
    %c0_i32_0 = arith.constant 0 : i32
    return %arg0, %c0_i32 : i32, i32
  }
  func.func @transform_1(%arg0: i32) -> (i32, i32) {
    %c0_i32 = arith.constant 0 : i32
    %c0_i32_0 = arith.constant 0 : i32
    return %arg0, %c0_i32 : i32, i32
  }
  func.func @transform_2(%arg0: i32) -> (i32, i32) {
    %c0_i32 = arith.constant 0 : i32
    %c0_i32_0 = arith.constant 0 : i32
    return %arg0, %c0_i32 : i32, i32
  }
  func.func @transform_3(%arg0: i32) -> (i32, i32) {
    %c0_i32 = arith.constant 0 : i32
    %c0_i32_0 = arith.constant 0 : i32
    return %arg0, %c0_i32 : i32, i32
  }
  func.func @transform_4(%arg0: i32) -> (i32, i32) {
    %c0_i32 = arith.constant 0 : i32
    %c0_i32_0 = arith.constant 0 : i32
    return %arg0, %c0_i32 : i32, i32
  }
  func.func @transform_5(%arg0: i32) -> (i32, i32) {
    %c0_i32 = arith.constant 0 : i32
    %c0_i32_0 = arith.constant 0 : i32
    return %arg0, %c0_i32 : i32, i32
  }
  func.func @transform_6(%arg0: i32) -> (i32, i32) {
    %c0_i32 = arith.constant 0 : i32
    %c0_i32_0 = arith.constant 0 : i32
    return %arg0, %c0_i32 : i32, i32
  }
  func.func @transform_7(%arg0: i32) -> (i32, i32) {
    %c0_i32 = arith.constant 0 : i32
    %c0_i32_0 = arith.constant 0 : i32
    return %arg0, %c0_i32 : i32, i32
  }
  func.func @transform_8(%arg0: i32) -> (i32, i32) {
    %c0_i32 = arith.constant 0 : i32
    %c0_i32_0 = arith.constant 0 : i32
    %c0_i32_1 = arith.constant 0 : i32
    return %c0_i32, %c0_i32_0 : i32, i32
  }
  func.func @transform_9(%arg0: i32) -> (i32, i32) {
    %c0_i32 = arith.constant 0 : i32
    %c0_i32_0 = arith.constant 0 : i32
    %c0_i32_1 = arith.constant 0 : i32
    return %c0_i32, %c0_i32_0 : i32, i32
  }
  func.func @transform_10(%arg0: i32) -> (i32, i32) {
    %c0_i32 = arith.constant 0 : i32
    %c0_i32_0 = arith.constant 0 : i32
    %c0_i32_1 = arith.constant 0 : i32
    return %c0_i32, %c0_i32_0 : i32, i32
  }
  func.func @transform_11(%arg0: i32) -> (i32, i32) {
    %c0_i32 = arith.constant 0 : i32
    %c0_i32_0 = arith.constant 0 : i32
    %c0_i32_1 = arith.constant 0 : i32
    return %c0_i32, %c0_i32_0 : i32, i32
  }
  func.func @transform_12(%arg0: i32) -> (i32, i32) {
    %c0_i32 = arith.constant 0 : i32
    %c0_i32_0 = arith.constant 0 : i32
    return %arg0, %c0_i32 : i32, i32
  }
  func.func @transform_13(%arg0: i32) -> (i32, i32) {
    %c0_i32 = arith.constant 0 : i32
    %c0_i32_0 = arith.constant 0 : i32
    return %arg0, %c0_i32 : i32, i32
  }
  func.func @transform_14(%arg0: i32) -> (i32, i32) {
    %c0_i32 = arith.constant 0 : i32
    %c0_i32_0 = arith.constant 0 : i32
    return %arg0, %c0_i32 : i32, i32
  }
  func.func @transform_15(%arg0: i32) -> (i32, i32) {
    %c0_i32 = arith.constant 0 : i32
    %c0_i32_0 = arith.constant 0 : i32
    return %arg0, %c0_i32 : i32, i32
  }
  func.func @transform_16(%arg0: i32) -> (i32, i32) {
    %c0_i32 = arith.constant 0 : i32
    %c0_i32_0 = arith.constant 0 : i32
    return %arg0, %c0_i32 : i32, i32
  }
}

module attributes {stable_mosaic.version = 14 : i64} {
  func.func @body(%arg0: i32, %arg1: memref<1024x128xf32, #tpu.memory_space<vmem>>, %arg2: memref<1024x128xf32, #tpu.memory_space<vmem>>, %arg3: memref<1024x128xf32, #tpu.memory_space<vmem>>, %arg4: memref<1024x128xf32, #tpu.memory_space<vmem>>, %arg5: memref<1024x128xf32, #tpu.memory_space<vmem>>, %arg6: memref<1024x128xf32, #tpu.memory_space<vmem>>, %arg7: memref<1024x128xf32, #tpu.memory_space<vmem>>, %arg8: memref<1024x128xf32, #tpu.memory_space<vmem>>, %arg9: memref<512x256xf32, #tpu.memory_space<vmem>>, %arg10: memref<512x256xf32, #tpu.memory_space<vmem>>, %arg11: memref<1x256xf32, #tpu.memory_space<vmem>>, %arg12: memref<1x256xf32, #tpu.memory_space<vmem>>, %arg13: memref<1024x512xf32, #tpu.memory_space<vmem>>) attributes {dimension_semantics = [#tpu.dimension_semantics<arbitrary>], iteration_bounds = array<i64: 10>, scalar_prefetch = 0 : i64, scratch_operands = 0 : i64, tpu.core_type = #tpu.core_type<tc>, window_params = [{transform_indices = @transform_0, window_bounds = array<i64: 1024, 128>}, {transform_indices = @transform_1, window_bounds = array<i64: 1024, 128>}, {transform_indices = @transform_2, window_bounds = array<i64: 1024, 128>}, {transform_indices = @transform_3, window_bounds = array<i64: 1024, 128>}, {transform_indices = @transform_4, window_bounds = array<i64: 1024, 128>}, {transform_indices = @transform_5, window_bounds = array<i64: 1024, 128>}, {transform_indices = @transform_6, window_bounds = array<i64: 1024, 128>}, {transform_indices = @transform_7, window_bounds = array<i64: 1024, 128>}, {pipeline_mode = #tpu.pipeline_mode<synchronous>, transform_indices = @transform_8, window_bounds = array<i64: 512, 256>}, {pipeline_mode = #tpu.pipeline_mode<synchronous>, transform_indices = @transform_9, window_bounds = array<i64: 512, 256>}, {pipeline_mode = #tpu.pipeline_mode<synchronous>, transform_indices = @transform_10, window_bounds = array<i64: 1, 256>}, {pipeline_mode = #tpu.pipeline_mode<synchronous>, transform_indices = @transform_11, window_bounds = array<i64: 1, 256>}, {transform_indices = @transform_12, window_bounds = array<i64: 1024, 512>}]} {
    %get3A = arith.constant 0 : index
    %get3A_0 = arith.constant 0 : index
    %get3A_1 = vector.load %arg1[%get3A, %get3A_0] : memref<1024x128xf32, #tpu.memory_space<vmem>>, vector<1024x128xf32>
    %get3A_2 = arith.constant 0 : index
    %get3A_3 = arith.constant 0 : index
    %get3A_4 = vector.load %arg2[%get3A_2, %get3A_3] : memref<1024x128xf32, #tpu.memory_space<vmem>>, vector<1024x128xf32>
    %get3A_5 = arith.constant 0 : index
    %get3A_6 = arith.constant 0 : index
    %get3A_7 = vector.load %arg3[%get3A_5, %get3A_6] : memref<1024x128xf32, #tpu.memory_space<vmem>>, vector<1024x128xf32>
    %get3A_8 = arith.constant 0 : index
    %get3A_9 = arith.constant 0 : index
    %get3A_10 = vector.load %arg4[%get3A_8, %get3A_9] : memref<1024x128xf32, #tpu.memory_space<vmem>>, vector<1024x128xf32>
    %concatenate3A = tpu.concatenate %get3A_1, %get3A_4, %get3A_7, %get3A_10 in 1 : vector<1024x128xf32>, vector<1024x128xf32>, vector<1024x128xf32>, vector<1024x128xf32> -> vector<1024x512xf32>
    %get3A_11 = arith.constant 0 : index
    %get3A_12 = arith.constant 0 : index
    %get3A_13 = vector.load %arg5[%get3A_11, %get3A_12] : memref<1024x128xf32, #tpu.memory_space<vmem>>, vector<1024x128xf32>
    %get3A_14 = arith.constant 0 : index
    %get3A_15 = arith.constant 0 : index
    %get3A_16 = vector.load %arg6[%get3A_14, %get3A_15] : memref<1024x128xf32, #tpu.memory_space<vmem>>, vector<1024x128xf32>
    %get3A_17 = arith.constant 0 : index
    %get3A_18 = arith.constant 0 : index
    %get3A_19 = vector.load %arg7[%get3A_17, %get3A_18] : memref<1024x128xf32, #tpu.memory_space<vmem>>, vector<1024x128xf32>
    %get3A_20 = arith.constant 0 : index
    %get3A_21 = arith.constant 0 : index
    %get3A_22 = vector.load %arg8[%get3A_20, %get3A_21] : memref<1024x128xf32, #tpu.memory_space<vmem>>, vector<1024x128xf32>
    %concatenate3A_23 = tpu.concatenate %get3A_13, %get3A_16, %get3A_19, %get3A_22 in 1 : vector<1024x128xf32>, vector<1024x128xf32>, vector<1024x128xf32>, vector<1024x128xf32> -> vector<1024x512xf32>
    %get3A_24 = arith.constant 0 : index
    %get3A_25 = arith.constant 0 : index
    %get3A_26 = vector.load %arg9[%get3A_24, %get3A_25] : memref<512x256xf32, #tpu.memory_space<vmem>>, vector<512x256xf32>
    %dot_general3A = arith.constant dense<0.000000e+00> : vector<1024x256xf32>
    %dot_general3A_27 = tpu.matmul %concatenate3A, %get3A_26, %dot_general3A {dimension_numbers = #tpu.dot_dimension_numbers<[1], [0], [0], [1], [0, 0, 1, 1], [], []>, transpose_lhs_hint = false} : vector<1024x512xf32>, vector<512x256xf32>, vector<1024x256xf32> -> vector<1024x256xf32>
    %get3A_28 = arith.constant 0 : index
    %get3A_29 = arith.constant 0 : index
    %get3A_30 = vector.load %arg11[%get3A_28, %get3A_29] : memref<1x256xf32, #tpu.memory_space<vmem>>, vector<1x256xf32>
    %add3A = vector.broadcast %get3A_30 : vector<1x256xf32> to vector<1024x256xf32>
    %add3A_31 = arith.addf %dot_general3A_27, %add3A : vector<1024x256xf32>
    %max3A = arith.constant 0.000000e+00 : f32
    %max3A_32 = vector.broadcast %max3A : f32 to vector<1024x256xf32>
    %max3A_33 = arith.maximumf %add3A_31, %max3A_32 : vector<1024x256xf32>
    %get3A_34 = arith.constant 0 : index
    %get3A_35 = arith.constant 0 : index
    %get3A_36 = vector.load %arg10[%get3A_34, %get3A_35] : memref<512x256xf32, #tpu.memory_space<vmem>>, vector<512x256xf32>
    %dot_general3A_37 = arith.constant dense<0.000000e+00> : vector<1024x256xf32>
    %dot_general3A_38 = tpu.matmul %concatenate3A_23, %get3A_36, %dot_general3A_37 {dimension_numbers = #tpu.dot_dimension_numbers<[1], [0], [0], [1], [0, 0, 1, 1], [], []>, transpose_lhs_hint = false} : vector<1024x512xf32>, vector<512x256xf32>, vector<1024x256xf32> -> vector<1024x256xf32>
    %get3A_39 = arith.constant 0 : index
    %get3A_40 = arith.constant 0 : index
    %get3A_41 = vector.load %arg12[%get3A_39, %get3A_40] : memref<1x256xf32, #tpu.memory_space<vmem>>, vector<1x256xf32>
    %add3A_42 = vector.broadcast %get3A_41 : vector<1x256xf32> to vector<1024x256xf32>
    %add3A_43 = arith.addf %dot_general3A_38, %add3A_42 : vector<1024x256xf32>
    %max3A_44 = arith.constant 0.000000e+00 : f32
    %max3A_45 = vector.broadcast %max3A_44 : f32 to vector<1024x256xf32>
    %max3A_46 = arith.maximumf %add3A_43, %max3A_45 : vector<1024x256xf32>
    %concatenate3A_47 = tpu.concatenate %max3A_33, %max3A_46 in 1 : vector<1024x256xf32>, vector<1024x256xf32> -> vector<1024x512xf32>
    %swap3A = arith.constant 0 : index
    %swap3A_48 = arith.constant 0 : index
    %swap3A_49 = vector.load %arg13[%swap3A, %swap3A_48] : memref<1024x512xf32, #tpu.memory_space<vmem>>, vector<1024x512xf32>
    tpu.vector_store %arg13[%swap3A, %swap3A_48], %concatenate3A_47 {strides = array<i32>} : memref<1024x512xf32, #tpu.memory_space<vmem>>, vector<1024x512xf32>,
    return
  }
  func.func @transform_0(%arg0: i32) -> (i32, i32) {
    %c0_i32 = arith.constant 0 : i32
    %c0_i32_0 = arith.constant 0 : i32
    return %arg0, %c0_i32 : i32, i32
  }
  func.func @transform_1(%arg0: i32) -> (i32, i32) {
    %c0_i32 = arith.constant 0 : i32
    %c0_i32_0 = arith.constant 0 : i32
    return %arg0, %c0_i32 : i32, i32
  }
  func.func @transform_2(%arg0: i32) -> (i32, i32) {
    %c0_i32 = arith.constant 0 : i32
    %c0_i32_0 = arith.constant 0 : i32
    return %arg0, %c0_i32 : i32, i32
  }
  func.func @transform_3(%arg0: i32) -> (i32, i32) {
    %c0_i32 = arith.constant 0 : i32
    %c0_i32_0 = arith.constant 0 : i32
    return %arg0, %c0_i32 : i32, i32
  }
  func.func @transform_4(%arg0: i32) -> (i32, i32) {
    %c0_i32 = arith.constant 0 : i32
    %c0_i32_0 = arith.constant 0 : i32
    return %arg0, %c0_i32 : i32, i32
  }
  func.func @transform_5(%arg0: i32) -> (i32, i32) {
    %c0_i32 = arith.constant 0 : i32
    %c0_i32_0 = arith.constant 0 : i32
    return %arg0, %c0_i32 : i32, i32
  }
  func.func @transform_6(%arg0: i32) -> (i32, i32) {
    %c0_i32 = arith.constant 0 : i32
    %c0_i32_0 = arith.constant 0 : i32
    return %arg0, %c0_i32 : i32, i32
  }
  func.func @transform_7(%arg0: i32) -> (i32, i32) {
    %c0_i32 = arith.constant 0 : i32
    %c0_i32_0 = arith.constant 0 : i32
    return %arg0, %c0_i32 : i32, i32
  }
  func.func @transform_8(%arg0: i32) -> (i32, i32) {
    %c0_i32 = arith.constant 0 : i32
    %c0_i32_0 = arith.constant 0 : i32
    %c0_i32_1 = arith.constant 0 : i32
    return %c0_i32, %c0_i32_0 : i32, i32
  }
  func.func @transform_9(%arg0: i32) -> (i32, i32) {
    %c0_i32 = arith.constant 0 : i32
    %c0_i32_0 = arith.constant 0 : i32
    %c0_i32_1 = arith.constant 0 : i32
    return %c0_i32, %c0_i32_0 : i32, i32
  }
  func.func @transform_10(%arg0: i32) -> (i32, i32) {
    %c0_i32 = arith.constant 0 : i32
    %c0_i32_0 = arith.constant 0 : i32
    %c0_i32_1 = arith.constant 0 : i32
    return %c0_i32, %c0_i32_0 : i32, i32
  }
  func.func @transform_11(%arg0: i32) -> (i32, i32) {
    %c0_i32 = arith.constant 0 : i32
    %c0_i32_0 = arith.constant 0 : i32
    %c0_i32_1 = arith.constant 0 : i32
    return %c0_i32, %c0_i32_0 : i32, i32
  }
  func.func @transform_12(%arg0: i32) -> (i32, i32) {
    %c0_i32 = arith.constant 0 : i32
    %c0_i32_0 = arith.constant 0 : i32
    return %arg0, %c0_i32 : i32, i32
  }
}

module attributes {stable_mosaic.version = 14 : i64} {
  func.func @body(%arg0: i32, %arg1: memref<1024x512xf32, #tpu.memory_space<vmem>>, %arg2: memref<1x1x1024xi32, #tpu.memory_space<vmem>>, %arg3: memref<512x10xf32, #tpu.memory_space<vmem>>, %arg4: memref<1x10xf32, #tpu.memory_space<vmem>>, %arg5: memref<16x10xf32, #tpu.memory_space<vmem>>, %arg6: memref<16x512xf32, #tpu.memory_space<vmem>>, %arg7: memref<16x128xf32, #tpu.memory_space<vmem>>) attributes {dimension_semantics = [#tpu.dimension_semantics<arbitrary>], iteration_bounds = array<i64: 10>, scalar_prefetch = 0 : i64, scratch_operands = 2 : i64, tpu.core_type = #tpu.core_type<tc>, window_params = [{transform_indices = @transform_0, window_bounds = array<i64: 1024, 512>}, {transform_indices = @transform_1, window_bounds = array<i64: 1, 1, 1024>}, {pipeline_mode = #tpu.pipeline_mode<synchronous>, transform_indices = @transform_2, window_bounds = array<i64: 512, 10>}, {pipeline_mode = #tpu.pipeline_mode<synchronous>, transform_indices = @transform_3, window_bounds = array<i64: 1, 10>}, {pipeline_mode = #tpu.pipeline_mode<synchronous>, transform_indices = @transform_4, window_bounds = array<i64: 16, 10>}]} {
    %eq3A = arith.constant 0 : i32
    %eq3A_0 = arith.cmpi eq, %arg0, %eq3A : i32
    %convert_element_type3A = arith.extui %eq3A_0 : i1 to i32
    %cond3A = arith.constant 0 : i32
    %cond3A_1 = arith.cmpi ne, %convert_element_type3A, %cond3A : i32
    scf.if %cond3A_1 {
      %broadcast_in_dim3A_35 = arith.constant 0.000000e+00 : f32
      %broadcast_in_dim3A_36 = vector.broadcast %broadcast_in_dim3A_35 : f32 to vector<16x512xf32>
      %swap3A_37 = arith.constant 0 : index
      %swap3A_38 = arith.constant 0 : index
      %swap3A_39 = vector.load %arg6[%swap3A_37, %swap3A_38] : memref<16x512xf32, #tpu.memory_space<vmem>>, vector<16x512xf32>
      tpu.vector_store %arg6[%swap3A_37, %swap3A_38], %broadcast_in_dim3A_36 {strides = array<i32>} : memref<16x512xf32, #tpu.memory_space<vmem>>, vector<16x512xf32>,
      %broadcast_in_dim3A_40 = arith.constant 0.000000e+00 : f32
      %broadcast_in_dim3A_41 = vector.broadcast %broadcast_in_dim3A_40 : f32 to vector<16x128xf32>
      %swap3A_42 = arith.constant 0 : index
      %swap3A_43 = arith.constant 0 : index
      %swap3A_44 = vector.load %arg7[%swap3A_42, %swap3A_43] : memref<16x128xf32, #tpu.memory_space<vmem>>, vector<16x128xf32>
      tpu.vector_store %arg7[%swap3A_42, %swap3A_43], %broadcast_in_dim3A_41 {strides = array<i32>} : memref<16x128xf32, #tpu.memory_space<vmem>>, vector<16x128xf32>,
    } else {
    }
    %get3A = arith.constant 0 : index
    %get3A_2 = arith.constant 0 : index
    %get3A_3 = arith.constant 0 : index
    %get3A_4 = vector.load %arg2[%get3A, %get3A_2, %get3A_3] : memref<1x1x1024xi32, #tpu.memory_space<vmem>>, vector<1x1x1024xi32>
    %get3A_5 = vector.shape_cast %get3A_4 : vector<1x1x1024xi32> to vector<1024xi32>
    %iota3A = tpu.iota {dimensions = array<i32: 0>} : vector<16x1024xi32>
    %broadcast_in_dim3A = vector.shape_cast %get3A_5 : vector<1024xi32> to vector<1x1024xi32>
    %eq3A_6 = vector.broadcast %broadcast_in_dim3A : vector<1x1024xi32> to vector<16x1024xi32>
    %eq3A_7 = arith.cmpi eq, %iota3A, %eq3A_6 : vector<16x1024xi32>
    %convert_element_type3A_8 = arith.extui %eq3A_7 : vector<16x1024xi1> to vector<16x1024xi32>
    %convert_element_type3A_9 = arith.sitofp %convert_element_type3A_8 : vector<16x1024xi32> to vector<16x1024xf32>
    %get3A_10 = arith.constant 0 : index
    %get3A_11 = arith.constant 0 : index
    %get3A_12 = vector.load %arg6[%get3A_10, %get3A_11] : memref<16x512xf32, #tpu.memory_space<vmem>>, vector<16x512xf32>
    %get3A_13 = arith.constant 0 : index
    %get3A_14 = arith.constant 0 : index
    %get3A_15 = vector.load %arg1[%get3A_13, %get3A_14] : memref<1024x512xf32, #tpu.memory_space<vmem>>, vector<1024x512xf32>
    %dot_general3A = arith.constant dense<0.000000e+00> : vector<16x512xf32>
    %dot_general3A_16 = tpu.matmul %convert_element_type3A_9, %get3A_15, %dot_general3A {dimension_numbers = #tpu.dot_dimension_numbers<[1], [0], [0], [1], [0, 0, 1, 1], [], []>, transpose_lhs_hint = false} : vector<16x1024xf32>, vector<1024x512xf32>, vector<16x512xf32> -> vector<16x512xf32>
    %add3A = arith.addf %get3A_12, %dot_general3A_16 : vector<16x512xf32>
    %swap3A = arith.constant 0 : index
    %swap3A_17 = arith.constant 0 : index
    %swap3A_18 = vector.load %arg6[%swap3A, %swap3A_17] : memref<16x512xf32, #tpu.memory_space<vmem>>, vector<16x512xf32>
    tpu.vector_store %arg6[%swap3A, %swap3A_17], %add3A {strides = array<i32>} : memref<16x512xf32, #tpu.memory_space<vmem>>, vector<16x512xf32>,
    %get3A_19 = arith.constant 0 : index
    %get3A_20 = arith.constant 0 : index
    %get3A_21 = vector.load %arg7[%get3A_19, %get3A_20] : memref<16x128xf32, #tpu.memory_space<vmem>>, vector<16x128xf32>
    %reduce_sum3A = arith.constant dense<0.000000e+00> : vector<16xf32>
    %reduce_sum3A_22 = vector.multi_reduction <add>, %convert_element_type3A_9, %reduce_sum3A [1] : vector<16x1024xf32> to vector<16xf32>
    %broadcast_in_dim3A_23 = vector.shape_cast %reduce_sum3A_22 : vector<16xf32> to vector<16x1xf32>
    %broadcast_in_dim3A_24 = vector.shape_cast %broadcast_in_dim3A_23 : vector<16x1xf32> to vector<16x1xf32>
    %broadcast_in_dim3A_25 = vector.broadcast %broadcast_in_dim3A_24 : vector<16x1xf32> to vector<16x128xf32>
    %add3A_26 = arith.addf %get3A_21, %broadcast_in_dim3A_25 : vector<16x128xf32>
    %swap3A_27 = arith.constant 0 : index
    %swap3A_28 = arith.constant 0 : index
    %swap3A_29 = vector.load %arg7[%swap3A_27, %swap3A_28] : memref<16x128xf32, #tpu.memory_space<vmem>>, vector<16x128xf32>
    tpu.vector_store %arg7[%swap3A_27, %swap3A_28], %add3A_26 {strides = array<i32>} : memref<16x128xf32, #tpu.memory_space<vmem>>, vector<16x128xf32>,
    %eq3A_30 = arith.constant 9 : i32
    %eq3A_31 = arith.cmpi eq, %arg0, %eq3A_30 : i32
    %convert_element_type3A_32 = arith.extui %eq3A_31 : i1 to i32
    %cond3A_33 = arith.constant 0 : i32
    %cond3A_34 = arith.cmpi ne, %convert_element_type3A_32, %cond3A_33 : i32
    scf.if %cond3A_34 {
      %get3A_35 = arith.constant 0 : index
      %get3A_36 = arith.constant 0 : index
      %get3A_37 = vector.load %arg6[%get3A_35, %get3A_36] : memref<16x512xf32, #tpu.memory_space<vmem>>, vector<16x512xf32>
      %get3A_38 = arith.constant 0 : index
      %get3A_39 = arith.constant 0 : index
      %get3A_40 = vector.load %arg7[%get3A_38, %get3A_39] : memref<16x128xf32, #tpu.memory_space<vmem>>, vector<16x1xf32>
      %max3A = arith.constant 1.000000e+00 : f32
      %max3A_41 = vector.broadcast %max3A : f32 to vector<16x1xf32>
      %max3A_42 = arith.maximumf %get3A_40, %max3A_41 : vector<16x1xf32>
      %div3A = vector.broadcast %max3A_42 : vector<16x1xf32> to vector<16x512xf32>
      %div3A_43 = arith.divf %get3A_37, %div3A : vector<16x512xf32>
      %get3A_44 = arith.constant 0 : index
      %get3A_45 = arith.constant 0 : index
      %get3A_46 = vector.load %arg3[%get3A_44, %get3A_45] : memref<512x10xf32, #tpu.memory_space<vmem>>, vector<512x10xf32>
      %dot_general3A_47 = arith.constant dense<0.000000e+00> : vector<16x10xf32>
      %dot_general3A_48 = tpu.matmul %div3A_43, %get3A_46, %dot_general3A_47 {dimension_numbers = #tpu.dot_dimension_numbers<[1], [0], [0], [1], [0, 0, 1, 1], [], []>, transpose_lhs_hint = false} : vector<16x512xf32>, vector<512x10xf32>, vector<16x10xf32> -> vector<16x10xf32>
      %get3A_49 = arith.constant 0 : index
      %get3A_50 = arith.constant 0 : index
      %get3A_51 = vector.load %arg4[%get3A_49, %get3A_50] : memref<1x10xf32, #tpu.memory_space<vmem>>, vector<1x10xf32>
      %add3A_52 = vector.broadcast %get3A_51 : vector<1x10xf32> to vector<16x10xf32>
      %add3A_53 = arith.addf %dot_general3A_48, %add3A_52 : vector<16x10xf32>
      %reduce_max3A = arith.constant dense<0xFF800000> : vector<16xf32>
      %reduce_max3A_54 = vector.multi_reduction <maximumf>, %add3A_53, %reduce_max3A [1] : vector<16x10xf32> to vector<16xf32>
      %broadcast_in_dim3A_55 = vector.shape_cast %reduce_max3A_54 : vector<16xf32> to vector<16x1xf32>
      %sub3A = vector.broadcast %broadcast_in_dim3A_55 : vector<16x1xf32> to vector<16x10xf32>
      %sub3A_56 = arith.subf %add3A_53, %sub3A : vector<16x10xf32>
      %sub3A_57 = vector.broadcast %broadcast_in_dim3A_55 : vector<16x1xf32> to vector<16x10xf32>
      %sub3A_58 = arith.subf %add3A_53, %sub3A_57 : vector<16x10xf32>
      %exp3A = math.exp %sub3A_58 : vector<16x10xf32>
      %reduce_sum3A_59 = arith.constant dense<0.000000e+00> : vector<16xf32>
      %reduce_sum3A_60 = vector.multi_reduction <add>, %exp3A, %reduce_sum3A_59 [1] : vector<16x10xf32> to vector<16xf32>
      %broadcast_in_dim3A_61 = vector.shape_cast %reduce_sum3A_60 : vector<16xf32> to vector<16x1xf32>
      %log3A = math.log %broadcast_in_dim3A_61 : vector<16x1xf32>
      %sub3A_62 = vector.broadcast %log3A : vector<16x1xf32> to vector<16x10xf32>
      %sub3A_63 = arith.subf %sub3A_56, %sub3A_62 : vector<16x10xf32>
      %swap3A_64 = arith.constant 0 : index
      %swap3A_65 = arith.constant 0 : index
      %swap3A_66 = vector.load %arg5[%swap3A_64, %swap3A_65] : memref<16x10xf32, #tpu.memory_space<vmem>>, vector<16x10xf32>
      tpu.vector_store %arg5[%swap3A_64, %swap3A_65], %sub3A_63 {strides = array<i32>} : memref<16x10xf32, #tpu.memory_space<vmem>>, vector<16x10xf32>,
    } else {
    }
    return
  }
  func.func @transform_0(%arg0: i32) -> (i32, i32) {
    %c0_i32 = arith.constant 0 : i32
    %c0_i32_0 = arith.constant 0 : i32
    return %arg0, %c0_i32 : i32, i32
  }
  func.func @transform_1(%arg0: i32) -> (i32, i32, i32) {
    %c0_i32 = arith.constant 0 : i32
    %c0_i32_0 = arith.constant 0 : i32
    %c0_i32_1 = arith.constant 0 : i32
    return %arg0, %c0_i32, %c0_i32_0 : i32, i32, i32
  }
  func.func @transform_2(%arg0: i32) -> (i32, i32) {
    %c0_i32 = arith.constant 0 : i32
    %c0_i32_0 = arith.constant 0 : i32
    %c0_i32_1 = arith.constant 0 : i32
    return %c0_i32, %c0_i32_0 : i32, i32
  }
  func.func @transform_3(%arg0: i32) -> (i32, i32) {
    %c0_i32 = arith.constant 0 : i32
    %c0_i32_0 = arith.constant 0 : i32
    %c0_i32_1 = arith.constant 0 : i32
    return %c0_i32, %c0_i32_0 : i32, i32
  }
  func.func @transform_4(%arg0: i32) -> (i32, i32) {
    %c0_i32 = arith.constant 0 : i32
    %c0_i32_0 = arith.constant 0 : i32
    %c0_i32_1 = arith.constant 0 : i32
    return %c0_i32, %c0_i32_0 : i32, i32
  }
}

</mosaic_0001>

<sc_bundles>
// kernel: kernel.19.cloned.1.call-start
scs
__scs_entry_jumppad:
0x0: {  	(pc) =	sbr.rel $0x88, $3  }
0x1: {  	(tag) =	ssettag $0x0;
	lr =	simm.s32 $0x1  }
0x2: {  	[smem:$0x3F94] =	sst lr;
	_ =	strace $0xD0000000  }
0x3: {  	_ = 	snop  }
0x4: {  	_ = 	snop  }
0x5: {  	_ = 	snop  }
0x6: {  	_ = 	snop  }
0x7: {  	_ = 	snop  }
__scs_overlays_trampoline_lowered:
0x8: {  	[smem:$0x3FA3] =	sst s0  }
0x9: {  	[smem:$0x3FA4] =	sst s1  }
0xa: {  	[smem:$0x3FA5] =	sst s2  }
0xb: {  	[smem:$0x3FA6] =	sst s3  }
0xc: {  	[smem:$0x3FA7] =	sst s4  }
0xd: {  	[smem:$0x3FA8] =	sst s5  }
0xe: {  	[smem:$0x3FA9] =	sst s6  }
0xf: {  	[smem:$0x3FAA] =	sst s7  }
0x10: {  	[smem:$0x3FAB] =	sst s8  }
0x11: {  	[smem:$0x3FAC] =	sst s9;
	s0 =	simm.s32 @!p0 $0x0  }
0x12: {  	s1 =	sld [smem:$0x3F92];
	s0 =	simm.s32 @p0 $0x1  }
0x13: {  	[smem:$0x3FAD] =	sst s0;
	s0 =	simm.s32 @!p1 $0x0  }
0x14: {  	s2 =	sld [smem:$0x3F91];
	s0 =	simm.s32 @p1 $0x1  }
0x15: {  	[smem:$0x3FAE] =	sst s0;
	s0 =	simm.s32 @!p2 $0x0  }
0x16: {  	s3 =	sld [smem:$0x3FDB];
	s0 =	simm.s32 @p2 $0x1  }
0x17: {  	s4 =	simm.s32 $0x1BF5;
	[smem:$0x3FB0] =	sst s0  }
0x18: {  	s0 =	sld [smem:$0x3F93];
	_ =	swait.ge [sflag:s4], $0x0  }
0x19: {  	s7 =	sld [smem:$0x3F94]  }
0x1a: {  	s8 =	sadd.s32 $0xFFFFE003, lr  }
0x1b: {  	s9 =	sadd.s32 $0xFFFFFEF7, lr;
	s5 =	simm.s32 $0xFFFFFFFF;
	p2 =	slt.u32 s8, $0xFFFFF086  }
0x1c: {  	p1 =	slt.u32 s9, $0xF7A;
	s5 =	simm.s32 @!p2 $0x0  }
0x1d: {  	s5 =	simm.s32 @p1 $0x1;
	p0 =	seq.s32 s7, s2  }
0x1e: {  	s7 =	smul.u32 @!p0 $0xF7A, s2;
	p2 =	seq.s32 @!p0 s5, $0x0  }
0x1f: {  	s9 =	smul.u32 $0xF7A, s1;
	s8 =	simm.s32 @!p0 $0x1BF5;
	p2 =	por !p2, p0  }
0x20: {  	[sflag:s8] =	ssyncset.s32 @!p0 $0xFFFFF086;
	s6 =	sadd.s32 @!p0 s3, s7;
	s7 =	simm.s32 @!p0 $0x108  }
0x21: {  	s3 =	sadd.s32 s3, s9;
	s6 =	sadd.s32 @!p0 $0x88, s6;
	s7 =	simm.s32 @p2 $0x1082  }
0x22: {  	[simem:s7], [sflag:s8] =	dma.local @!p0 [hbm:s6], $0xF7A  }
0x23: {  	s9 =	sor.u32 $0xD0000000, s2;
	s6 =	simm.s32 $0x108;
	_ =	swait.ge @!p0 [sflag:s8], $0x0  }
0x24: {  	s3 =	sadd.s32 $0x88, s3;
	s6 =	simm.s32 @!p1 $0x1082;
	[sflag:s4] =	ssyncset.s32 $0xFFFFF086  }
0x25: {  	[simem:s6], [sflag:s4] =	dma.local [hbm:s3], $0xF7A  }
0x26: {  	[smem:$0x3F94] =	sst s1;
	(tag) =	ssettag s2;
	_ =	strace s9  }
0x27: {  	s1 =	sld [smem:$0x3FA4]  }
0x28: {  	s2 =	sld [smem:$0x3FA5]  }
0x29: {  	s4 =	sld [smem:$0x3FA7]  }
0x2a: {  	p0 =	seq.s32 s5, $0x0;
	s5 =	sld [smem:$0x3FA8]  }
0x2b: {  	s6 =	sld [smem:$0x3FA9]  }
0x2c: {  	s7 =	sld [smem:$0x3FAA]  }
0x2d: {  	s3 =	simm.s32 $0x108;
	s8 =	sld [smem:$0x3FAB]  }
0x2e: {  	s3 =	simm.s32 @!p0 $0x1082;
	s9 =	sld [smem:$0x3FAC]  }
0x2f: {  	lr =	sadd.s32 s0, s3;
	s0 =	sld [smem:$0x3FA3]  }
0x30: {  	s3 =	sld [smem:$0x3FA6]  }
0x31: {  	[smem:$0x3FAF] =	sst s10  }
0x32: {  	s10 =	sld [smem:$0x3FAD];
	_ =	sdelay $0x3  }
0x33: {  	p0 =	seq.s32 s10, $0x1;
	s10 =	sld [smem:$0x3FAF];
	_ =	sdelay $0x3  }
0x34: {  	[smem:$0x3FAF] =	sst s10  }
0x35: {  	s10 =	sld [smem:$0x3FAE];
	_ =	sdelay $0x3  }
0x36: {  	p1 =	seq.s32 s10, $0x1;
	s10 =	sld [smem:$0x3FAF];
	_ =	sdelay $0x3  }
0x37: {  	[smem:$0x3FAF] =	sst s10  }
0x38: {  	s10 =	sld [smem:$0x3FB0]  }
0x39: {  	_ = 	snop;
	(pc) =	sbr.ind lr, $3  }
0x3a: {  	_ = 	snop  }
0x3b: {  	_ = 	snop  }
0x3c: {  	p2 =	seq.s32 s10, $0x1;
	s10 =	sld [smem:$0x3FAF]  }
0x3d: {  	_ =	shalt  }
0x3e: {  	_ =	shalt  }
0x3f: {  	_ =	shalt  }
0x40: {  	_ =	shalt  }
0x41: {  	_ =	shalt  }
0x42: {  	_ =	shalt  }
0x43: {  	_ =	shalt  }
0x44: {  	_ =	shalt  }
0x45: {  	_ =	shalt  }
0x46: {  	_ =	shalt  }
0x47: {  	_ =	shalt  }
0x48: {  	_ =	shalt  }
0x49: {  	_ =	shalt  }
0x4a: {  	_ =	shalt  }
0x4b: {  	_ =	shalt  }
0x4c: {  	_ =	shalt  }
0x4d: {  	_ =	shalt  }
0x4e: {  	_ =	shalt  }
0x4f: {  	_ =	shalt  }
0x50: {  	_ =	shalt  }
0x51: {  	_ =	shalt  }
0x52: {  	_ =	shalt  }
0x53: {  	_ =	shalt  }
0x54: {  	_ =	shalt  }
0x55: {  	_ =	shalt  }
0x56: {  	_ =	shalt  }
0x57: {  	_ =	shalt  }
0x58: {  	_ =	shalt  }
0x59: {  	_ =	shalt  }
0x5a: {  	_ =	shalt  }
0x5b: {  	_ =	shalt  }
0x5c: {  	_ =	shalt  }
0x5d: {  	_ =	shalt  }
0x5e: {  	_ =	shalt  }
0x5f: {  	_ =	shalt  }
0x60: {  	_ =	shalt  }
0x61: {  	_ =	shalt  }
0x62: {  	_ =	shalt  }
0x63: {  	_ =	shalt  }
0x64: {  	_ =	shalt  }
0x65: {  	_ =	shalt  }
0x66: {  	_ =	shalt  }
0x67: {  	_ =	shalt  }
0x68: {  	_ =	shalt  }
0x69: {  	_ =	shalt  }
0x6a: {  	_ =	shalt  }
0x6b: {  	_ =	shalt  }
0x6c: {  	_ =	shalt  }
0x6d: {  	_ =	shalt  }
0x6e: {  	_ =	shalt  }
0x6f: {  	_ =	shalt  }
0x70: {  	_ =	shalt  }
0x71: {  	_ =	shalt  }
0x72: {  	_ =	shalt  }
0x73: {  	_ =	shalt  }
0x74: {  	_ =	shalt  }
0x75: {  	_ =	shalt  }
0x76: {  	_ =	shalt  }
0x77: {  	_ =	shalt  }
0x78: {  	_ =	shalt  }
0x79: {  	_ =	shalt  }
0x7a: {  	_ =	shalt  }
0x7b: {  	_ =	shalt  }
0x7c: {  	_ =	shalt  }
0x7d: {  	_ =	shalt  }
0x7e: {  	_ =	shalt  }
0x7f: {  	_ =	shalt  }
0x80: {  	_ =	shalt  }
0x81: {  	_ =	shalt  }
0x82: {  	_ =	shalt  }
0x83: {  	_ =	shalt  }
0x84: {  	_ =	shalt  }
0x85: {  	_ =	shalt  }
0x86: {  	_ =	shalt  }
0x87: {  	_ =	shalt  }
.Lfunc_end0:
.L_simem_size_0:
called_computation_lowered:
.L_overlay_start_0:
0x88: {  	s2 =	sld [smem:$0x3FD9]  }
0x89: {  	s3 =	sld [smem:$0x3FFE];
	_ =	sdelay $0x1  }
0x8a: {  	s1 =	srdreg.scid  }
0x8b: {  	s0 =	sand.u32 $0x1, s1  }
0x8c: {  	s16 =	sshll.u32 s0, $0xA;
	s2 =	sadd.s32 s3, s2  }
0x8d: {  	s2 =	sadd.s32 s2, s16  }
0x8e: {  	[smem:$0x3FBB] =	sst s2  }
0x8f: {  	_ = 	snop  }
0x90: {  	(tm) =	ssettm $0x1  }
0x91: {  	s17 =	sld [smem:$0x3FFB];
	_ =	sdelay $0x3  }
0x92: {  	_ =	strace s17  }
0x93: {  	s2 =	sld [smem:$0x3FFC];
	_ =	sdelay $0x3  }
0x94: {  	_ =	strace s2  }
0x95: {  	s2 =	sld [smem:$0x3FFD];
	_ =	sdelay $0x3  }
0x96: {  	_ =	strace s2  }
0x97: {  	_ =	strace $0x8FFFFFFF  }
0x98: {  	s18 =	sld [smem:$0x3FDB];
	_ =	sdelay $0x1  }
0x99: {  	s19 =	simm.s32 $_scs_section_size  }
0x9a: {  	s4 =	simm.s32 $_size__tile_overlayer_lowered;
	s5 =	simm.s32 $_tile_overlayer_lowered  }
0x9b: {  	s22 =	simm.s32 $0x1BFF;
	s21 =	sshll.u32 s5, $0x1;
	s2 =	sadd.s32 s19, s18  }
0x9c: {  	s6 =	simm.s32 $0x0;
	s20 =	sshll.u32 s4, $0x1;
	s4 =	sadd.s32 s21, s2  }
0x9d: {  	[timem:s6], [sflag:s22] =	dma.local [hbm:s4], s20  }
0x9e: {  	_ =	swait.ge [sflag:s22], s20  }
0x9f: {  	s3 =	ssub.s32 $0x0, s20;
	[sflag:s22] =	ssyncset.done $0x0  }
0xa0: {  	[sflag:s22] =	ssyncadd.s32 s3;
	_ =	sdelay $0x1  }
0xa1: {  	s23 =	simm.s32 $0x1B8B  }
0xa2: {  	_ =	swait.ge [sflag:s23], $0x1  }
0xa3: {  	[sflag:s23] =	ssyncset.done $0x0  }
0xa4: {  	s25 =	simm.s32 $0x1B8E;
	s24 =	sld [smem:$0x3FFE];
	[sflag:s23] =	ssyncadd.s32 $0xFFFFFFFF  }
0xa5: {  	s26 =	simm.s32 $execute0_lowered;
	[smem:$0x3FD2] =	sst s25  }
0xa6: {  	s4 =	sshll.u32 s26, $0x1;
	_ =	strace $0x80000046;
	[dreg:$0x1] =	wrdreg $0xFFFFFFFF  }
0xa7: {  	s28 =	simm.s32 $_size_execute0_lowered;
	s2 =	sadd.s32 s2, s4;
	[dreg:$0x0] =	wrdreg $0x0  }
0xa8: {  	s4 =	sshll.u32 s28, $0x1;
	[dreg:$0x2] =	wrdreg s2  }
0xa9: {  	[dreg:$0x3] =	wrdreg s4  }
0xaa: {  	[dreg:$0x4] =	wrdreg $0xC0  }
0xab: {  	_ =	task [dreg:s6], $0x5FFFF  }
0xac: {  	[dreg:$0x1] =	wrdreg $0xFFFFFFFF  }
0xad: {  	[dreg:$0x0] =	wrdreg $0x60  }
0xae: {  	[dreg:$0x2] =	wrdreg s24  }
0xaf: {  	[dreg:$0x3] =	wrdreg $0x0  }
0xb0: {  	[dreg:$0x4] =	wrdreg $0x9  }
0xb1: {  	_ =	task.clear_ibuf [dreg:s6], $0x5FFFF;
	_ =	strace $0x90000046  }
0xb2: {  	s29 =	simm.s32 $0x9;
	_ =	strace $0x80000048  }
0xb3: {  	_ =	swait.ge [sflag:s29], $0x1  }
0xb4: {  	[sflag:s29] =	ssyncadd.s32 $0xFFFFFFFF  }
0xb5: {  	_ =	strace $0x90000048  }
0xb6: {  	_ =	sfence  }
0xb7: {  	s30 =	sld [smem:$0x0];
	_ =	sdelay $0x2  }
0xb8: {  	s31 =	sshll.u32 s1, $0xD;
	s1 =	sshrl.u32 s1, $0x2  }
0xb9: {  	s3 =	sand.u32 $0x4000, s31;
	s1 =	sadd.s32 s1, s30  }
0xba: {  	s0 =	sor.u32 s3, s0;
	s1 =	sshll.u32 s1, $0x11  }
0xbb: {  	s0 =	sor.u32 s1, s0  }
0xbc: {  	s0 =	sadd.s32 $0x8F2B, s0  }
0xbd: {  	[sflag:s0] =	ssyncadd.remote.s32 $0x1  }
0xbe: {  	_ =	sfence.sel $0xFFFF  }
0xbf: {  	[dreg:$0x0] =	wrdreg $0xFFFFFFFF;
	(pc) =	sbr.abs _section_cstart, $3  }
0xc0: {  	[dreg:$0x1] =	wrdreg $0xFFFFFFFF  }
0xc1: {  	_ =	task.clear_ibuf [dreg:s6], $0x2FFFF;
	_ =	strace $0x9FFFFFFF  }
0xc2: {  	(tm) =	ssettm $0x7FFFFFFF  }
0xc3: {  	_ =	shalt  }
tec
execute0_lowered:
.L_overlay_start_1:
0x0: {  	(tag) =	ssettag $0x1  }
0x1: {  	s5 =	rddreg [dreg:$0x0]  }
0x2: {  	s2 =	rddreg [dreg:$0x1]  }
0x3: {  	s0 =	rddreg [dreg:$0x2]  }
0x4: {  	s3 =	simm.s32 $0x0;
	s1 =	stileid.u32;
	s4 =	srdreg.scid  }
0x5: {  	s15 =	simm.s32 $0x14000;
	s16 =	simm.s32 $0x1;
	s17 =	simm.s32 $0x19000  }
0x6: {  	s18 =	simm.s32 $0x80;
	[smem:$0x7FF] =	sst s3;
	s6 =	smul.u32 $0xA00, s1  }
0x7: {  	s7 =	sand.u32 $0x1, s4;
	s10 =	smul.u32 $0x50000, s1;
	s4 =	sadd.s32 $0x1F400, s5  }
0x8: {  	_ =	strace $0x80000047;
	s8 =	ssub.s32 $0x2, s7;
	p0 =	seq.s32 s7, $0x1  }
.Ltmp0:
0x9: {  	s9 =	sadd.s32 s6, s5;
	s30 =	sshrl.u32 s8, $0x1;
	(pc) =	sbr.rel .LBB2_1-.Ltmp0, $4  }
0xa: {  	s5 =	sadd.s32 $0x47400, s5;
	s31 =	sshrl.u32 s10, $0x2;
	s11 =	ssub.s32 s8, s30  }
0xb: {  	s6 =	sadd.s32 $0x15400, s9;
	s7 =	sadd.s32 s31, s2;
	s8 =	smul.u32 $0x2800, s1  }
0xc: {  	s9 =	sadd.s32 $0xB400, s9;
	s10 =	smax.u32 s11, $0x1;
	s11 =	sadd.s32 $0x4000, s7  }
0xd: {  	v0 =	vimm.f32 $0.0e+00;
	v1 =	vimm.f32 $1.000000000e+00;
	s12 =	sadd.s32 $0x8000, s7;
	s13 =	sadd.s32 $0xC000, s7;
	s14 =	sadd.s32 $0x10000, s7  }
.LBB2_15:
0xe: {  	[sflag:s16] =	ssyncset.done $0x0  }
0xf: {  	s19 =	smov.u32 s5;
	[sflag:s16] =	ssyncadd.s32 $0xFFFFC000  }
.LBB2_16:
0x10: {  	s19 =	sadd.s32 s19, s8;
	s3 =	sadd.s32 $0x1, s3  }
0x11: {  	s20 =	sshll.u32 s1, $0x6;
	[bflag:$0x0] =	sbarrier.arrive $0xFFFF;
	p1 =	sne.s32 s3, s10  }
.Ltmp1:
0x12: {  	s21 =	sshrl.u32 s7, $0x3;
	s20 =	sor.u32 $0x1C01, s20;
	(pc) =	sbr.rel @!p1 .LBB2_17-.Ltmp1, $4  }
0x13: {  	[hbm:s19], [sflag:s20] =	dma.local [spmem:s21], $0x2800  }
0x14: {  	_ =	swait.ge [sflag:s16], $0x2800  }
0x15: {  	[sflag:s16] =	ssyncset.done $0x0  }
0x16: {  	[sflag:s16] =	ssyncadd.s32 $0xFFFFD800  }
.LBB2_1:
.Ltmp2:
0x17: {  	(pc) =	sbr.rel @!p0 .LBB2_2-.Ltmp2, $2  }
0x18: {  	_ =	sdelay $0x2  }
0x19: {  	s19 =	simm.s32 $0x0  }
0x1a: {  	[tilespmem:s15], [sflag:$0x1] =	stream.linear.gather [hbm4b:s9+s19], $0x5000, $0x38;
	[tilespmem:$0x1D000] =	vst v63  }
0x1b: {  	_ =	swait.ge [sflag:s16], $0x5000  }
0x1c: {  	[sflag:s16] =	ssyncset.done $0x0  }
0x1d: {  	s19 =	simm.s32 $0x0;
	s20 =	simm.s32 $0x200;
	[sflag:s16] =	ssyncadd.s32 $0xFFFFB000  }
.LBB2_10:
0x1e: {  	p1 =	sne.s32 s20, $0xFE00;
	[tilespmem:s19+$0x19070] =	vst v0  }
0x1f: {  	[tilespmem:s19+$0x19000] =	vst v0  }
0x20: {  	[tilespmem:s19+$0x19010] =	vst v0  }
.Ltmp3:
0x21: {  	[tilespmem:s19+$0x19020] =	vst v0;
	(pc) =	sbr.rel @p1 .LBB2_10-.Ltmp3, $4  }
0x22: {  	[tilespmem:s19+$0x19030] =	vst v0  }
0x23: {  	[tilespmem:s19+$0x19040] =	vst v0  }
0x24: {  	[tilespmem:s19+$0x19050] =	vst v0  }
0x25: {  	[tilespmem:s19+$0x19060] =	vst v0;
	s19 =	sshra.s32 s20, $0x2;
	s20 =	sadd.s32 $0x200, s20  }
0x26: {  	[tilespmem:s19+$0x19070] =	vst v0  }
0x27: {  	[tilespmem:s19+$0x19000] =	vst v0  }
0x28: {  	[tilespmem:s19+$0x19010] =	vst v0  }
0x29: {  	[tilespmem:s19+$0x19020] =	vst v0  }
0x2a: {  	[tilespmem:s19+$0x19030] =	vst v0  }
0x2b: {  	[tilespmem:s19+$0x19040] =	vst v0  }
0x2c: {  	[tilespmem:s19+$0x19050] =	vst v0  }
0x2d: {  	[tilespmem:s19+$0x19060] =	vst v0  }
0x2e: {  	[spmem:s7] =	stream.linear.scatter [tilespmem:s17], [sflag:$0x1], $0x4000, $0x38;
	[tilespmem:$0x1D000] =	vst v63  }
0x2f: {  	_ =	swait.ge [sflag:s16], $0x4000  }
0x30: {  	[sflag:s16] =	ssyncset.done $0x0  }
0x31: {  	[sflag:s16] =	ssyncadd.s32 $0xFFFFC000  }
0x32: {  	[spmem:s11] =	stream.linear.scatter [tilespmem:s17], [sflag:$0x1], $0x4000, $0x38;
	[tilespmem:$0x1D000] =	vst v63  }
0x33: {  	_ =	swait.ge [sflag:s16], $0x4000  }
0x34: {  	[sflag:s16] =	ssyncset.done $0x0  }
0x35: {  	[sflag:s16] =	ssyncadd.s32 $0xFFFFC000  }
0x36: {  	[spmem:s12] =	stream.linear.scatter [tilespmem:s17], [sflag:$0x1], $0x4000, $0x38;
	[tilespmem:$0x1D000] =	vst v63  }
0x37: {  	_ =	swait.ge [sflag:s16], $0x4000  }
0x38: {  	[sflag:s16] =	ssyncset.done $0x0  }
0x39: {  	[sflag:s16] =	ssyncadd.s32 $0xFFFFC000  }
0x3a: {  	[spmem:s13] =	stream.linear.scatter [tilespmem:s17], [sflag:$0x1], $0x4000, $0x38;
	[tilespmem:$0x1D000] =	vst v63  }
0x3b: {  	_ =	swait.ge [sflag:s16], $0x4000  }
0x3c: {  	[sflag:s16] =	ssyncset.done $0x0  }
0x3d: {  	[sflag:s16] =	ssyncadd.s32 $0xFFFFC000  }
0x3e: {  	[spmem:s14] =	stream.linear.scatter [tilespmem:s17], [sflag:$0x1], $0x4000, $0x38;
	[tilespmem:$0x1D000] =	vst v63  }
0x3f: {  	_ =	swait.ge [sflag:s16], $0x4000  }
0x40: {  	[sflag:s16] =	ssyncset.done $0x0  }
0x41: {  	s19 =	simm.s32 $0x0;
	s20 =	simm.s32 $0x200;
	[sflag:s16] =	ssyncadd.s32 $0xFFFFC000  }
.LBB2_12:
0x42: {  	p1 =	sne.s32 s20, $0xFE00;
	[tilespmem:s19+$0x19070] =	vst v1  }
0x43: {  	[tilespmem:s19+$0x19000] =	vst v1  }
0x44: {  	[tilespmem:s19+$0x19010] =	vst v1  }
.Ltmp4:
0x45: {  	[tilespmem:s19+$0x19020] =	vst v1;
	(pc) =	sbr.rel @p1 .LBB2_12-.Ltmp4, $4  }
0x46: {  	[tilespmem:s19+$0x19030] =	vst v1  }
0x47: {  	[tilespmem:s19+$0x19040] =	vst v1  }
0x48: {  	[tilespmem:s19+$0x19050] =	vst v1  }
0x49: {  	[tilespmem:s19+$0x19060] =	vst v1;
	s19 =	sshra.s32 s20, $0x2;
	s20 =	sadd.s32 $0x200, s20  }
0x4a: {  	[tilespmem:s19+$0x19070] =	vst v1  }
0x4b: {  	[tilespmem:s19+$0x19000] =	vst v1  }
0x4c: {  	[tilespmem:s19+$0x19010] =	vst v1  }
0x4d: {  	[tilespmem:s19+$0x19020] =	vst v1  }
0x4e: {  	[tilespmem:s19+$0x19030] =	vst v1  }
0x4f: {  	[tilespmem:s19+$0x19040] =	vst v1  }
0x50: {  	[tilespmem:s19+$0x19050] =	vst v1  }
0x51: {  	[tilespmem:s19+$0x19060] =	vst v1  }
0x52: {  	s31 =	simm.s32 $0x14000;
	[bflag:$0x0] =	sbarrier.arrive $0xFFFF  }
0x53: {  	[spmem:s2] =	stream.indirect.scatter.add.f32 [tilespmem:s17], [sflag:$0x1], $0x80, s31, s18, $0xb8;
	[tilespmem:$0x1D000] =	vst v63  }
0x54: {  	s19 =	simm.s32 $0x200;
	_ =	swait.ge [sflag:s16], $0x4000  }
.LBB2_14:
0x55: {  	s20 =	sshra.s32 s19, $0x2;
	[sflag:s16] =	ssyncset.done $0x0;
	p1 =	sne.s32 s19, $0x13E00  }
.Ltmp5:
0x56: {  	s20 =	sadd.s32 $0x14000, s20;
	[sflag:s16] =	ssyncadd.s32 $0xFFFFC000;
	(pc) =	sbr.rel @p1 .LBB2_14-.Ltmp5, $3  }
0x57: {  	[spmem:s2] =	stream.indirect.scatter.add.f32 [tilespmem:s17], [sflag:$0x1], $0x80, s20, s18, $0xb8;
	[tilespmem:$0x1D000] =	vst v63  }
0x58: {  	s19 =	sadd.s32 $0x200, s19;
	_ =	sdelay $0x1  }
0x59: {  	_ =	swait.ge [sflag:s16], $0x4000  }
.Ltmp6:
0x5a: {  	_ = 	snop;
	(pc) =	sbr.rel .LBB2_15-.Ltmp6, $1  }
0x5b: {  	_ =	sdelay $0x3  }
.LBB2_2:
0x5c: {  	[tilespmem:s15], [sflag:$0x1] =	stream.linear.gather [hbm4b:s6+s19], $0x5000, $0x38;
	[tilespmem:$0x1D000] =	vst v63  }
0x5d: {  	_ =	swait.ge [sflag:s16], $0x5000  }
0x5e: {  	[sflag:s16] =	ssyncset.done $0x0  }
0x5f: {  	s19 =	simm.s32 $0x0;
	s20 =	simm.s32 $0x200;
	[sflag:s16] =	ssyncadd.s32 $0xFFFFB000  }
.LBB2_3:
0x60: {  	p1 =	sne.s32 s20, $0xFE00;
	[tilespmem:s19+$0x19070] =	vst v0  }
0x61: {  	[tilespmem:s19+$0x19000] =	vst v0  }
0x62: {  	[tilespmem:s19+$0x19010] =	vst v0  }
.Ltmp7:
0x63: {  	[tilespmem:s19+$0x19020] =	vst v0;
	(pc) =	sbr.rel @p1 .LBB2_3-.Ltmp7, $4  }
0x64: {  	[tilespmem:s19+$0x19030] =	vst v0  }
0x65: {  	[tilespmem:s19+$0x19040] =	vst v0  }
0x66: {  	[tilespmem:s19+$0x19050] =	vst v0  }
0x67: {  	[tilespmem:s19+$0x19060] =	vst v0;
	s19 =	sshra.s32 s20, $0x2;
	s20 =	sadd.s32 $0x200, s20  }
0x68: {  	[tilespmem:s19+$0x19070] =	vst v0  }
0x69: {  	[tilespmem:s19+$0x19000] =	vst v0  }
0x6a: {  	[tilespmem:s19+$0x19010] =	vst v0  }
0x6b: {  	[tilespmem:s19+$0x19020] =	vst v0  }
0x6c: {  	[tilespmem:s19+$0x19030] =	vst v0  }
0x6d: {  	[tilespmem:s19+$0x19040] =	vst v0  }
0x6e: {  	[tilespmem:s19+$0x19050] =	vst v0  }
0x6f: {  	[tilespmem:s19+$0x19060] =	vst v0  }
0x70: {  	[spmem:s7] =	stream.linear.scatter [tilespmem:s17], [sflag:$0x1], $0x4000, $0x38;
	[tilespmem:$0x1D000] =	vst v63  }
0x71: {  	_ =	swait.ge [sflag:s16], $0x4000  }
0x72: {  	[sflag:s16] =	ssyncset.done $0x0  }
0x73: {  	[sflag:s16] =	ssyncadd.s32 $0xFFFFC000  }
0x74: {  	[spmem:s11] =	stream.linear.scatter [tilespmem:s17], [sflag:$0x1], $0x4000, $0x38;
	[tilespmem:$0x1D000] =	vst v63  }
0x75: {  	_ =	swait.ge [sflag:s16], $0x4000  }
0x76: {  	[sflag:s16] =	ssyncset.done $0x0  }
0x77: {  	[sflag:s16] =	ssyncadd.s32 $0xFFFFC000  }
0x78: {  	[spmem:s12] =	stream.linear.scatter [tilespmem:s17], [sflag:$0x1], $0x4000, $0x38;
	[tilespmem:$0x1D000] =	vst v63  }
0x79: {  	_ =	swait.ge [sflag:s16], $0x4000  }
0x7a: {  	[sflag:s16] =	ssyncset.done $0x0  }
0x7b: {  	[sflag:s16] =	ssyncadd.s32 $0xFFFFC000  }
0x7c: {  	[spmem:s13] =	stream.linear.scatter [tilespmem:s17], [sflag:$0x1], $0x4000, $0x38;
	[tilespmem:$0x1D000] =	vst v63  }
0x7d: {  	_ =	swait.ge [sflag:s16], $0x4000  }
0x7e: {  	[sflag:s16] =	ssyncset.done $0x0  }
0x7f: {  	[sflag:s16] =	ssyncadd.s32 $0xFFFFC000  }
0x80: {  	[spmem:s14] =	stream.linear.scatter [tilespmem:s17], [sflag:$0x1], $0x4000, $0x38;
	[tilespmem:$0x1D000] =	vst v63  }
0x81: {  	_ =	swait.ge [sflag:s16], $0x4000  }
0x82: {  	[sflag:s16] =	ssyncset.done $0x0  }
0x83: {  	s19 =	simm.s32 $0x0;
	s20 =	simm.s32 $0x200;
	[sflag:s16] =	ssyncadd.s32 $0xFFFFC000  }
.LBB2_5:
0x84: {  	p1 =	sne.s32 s20, $0xFE00;
	[tilespmem:s19+$0x19070] =	vst v1  }
0x85: {  	[tilespmem:s19+$0x19000] =	vst v1  }
0x86: {  	[tilespmem:s19+$0x19010] =	vst v1  }
.Ltmp8:
0x87: {  	[tilespmem:s19+$0x19020] =	vst v1;
	(pc) =	sbr.rel @p1 .LBB2_5-.Ltmp8, $4  }
0x88: {  	[tilespmem:s19+$0x19030] =	vst v1  }
0x89: {  	[tilespmem:s19+$0x19040] =	vst v1  }
0x8a: {  	[tilespmem:s19+$0x19050] =	vst v1  }
0x8b: {  	[tilespmem:s19+$0x19060] =	vst v1;
	s19 =	sshra.s32 s20, $0x2;
	s20 =	sadd.s32 $0x200, s20  }
0x8c: {  	[tilespmem:s19+$0x19070] =	vst v1  }
0x8d: {  	[tilespmem:s19+$0x19000] =	vst v1  }
0x8e: {  	[tilespmem:s19+$0x19010] =	vst v1  }
0x8f: {  	[tilespmem:s19+$0x19020] =	vst v1  }
0x90: {  	[tilespmem:s19+$0x19030] =	vst v1  }
0x91: {  	[tilespmem:s19+$0x19040] =	vst v1  }
0x92: {  	[tilespmem:s19+$0x19050] =	vst v1  }
0x93: {  	[tilespmem:s19+$0x19060] =	vst v1  }
0x94: {  	s31 =	simm.s32 $0x14000;
	[bflag:$0x0] =	sbarrier.arrive $0xFFFF  }
0x95: {  	[spmem:s2] =	stream.indirect.scatter.add.f32 [tilespmem:s17], [sflag:$0x1], $0x80, s31, s18, $0xb8;
	[tilespmem:$0x1D000] =	vst v63  }
0x96: {  	s19 =	simm.s32 $0x200;
	_ =	swait.ge [sflag:s16], $0x4000  }
.LBB2_7:
0x97: {  	s20 =	sshra.s32 s19, $0x2;
	[sflag:s16] =	ssyncset.done $0x0;
	p1 =	seq.s32 s19, $0x13E00  }
.Ltmp9:
0x98: {  	s20 =	sadd.s32 $0x14000, s20;
	[sflag:s16] =	ssyncadd.s32 $0xFFFFC000;
	(pc) =	sbr.rel @!p1 .LBB2_7-.Ltmp9, $3  }
0x99: {  	[spmem:s2] =	stream.indirect.scatter.add.f32 [tilespmem:s17], [sflag:$0x1], $0x80, s20, s18, $0xb8;
	[tilespmem:$0x1D000] =	vst v63  }
0x9a: {  	s19 =	sadd.s32 $0x200, s19;
	_ =	sdelay $0x1  }
0x9b: {  	_ =	swait.ge [sflag:s16], $0x4000  }
.Ltmp10:
0x9c: {  	(pc) =	sbr.rel .LBB2_16-.Ltmp10, $3  }
0x9d: {  	_ =	sdelay $0x1  }
0x9e: {  	[sflag:s16] =	ssyncset.done $0x0  }
0x9f: {  	s19 =	smov.u32 s4;
	[sflag:s16] =	ssyncadd.s32 $0xFFFFC000  }
.LBB2_17:
0xa0: {  	_ =	sfence.sel $0x180000  }
0xa1: {  	[bflag:$0x0] =	sbarrier.arrive $0xFFFF  }
0xa2: {  	p0 =	sne.s32 s1, $0x0;
	_ =	strace $0x90000047  }
0xa3: {  	s0 =	sadd.s32 @!p0 $0x100000, s0;
	[bflag:$0x2] =	sbarrier.arrive $0xFFFF  }
0xa4: {  	[sflag:s0] =	ssyncadd.tile.s32 @!p0 $0x1;
	_ =	shalt  }
.Lfunc_end2:
_tile_overlayer_lowered:
.L_overlay_start_2:
0xa5: {  	(tag) =	ssettag $0x2  }
0xa6: {  	s0 =	rddreg [dreg:$0x0];
	s2 =	stileid.u32  }
0xa7: {  	s1 =	rddreg [dreg:$0x1];
	p0 =	sne.s32 s2, $0x0  }
0xa8: {  	s3 =	rddreg [dreg:$0x2];
	[bflag:$0x3] =	sbarrier.arrive $0xFFFF;
	s2 =	simm.s32 @!p0 $0x1C01  }
0xa9: {  	[timem:s3], [sflag:s2] =	dma.local @!p0 [hbm:s0], s1  }
0xaa: {  	s0 =	simm.s32 @!p0 $0x1  }
0xab: {  	_ =	swait.ge @!p0 [sflag:s0], s1  }
0xac: {  	s1 =	ssub.s32 @!p0 $0x0, s1;
	[sflag:s0] =	ssyncset.done @!p0 $0x0  }
0xad: {  	[sflag:s0] =	ssyncadd.s32 @!p0 s1  }
0xae: {  	[bflag:$0x3] =	sbarrier.arrive $0xFFFF  }
0xaf: {  	_ =	shalt  }

// kernel: kernel.22.cloned.1.call-start
scs
__scs_entry_jumppad:
0x0: {  	(pc) =	sbr.rel $0x88, $3  }
0x1: {  	(tag) =	ssettag $0x0;
	lr =	simm.s32 $0x1  }
0x2: {  	[smem:$0x3F94] =	sst lr;
	_ =	strace $0xD0000000  }
0x3: {  	_ = 	snop  }
0x4: {  	_ = 	snop  }
0x5: {  	_ = 	snop  }
0x6: {  	_ = 	snop  }
0x7: {  	_ = 	snop  }
__scs_overlays_trampoline_lowered:
0x8: {  	[smem:$0x3FA3] =	sst s0  }
0x9: {  	[smem:$0x3FA4] =	sst s1  }
0xa: {  	[smem:$0x3FA5] =	sst s2  }
0xb: {  	[smem:$0x3FA6] =	sst s3  }
0xc: {  	[smem:$0x3FA7] =	sst s4  }
0xd: {  	[smem:$0x3FA8] =	sst s5  }
0xe: {  	[smem:$0x3FA9] =	sst s6  }
0xf: {  	[smem:$0x3FAA] =	sst s7  }
0x10: {  	[smem:$0x3FAB] =	sst s8  }
0x11: {  	[smem:$0x3FAC] =	sst s9;
	s0 =	simm.s32 @!p0 $0x0  }
0x12: {  	s1 =	sld [smem:$0x3F92];
	s0 =	simm.s32 @p0 $0x1  }
0x13: {  	[smem:$0x3FAD] =	sst s0;
	s0 =	simm.s32 @!p1 $0x0  }
0x14: {  	s2 =	sld [smem:$0x3F91];
	s0 =	simm.s32 @p1 $0x1  }
0x15: {  	[smem:$0x3FAE] =	sst s0;
	s0 =	simm.s32 @!p2 $0x0  }
0x16: {  	s3 =	sld [smem:$0x3FDB];
	s0 =	simm.s32 @p2 $0x1  }
0x17: {  	s4 =	simm.s32 $0x1BF5;
	[smem:$0x3FB0] =	sst s0  }
0x18: {  	s0 =	sld [smem:$0x3F93];
	_ =	swait.ge [sflag:s4], $0x0  }
0x19: {  	s7 =	sld [smem:$0x3F94]  }
0x1a: {  	s8 =	sadd.s32 $0xFFFFE003, lr  }
0x1b: {  	s9 =	sadd.s32 $0xFFFFFEF7, lr;
	s5 =	simm.s32 $0xFFFFFFFF;
	p2 =	slt.u32 s8, $0xFFFFF086  }
0x1c: {  	p1 =	slt.u32 s9, $0xF7A;
	s5 =	simm.s32 @!p2 $0x0  }
0x1d: {  	s5 =	simm.s32 @p1 $0x1;
	p0 =	seq.s32 s7, s2  }
0x1e: {  	s7 =	smul.u32 @!p0 $0xF7A, s2;
	p2 =	seq.s32 @!p0 s5, $0x0  }
0x1f: {  	s9 =	smul.u32 $0xF7A, s1;
	s8 =	simm.s32 @!p0 $0x1BF5;
	p2 =	por !p2, p0  }
0x20: {  	[sflag:s8] =	ssyncset.s32 @!p0 $0xFFFFF086;
	s6 =	sadd.s32 @!p0 s3, s7;
	s7 =	simm.s32 @!p0 $0x108  }
0x21: {  	s3 =	sadd.s32 s3, s9;
	s6 =	sadd.s32 @!p0 $0x88, s6;
	s7 =	simm.s32 @p2 $0x1082  }
0x22: {  	[simem:s7], [sflag:s8] =	dma.local @!p0 [hbm:s6], $0xF7A  }
0x23: {  	s9 =	sor.u32 $0xD0000000, s2;
	s6 =	simm.s32 $0x108;
	_ =	swait.ge @!p0 [sflag:s8], $0x0  }
0x24: {  	s3 =	sadd.s32 $0x88, s3;
	s6 =	simm.s32 @!p1 $0x1082;
	[sflag:s4] =	ssyncset.s32 $0xFFFFF086  }
0x25: {  	[simem:s6], [sflag:s4] =	dma.local [hbm:s3], $0xF7A  }
0x26: {  	[smem:$0x3F94] =	sst s1;
	(tag) =	ssettag s2;
	_ =	strace s9  }
0x27: {  	s1 =	sld [smem:$0x3FA4]  }
0x28: {  	s2 =	sld [smem:$0x3FA5]  }
0x29: {  	s4 =	sld [smem:$0x3FA7]  }
0x2a: {  	p0 =	seq.s32 s5, $0x0;
	s5 =	sld [smem:$0x3FA8]  }
0x2b: {  	s6 =	sld [smem:$0x3FA9]  }
0x2c: {  	s7 =	sld [smem:$0x3FAA]  }
0x2d: {  	s3 =	simm.s32 $0x108;
	s8 =	sld [smem:$0x3FAB]  }
0x2e: {  	s3 =	simm.s32 @!p0 $0x1082;
	s9 =	sld [smem:$0x3FAC]  }
0x2f: {  	lr =	sadd.s32 s0, s3;
	s0 =	sld [smem:$0x3FA3]  }
0x30: {  	s3 =	sld [smem:$0x3FA6]  }
0x31: {  	[smem:$0x3FAF] =	sst s10  }
0x32: {  	s10 =	sld [smem:$0x3FAD];
	_ =	sdelay $0x3  }
0x33: {  	p0 =	seq.s32 s10, $0x1;
	s10 =	sld [smem:$0x3FAF];
	_ =	sdelay $0x3  }
0x34: {  	[smem:$0x3FAF] =	sst s10  }
0x35: {  	s10 =	sld [smem:$0x3FAE];
	_ =	sdelay $0x3  }
0x36: {  	p1 =	seq.s32 s10, $0x1;
	s10 =	sld [smem:$0x3FAF];
	_ =	sdelay $0x3  }
0x37: {  	[smem:$0x3FAF] =	sst s10  }
0x38: {  	s10 =	sld [smem:$0x3FB0]  }
0x39: {  	_ = 	snop;
	(pc) =	sbr.ind lr, $3  }
0x3a: {  	_ = 	snop  }
0x3b: {  	_ = 	snop  }
0x3c: {  	p2 =	seq.s32 s10, $0x1;
	s10 =	sld [smem:$0x3FAF]  }
0x3d: {  	_ =	shalt  }
0x3e: {  	_ =	shalt  }
0x3f: {  	_ =	shalt  }
0x40: {  	_ =	shalt  }
0x41: {  	_ =	shalt  }
0x42: {  	_ =	shalt  }
0x43: {  	_ =	shalt  }
0x44: {  	_ =	shalt  }
0x45: {  	_ =	shalt  }
0x46: {  	_ =	shalt  }
0x47: {  	_ =	shalt  }
0x48: {  	_ =	shalt  }
0x49: {  	_ =	shalt  }
0x4a: {  	_ =	shalt  }
0x4b: {  	_ =	shalt  }
0x4c: {  	_ =	shalt  }
0x4d: {  	_ =	shalt  }
0x4e: {  	_ =	shalt  }
0x4f: {  	_ =	shalt  }
0x50: {  	_ =	shalt  }
0x51: {  	_ =	shalt  }
0x52: {  	_ =	shalt  }
0x53: {  	_ =	shalt  }
0x54: {  	_ =	shalt  }
0x55: {  	_ =	shalt  }
0x56: {  	_ =	shalt  }
0x57: {  	_ =	shalt  }
0x58: {  	_ =	shalt  }
0x59: {  	_ =	shalt  }
0x5a: {  	_ =	shalt  }
0x5b: {  	_ =	shalt  }
0x5c: {  	_ =	shalt  }
0x5d: {  	_ =	shalt  }
0x5e: {  	_ =	shalt  }
0x5f: {  	_ =	shalt  }
0x60: {  	_ =	shalt  }
0x61: {  	_ =	shalt  }
0x62: {  	_ =	shalt  }
0x63: {  	_ =	shalt  }
0x64: {  	_ =	shalt  }
0x65: {  	_ =	shalt  }
0x66: {  	_ =	shalt  }
0x67: {  	_ =	shalt  }
0x68: {  	_ =	shalt  }
0x69: {  	_ =	shalt  }
0x6a: {  	_ =	shalt  }
0x6b: {  	_ =	shalt  }
0x6c: {  	_ =	shalt  }
0x6d: {  	_ =	shalt  }
0x6e: {  	_ =	shalt  }
0x6f: {  	_ =	shalt  }
0x70: {  	_ =	shalt  }
0x71: {  	_ =	shalt  }
0x72: {  	_ =	shalt  }
0x73: {  	_ =	shalt  }
0x74: {  	_ =	shalt  }
0x75: {  	_ =	shalt  }
0x76: {  	_ =	shalt  }
0x77: {  	_ =	shalt  }
0x78: {  	_ =	shalt  }
0x79: {  	_ =	shalt  }
0x7a: {  	_ =	shalt  }
0x7b: {  	_ =	shalt  }
0x7c: {  	_ =	shalt  }
0x7d: {  	_ =	shalt  }
0x7e: {  	_ =	shalt  }
0x7f: {  	_ =	shalt  }
0x80: {  	_ =	shalt  }
0x81: {  	_ =	shalt  }
0x82: {  	_ =	shalt  }
0x83: {  	_ =	shalt  }
0x84: {  	_ =	shalt  }
0x85: {  	_ =	shalt  }
0x86: {  	_ =	shalt  }
0x87: {  	_ =	shalt  }
.Lfunc_end0:
.L_simem_size_0:
called_computation.1_lowered:
.L_overlay_start_0:
0x88: {  	s2 =	sld [smem:$0x3FD9]  }
0x89: {  	s3 =	sld [smem:$0x3FFE];
	_ =	sdelay $0x1  }
0x8a: {  	s1 =	srdreg.scid  }
0x8b: {  	s0 =	sand.u32 $0x1, s1  }
0x8c: {  	s16 =	sshll.u32 s0, $0xA;
	s2 =	sadd.s32 s3, s2  }
0x8d: {  	s2 =	sadd.s32 s2, s16  }
0x8e: {  	[smem:$0x3FBB] =	sst s2  }
0x8f: {  	_ = 	snop  }
0x90: {  	(tm) =	ssettm $0x1  }
0x91: {  	s17 =	sld [smem:$0x3FFB];
	_ =	sdelay $0x3  }
0x92: {  	_ =	strace s17  }
0x93: {  	s2 =	sld [smem:$0x3FFC];
	_ =	sdelay $0x3  }
0x94: {  	_ =	strace s2  }
0x95: {  	s2 =	sld [smem:$0x3FFD];
	_ =	sdelay $0x3  }
0x96: {  	_ =	strace s2  }
0x97: {  	_ =	strace $0x8FFFFFFF  }
0x98: {  	s18 =	sld [smem:$0x3FDB];
	_ =	sdelay $0x1  }
0x99: {  	s19 =	simm.s32 $_scs_section_size  }
0x9a: {  	s4 =	simm.s32 $_size__tile_overlayer_lowered;
	s5 =	simm.s32 $_tile_overlayer_lowered  }
0x9b: {  	s22 =	simm.s32 $0x1BFF;
	s21 =	sshll.u32 s5, $0x1;
	s2 =	sadd.s32 s19, s18  }
0x9c: {  	s6 =	simm.s32 $0x0;
	s20 =	sshll.u32 s4, $0x1;
	s4 =	sadd.s32 s21, s2  }
0x9d: {  	[timem:s6], [sflag:s22] =	dma.local [hbm:s4], s20  }
0x9e: {  	_ =	swait.ge [sflag:s22], s20  }
0x9f: {  	s3 =	ssub.s32 $0x0, s20;
	[sflag:s22] =	ssyncset.done $0x0  }
0xa0: {  	[sflag:s22] =	ssyncadd.s32 s3;
	_ =	sdelay $0x1  }
0xa1: {  	s23 =	simm.s32 $0x1B8B  }
0xa2: {  	_ =	swait.ge [sflag:s23], $0x1  }
0xa3: {  	[sflag:s23] =	ssyncset.done $0x0  }
0xa4: {  	s25 =	simm.s32 $0x1B8E;
	s24 =	sld [smem:$0x3FFE];
	[sflag:s23] =	ssyncadd.s32 $0xFFFFFFFF  }
0xa5: {  	s26 =	simm.s32 $execute0_lowered;
	[smem:$0x3FD2] =	sst s25  }
0xa6: {  	s4 =	sshll.u32 s26, $0x1;
	_ =	strace $0x80000049;
	[dreg:$0x1] =	wrdreg $0xFFFFFFFF  }
0xa7: {  	s28 =	simm.s32 $_size_execute0_lowered;
	s2 =	sadd.s32 s2, s4;
	[dreg:$0x0] =	wrdreg $0x0  }
0xa8: {  	s4 =	sshll.u32 s28, $0x1;
	[dreg:$0x2] =	wrdreg s2  }
0xa9: {  	[dreg:$0x3] =	wrdreg s4  }
0xaa: {  	[dreg:$0x4] =	wrdreg $0xC0  }
0xab: {  	_ =	task [dreg:s6], $0x5FFFF  }
0xac: {  	[dreg:$0x1] =	wrdreg $0xFFFFFFFF  }
0xad: {  	[dreg:$0x0] =	wrdreg $0x60  }
0xae: {  	[dreg:$0x2] =	wrdreg s24  }
0xaf: {  	[dreg:$0x3] =	wrdreg $0x0  }
0xb0: {  	[dreg:$0x4] =	wrdreg $0x9  }
0xb1: {  	_ =	task.clear_ibuf [dreg:s6], $0x5FFFF;
	_ =	strace $0x90000049  }
0xb2: {  	s29 =	simm.s32 $0x9;
	_ =	strace $0x8000004B  }
0xb3: {  	_ =	swait.ge [sflag:s29], $0x1  }
0xb4: {  	[sflag:s29] =	ssyncadd.s32 $0xFFFFFFFF  }
0xb5: {  	_ =	strace $0x9000004B  }
0xb6: {  	_ =	sfence  }
0xb7: {  	s30 =	sld [smem:$0x0];
	_ =	sdelay $0x2  }
0xb8: {  	s31 =	sshll.u32 s1, $0xD;
	s1 =	sshrl.u32 s1, $0x2  }
0xb9: {  	s3 =	sand.u32 $0x4000, s31;
	s1 =	sadd.s32 s1, s30  }
0xba: {  	s0 =	sor.u32 s3, s0;
	s1 =	sshll.u32 s1, $0x11  }
0xbb: {  	s0 =	sor.u32 s1, s0  }
0xbc: {  	s0 =	sadd.s32 $0x8F2B, s0  }
0xbd: {  	[sflag:s0] =	ssyncadd.remote.s32 $0x1  }
0xbe: {  	_ =	sfence.sel $0xFFFF  }
0xbf: {  	[dreg:$0x0] =	wrdreg $0xFFFFFFFF;
	(pc) =	sbr.abs _section_cstart, $3  }
0xc0: {  	[dreg:$0x1] =	wrdreg $0xFFFFFFFF  }
0xc1: {  	_ =	task.clear_ibuf [dreg:s6], $0x2FFFF;
	_ =	strace $0x9FFFFFFF  }
0xc2: {  	(tm) =	ssettm $0x7FFFFFFF  }
0xc3: {  	_ =	shalt  }
tec
execute0_lowered:
.L_overlay_start_1:
0x0: {  	(tag) =	ssettag $0x1  }
0x1: {  	s9 =	rddreg [dreg:$0x0]  }
0x2: {  	s1 =	rddreg [dreg:$0x1]  }
0x3: {  	s0 =	rddreg [dreg:$0x2]  }
0x4: {  	s2 =	simm.s32 $0x0;
	s6 =	srdreg.scid;
	s3 =	stileid.u32  }
0x5: {  	s18 =	simm.s32 $0x16000;
	s19 =	simm.s32 $0x1;
	s20 =	simm.s32 $0x14000  }
0x6: {  	s21 =	simm.s32 $0x15000;
	s22 =	simm.s32 $0x80;
	s23 =	simm.s32 $0x0  }
0x7: {  	[smem:$0x7FF] =	sst s2;
	s4 =	sadd.s32 $0x97400, s9;
	s5 =	sadd.s32 $0xBF400, s9  }
0x8: {  	s10 =	sand.u32 $0x1, s6;
	s6 =	sadd.s32 $0x15400, s9;
	s12 =	smul.u32 $0x50000, s3  }
0x9: {  	s7 =	sadd.s32 $0xB400, s9;
	s8 =	sadd.s32 $0xE7400, s9;
	s9 =	sadd.s32 $0x10F400, s9  }
.Ltmp0:
0xa: {  	_ =	strace $0x8000004A;
	s11 =	ssub.s32 $0x2, s10;
	(pc) =	sbr.rel .LBB2_1-.Ltmp0, $4  }
0xb: {  	p0 =	seq.s32 s10, $0x1;
	s13 =	sshrl.u32 s11, $0x1;
	s31 =	sshrl.u32 s12, $0x2  }
0xc: {  	s12 =	smul.u32 $0x2800, s3;
	s13 =	ssub.s32 s11, s13;
	s10 =	sadd.s32 s31, s1  }
0xd: {  	s11 =	smul.u32 $0x5000, s3;
	s13 =	smax.u32 s13, $0x1;
	s14 =	sadd.s32 $0x4000, s10  }
0xe: {  	v0 =	vimm.f32 $0.0e+00;
	s15 =	sadd.s32 $0x8000, s10;
	s16 =	sadd.s32 $0xC000, s10;
	s17 =	sadd.s32 $0x10000, s10  }
.LBB2_14:
0xf: {  	s24 =	sadd.s32 s24, s12;
	s23 =	sadd.s32 $0x1, s23  }
0x10: {  	s25 =	sshll.u32 s3, $0x6;
	[bflag:$0x0] =	sbarrier.arrive $0xFFFF;
	p1 =	sne.s32 s23, s13  }
.Ltmp1:
0x11: {  	s26 =	sshrl.u32 s10, $0x3;
	s25 =	sor.u32 $0x1C01, s25;
	(pc) =	sbr.rel @!p1 .LBB2_15-.Ltmp1, $4  }
0x12: {  	[hbm:s24], [sflag:s25] =	dma.local [spmem:s26], $0x2800  }
0x13: {  	_ =	swait.ge [sflag:s19], $0x2800  }
0x14: {  	[sflag:s19] =	ssyncset.done $0x0  }
0x15: {  	[sflag:s19] =	ssyncadd.s32 $0xFFFFD800  }
.LBB2_1:
.Ltmp2:
0x16: {  	(pc) =	sbr.rel @!p0 .LBB2_2-.Ltmp2, $2  }
0x17: {  	_ =	sdelay $0x2  }
0x18: {  	s24 =	sshra.s32 s2, $0x2;
	s25 =	sadd.s32 $0x200, s2  }
.LBB2_8:
0x19: {  	p1 =	seq.s32 s25, $0xFE00;
	[tilespmem:s24+$0x16070] =	vst v0  }
0x1a: {  	[tilespmem:s24+$0x16000] =	vst v0  }
0x1b: {  	[tilespmem:s24+$0x16010] =	vst v0  }
.Ltmp3:
0x1c: {  	[tilespmem:s24+$0x16020] =	vst v0;
	(pc) =	sbr.rel @!p1 .LBB2_8-.Ltmp3, $4  }
0x1d: {  	[tilespmem:s24+$0x16030] =	vst v0  }
0x1e: {  	[tilespmem:s24+$0x16040] =	vst v0  }
0x1f: {  	[tilespmem:s24+$0x16050] =	vst v0  }
0x20: {  	[tilespmem:s24+$0x16060] =	vst v0;
	s24 =	sshra.s32 s25, $0x2;
	s25 =	sadd.s32 $0x200, s25  }
0x21: {  	[tilespmem:s24+$0x16070] =	vst v0  }
0x22: {  	[tilespmem:s24+$0x16000] =	vst v0  }
0x23: {  	[tilespmem:s24+$0x16010] =	vst v0  }
0x24: {  	[tilespmem:s24+$0x16020] =	vst v0  }
0x25: {  	[tilespmem:s24+$0x16030] =	vst v0  }
0x26: {  	[tilespmem:s24+$0x16040] =	vst v0  }
0x27: {  	[tilespmem:s24+$0x16050] =	vst v0  }
0x28: {  	[tilespmem:s24+$0x16060] =	vst v0  }
0x29: {  	[spmem:s10] =	stream.linear.scatter [tilespmem:s18], [sflag:$0x1], $0x4000, $0x38;
	[tilespmem:$0x1E000] =	vst v63  }
0x2a: {  	_ =	swait.ge [sflag:s19], $0x4000  }
0x2b: {  	[sflag:s19] =	ssyncset.done $0x0  }
0x2c: {  	[sflag:s19] =	ssyncadd.s32 $0xFFFFC000  }
0x2d: {  	[spmem:s14] =	stream.linear.scatter [tilespmem:s18], [sflag:$0x1], $0x4000, $0x38;
	[tilespmem:$0x1E000] =	vst v63  }
0x2e: {  	_ =	swait.ge [sflag:s19], $0x4000  }
0x2f: {  	[sflag:s19] =	ssyncset.done $0x0  }
0x30: {  	[sflag:s19] =	ssyncadd.s32 $0xFFFFC000  }
0x31: {  	[spmem:s15] =	stream.linear.scatter [tilespmem:s18], [sflag:$0x1], $0x4000, $0x38;
	[tilespmem:$0x1E000] =	vst v63  }
0x32: {  	_ =	swait.ge [sflag:s19], $0x4000  }
0x33: {  	[sflag:s19] =	ssyncset.done $0x0  }
0x34: {  	[sflag:s19] =	ssyncadd.s32 $0xFFFFC000  }
0x35: {  	[spmem:s16] =	stream.linear.scatter [tilespmem:s18], [sflag:$0x1], $0x4000, $0x38;
	[tilespmem:$0x1E000] =	vst v63  }
0x36: {  	_ =	swait.ge [sflag:s19], $0x4000  }
0x37: {  	[sflag:s19] =	ssyncset.done $0x0  }
0x38: {  	[sflag:s19] =	ssyncadd.s32 $0xFFFFC000  }
0x39: {  	[spmem:s17] =	stream.linear.scatter [tilespmem:s18], [sflag:$0x1], $0x4000, $0x38;
	[tilespmem:$0x1E000] =	vst v63  }
0x3a: {  	_ =	swait.ge [sflag:s19], $0x4000  }
0x3b: {  	[sflag:s19] =	ssyncset.done $0x0  }
0x3c: {  	[sflag:s19] =	ssyncadd.s32 $0xFFFFC000  }
0x3d: {  	s24 =	simm.s32 $0x0;
	s25 =	simm.s32 $0x0;
	[bflag:$0x0] =	sbarrier.arrive $0xFFFF  }
.LBB2_10:
0x3e: {  	s26 =	sshll.u32 s25, $0xC  }
0x3f: {  	s26 =	sadd.s32 s11, s26  }
0x40: {  	s26 =	sshrl.u32 s26, $0x3  }
0x41: {  	s28 =	sadd.s32 s7, s26  }
0x42: {  	[tilespmem:s20], [sflag:$0x1] =	stream.linear.gather [hbm4b:s28+s24], $0x1000, $0x38;
	[tilespmem:$0x1E000] =	vst v63  }
0x43: {  	_ =	swait.ge [sflag:s19], $0x1000  }
0x44: {  	[sflag:s19] =	ssyncset.done $0x0  }
0x45: {  	s26 =	sadd.s32 s6, s26;
	[sflag:s19] =	ssyncadd.s32 $0xFFFFF000  }
0x46: {  	[tilespmem:s21], [sflag:$0x1] =	stream.linear.gather [hbm4b:s26+s24], $0x1000, $0x38;
	[tilespmem:$0x1E000] =	vst v63  }
0x47: {  	_ =	swait.ge [sflag:s19], $0x1000  }
0x48: {  	[sflag:s19] =	ssyncset.done $0x0  }
0x49: {  	s30 =	simm.s32 $0x14000;
	[sflag:s19] =	ssyncadd.s32 $0xFFFFF000  }
0x4a: {  	[tilespmem:s18], [sflag:$0x1] =	stream.indirect.gather [hbm4b:s5+s22], $0x80, s30, s22, $0xb8;
	[tilespmem:$0x1E000] =	vst v63  }
0x4b: {  	_ =	swait.ge [sflag:s19], $0x4000  }
0x4c: {  	[sflag:s19] =	ssyncset.done $0x0  }
0x4d: {  	s31 =	simm.s32 $0x15000;
	[sflag:s19] =	ssyncadd.s32 $0xFFFFC000  }
0x4e: {  	[spmem:s1] =	stream.indirect.scatter.add.f32 [tilespmem:s18], [sflag:$0x1], $0x80, s31, s22, $0xb8;
	[tilespmem:$0x1E000] =	vst v63  }
0x4f: {  	_ =	swait.ge [sflag:s19], $0x4000  }
0x50: {  	s28 =	simm.s32 $0x400;
	s26 =	simm.s32 $0x80;
	[sflag:s19] =	ssyncset.done $0x0  }
.LBB2_11:
0x51: {  	s29 =	sadd.s32 $0x14000, s26  }
0x52: {  	[sflag:s19] =	ssyncadd.s32 $0xFFFFC000;
	s30 =	smov.u32 s28;
	s31 =	sadd.s32 $0x200, s28  }
0x53: {  	[tilespmem:s18], [sflag:$0x1] =	stream.indirect.gather [hbm4b:s5+s22], $0x80, s29, s22, $0xb8;
	[tilespmem:$0x1E000] =	vst v63  }
0x54: {  	p1 =	sne.s32 s28, $0x3E00;
	_ =	swait.ge [sflag:s19], $0x4000  }
.Ltmp4:
0x55: {  	[sflag:s19] =	ssyncset.done $0x0;
	(pc) =	sbr.rel @p1 .LBB2_11-.Ltmp4, $4  }
0x56: {  	s26 =	sadd.s32 $0x15000, s26;
	[sflag:s19] =	ssyncadd.s32 $0xFFFFC000  }
0x57: {  	[spmem:s1] =	stream.indirect.scatter.add.f32 [tilespmem:s18], [sflag:$0x1], $0x80, s26, s22, $0xb8;
	[tilespmem:$0x1E000] =	vst v63  }
0x58: {  	_ =	swait.ge [sflag:s19], $0x4000  }
0x59: {  	s28 =	smov.u32 s31;
	s26 =	sshra.s32 s30, $0x2;
	[sflag:s19] =	ssyncset.done $0x0  }
0x5a: {  	s28 =	sadd.s32 $0x14000, s26;
	[sflag:s19] =	ssyncadd.s32 $0xFFFFC000  }
0x5b: {  	[tilespmem:s18], [sflag:$0x1] =	stream.indirect.gather [hbm4b:s5+s22], $0x80, s28, s22, $0xb8;
	[tilespmem:$0x1E000] =	vst v63  }
0x5c: {  	s25 =	sadd.s32 $0x1, s25;
	_ =	swait.ge [sflag:s19], $0x4000  }
0x5d: {  	p1 =	sne.s32 s25, $0x5;
	[sflag:s19] =	ssyncset.done $0x0  }
.Ltmp5:
0x5e: {  	s31 =	sadd.s32 $0x15000, s26;
	[sflag:s19] =	ssyncadd.s32 $0xFFFFC000;
	(pc) =	sbr.rel @p1 .LBB2_10-.Ltmp5, $4  }
0x5f: {  	[spmem:s1] =	stream.indirect.scatter.add.f32 [tilespmem:s18], [sflag:$0x1], $0x80, s31, s22, $0xb8;
	[tilespmem:$0x1E000] =	vst v63  }
0x60: {  	_ =	swait.ge [sflag:s19], $0x4000  }
0x61: {  	[sflag:s19] =	ssyncset.done $0x0  }
0x62: {  	[sflag:s19] =	ssyncadd.s32 $0xFFFFC000  }
.Ltmp6:
0x63: {  	(pc) =	sbr.rel .LBB2_14-.Ltmp6, $2  }
0x64: {  	_ =	sdelay $0x2  }
0x65: {  	s24 =	smov.u32 s9  }
.LBB2_2:
0x66: {  	p1 =	seq.s32 s25, $0xFE00;
	[tilespmem:s24+$0x16070] =	vst v0  }
0x67: {  	[tilespmem:s24+$0x16000] =	vst v0  }
0x68: {  	[tilespmem:s24+$0x16010] =	vst v0  }
.Ltmp7:
0x69: {  	[tilespmem:s24+$0x16020] =	vst v0;
	(pc) =	sbr.rel @!p1 .LBB2_2-.Ltmp7, $4  }
0x6a: {  	[tilespmem:s24+$0x16030] =	vst v0  }
0x6b: {  	[tilespmem:s24+$0x16040] =	vst v0  }
0x6c: {  	[tilespmem:s24+$0x16050] =	vst v0  }
0x6d: {  	[tilespmem:s24+$0x16060] =	vst v0;
	s24 =	sshra.s32 s25, $0x2;
	s25 =	sadd.s32 $0x200, s25  }
0x6e: {  	[tilespmem:s24+$0x16070] =	vst v0  }
0x6f: {  	[tilespmem:s24+$0x16000] =	vst v0  }
0x70: {  	[tilespmem:s24+$0x16010] =	vst v0  }
0x71: {  	[tilespmem:s24+$0x16020] =	vst v0  }
0x72: {  	[tilespmem:s24+$0x16030] =	vst v0  }
0x73: {  	[tilespmem:s24+$0x16040] =	vst v0  }
0x74: {  	[tilespmem:s24+$0x16050] =	vst v0  }
0x75: {  	[tilespmem:s24+$0x16060] =	vst v0  }
0x76: {  	[spmem:s10] =	stream.linear.scatter [tilespmem:s18], [sflag:$0x1], $0x4000, $0x38;
	[tilespmem:$0x1E000] =	vst v63  }
0x77: {  	_ =	swait.ge [sflag:s19], $0x4000  }
0x78: {  	[sflag:s19] =	ssyncset.done $0x0  }
0x79: {  	[sflag:s19] =	ssyncadd.s32 $0xFFFFC000  }
0x7a: {  	[spmem:s14] =	stream.linear.scatter [tilespmem:s18], [sflag:$0x1], $0x4000, $0x38;
	[tilespmem:$0x1E000] =	vst v63  }
0x7b: {  	_ =	swait.ge [sflag:s19], $0x4000  }
0x7c: {  	[sflag:s19] =	ssyncset.done $0x0  }
0x7d: {  	[sflag:s19] =	ssyncadd.s32 $0xFFFFC000  }
0x7e: {  	[spmem:s15] =	stream.linear.scatter [tilespmem:s18], [sflag:$0x1], $0x4000, $0x38;
	[tilespmem:$0x1E000] =	vst v63  }
0x7f: {  	_ =	swait.ge [sflag:s19], $0x4000  }
0x80: {  	[sflag:s19] =	ssyncset.done $0x0  }
0x81: {  	[sflag:s19] =	ssyncadd.s32 $0xFFFFC000  }
0x82: {  	[spmem:s16] =	stream.linear.scatter [tilespmem:s18], [sflag:$0x1], $0x4000, $0x38;
	[tilespmem:$0x1E000] =	vst v63  }
0x83: {  	_ =	swait.ge [sflag:s19], $0x4000  }
0x84: {  	[sflag:s19] =	ssyncset.done $0x0  }
0x85: {  	[sflag:s19] =	ssyncadd.s32 $0xFFFFC000  }
0x86: {  	[spmem:s17] =	stream.linear.scatter [tilespmem:s18], [sflag:$0x1], $0x4000, $0x38;
	[tilespmem:$0x1E000] =	vst v63  }
0x87: {  	_ =	swait.ge [sflag:s19], $0x4000  }
0x88: {  	[sflag:s19] =	ssyncset.done $0x0  }
0x89: {  	[sflag:s19] =	ssyncadd.s32 $0xFFFFC000  }
0x8a: {  	s24 =	simm.s32 $0x0;
	s25 =	simm.s32 $0x0;
	[bflag:$0x0] =	sbarrier.arrive $0xFFFF  }
.LBB2_4:
0x8b: {  	s26 =	sshll.u32 s25, $0xC  }
0x8c: {  	s26 =	sadd.s32 s11, s26  }
0x8d: {  	s26 =	sshrl.u32 s26, $0x3  }
0x8e: {  	s28 =	sadd.s32 s6, s26  }
0x8f: {  	[tilespmem:s20], [sflag:$0x1] =	stream.linear.gather [hbm4b:s28+s24], $0x1000, $0x38;
	[tilespmem:$0x1E000] =	vst v63  }
0x90: {  	_ =	swait.ge [sflag:s19], $0x1000  }
0x91: {  	[sflag:s19] =	ssyncset.done $0x0  }
0x92: {  	s26 =	sadd.s32 s7, s26;
	[sflag:s19] =	ssyncadd.s32 $0xFFFFF000  }
0x93: {  	[tilespmem:s21], [sflag:$0x1] =	stream.linear.gather [hbm4b:s26+s24], $0x1000, $0x38;
	[tilespmem:$0x1E000] =	vst v63  }
0x94: {  	_ =	swait.ge [sflag:s19], $0x1000  }
0x95: {  	[sflag:s19] =	ssyncset.done $0x0  }
0x96: {  	s30 =	simm.s32 $0x14000;
	[sflag:s19] =	ssyncadd.s32 $0xFFFFF000  }
0x97: {  	[tilespmem:s18], [sflag:$0x1] =	stream.indirect.gather [hbm4b:s4+s22], $0x80, s30, s22, $0xb8;
	[tilespmem:$0x1E000] =	vst v63  }
0x98: {  	_ =	swait.ge [sflag:s19], $0x4000  }
0x99: {  	[sflag:s19] =	ssyncset.done $0x0  }
0x9a: {  	s31 =	simm.s32 $0x15000;
	[sflag:s19] =	ssyncadd.s32 $0xFFFFC000  }
0x9b: {  	[spmem:s1] =	stream.indirect.scatter.add.f32 [tilespmem:s18], [sflag:$0x1], $0x80, s31, s22, $0xb8;
	[tilespmem:$0x1E000] =	vst v63  }
0x9c: {  	_ =	swait.ge [sflag:s19], $0x4000  }
0x9d: {  	s28 =	simm.s32 $0x400;
	s26 =	simm.s32 $0x80;
	[sflag:s19] =	ssyncset.done $0x0  }
.LBB2_5:
0x9e: {  	s29 =	sadd.s32 $0x14000, s26  }
0x9f: {  	[sflag:s19] =	ssyncadd.s32 $0xFFFFC000;
	s30 =	smov.u32 s28;
	s31 =	sadd.s32 $0x200, s28  }
0xa0: {  	[tilespmem:s18], [sflag:$0x1] =	stream.indirect.gather [hbm4b:s4+s22], $0x80, s29, s22, $0xb8;
	[tilespmem:$0x1E000] =	vst v63  }
0xa1: {  	p1 =	sne.s32 s28, $0x3E00;
	_ =	swait.ge [sflag:s19], $0x4000  }
.Ltmp8:
0xa2: {  	[sflag:s19] =	ssyncset.done $0x0;
	(pc) =	sbr.rel @p1 .LBB2_5-.Ltmp8, $4  }
0xa3: {  	s26 =	sadd.s32 $0x15000, s26;
	[sflag:s19] =	ssyncadd.s32 $0xFFFFC000  }
0xa4: {  	[spmem:s1] =	stream.indirect.scatter.add.f32 [tilespmem:s18], [sflag:$0x1], $0x80, s26, s22, $0xb8;
	[tilespmem:$0x1E000] =	vst v63  }
0xa5: {  	_ =	swait.ge [sflag:s19], $0x4000  }
0xa6: {  	s28 =	smov.u32 s31;
	s26 =	sshra.s32 s30, $0x2;
	[sflag:s19] =	ssyncset.done $0x0  }
0xa7: {  	s28 =	sadd.s32 $0x14000, s26;
	[sflag:s19] =	ssyncadd.s32 $0xFFFFC000  }
0xa8: {  	[tilespmem:s18], [sflag:$0x1] =	stream.indirect.gather [hbm4b:s4+s22], $0x80, s28, s22, $0xb8;
	[tilespmem:$0x1E000] =	vst v63  }
0xa9: {  	s25 =	sadd.s32 $0x1, s25;
	_ =	swait.ge [sflag:s19], $0x4000  }
0xaa: {  	p1 =	seq.s32 s25, $0x5;
	[sflag:s19] =	ssyncset.done $0x0  }
.Ltmp9:
0xab: {  	s31 =	sadd.s32 $0x15000, s26;
	[sflag:s19] =	ssyncadd.s32 $0xFFFFC000;
	(pc) =	sbr.rel @!p1 .LBB2_4-.Ltmp9, $4  }
0xac: {  	[spmem:s1] =	stream.indirect.scatter.add.f32 [tilespmem:s18], [sflag:$0x1], $0x80, s31, s22, $0xb8;
	[tilespmem:$0x1E000] =	vst v63  }
0xad: {  	_ =	swait.ge [sflag:s19], $0x4000  }
0xae: {  	[sflag:s19] =	ssyncset.done $0x0  }
0xaf: {  	[sflag:s19] =	ssyncadd.s32 $0xFFFFC000  }
.Ltmp10:
0xb0: {  	(pc) =	sbr.rel .LBB2_14-.Ltmp10, $2  }
0xb1: {  	_ =	sdelay $0x2  }
0xb2: {  	s24 =	smov.u32 s8  }
.LBB2_15:
0xb3: {  	_ =	sfence.sel $0x180000  }
0xb4: {  	[bflag:$0x0] =	sbarrier.arrive $0xFFFF  }
0xb5: {  	p0 =	sne.s32 s3, $0x0;
	_ =	strace $0x9000004A  }
0xb6: {  	s0 =	sadd.s32 @!p0 $0x100000, s0;
	[bflag:$0x2] =	sbarrier.arrive $0xFFFF  }
0xb7: {  	[sflag:s0] =	ssyncadd.tile.s32 @!p0 $0x1;
	_ =	shalt  }
.Lfunc_end2:
_tile_overlayer_lowered:
.L_overlay_start_2:
0xb8: {  	(tag) =	ssettag $0x2  }
0xb9: {  	s0 =	rddreg [dreg:$0x0];
	s2 =	stileid.u32  }
0xba: {  	s1 =	rddreg [dreg:$0x1];
	p0 =	sne.s32 s2, $0x0  }
0xbb: {  	s3 =	rddreg [dreg:$0x2];
	[bflag:$0x3] =	sbarrier.arrive $0xFFFF;
	s2 =	simm.s32 @!p0 $0x1C01  }
0xbc: {  	[timem:s3], [sflag:s2] =	dma.local @!p0 [hbm:s0], s1  }
0xbd: {  	s0 =	simm.s32 @!p0 $0x1  }
0xbe: {  	_ =	swait.ge @!p0 [sflag:s0], s1  }
0xbf: {  	s1 =	ssub.s32 @!p0 $0x0, s1;
	[sflag:s0] =	ssyncset.done @!p0 $0x0  }
0xc0: {  	[sflag:s0] =	ssyncadd.s32 @!p0 s1  }
0xc1: {  	[bflag:$0x3] =	sbarrier.arrive $0xFFFF  }
0xc2: {  	_ =	shalt  }

// kernel: kernel.25.cloned.1.call-start
scs
__scs_entry_jumppad:
0x0: {  	(pc) =	sbr.rel $0x88, $3  }
0x1: {  	(tag) =	ssettag $0x0;
	lr =	simm.s32 $0x1  }
0x2: {  	[smem:$0x3F94] =	sst lr;
	_ =	strace $0xD0000000  }
0x3: {  	_ = 	snop  }
0x4: {  	_ = 	snop  }
0x5: {  	_ = 	snop  }
0x6: {  	_ = 	snop  }
0x7: {  	_ = 	snop  }
__scs_overlays_trampoline_lowered:
0x8: {  	[smem:$0x3FA3] =	sst s0  }
0x9: {  	[smem:$0x3FA4] =	sst s1  }
0xa: {  	[smem:$0x3FA5] =	sst s2  }
0xb: {  	[smem:$0x3FA6] =	sst s3  }
0xc: {  	[smem:$0x3FA7] =	sst s4  }
0xd: {  	[smem:$0x3FA8] =	sst s5  }
0xe: {  	[smem:$0x3FA9] =	sst s6  }
0xf: {  	[smem:$0x3FAA] =	sst s7  }
0x10: {  	[smem:$0x3FAB] =	sst s8  }
0x11: {  	[smem:$0x3FAC] =	sst s9;
	s0 =	simm.s32 @!p0 $0x0  }
0x12: {  	s1 =	sld [smem:$0x3F92];
	s0 =	simm.s32 @p0 $0x1  }
0x13: {  	[smem:$0x3FAD] =	sst s0;
	s0 =	simm.s32 @!p1 $0x0  }
0x14: {  	s2 =	sld [smem:$0x3F91];
	s0 =	simm.s32 @p1 $0x1  }
0x15: {  	[smem:$0x3FAE] =	sst s0;
	s0 =	simm.s32 @!p2 $0x0  }
0x16: {  	s3 =	sld [smem:$0x3FDB];
	s0 =	simm.s32 @p2 $0x1  }
0x17: {  	s4 =	simm.s32 $0x1BF5;
	[smem:$0x3FB0] =	sst s0  }
0x18: {  	s0 =	sld [smem:$0x3F93];
	_ =	swait.ge [sflag:s4], $0x0  }
0x19: {  	s7 =	sld [smem:$0x3F94]  }
0x1a: {  	s8 =	sadd.s32 $0xFFFFE003, lr  }
0x1b: {  	s9 =	sadd.s32 $0xFFFFFEF7, lr;
	s5 =	simm.s32 $0xFFFFFFFF;
	p2 =	slt.u32 s8, $0xFFFFF086  }
0x1c: {  	p1 =	slt.u32 s9, $0xF7A;
	s5 =	simm.s32 @!p2 $0x0  }
0x1d: {  	s5 =	simm.s32 @p1 $0x1;
	p0 =	seq.s32 s7, s2  }
0x1e: {  	s7 =	smul.u32 @!p0 $0xF7A, s2;
	p2 =	seq.s32 @!p0 s5, $0x0  }
0x1f: {  	s9 =	smul.u32 $0xF7A, s1;
	s8 =	simm.s32 @!p0 $0x1BF5;
	p2 =	por !p2, p0  }
0x20: {  	[sflag:s8] =	ssyncset.s32 @!p0 $0xFFFFF086;
	s6 =	sadd.s32 @!p0 s3, s7;
	s7 =	simm.s32 @!p0 $0x108  }
0x21: {  	s3 =	sadd.s32 s3, s9;
	s6 =	sadd.s32 @!p0 $0x88, s6;
	s7 =	simm.s32 @p2 $0x1082  }
0x22: {  	[simem:s7], [sflag:s8] =	dma.local @!p0 [hbm:s6], $0xF7A  }
0x23: {  	s9 =	sor.u32 $0xD0000000, s2;
	s6 =	simm.s32 $0x108;
	_ =	swait.ge @!p0 [sflag:s8], $0x0  }
0x24: {  	s3 =	sadd.s32 $0x88, s3;
	s6 =	simm.s32 @!p1 $0x1082;
	[sflag:s4] =	ssyncset.s32 $0xFFFFF086  }
0x25: {  	[simem:s6], [sflag:s4] =	dma.local [hbm:s3], $0xF7A  }
0x26: {  	[smem:$0x3F94] =	sst s1;
	(tag) =	ssettag s2;
	_ =	strace s9  }
0x27: {  	s1 =	sld [smem:$0x3FA4]  }
0x28: {  	s2 =	sld [smem:$0x3FA5]  }
0x29: {  	s4 =	sld [smem:$0x3FA7]  }
0x2a: {  	p0 =	seq.s32 s5, $0x0;
	s5 =	sld [smem:$0x3FA8]  }
0x2b: {  	s6 =	sld [smem:$0x3FA9]  }
0x2c: {  	s7 =	sld [smem:$0x3FAA]  }
0x2d: {  	s3 =	simm.s32 $0x108;
	s8 =	sld [smem:$0x3FAB]  }
0x2e: {  	s3 =	simm.s32 @!p0 $0x1082;
	s9 =	sld [smem:$0x3FAC]  }
0x2f: {  	lr =	sadd.s32 s0, s3;
	s0 =	sld [smem:$0x3FA3]  }
0x30: {  	s3 =	sld [smem:$0x3FA6]  }
0x31: {  	[smem:$0x3FAF] =	sst s10  }
0x32: {  	s10 =	sld [smem:$0x3FAD];
	_ =	sdelay $0x3  }
0x33: {  	p0 =	seq.s32 s10, $0x1;
	s10 =	sld [smem:$0x3FAF];
	_ =	sdelay $0x3  }
0x34: {  	[smem:$0x3FAF] =	sst s10  }
0x35: {  	s10 =	sld [smem:$0x3FAE];
	_ =	sdelay $0x3  }
0x36: {  	p1 =	seq.s32 s10, $0x1;
	s10 =	sld [smem:$0x3FAF];
	_ =	sdelay $0x3  }
0x37: {  	[smem:$0x3FAF] =	sst s10  }
0x38: {  	s10 =	sld [smem:$0x3FB0]  }
0x39: {  	_ = 	snop;
	(pc) =	sbr.ind lr, $3  }
0x3a: {  	_ = 	snop  }
0x3b: {  	_ = 	snop  }
0x3c: {  	p2 =	seq.s32 s10, $0x1;
	s10 =	sld [smem:$0x3FAF]  }
0x3d: {  	_ =	shalt  }
0x3e: {  	_ =	shalt  }
0x3f: {  	_ =	shalt  }
0x40: {  	_ =	shalt  }
0x41: {  	_ =	shalt  }
0x42: {  	_ =	shalt  }
0x43: {  	_ =	shalt  }
0x44: {  	_ =	shalt  }
0x45: {  	_ =	shalt  }
0x46: {  	_ =	shalt  }
0x47: {  	_ =	shalt  }
0x48: {  	_ =	shalt  }
0x49: {  	_ =	shalt  }
0x4a: {  	_ =	shalt  }
0x4b: {  	_ =	shalt  }
0x4c: {  	_ =	shalt  }
0x4d: {  	_ =	shalt  }
0x4e: {  	_ =	shalt  }
0x4f: {  	_ =	shalt  }
0x50: {  	_ =	shalt  }
0x51: {  	_ =	shalt  }
0x52: {  	_ =	shalt  }
0x53: {  	_ =	shalt  }
0x54: {  	_ =	shalt  }
0x55: {  	_ =	shalt  }
0x56: {  	_ =	shalt  }
0x57: {  	_ =	shalt  }
0x58: {  	_ =	shalt  }
0x59: {  	_ =	shalt  }
0x5a: {  	_ =	shalt  }
0x5b: {  	_ =	shalt  }
0x5c: {  	_ =	shalt  }
0x5d: {  	_ =	shalt  }
0x5e: {  	_ =	shalt  }
0x5f: {  	_ =	shalt  }
0x60: {  	_ =	shalt  }
0x61: {  	_ =	shalt  }
0x62: {  	_ =	shalt  }
0x63: {  	_ =	shalt  }
0x64: {  	_ =	shalt  }
0x65: {  	_ =	shalt  }
0x66: {  	_ =	shalt  }
0x67: {  	_ =	shalt  }
0x68: {  	_ =	shalt  }
0x69: {  	_ =	shalt  }
0x6a: {  	_ =	shalt  }
0x6b: {  	_ =	shalt  }
0x6c: {  	_ =	shalt  }
0x6d: {  	_ =	shalt  }
0x6e: {  	_ =	shalt  }
0x6f: {  	_ =	shalt  }
0x70: {  	_ =	shalt  }
0x71: {  	_ =	shalt  }
0x72: {  	_ =	shalt  }
0x73: {  	_ =	shalt  }
0x74: {  	_ =	shalt  }
0x75: {  	_ =	shalt  }
0x76: {  	_ =	shalt  }
0x77: {  	_ =	shalt  }
0x78: {  	_ =	shalt  }
0x79: {  	_ =	shalt  }
0x7a: {  	_ =	shalt  }
0x7b: {  	_ =	shalt  }
0x7c: {  	_ =	shalt  }
0x7d: {  	_ =	shalt  }
0x7e: {  	_ =	shalt  }
0x7f: {  	_ =	shalt  }
0x80: {  	_ =	shalt  }
0x81: {  	_ =	shalt  }
0x82: {  	_ =	shalt  }
0x83: {  	_ =	shalt  }
0x84: {  	_ =	shalt  }
0x85: {  	_ =	shalt  }
0x86: {  	_ =	shalt  }
0x87: {  	_ =	shalt  }
.Lfunc_end0:
.L_simem_size_0:
called_computation.2_lowered:
.L_overlay_start_0:
0x88: {  	s2 =	sld [smem:$0x3FD9]  }
0x89: {  	s3 =	sld [smem:$0x3FFE];
	_ =	sdelay $0x1  }
0x8a: {  	s1 =	srdreg.scid  }
0x8b: {  	s0 =	sand.u32 $0x1, s1  }
0x8c: {  	s16 =	sshll.u32 s0, $0xA;
	s2 =	sadd.s32 s3, s2  }
0x8d: {  	s2 =	sadd.s32 s2, s16  }
0x8e: {  	[smem:$0x3FBB] =	sst s2  }
0x8f: {  	_ = 	snop  }
0x90: {  	(tm) =	ssettm $0x1  }
0x91: {  	s17 =	sld [smem:$0x3FFB];
	_ =	sdelay $0x3  }
0x92: {  	_ =	strace s17  }
0x93: {  	s2 =	sld [smem:$0x3FFC];
	_ =	sdelay $0x3  }
0x94: {  	_ =	strace s2  }
0x95: {  	s2 =	sld [smem:$0x3FFD];
	_ =	sdelay $0x3  }
0x96: {  	_ =	strace s2  }
0x97: {  	_ =	strace $0x8FFFFFFF  }
0x98: {  	s18 =	sld [smem:$0x3FDB];
	_ =	sdelay $0x1  }
0x99: {  	s19 =	simm.s32 $_scs_section_size  }
0x9a: {  	s4 =	simm.s32 $_size__tile_overlayer_lowered;
	s5 =	simm.s32 $_tile_overlayer_lowered  }
0x9b: {  	s22 =	simm.s32 $0x1BFF;
	s21 =	sshll.u32 s5, $0x1;
	s2 =	sadd.s32 s19, s18  }
0x9c: {  	s6 =	simm.s32 $0x0;
	s20 =	sshll.u32 s4, $0x1;
	s4 =	sadd.s32 s21, s2  }
0x9d: {  	[timem:s6], [sflag:s22] =	dma.local [hbm:s4], s20  }
0x9e: {  	_ =	swait.ge [sflag:s22], s20  }
0x9f: {  	s3 =	ssub.s32 $0x0, s20;
	[sflag:s22] =	ssyncset.done $0x0  }
0xa0: {  	[sflag:s22] =	ssyncadd.s32 s3;
	_ =	sdelay $0x1  }
0xa1: {  	s23 =	simm.s32 $0x1B8B  }
0xa2: {  	_ =	swait.ge [sflag:s23], $0x1  }
0xa3: {  	[sflag:s23] =	ssyncset.done $0x0  }
0xa4: {  	s25 =	simm.s32 $0x1B8E;
	s24 =	sld [smem:$0x3FFE];
	[sflag:s23] =	ssyncadd.s32 $0xFFFFFFFF  }
0xa5: {  	s26 =	simm.s32 $execute0_lowered;
	[smem:$0x3FD2] =	sst s25  }
0xa6: {  	s4 =	sshll.u32 s26, $0x1;
	_ =	strace $0x8000004C;
	[dreg:$0x1] =	wrdreg $0xFFFFFFFF  }
0xa7: {  	s28 =	simm.s32 $_size_execute0_lowered;
	s2 =	sadd.s32 s2, s4;
	[dreg:$0x0] =	wrdreg $0x0  }
0xa8: {  	s4 =	sshll.u32 s28, $0x1;
	[dreg:$0x2] =	wrdreg s2  }
0xa9: {  	[dreg:$0x3] =	wrdreg s4  }
0xaa: {  	[dreg:$0x4] =	wrdreg $0xC0  }
0xab: {  	_ =	task [dreg:s6], $0x5FFFF  }
0xac: {  	[dreg:$0x1] =	wrdreg $0xFFFFFFFF  }
0xad: {  	[dreg:$0x0] =	wrdreg $0x60  }
0xae: {  	[dreg:$0x2] =	wrdreg s24  }
0xaf: {  	[dreg:$0x3] =	wrdreg $0x0  }
0xb0: {  	[dreg:$0x4] =	wrdreg $0x9  }
0xb1: {  	_ =	task.clear_ibuf [dreg:s6], $0x5FFFF;
	_ =	strace $0x9000004C  }
0xb2: {  	s29 =	simm.s32 $0x9;
	_ =	strace $0x8000004E  }
0xb3: {  	_ =	swait.ge [sflag:s29], $0x1  }
0xb4: {  	[sflag:s29] =	ssyncadd.s32 $0xFFFFFFFF  }
0xb5: {  	_ =	strace $0x9000004E  }
0xb6: {  	_ =	sfence  }
0xb7: {  	s30 =	sld [smem:$0x0];
	_ =	sdelay $0x2  }
0xb8: {  	s31 =	sshll.u32 s1, $0xD;
	s1 =	sshrl.u32 s1, $0x2  }
0xb9: {  	s3 =	sand.u32 $0x4000, s31;
	s1 =	sadd.s32 s1, s30  }
0xba: {  	s0 =	sor.u32 s3, s0;
	s1 =	sshll.u32 s1, $0x11  }
0xbb: {  	s0 =	sor.u32 s1, s0  }
0xbc: {  	s0 =	sadd.s32 $0x8F2B, s0  }
0xbd: {  	[sflag:s0] =	ssyncadd.remote.s32 $0x1  }
0xbe: {  	_ =	sfence.sel $0xFFFF  }
0xbf: {  	[dreg:$0x0] =	wrdreg $0xFFFFFFFF;
	(pc) =	sbr.abs _section_cstart, $3  }
0xc0: {  	[dreg:$0x1] =	wrdreg $0xFFFFFFFF  }
0xc1: {  	_ =	task.clear_ibuf [dreg:s6], $0x2FFFF;
	_ =	strace $0x9FFFFFFF  }
0xc2: {  	(tm) =	ssettm $0x7FFFFFFF  }
0xc3: {  	_ =	shalt  }
tec
execute0_lowered:
.L_overlay_start_1:
0x0: {  	(tag) =	ssettag $0x1  }
0x1: {  	s9 =	rddreg [dreg:$0x0]  }
0x2: {  	s1 =	rddreg [dreg:$0x1]  }
0x3: {  	s0 =	rddreg [dreg:$0x2]  }
0x4: {  	s2 =	simm.s32 $0x0;
	s6 =	srdreg.scid;
	s3 =	stileid.u32  }
0x5: {  	s18 =	simm.s32 $0x16000;
	s19 =	simm.s32 $0x1;
	s20 =	simm.s32 $0x14000  }
0x6: {  	s21 =	simm.s32 $0x15000;
	s22 =	simm.s32 $0x80;
	[smem:$0x7FF] =	sst s2  }
0x7: {  	s4 =	sadd.s32 $0x97400, s9;
	s5 =	sadd.s32 $0xBF400, s9;
	s10 =	sand.u32 $0x1, s6  }
0x8: {  	s6 =	sadd.s32 $0x15400, s9;
	s12 =	smul.u32 $0x50000, s3;
	s7 =	sadd.s32 $0xB400, s9  }
0x9: {  	s23 =	simm.s32 $0x0;
	s8 =	sadd.s32 $0x137400, s9;
	s9 =	sadd.s32 $0x15F400, s9  }
.Ltmp0:
0xa: {  	_ =	strace $0x8000004D;
	s11 =	ssub.s32 $0x2, s10;
	(pc) =	sbr.rel .LBB2_1-.Ltmp0, $4  }
0xb: {  	p0 =	seq.s32 s10, $0x1;
	s13 =	sshrl.u32 s11, $0x1;
	s31 =	sshrl.u32 s12, $0x2  }
0xc: {  	s12 =	smul.u32 $0x2800, s3;
	s13 =	ssub.s32 s11, s13;
	s10 =	sadd.s32 s31, s1  }
0xd: {  	s11 =	smul.u32 $0x5000, s3;
	s13 =	smax.u32 s13, $0x1;
	s14 =	sadd.s32 $0x4000, s10  }
0xe: {  	v0 =	vimm.f32 $0.0e+00;
	s15 =	sadd.s32 $0x8000, s10;
	s16 =	sadd.s32 $0xC000, s10;
	s17 =	sadd.s32 $0x10000, s10  }
.LBB2_14:
0xf: {  	s24 =	sadd.s32 s24, s12;
	s23 =	sadd.s32 $0x1, s23  }
0x10: {  	s25 =	sshll.u32 s3, $0x6;
	[bflag:$0x0] =	sbarrier.arrive $0xFFFF;
	p1 =	sne.s32 s23, s13  }
.Ltmp1:
0x11: {  	s26 =	sshrl.u32 s10, $0x3;
	s25 =	sor.u32 $0x1C01, s25;
	(pc) =	sbr.rel @!p1 .LBB2_15-.Ltmp1, $4  }
0x12: {  	[hbm:s24], [sflag:s25] =	dma.local [spmem:s26], $0x2800  }
0x13: {  	_ =	swait.ge [sflag:s19], $0x2800  }
0x14: {  	[sflag:s19] =	ssyncset.done $0x0  }
0x15: {  	[sflag:s19] =	ssyncadd.s32 $0xFFFFD800  }
.LBB2_1:
.Ltmp2:
0x16: {  	(pc) =	sbr.rel @!p0 .LBB2_2-.Ltmp2, $2  }
0x17: {  	_ =	sdelay $0x2  }
0x18: {  	s24 =	sshra.s32 s2, $0x2;
	s25 =	sadd.s32 $0x200, s2  }
.LBB2_8:
0x19: {  	p1 =	seq.s32 s25, $0xFE00;
	[tilespmem:s24+$0x16070] =	vst v0  }
0x1a: {  	[tilespmem:s24+$0x16000] =	vst v0  }
0x1b: {  	[tilespmem:s24+$0x16010] =	vst v0  }
.Ltmp3:
0x1c: {  	[tilespmem:s24+$0x16020] =	vst v0;
	(pc) =	sbr.rel @!p1 .LBB2_8-.Ltmp3, $4  }
0x1d: {  	[tilespmem:s24+$0x16030] =	vst v0  }
0x1e: {  	[tilespmem:s24+$0x16040] =	vst v0  }
0x1f: {  	[tilespmem:s24+$0x16050] =	vst v0  }
0x20: {  	[tilespmem:s24+$0x16060] =	vst v0;
	s24 =	sshra.s32 s25, $0x2;
	s25 =	sadd.s32 $0x200, s25  }
0x21: {  	[tilespmem:s24+$0x16070] =	vst v0  }
0x22: {  	[tilespmem:s24+$0x16000] =	vst v0  }
0x23: {  	[tilespmem:s24+$0x16010] =	vst v0  }
0x24: {  	[tilespmem:s24+$0x16020] =	vst v0  }
0x25: {  	[tilespmem:s24+$0x16030] =	vst v0  }
0x26: {  	[tilespmem:s24+$0x16040] =	vst v0  }
0x27: {  	[tilespmem:s24+$0x16050] =	vst v0  }
0x28: {  	[tilespmem:s24+$0x16060] =	vst v0  }
0x29: {  	[spmem:s10] =	stream.linear.scatter [tilespmem:s18], [sflag:$0x1], $0x4000, $0x38;
	[tilespmem:$0x1E000] =	vst v63  }
0x2a: {  	_ =	swait.ge [sflag:s19], $0x4000  }
0x2b: {  	[sflag:s19] =	ssyncset.done $0x0  }
0x2c: {  	[sflag:s19] =	ssyncadd.s32 $0xFFFFC000  }
0x2d: {  	[spmem:s14] =	stream.linear.scatter [tilespmem:s18], [sflag:$0x1], $0x4000, $0x38;
	[tilespmem:$0x1E000] =	vst v63  }
0x2e: {  	_ =	swait.ge [sflag:s19], $0x4000  }
0x2f: {  	[sflag:s19] =	ssyncset.done $0x0  }
0x30: {  	[sflag:s19] =	ssyncadd.s32 $0xFFFFC000  }
0x31: {  	[spmem:s15] =	stream.linear.scatter [tilespmem:s18], [sflag:$0x1], $0x4000, $0x38;
	[tilespmem:$0x1E000] =	vst v63  }
0x32: {  	_ =	swait.ge [sflag:s19], $0x4000  }
0x33: {  	[sflag:s19] =	ssyncset.done $0x0  }
0x34: {  	[sflag:s19] =	ssyncadd.s32 $0xFFFFC000  }
0x35: {  	[spmem:s16] =	stream.linear.scatter [tilespmem:s18], [sflag:$0x1], $0x4000, $0x38;
	[tilespmem:$0x1E000] =	vst v63  }
0x36: {  	_ =	swait.ge [sflag:s19], $0x4000  }
0x37: {  	[sflag:s19] =	ssyncset.done $0x0  }
0x38: {  	[sflag:s19] =	ssyncadd.s32 $0xFFFFC000  }
0x39: {  	[spmem:s17] =	stream.linear.scatter [tilespmem:s18], [sflag:$0x1], $0x4000, $0x38;
	[tilespmem:$0x1E000] =	vst v63  }
0x3a: {  	_ =	swait.ge [sflag:s19], $0x4000  }
0x3b: {  	[sflag:s19] =	ssyncset.done $0x0  }
0x3c: {  	[sflag:s19] =	ssyncadd.s32 $0xFFFFC000  }
0x3d: {  	s24 =	simm.s32 $0x0;
	s25 =	simm.s32 $0x0;
	[bflag:$0x0] =	sbarrier.arrive $0xFFFF  }
.LBB2_10:
0x3e: {  	s26 =	sshll.u32 s25, $0xC  }
0x3f: {  	s26 =	sadd.s32 s11, s26  }
0x40: {  	s26 =	sshrl.u32 s26, $0x3  }
0x41: {  	s28 =	sadd.s32 s7, s26  }
0x42: {  	[tilespmem:s20], [sflag:$0x1] =	stream.linear.gather [hbm4b:s28+s24], $0x1000, $0x38;
	[tilespmem:$0x1E000] =	vst v63  }
0x43: {  	_ =	swait.ge [sflag:s19], $0x1000  }
0x44: {  	[sflag:s19] =	ssyncset.done $0x0  }
0x45: {  	s26 =	sadd.s32 s6, s26;
	[sflag:s19] =	ssyncadd.s32 $0xFFFFF000  }
0x46: {  	[tilespmem:s21], [sflag:$0x1] =	stream.linear.gather [hbm4b:s26+s24], $0x1000, $0x38;
	[tilespmem:$0x1E000] =	vst v63  }
0x47: {  	_ =	swait.ge [sflag:s19], $0x1000  }
0x48: {  	[sflag:s19] =	ssyncset.done $0x0  }
0x49: {  	s30 =	simm.s32 $0x14000;
	[sflag:s19] =	ssyncadd.s32 $0xFFFFF000  }
0x4a: {  	[tilespmem:s18], [sflag:$0x1] =	stream.indirect.gather [hbm4b:s5+s22], $0x80, s30, s22, $0xb8;
	[tilespmem:$0x1E000] =	vst v63  }
0x4b: {  	_ =	swait.ge [sflag:s19], $0x4000  }
0x4c: {  	[sflag:s19] =	ssyncset.done $0x0  }
0x4d: {  	s31 =	simm.s32 $0x15000;
	[sflag:s19] =	ssyncadd.s32 $0xFFFFC000  }
0x4e: {  	[spmem:s1] =	stream.indirect.scatter.add.f32 [tilespmem:s18], [sflag:$0x1], $0x80, s31, s22, $0xb8;
	[tilespmem:$0x1E000] =	vst v63  }
0x4f: {  	_ =	swait.ge [sflag:s19], $0x4000  }
0x50: {  	s28 =	simm.s32 $0x400;
	s26 =	simm.s32 $0x80;
	[sflag:s19] =	ssyncset.done $0x0  }
.LBB2_11:
0x51: {  	s29 =	sadd.s32 $0x14000, s26  }
0x52: {  	[sflag:s19] =	ssyncadd.s32 $0xFFFFC000;
	s30 =	smov.u32 s28;
	s31 =	sadd.s32 $0x200, s28  }
0x53: {  	[tilespmem:s18], [sflag:$0x1] =	stream.indirect.gather [hbm4b:s5+s22], $0x80, s29, s22, $0xb8;
	[tilespmem:$0x1E000] =	vst v63  }
0x54: {  	p1 =	sne.s32 s28, $0x3E00;
	_ =	swait.ge [sflag:s19], $0x4000  }
.Ltmp4:
0x55: {  	[sflag:s19] =	ssyncset.done $0x0;
	(pc) =	sbr.rel @p1 .LBB2_11-.Ltmp4, $4  }
0x56: {  	s26 =	sadd.s32 $0x15000, s26;
	[sflag:s19] =	ssyncadd.s32 $0xFFFFC000  }
0x57: {  	[spmem:s1] =	stream.indirect.scatter.add.f32 [tilespmem:s18], [sflag:$0x1], $0x80, s26, s22, $0xb8;
	[tilespmem:$0x1E000] =	vst v63  }
0x58: {  	_ =	swait.ge [sflag:s19], $0x4000  }
0x59: {  	s28 =	smov.u32 s31;
	s26 =	sshra.s32 s30, $0x2;
	[sflag:s19] =	ssyncset.done $0x0  }
0x5a: {  	s28 =	sadd.s32 $0x14000, s26;
	[sflag:s19] =	ssyncadd.s32 $0xFFFFC000  }
0x5b: {  	[tilespmem:s18], [sflag:$0x1] =	stream.indirect.gather [hbm4b:s5+s22], $0x80, s28, s22, $0xb8;
	[tilespmem:$0x1E000] =	vst v63  }
0x5c: {  	s25 =	sadd.s32 $0x1, s25;
	_ =	swait.ge [sflag:s19], $0x4000  }
0x5d: {  	p1 =	sne.s32 s25, $0x5;
	[sflag:s19] =	ssyncset.done $0x0  }
.Ltmp5:
0x5e: {  	s31 =	sadd.s32 $0x15000, s26;
	[sflag:s19] =	ssyncadd.s32 $0xFFFFC000;
	(pc) =	sbr.rel @p1 .LBB2_10-.Ltmp5, $4  }
0x5f: {  	[spmem:s1] =	stream.indirect.scatter.add.f32 [tilespmem:s18], [sflag:$0x1], $0x80, s31, s22, $0xb8;
	[tilespmem:$0x1E000] =	vst v63  }
0x60: {  	_ =	swait.ge [sflag:s19], $0x4000  }
0x61: {  	[sflag:s19] =	ssyncset.done $0x0  }
0x62: {  	[sflag:s19] =	ssyncadd.s32 $0xFFFFC000  }
.Ltmp6:
0x63: {  	(pc) =	sbr.rel .LBB2_14-.Ltmp6, $2  }
0x64: {  	_ =	sdelay $0x2  }
0x65: {  	s24 =	smov.u32 s9  }
.LBB2_2:
0x66: {  	p1 =	seq.s32 s25, $0xFE00;
	[tilespmem:s24+$0x16070] =	vst v0  }
0x67: {  	[tilespmem:s24+$0x16000] =	vst v0  }
0x68: {  	[tilespmem:s24+$0x16010] =	vst v0  }
.Ltmp7:
0x69: {  	[tilespmem:s24+$0x16020] =	vst v0;
	(pc) =	sbr.rel @!p1 .LBB2_2-.Ltmp7, $4  }
0x6a: {  	[tilespmem:s24+$0x16030] =	vst v0  }
0x6b: {  	[tilespmem:s24+$0x16040] =	vst v0  }
0x6c: {  	[tilespmem:s24+$0x16050] =	vst v0  }
0x6d: {  	[tilespmem:s24+$0x16060] =	vst v0;
	s24 =	sshra.s32 s25, $0x2;
	s25 =	sadd.s32 $0x200, s25  }
0x6e: {  	[tilespmem:s24+$0x16070] =	vst v0  }
0x6f: {  	[tilespmem:s24+$0x16000] =	vst v0  }
0x70: {  	[tilespmem:s24+$0x16010] =	vst v0  }
0x71: {  	[tilespmem:s24+$0x16020] =	vst v0  }
0x72: {  	[tilespmem:s24+$0x16030] =	vst v0  }
0x73: {  	[tilespmem:s24+$0x16040] =	vst v0  }
0x74: {  	[tilespmem:s24+$0x16050] =	vst v0  }
0x75: {  	[tilespmem:s24+$0x16060] =	vst v0  }
0x76: {  	[spmem:s10] =	stream.linear.scatter [tilespmem:s18], [sflag:$0x1], $0x4000, $0x38;
	[tilespmem:$0x1E000] =	vst v63  }
0x77: {  	_ =	swait.ge [sflag:s19], $0x4000  }
0x78: {  	[sflag:s19] =	ssyncset.done $0x0  }
0x79: {  	[sflag:s19] =	ssyncadd.s32 $0xFFFFC000  }
0x7a: {  	[spmem:s14] =	stream.linear.scatter [tilespmem:s18], [sflag:$0x1], $0x4000, $0x38;
	[tilespmem:$0x1E000] =	vst v63  }
0x7b: {  	_ =	swait.ge [sflag:s19], $0x4000  }
0x7c: {  	[sflag:s19] =	ssyncset.done $0x0  }
0x7d: {  	[sflag:s19] =	ssyncadd.s32 $0xFFFFC000  }
0x7e: {  	[spmem:s15] =	stream.linear.scatter [tilespmem:s18], [sflag:$0x1], $0x4000, $0x38;
	[tilespmem:$0x1E000] =	vst v63  }
0x7f: {  	_ =	swait.ge [sflag:s19], $0x4000  }
0x80: {  	[sflag:s19] =	ssyncset.done $0x0  }
0x81: {  	[sflag:s19] =	ssyncadd.s32 $0xFFFFC000  }
0x82: {  	[spmem:s16] =	stream.linear.scatter [tilespmem:s18], [sflag:$0x1], $0x4000, $0x38;
	[tilespmem:$0x1E000] =	vst v63  }
0x83: {  	_ =	swait.ge [sflag:s19], $0x4000  }
0x84: {  	[sflag:s19] =	ssyncset.done $0x0  }
0x85: {  	[sflag:s19] =	ssyncadd.s32 $0xFFFFC000  }
0x86: {  	[spmem:s17] =	stream.linear.scatter [tilespmem:s18], [sflag:$0x1], $0x4000, $0x38;
	[tilespmem:$0x1E000] =	vst v63  }
0x87: {  	_ =	swait.ge [sflag:s19], $0x4000  }
0x88: {  	[sflag:s19] =	ssyncset.done $0x0  }
0x89: {  	[sflag:s19] =	ssyncadd.s32 $0xFFFFC000  }
0x8a: {  	s24 =	simm.s32 $0x0;
	s25 =	simm.s32 $0x0;
	[bflag:$0x0] =	sbarrier.arrive $0xFFFF  }
.LBB2_4:
0x8b: {  	s26 =	sshll.u32 s25, $0xC  }
0x8c: {  	s26 =	sadd.s32 s11, s26  }
0x8d: {  	s26 =	sshrl.u32 s26, $0x3  }
0x8e: {  	s28 =	sadd.s32 s6, s26  }
0x8f: {  	[tilespmem:s20], [sflag:$0x1] =	stream.linear.gather [hbm4b:s28+s24], $0x1000, $0x38;
	[tilespmem:$0x1E000] =	vst v63  }
0x90: {  	_ =	swait.ge [sflag:s19], $0x1000  }
0x91: {  	[sflag:s19] =	ssyncset.done $0x0  }
0x92: {  	s26 =	sadd.s32 s7, s26;
	[sflag:s19] =	ssyncadd.s32 $0xFFFFF000  }
0x93: {  	[tilespmem:s21], [sflag:$0x1] =	stream.linear.gather [hbm4b:s26+s24], $0x1000, $0x38;
	[tilespmem:$0x1E000] =	vst v63  }
0x94: {  	_ =	swait.ge [sflag:s19], $0x1000  }
0x95: {  	[sflag:s19] =	ssyncset.done $0x0  }
0x96: {  	s30 =	simm.s32 $0x14000;
	[sflag:s19] =	ssyncadd.s32 $0xFFFFF000  }
0x97: {  	[tilespmem:s18], [sflag:$0x1] =	stream.indirect.gather [hbm4b:s4+s22], $0x80, s30, s22, $0xb8;
	[tilespmem:$0x1E000] =	vst v63  }
0x98: {  	_ =	swait.ge [sflag:s19], $0x4000  }
0x99: {  	[sflag:s19] =	ssyncset.done $0x0  }
0x9a: {  	s31 =	simm.s32 $0x15000;
	[sflag:s19] =	ssyncadd.s32 $0xFFFFC000  }
0x9b: {  	[spmem:s1] =	stream.indirect.scatter.add.f32 [tilespmem:s18], [sflag:$0x1], $0x80, s31, s22, $0xb8;
	[tilespmem:$0x1E000] =	vst v63  }
0x9c: {  	_ =	swait.ge [sflag:s19], $0x4000  }
0x9d: {  	s28 =	simm.s32 $0x400;
	s26 =	simm.s32 $0x80;
	[sflag:s19] =	ssyncset.done $0x0  }
.LBB2_5:
0x9e: {  	s29 =	sadd.s32 $0x14000, s26  }
0x9f: {  	[sflag:s19] =	ssyncadd.s32 $0xFFFFC000;
	s30 =	smov.u32 s28;
	s31 =	sadd.s32 $0x200, s28  }
0xa0: {  	[tilespmem:s18], [sflag:$0x1] =	stream.indirect.gather [hbm4b:s4+s22], $0x80, s29, s22, $0xb8;
	[tilespmem:$0x1E000] =	vst v63  }
0xa1: {  	p1 =	sne.s32 s28, $0x3E00;
	_ =	swait.ge [sflag:s19], $0x4000  }
.Ltmp8:
0xa2: {  	[sflag:s19] =	ssyncset.done $0x0;
	(pc) =	sbr.rel @p1 .LBB2_5-.Ltmp8, $4  }
0xa3: {  	s26 =	sadd.s32 $0x15000, s26;
	[sflag:s19] =	ssyncadd.s32 $0xFFFFC000  }
0xa4: {  	[spmem:s1] =	stream.indirect.scatter.add.f32 [tilespmem:s18], [sflag:$0x1], $0x80, s26, s22, $0xb8;
	[tilespmem:$0x1E000] =	vst v63  }
0xa5: {  	_ =	swait.ge [sflag:s19], $0x4000  }
0xa6: {  	s28 =	smov.u32 s31;
	s26 =	sshra.s32 s30, $0x2;
	[sflag:s19] =	ssyncset.done $0x0  }
0xa7: {  	s28 =	sadd.s32 $0x14000, s26;
	[sflag:s19] =	ssyncadd.s32 $0xFFFFC000  }
0xa8: {  	[tilespmem:s18], [sflag:$0x1] =	stream.indirect.gather [hbm4b:s4+s22], $0x80, s28, s22, $0xb8;
	[tilespmem:$0x1E000] =	vst v63  }
0xa9: {  	s25 =	sadd.s32 $0x1, s25;
	_ =	swait.ge [sflag:s19], $0x4000  }
0xaa: {  	p1 =	seq.s32 s25, $0x5;
	[sflag:s19] =	ssyncset.done $0x0  }
.Ltmp9:
0xab: {  	s31 =	sadd.s32 $0x15000, s26;
	[sflag:s19] =	ssyncadd.s32 $0xFFFFC000;
	(pc) =	sbr.rel @!p1 .LBB2_4-.Ltmp9, $4  }
0xac: {  	[spmem:s1] =	stream.indirect.scatter.add.f32 [tilespmem:s18], [sflag:$0x1], $0x80, s31, s22, $0xb8;
	[tilespmem:$0x1E000] =	vst v63  }
0xad: {  	_ =	swait.ge [sflag:s19], $0x4000  }
0xae: {  	[sflag:s19] =	ssyncset.done $0x0  }
0xaf: {  	[sflag:s19] =	ssyncadd.s32 $0xFFFFC000  }
.Ltmp10:
0xb0: {  	(pc) =	sbr.rel .LBB2_14-.Ltmp10, $2  }
0xb1: {  	_ =	sdelay $0x2  }
0xb2: {  	s24 =	smov.u32 s8  }
.LBB2_15:
0xb3: {  	_ =	sfence.sel $0x180000  }
0xb4: {  	[bflag:$0x0] =	sbarrier.arrive $0xFFFF  }
0xb5: {  	p0 =	sne.s32 s3, $0x0;
	_ =	strace $0x9000004D  }
0xb6: {  	s0 =	sadd.s32 @!p0 $0x100000, s0;
	[bflag:$0x2] =	sbarrier.arrive $0xFFFF  }
0xb7: {  	[sflag:s0] =	ssyncadd.tile.s32 @!p0 $0x1;
	_ =	shalt  }
.Lfunc_end2:
_tile_overlayer_lowered:
.L_overlay_start_2:
0xb8: {  	(tag) =	ssettag $0x2  }
0xb9: {  	s0 =	rddreg [dreg:$0x0];
	s2 =	stileid.u32  }
0xba: {  	s1 =	rddreg [dreg:$0x1];
	p0 =	sne.s32 s2, $0x0  }
0xbb: {  	s3 =	rddreg [dreg:$0x2];
	[bflag:$0x3] =	sbarrier.arrive $0xFFFF;
	s2 =	simm.s32 @!p0 $0x1C01  }
0xbc: {  	[timem:s3], [sflag:s2] =	dma.local @!p0 [hbm:s0], s1  }
0xbd: {  	s0 =	simm.s32 @!p0 $0x1  }
0xbe: {  	_ =	swait.ge @!p0 [sflag:s0], s1  }
0xbf: {  	s1 =	ssub.s32 @!p0 $0x0, s1;
	[sflag:s0] =	ssyncset.done @!p0 $0x0  }
0xc0: {  	[sflag:s0] =	ssyncadd.s32 @!p0 s1  }
0xc1: {  	[bflag:$0x3] =	sbarrier.arrive $0xFFFF  }
0xc2: {  	_ =	shalt  }

// kernel: kernel.28.cloned.1.call-start
scs
__scs_entry_jumppad:
0x0: {  	(pc) =	sbr.rel $0x88, $3  }
0x1: {  	(tag) =	ssettag $0x0;
	lr =	simm.s32 $0x1  }
0x2: {  	[smem:$0x3F94] =	sst lr;
	_ =	strace $0xD0000000  }
0x3: {  	_ = 	snop  }
0x4: {  	_ = 	snop  }
0x5: {  	_ = 	snop  }
0x6: {  	_ = 	snop  }
0x7: {  	_ = 	snop  }
__scs_overlays_trampoline_lowered:
0x8: {  	[smem:$0x3FA3] =	sst s0  }
0x9: {  	[smem:$0x3FA4] =	sst s1  }
0xa: {  	[smem:$0x3FA5] =	sst s2  }
0xb: {  	[smem:$0x3FA6] =	sst s3  }
0xc: {  	[smem:$0x3FA7] =	sst s4  }
0xd: {  	[smem:$0x3FA8] =	sst s5  }
0xe: {  	[smem:$0x3FA9] =	sst s6  }
0xf: {  	[smem:$0x3FAA] =	sst s7  }
0x10: {  	[smem:$0x3FAB] =	sst s8  }
0x11: {  	[smem:$0x3FAC] =	sst s9;
	s0 =	simm.s32 @!p0 $0x0  }
0x12: {  	s1 =	sld [smem:$0x3F92];
	s0 =	simm.s32 @p0 $0x1  }
0x13: {  	[smem:$0x3FAD] =	sst s0;
	s0 =	simm.s32 @!p1 $0x0  }
0x14: {  	s2 =	sld [smem:$0x3F91];
	s0 =	simm.s32 @p1 $0x1  }
0x15: {  	[smem:$0x3FAE] =	sst s0;
	s0 =	simm.s32 @!p2 $0x0  }
0x16: {  	s3 =	sld [smem:$0x3FDB];
	s0 =	simm.s32 @p2 $0x1  }
0x17: {  	s4 =	simm.s32 $0x1BF5;
	[smem:$0x3FB0] =	sst s0  }
0x18: {  	s0 =	sld [smem:$0x3F93];
	_ =	swait.ge [sflag:s4], $0x0  }
0x19: {  	s7 =	sld [smem:$0x3F94]  }
0x1a: {  	s8 =	sadd.s32 $0xFFFFE003, lr  }
0x1b: {  	s9 =	sadd.s32 $0xFFFFFEF7, lr;
	s5 =	simm.s32 $0xFFFFFFFF;
	p2 =	slt.u32 s8, $0xFFFFF086  }
0x1c: {  	p1 =	slt.u32 s9, $0xF7A;
	s5 =	simm.s32 @!p2 $0x0  }
0x1d: {  	s5 =	simm.s32 @p1 $0x1;
	p0 =	seq.s32 s7, s2  }
0x1e: {  	s7 =	smul.u32 @!p0 $0xF7A, s2;
	p2 =	seq.s32 @!p0 s5, $0x0  }
0x1f: {  	s9 =	smul.u32 $0xF7A, s1;
	s8 =	simm.s32 @!p0 $0x1BF5;
	p2 =	por !p2, p0  }
0x20: {  	[sflag:s8] =	ssyncset.s32 @!p0 $0xFFFFF086;
	s6 =	sadd.s32 @!p0 s3, s7;
	s7 =	simm.s32 @!p0 $0x108  }
0x21: {  	s3 =	sadd.s32 s3, s9;
	s6 =	sadd.s32 @!p0 $0x88, s6;
	s7 =	simm.s32 @p2 $0x1082  }
0x22: {  	[simem:s7], [sflag:s8] =	dma.local @!p0 [hbm:s6], $0xF7A  }
0x23: {  	s9 =	sor.u32 $0xD0000000, s2;
	s6 =	simm.s32 $0x108;
	_ =	swait.ge @!p0 [sflag:s8], $0x0  }
0x24: {  	s3 =	sadd.s32 $0x88, s3;
	s6 =	simm.s32 @!p1 $0x1082;
	[sflag:s4] =	ssyncset.s32 $0xFFFFF086  }
0x25: {  	[simem:s6], [sflag:s4] =	dma.local [hbm:s3], $0xF7A  }
0x26: {  	[smem:$0x3F94] =	sst s1;
	(tag) =	ssettag s2;
	_ =	strace s9  }
0x27: {  	s1 =	sld [smem:$0x3FA4]  }
0x28: {  	s2 =	sld [smem:$0x3FA5]  }
0x29: {  	s4 =	sld [smem:$0x3FA7]  }
0x2a: {  	p0 =	seq.s32 s5, $0x0;
	s5 =	sld [smem:$0x3FA8]  }
0x2b: {  	s6 =	sld [smem:$0x3FA9]  }
0x2c: {  	s7 =	sld [smem:$0x3FAA]  }
0x2d: {  	s3 =	simm.s32 $0x108;
	s8 =	sld [smem:$0x3FAB]  }
0x2e: {  	s3 =	simm.s32 @!p0 $0x1082;
	s9 =	sld [smem:$0x3FAC]  }
0x2f: {  	lr =	sadd.s32 s0, s3;
	s0 =	sld [smem:$0x3FA3]  }
0x30: {  	s3 =	sld [smem:$0x3FA6]  }
0x31: {  	[smem:$0x3FAF] =	sst s10  }
0x32: {  	s10 =	sld [smem:$0x3FAD];
	_ =	sdelay $0x3  }
0x33: {  	p0 =	seq.s32 s10, $0x1;
	s10 =	sld [smem:$0x3FAF];
	_ =	sdelay $0x3  }
0x34: {  	[smem:$0x3FAF] =	sst s10  }
0x35: {  	s10 =	sld [smem:$0x3FAE];
	_ =	sdelay $0x3  }
0x36: {  	p1 =	seq.s32 s10, $0x1;
	s10 =	sld [smem:$0x3FAF];
	_ =	sdelay $0x3  }
0x37: {  	[smem:$0x3FAF] =	sst s10  }
0x38: {  	s10 =	sld [smem:$0x3FB0]  }
0x39: {  	_ = 	snop;
	(pc) =	sbr.ind lr, $3  }
0x3a: {  	_ = 	snop  }
0x3b: {  	_ = 	snop  }
0x3c: {  	p2 =	seq.s32 s10, $0x1;
	s10 =	sld [smem:$0x3FAF]  }
0x3d: {  	_ =	shalt  }
0x3e: {  	_ =	shalt  }
0x3f: {  	_ =	shalt  }
0x40: {  	_ =	shalt  }
0x41: {  	_ =	shalt  }
0x42: {  	_ =	shalt  }
0x43: {  	_ =	shalt  }
0x44: {  	_ =	shalt  }
0x45: {  	_ =	shalt  }
0x46: {  	_ =	shalt  }
0x47: {  	_ =	shalt  }
0x48: {  	_ =	shalt  }
0x49: {  	_ =	shalt  }
0x4a: {  	_ =	shalt  }
0x4b: {  	_ =	shalt  }
0x4c: {  	_ =	shalt  }
0x4d: {  	_ =	shalt  }
0x4e: {  	_ =	shalt  }
0x4f: {  	_ =	shalt  }
0x50: {  	_ =	shalt  }
0x51: {  	_ =	shalt  }
0x52: {  	_ =	shalt  }
0x53: {  	_ =	shalt  }
0x54: {  	_ =	shalt  }
0x55: {  	_ =	shalt  }
0x56: {  	_ =	shalt  }
0x57: {  	_ =	shalt  }
0x58: {  	_ =	shalt  }
0x59: {  	_ =	shalt  }
0x5a: {  	_ =	shalt  }
0x5b: {  	_ =	shalt  }
0x5c: {  	_ =	shalt  }
0x5d: {  	_ =	shalt  }
0x5e: {  	_ =	shalt  }
0x5f: {  	_ =	shalt  }
0x60: {  	_ =	shalt  }
0x61: {  	_ =	shalt  }
0x62: {  	_ =	shalt  }
0x63: {  	_ =	shalt  }
0x64: {  	_ =	shalt  }
0x65: {  	_ =	shalt  }
0x66: {  	_ =	shalt  }
0x67: {  	_ =	shalt  }
0x68: {  	_ =	shalt  }
0x69: {  	_ =	shalt  }
0x6a: {  	_ =	shalt  }
0x6b: {  	_ =	shalt  }
0x6c: {  	_ =	shalt  }
0x6d: {  	_ =	shalt  }
0x6e: {  	_ =	shalt  }
0x6f: {  	_ =	shalt  }
0x70: {  	_ =	shalt  }
0x71: {  	_ =	shalt  }
0x72: {  	_ =	shalt  }
0x73: {  	_ =	shalt  }
0x74: {  	_ =	shalt  }
0x75: {  	_ =	shalt  }
0x76: {  	_ =	shalt  }
0x77: {  	_ =	shalt  }
0x78: {  	_ =	shalt  }
0x79: {  	_ =	shalt  }
0x7a: {  	_ =	shalt  }
0x7b: {  	_ =	shalt  }
0x7c: {  	_ =	shalt  }
0x7d: {  	_ =	shalt  }
0x7e: {  	_ =	shalt  }
0x7f: {  	_ =	shalt  }
0x80: {  	_ =	shalt  }
0x81: {  	_ =	shalt  }
0x82: {  	_ =	shalt  }
0x83: {  	_ =	shalt  }
0x84: {  	_ =	shalt  }
0x85: {  	_ =	shalt  }
0x86: {  	_ =	shalt  }
0x87: {  	_ =	shalt  }
.Lfunc_end0:
.L_simem_size_0:
called_computation.3_lowered:
.L_overlay_start_0:
0x88: {  	s2 =	sld [smem:$0x3FD9]  }
0x89: {  	s3 =	sld [smem:$0x3FFE];
	_ =	sdelay $0x1  }
0x8a: {  	s1 =	srdreg.scid  }
0x8b: {  	s0 =	sand.u32 $0x1, s1  }
0x8c: {  	s16 =	sshll.u32 s0, $0xA;
	s2 =	sadd.s32 s3, s2  }
0x8d: {  	s2 =	sadd.s32 s2, s16  }
0x8e: {  	[smem:$0x3FBB] =	sst s2  }
0x8f: {  	_ = 	snop  }
0x90: {  	(tm) =	ssettm $0x1  }
0x91: {  	s17 =	sld [smem:$0x3FFB];
	_ =	sdelay $0x3  }
0x92: {  	_ =	strace s17  }
0x93: {  	s2 =	sld [smem:$0x3FFC];
	_ =	sdelay $0x3  }
0x94: {  	_ =	strace s2  }
0x95: {  	s2 =	sld [smem:$0x3FFD];
	_ =	sdelay $0x3  }
0x96: {  	_ =	strace s2  }
0x97: {  	_ =	strace $0x8FFFFFFF  }
0x98: {  	s18 =	sld [smem:$0x3FDB];
	_ =	sdelay $0x1  }
0x99: {  	s19 =	simm.s32 $_scs_section_size  }
0x9a: {  	s4 =	simm.s32 $_size__tile_overlayer_lowered;
	s5 =	simm.s32 $_tile_overlayer_lowered  }
0x9b: {  	s22 =	simm.s32 $0x1BFF;
	s21 =	sshll.u32 s5, $0x1;
	s2 =	sadd.s32 s19, s18  }
0x9c: {  	s6 =	simm.s32 $0x0;
	s20 =	sshll.u32 s4, $0x1;
	s4 =	sadd.s32 s21, s2  }
0x9d: {  	[timem:s6], [sflag:s22] =	dma.local [hbm:s4], s20  }
0x9e: {  	_ =	swait.ge [sflag:s22], s20  }
0x9f: {  	s3 =	ssub.s32 $0x0, s20;
	[sflag:s22] =	ssyncset.done $0x0  }
0xa0: {  	[sflag:s22] =	ssyncadd.s32 s3;
	_ =	sdelay $0x1  }
0xa1: {  	s23 =	simm.s32 $0x1B8B  }
0xa2: {  	_ =	swait.ge [sflag:s23], $0x1  }
0xa3: {  	[sflag:s23] =	ssyncset.done $0x0  }
0xa4: {  	s25 =	simm.s32 $0x1B8E;
	s24 =	sld [smem:$0x3FFE];
	[sflag:s23] =	ssyncadd.s32 $0xFFFFFFFF  }
0xa5: {  	s26 =	simm.s32 $execute0_lowered;
	[smem:$0x3FD2] =	sst s25  }
0xa6: {  	s4 =	sshll.u32 s26, $0x1;
	_ =	strace $0x8000004F;
	[dreg:$0x1] =	wrdreg $0xFFFFFFFF  }
0xa7: {  	s28 =	simm.s32 $_size_execute0_lowered;
	s2 =	sadd.s32 s2, s4;
	[dreg:$0x0] =	wrdreg $0x0  }
0xa8: {  	s4 =	sshll.u32 s28, $0x1;
	[dreg:$0x2] =	wrdreg s2  }
0xa9: {  	[dreg:$0x3] =	wrdreg s4  }
0xaa: {  	[dreg:$0x4] =	wrdreg $0xC0  }
0xab: {  	_ =	task [dreg:s6], $0x5FFFF  }
0xac: {  	[dreg:$0x1] =	wrdreg $0xFFFFFFFF  }
0xad: {  	[dreg:$0x0] =	wrdreg $0x60  }
0xae: {  	[dreg:$0x2] =	wrdreg s24  }
0xaf: {  	[dreg:$0x3] =	wrdreg $0x0  }
0xb0: {  	[dreg:$0x4] =	wrdreg $0x9  }
0xb1: {  	_ =	task.clear_ibuf [dreg:s6], $0x5FFFF;
	_ =	strace $0x9000004F  }
0xb2: {  	s29 =	simm.s32 $0x9;
	_ =	strace $0x80000051  }
0xb3: {  	_ =	swait.ge [sflag:s29], $0x1  }
0xb4: {  	[sflag:s29] =	ssyncadd.s32 $0xFFFFFFFF  }
0xb5: {  	_ =	strace $0x90000051  }
0xb6: {  	_ =	sfence  }
0xb7: {  	s30 =	sld [smem:$0x0];
	_ =	sdelay $0x2  }
0xb8: {  	s31 =	sshll.u32 s1, $0xD;
	s1 =	sshrl.u32 s1, $0x2  }
0xb9: {  	s3 =	sand.u32 $0x4000, s31;
	s1 =	sadd.s32 s1, s30  }
0xba: {  	s0 =	sor.u32 s3, s0;
	s1 =	sshll.u32 s1, $0x11  }
0xbb: {  	s0 =	sor.u32 s1, s0  }
0xbc: {  	s0 =	sadd.s32 $0x8F2B, s0  }
0xbd: {  	[sflag:s0] =	ssyncadd.remote.s32 $0x1  }
0xbe: {  	_ =	sfence.sel $0xFFFF  }
0xbf: {  	[dreg:$0x0] =	wrdreg $0xFFFFFFFF;
	(pc) =	sbr.abs _section_cstart, $3  }
0xc0: {  	[dreg:$0x1] =	wrdreg $0xFFFFFFFF  }
0xc1: {  	_ =	task.clear_ibuf [dreg:s6], $0x2FFFF;
	_ =	strace $0x9FFFFFFF  }
0xc2: {  	(tm) =	ssettm $0x7FFFFFFF  }
0xc3: {  	_ =	shalt  }
tec
execute0_lowered:
.L_overlay_start_1:
0x0: {  	(tag) =	ssettag $0x1  }
0x1: {  	s9 =	rddreg [dreg:$0x0]  }
0x2: {  	s1 =	rddreg [dreg:$0x1]  }
0x3: {  	s0 =	rddreg [dreg:$0x2]  }
0x4: {  	s2 =	simm.s32 $0x0;
	s6 =	srdreg.scid;
	s3 =	stileid.u32  }
0x5: {  	s18 =	simm.s32 $0x16000;
	s19 =	simm.s32 $0x1;
	s20 =	simm.s32 $0x14000  }
0x6: {  	s21 =	simm.s32 $0x15000;
	s22 =	simm.s32 $0x80;
	[smem:$0x7FF] =	sst s2  }
0x7: {  	s4 =	sadd.s32 $0x97400, s9;
	s5 =	sadd.s32 $0xBF400, s9;
	s10 =	sand.u32 $0x1, s6  }
0x8: {  	s6 =	sadd.s32 $0x15400, s9;
	s12 =	smul.u32 $0x50000, s3;
	s7 =	sadd.s32 $0xB400, s9  }
0x9: {  	s23 =	simm.s32 $0x0;
	s8 =	sadd.s32 $0x187400, s9;
	s9 =	sadd.s32 $0x1AF400, s9  }
.Ltmp0:
0xa: {  	_ =	strace $0x80000050;
	s11 =	ssub.s32 $0x2, s10;
	(pc) =	sbr.rel .LBB2_1-.Ltmp0, $4  }
0xb: {  	p0 =	seq.s32 s10, $0x1;
	s13 =	sshrl.u32 s11, $0x1;
	s31 =	sshrl.u32 s12, $0x2  }
0xc: {  	s12 =	smul.u32 $0x2800, s3;
	s13 =	ssub.s32 s11, s13;
	s10 =	sadd.s32 s31, s1  }
0xd: {  	s11 =	smul.u32 $0x5000, s3;
	s13 =	smax.u32 s13, $0x1;
	s14 =	sadd.s32 $0x4000, s10  }
0xe: {  	v0 =	vimm.f32 $0.0e+00;
	s15 =	sadd.s32 $0x8000, s10;
	s16 =	sadd.s32 $0xC000, s10;
	s17 =	sadd.s32 $0x10000, s10  }
.LBB2_14:
0xf: {  	s24 =	sadd.s32 s24, s12;
	s23 =	sadd.s32 $0x1, s23  }
0x10: {  	s25 =	sshll.u32 s3, $0x6;
	[bflag:$0x0] =	sbarrier.arrive $0xFFFF;
	p1 =	sne.s32 s23, s13  }
.Ltmp1:
0x11: {  	s26 =	sshrl.u32 s10, $0x3;
	s25 =	sor.u32 $0x1C01, s25;
	(pc) =	sbr.rel @!p1 .LBB2_15-.Ltmp1, $4  }
0x12: {  	[hbm:s24], [sflag:s25] =	dma.local [spmem:s26], $0x2800  }
0x13: {  	_ =	swait.ge [sflag:s19], $0x2800  }
0x14: {  	[sflag:s19] =	ssyncset.done $0x0  }
0x15: {  	[sflag:s19] =	ssyncadd.s32 $0xFFFFD800  }
.LBB2_1:
.Ltmp2:
0x16: {  	(pc) =	sbr.rel @!p0 .LBB2_2-.Ltmp2, $2  }
0x17: {  	_ =	sdelay $0x2  }
0x18: {  	s24 =	sshra.s32 s2, $0x2;
	s25 =	sadd.s32 $0x200, s2  }
.LBB2_8:
0x19: {  	p1 =	seq.s32 s25, $0xFE00;
	[tilespmem:s24+$0x16070] =	vst v0  }
0x1a: {  	[tilespmem:s24+$0x16000] =	vst v0  }
0x1b: {  	[tilespmem:s24+$0x16010] =	vst v0  }
.Ltmp3:
0x1c: {  	[tilespmem:s24+$0x16020] =	vst v0;
	(pc) =	sbr.rel @!p1 .LBB2_8-.Ltmp3, $4  }
0x1d: {  	[tilespmem:s24+$0x16030] =	vst v0  }
0x1e: {  	[tilespmem:s24+$0x16040] =	vst v0  }
0x1f: {  	[tilespmem:s24+$0x16050] =	vst v0  }
0x20: {  	[tilespmem:s24+$0x16060] =	vst v0;
	s24 =	sshra.s32 s25, $0x2;
	s25 =	sadd.s32 $0x200, s25  }
0x21: {  	[tilespmem:s24+$0x16070] =	vst v0  }
0x22: {  	[tilespmem:s24+$0x16000] =	vst v0  }
0x23: {  	[tilespmem:s24+$0x16010] =	vst v0  }
0x24: {  	[tilespmem:s24+$0x16020] =	vst v0  }
0x25: {  	[tilespmem:s24+$0x16030] =	vst v0  }
0x26: {  	[tilespmem:s24+$0x16040] =	vst v0  }
0x27: {  	[tilespmem:s24+$0x16050] =	vst v0  }
0x28: {  	[tilespmem:s24+$0x16060] =	vst v0  }
0x29: {  	[spmem:s10] =	stream.linear.scatter [tilespmem:s18], [sflag:$0x1], $0x4000, $0x38;
	[tilespmem:$0x1E000] =	vst v63  }
0x2a: {  	_ =	swait.ge [sflag:s19], $0x4000  }
0x2b: {  	[sflag:s19] =	ssyncset.done $0x0  }
0x2c: {  	[sflag:s19] =	ssyncadd.s32 $0xFFFFC000  }
0x2d: {  	[spmem:s14] =	stream.linear.scatter [tilespmem:s18], [sflag:$0x1], $0x4000, $0x38;
	[tilespmem:$0x1E000] =	vst v63  }
0x2e: {  	_ =	swait.ge [sflag:s19], $0x4000  }
0x2f: {  	[sflag:s19] =	ssyncset.done $0x0  }
0x30: {  	[sflag:s19] =	ssyncadd.s32 $0xFFFFC000  }
0x31: {  	[spmem:s15] =	stream.linear.scatter [tilespmem:s18], [sflag:$0x1], $0x4000, $0x38;
	[tilespmem:$0x1E000] =	vst v63  }
0x32: {  	_ =	swait.ge [sflag:s19], $0x4000  }
0x33: {  	[sflag:s19] =	ssyncset.done $0x0  }
0x34: {  	[sflag:s19] =	ssyncadd.s32 $0xFFFFC000  }
0x35: {  	[spmem:s16] =	stream.linear.scatter [tilespmem:s18], [sflag:$0x1], $0x4000, $0x38;
	[tilespmem:$0x1E000] =	vst v63  }
0x36: {  	_ =	swait.ge [sflag:s19], $0x4000  }
0x37: {  	[sflag:s19] =	ssyncset.done $0x0  }
0x38: {  	[sflag:s19] =	ssyncadd.s32 $0xFFFFC000  }
0x39: {  	[spmem:s17] =	stream.linear.scatter [tilespmem:s18], [sflag:$0x1], $0x4000, $0x38;
	[tilespmem:$0x1E000] =	vst v63  }
0x3a: {  	_ =	swait.ge [sflag:s19], $0x4000  }
0x3b: {  	[sflag:s19] =	ssyncset.done $0x0  }
0x3c: {  	[sflag:s19] =	ssyncadd.s32 $0xFFFFC000  }
0x3d: {  	s24 =	simm.s32 $0x0;
	s25 =	simm.s32 $0x0;
	[bflag:$0x0] =	sbarrier.arrive $0xFFFF  }
.LBB2_10:
0x3e: {  	s26 =	sshll.u32 s25, $0xC  }
0x3f: {  	s26 =	sadd.s32 s11, s26  }
0x40: {  	s26 =	sshrl.u32 s26, $0x3  }
0x41: {  	s28 =	sadd.s32 s7, s26  }
0x42: {  	[tilespmem:s20], [sflag:$0x1] =	stream.linear.gather [hbm4b:s28+s24], $0x1000, $0x38;
	[tilespmem:$0x1E000] =	vst v63  }
0x43: {  	_ =	swait.ge [sflag:s19], $0x1000  }
0x44: {  	[sflag:s19] =	ssyncset.done $0x0  }
0x45: {  	s26 =	sadd.s32 s6, s26;
	[sflag:s19] =	ssyncadd.s32 $0xFFFFF000  }
0x46: {  	[tilespmem:s21], [sflag:$0x1] =	stream.linear.gather [hbm4b:s26+s24], $0x1000, $0x38;
	[tilespmem:$0x1E000] =	vst v63  }
0x47: {  	_ =	swait.ge [sflag:s19], $0x1000  }
0x48: {  	[sflag:s19] =	ssyncset.done $0x0  }
0x49: {  	s30 =	simm.s32 $0x14000;
	[sflag:s19] =	ssyncadd.s32 $0xFFFFF000  }
0x4a: {  	[tilespmem:s18], [sflag:$0x1] =	stream.indirect.gather [hbm4b:s5+s22], $0x80, s30, s22, $0xb8;
	[tilespmem:$0x1E000] =	vst v63  }
0x4b: {  	_ =	swait.ge [sflag:s19], $0x4000  }
0x4c: {  	[sflag:s19] =	ssyncset.done $0x0  }
0x4d: {  	s31 =	simm.s32 $0x15000;
	[sflag:s19] =	ssyncadd.s32 $0xFFFFC000  }
0x4e: {  	[spmem:s1] =	stream.indirect.scatter.add.f32 [tilespmem:s18], [sflag:$0x1], $0x80, s31, s22, $0xb8;
	[tilespmem:$0x1E000] =	vst v63  }
0x4f: {  	_ =	swait.ge [sflag:s19], $0x4000  }
0x50: {  	s28 =	simm.s32 $0x400;
	s26 =	simm.s32 $0x80;
	[sflag:s19] =	ssyncset.done $0x0  }
.LBB2_11:
0x51: {  	s29 =	sadd.s32 $0x14000, s26  }
0x52: {  	[sflag:s19] =	ssyncadd.s32 $0xFFFFC000;
	s30 =	smov.u32 s28;
	s31 =	sadd.s32 $0x200, s28  }
0x53: {  	[tilespmem:s18], [sflag:$0x1] =	stream.indirect.gather [hbm4b:s5+s22], $0x80, s29, s22, $0xb8;
	[tilespmem:$0x1E000] =	vst v63  }
0x54: {  	p1 =	sne.s32 s28, $0x3E00;
	_ =	swait.ge [sflag:s19], $0x4000  }
.Ltmp4:
0x55: {  	[sflag:s19] =	ssyncset.done $0x0;
	(pc) =	sbr.rel @p1 .LBB2_11-.Ltmp4, $4  }
0x56: {  	s26 =	sadd.s32 $0x15000, s26;
	[sflag:s19] =	ssyncadd.s32 $0xFFFFC000  }
0x57: {  	[spmem:s1] =	stream.indirect.scatter.add.f32 [tilespmem:s18], [sflag:$0x1], $0x80, s26, s22, $0xb8;
	[tilespmem:$0x1E000] =	vst v63  }
0x58: {  	_ =	swait.ge [sflag:s19], $0x4000  }
0x59: {  	s28 =	smov.u32 s31;
	s26 =	sshra.s32 s30, $0x2;
	[sflag:s19] =	ssyncset.done $0x0  }
0x5a: {  	s28 =	sadd.s32 $0x14000, s26;
	[sflag:s19] =	ssyncadd.s32 $0xFFFFC000  }
0x5b: {  	[tilespmem:s18], [sflag:$0x1] =	stream.indirect.gather [hbm4b:s5+s22], $0x80, s28, s22, $0xb8;
	[tilespmem:$0x1E000] =	vst v63  }
0x5c: {  	s25 =	sadd.s32 $0x1, s25;
	_ =	swait.ge [sflag:s19], $0x4000  }
0x5d: {  	p1 =	sne.s32 s25, $0x5;
	[sflag:s19] =	ssyncset.done $0x0  }
.Ltmp5:
0x5e: {  	s31 =	sadd.s32 $0x15000, s26;
	[sflag:s19] =	ssyncadd.s32 $0xFFFFC000;
	(pc) =	sbr.rel @p1 .LBB2_10-.Ltmp5, $4  }
0x5f: {  	[spmem:s1] =	stream.indirect.scatter.add.f32 [tilespmem:s18], [sflag:$0x1], $0x80, s31, s22, $0xb8;
	[tilespmem:$0x1E000] =	vst v63  }
0x60: {  	_ =	swait.ge [sflag:s19], $0x4000  }
0x61: {  	[sflag:s19] =	ssyncset.done $0x0  }
0x62: {  	[sflag:s19] =	ssyncadd.s32 $0xFFFFC000  }
.Ltmp6:
0x63: {  	(pc) =	sbr.rel .LBB2_14-.Ltmp6, $2  }
0x64: {  	_ =	sdelay $0x2  }
0x65: {  	s24 =	smov.u32 s9  }
.LBB2_2:
0x66: {  	p1 =	seq.s32 s25, $0xFE00;
	[tilespmem:s24+$0x16070] =	vst v0  }
0x67: {  	[tilespmem:s24+$0x16000] =	vst v0  }
0x68: {  	[tilespmem:s24+$0x16010] =	vst v0  }
.Ltmp7:
0x69: {  	[tilespmem:s24+$0x16020] =	vst v0;
	(pc) =	sbr.rel @!p1 .LBB2_2-.Ltmp7, $4  }
0x6a: {  	[tilespmem:s24+$0x16030] =	vst v0  }
0x6b: {  	[tilespmem:s24+$0x16040] =	vst v0  }
0x6c: {  	[tilespmem:s24+$0x16050] =	vst v0  }
0x6d: {  	[tilespmem:s24+$0x16060] =	vst v0;
	s24 =	sshra.s32 s25, $0x2;
	s25 =	sadd.s32 $0x200, s25  }
0x6e: {  	[tilespmem:s24+$0x16070] =	vst v0  }
0x6f: {  	[tilespmem:s24+$0x16000] =	vst v0  }
0x70: {  	[tilespmem:s24+$0x16010] =	vst v0  }
0x71: {  	[tilespmem:s24+$0x16020] =	vst v0  }
0x72: {  	[tilespmem:s24+$0x16030] =	vst v0  }
0x73: {  	[tilespmem:s24+$0x16040] =	vst v0  }
0x74: {  	[tilespmem:s24+$0x16050] =	vst v0  }
0x75: {  	[tilespmem:s24+$0x16060] =	vst v0  }
0x76: {  	[spmem:s10] =	stream.linear.scatter [tilespmem:s18], [sflag:$0x1], $0x4000, $0x38;
	[tilespmem:$0x1E000] =	vst v63  }
0x77: {  	_ =	swait.ge [sflag:s19], $0x4000  }
0x78: {  	[sflag:s19] =	ssyncset.done $0x0  }
0x79: {  	[sflag:s19] =	ssyncadd.s32 $0xFFFFC000  }
0x7a: {  	[spmem:s14] =	stream.linear.scatter [tilespmem:s18], [sflag:$0x1], $0x4000, $0x38;
	[tilespmem:$0x1E000] =	vst v63  }
0x7b: {  	_ =	swait.ge [sflag:s19], $0x4000  }
0x7c: {  	[sflag:s19] =	ssyncset.done $0x0  }
0x7d: {  	[sflag:s19] =	ssyncadd.s32 $0xFFFFC000  }
0x7e: {  	[spmem:s15] =	stream.linear.scatter [tilespmem:s18], [sflag:$0x1], $0x4000, $0x38;
	[tilespmem:$0x1E000] =	vst v63  }
0x7f: {  	_ =	swait.ge [sflag:s19], $0x4000  }
0x80: {  	[sflag:s19] =	ssyncset.done $0x0  }
0x81: {  	[sflag:s19] =	ssyncadd.s32 $0xFFFFC000  }
0x82: {  	[spmem:s16] =	stream.linear.scatter [tilespmem:s18], [sflag:$0x1], $0x4000, $0x38;
	[tilespmem:$0x1E000] =	vst v63  }
0x83: {  	_ =	swait.ge [sflag:s19], $0x4000  }
0x84: {  	[sflag:s19] =	ssyncset.done $0x0  }
0x85: {  	[sflag:s19] =	ssyncadd.s32 $0xFFFFC000  }
0x86: {  	[spmem:s17] =	stream.linear.scatter [tilespmem:s18], [sflag:$0x1], $0x4000, $0x38;
	[tilespmem:$0x1E000] =	vst v63  }
0x87: {  	_ =	swait.ge [sflag:s19], $0x4000  }
0x88: {  	[sflag:s19] =	ssyncset.done $0x0  }
0x89: {  	[sflag:s19] =	ssyncadd.s32 $0xFFFFC000  }
0x8a: {  	s24 =	simm.s32 $0x0;
	s25 =	simm.s32 $0x0;
	[bflag:$0x0] =	sbarrier.arrive $0xFFFF  }
.LBB2_4:
0x8b: {  	s26 =	sshll.u32 s25, $0xC  }
0x8c: {  	s26 =	sadd.s32 s11, s26  }
0x8d: {  	s26 =	sshrl.u32 s26, $0x3  }
0x8e: {  	s28 =	sadd.s32 s6, s26  }
0x8f: {  	[tilespmem:s20], [sflag:$0x1] =	stream.linear.gather [hbm4b:s28+s24], $0x1000, $0x38;
	[tilespmem:$0x1E000] =	vst v63  }
0x90: {  	_ =	swait.ge [sflag:s19], $0x1000  }
0x91: {  	[sflag:s19] =	ssyncset.done $0x0  }
0x92: {  	s26 =	sadd.s32 s7, s26;
	[sflag:s19] =	ssyncadd.s32 $0xFFFFF000  }
0x93: {  	[tilespmem:s21], [sflag:$0x1] =	stream.linear.gather [hbm4b:s26+s24], $0x1000, $0x38;
	[tilespmem:$0x1E000] =	vst v63  }
0x94: {  	_ =	swait.ge [sflag:s19], $0x1000  }
0x95: {  	[sflag:s19] =	ssyncset.done $0x0  }
0x96: {  	s30 =	simm.s32 $0x14000;
	[sflag:s19] =	ssyncadd.s32 $0xFFFFF000  }
0x97: {  	[tilespmem:s18], [sflag:$0x1] =	stream.indirect.gather [hbm4b:s4+s22], $0x80, s30, s22, $0xb8;
	[tilespmem:$0x1E000] =	vst v63  }
0x98: {  	_ =	swait.ge [sflag:s19], $0x4000  }
0x99: {  	[sflag:s19] =	ssyncset.done $0x0  }
0x9a: {  	s31 =	simm.s32 $0x15000;
	[sflag:s19] =	ssyncadd.s32 $0xFFFFC000  }
0x9b: {  	[spmem:s1] =	stream.indirect.scatter.add.f32 [tilespmem:s18], [sflag:$0x1], $0x80, s31, s22, $0xb8;
	[tilespmem:$0x1E000] =	vst v63  }
0x9c: {  	_ =	swait.ge [sflag:s19], $0x4000  }
0x9d: {  	s28 =	simm.s32 $0x400;
	s26 =	simm.s32 $0x80;
	[sflag:s19] =	ssyncset.done $0x0  }
.LBB2_5:
0x9e: {  	s29 =	sadd.s32 $0x14000, s26  }
0x9f: {  	[sflag:s19] =	ssyncadd.s32 $0xFFFFC000;
	s30 =	smov.u32 s28;
	s31 =	sadd.s32 $0x200, s28  }
0xa0: {  	[tilespmem:s18], [sflag:$0x1] =	stream.indirect.gather [hbm4b:s4+s22], $0x80, s29, s22, $0xb8;
	[tilespmem:$0x1E000] =	vst v63  }
0xa1: {  	p1 =	sne.s32 s28, $0x3E00;
	_ =	swait.ge [sflag:s19], $0x4000  }
.Ltmp8:
0xa2: {  	[sflag:s19] =	ssyncset.done $0x0;
	(pc) =	sbr.rel @p1 .LBB2_5-.Ltmp8, $4  }
0xa3: {  	s26 =	sadd.s32 $0x15000, s26;
	[sflag:s19] =	ssyncadd.s32 $0xFFFFC000  }
0xa4: {  	[spmem:s1] =	stream.indirect.scatter.add.f32 [tilespmem:s18], [sflag:$0x1], $0x80, s26, s22, $0xb8;
	[tilespmem:$0x1E000] =	vst v63  }
0xa5: {  	_ =	swait.ge [sflag:s19], $0x4000  }
0xa6: {  	s28 =	smov.u32 s31;
	s26 =	sshra.s32 s30, $0x2;
	[sflag:s19] =	ssyncset.done $0x0  }
0xa7: {  	s28 =	sadd.s32 $0x14000, s26;
	[sflag:s19] =	ssyncadd.s32 $0xFFFFC000  }
0xa8: {  	[tilespmem:s18], [sflag:$0x1] =	stream.indirect.gather [hbm4b:s4+s22], $0x80, s28, s22, $0xb8;
	[tilespmem:$0x1E000] =	vst v63  }
0xa9: {  	s25 =	sadd.s32 $0x1, s25;
	_ =	swait.ge [sflag:s19], $0x4000  }
0xaa: {  	p1 =	seq.s32 s25, $0x5;
	[sflag:s19] =	ssyncset.done $0x0  }
.Ltmp9:
0xab: {  	s31 =	sadd.s32 $0x15000, s26;
	[sflag:s19] =	ssyncadd.s32 $0xFFFFC000;
	(pc) =	sbr.rel @!p1 .LBB2_4-.Ltmp9, $4  }
0xac: {  	[spmem:s1] =	stream.indirect.scatter.add.f32 [tilespmem:s18], [sflag:$0x1], $0x80, s31, s22, $0xb8;
	[tilespmem:$0x1E000] =	vst v63  }
0xad: {  	_ =	swait.ge [sflag:s19], $0x4000  }
0xae: {  	[sflag:s19] =	ssyncset.done $0x0  }
0xaf: {  	[sflag:s19] =	ssyncadd.s32 $0xFFFFC000  }
.Ltmp10:
0xb0: {  	(pc) =	sbr.rel .LBB2_14-.Ltmp10, $2  }
0xb1: {  	_ =	sdelay $0x2  }
0xb2: {  	s24 =	smov.u32 s8  }
.LBB2_15:
0xb3: {  	_ =	sfence.sel $0x180000  }
0xb4: {  	[bflag:$0x0] =	sbarrier.arrive $0xFFFF  }
0xb5: {  	p0 =	sne.s32 s3, $0x0;
	_ =	strace $0x90000050  }
0xb6: {  	s0 =	sadd.s32 @!p0 $0x100000, s0;
	[bflag:$0x2] =	sbarrier.arrive $0xFFFF  }
0xb7: {  	[sflag:s0] =	ssyncadd.tile.s32 @!p0 $0x1;
	_ =	shalt  }
.Lfunc_end2:
_tile_overlayer_lowered:
.L_overlay_start_2:
0xb8: {  	(tag) =	ssettag $0x2  }
0xb9: {  	s0 =	rddreg [dreg:$0x0];
	s2 =	stileid.u32  }
0xba: {  	s1 =	rddreg [dreg:$0x1];
	p0 =	sne.s32 s2, $0x0  }
0xbb: {  	s3 =	rddreg [dreg:$0x2];
	[bflag:$0x3] =	sbarrier.arrive $0xFFFF;
	s2 =	simm.s32 @!p0 $0x1C01  }
0xbc: {  	[timem:s3], [sflag:s2] =	dma.local @!p0 [hbm:s0], s1  }
0xbd: {  	s0 =	simm.s32 @!p0 $0x1  }
0xbe: {  	_ =	swait.ge @!p0 [sflag:s0], s1  }
0xbf: {  	s1 =	ssub.s32 @!p0 $0x0, s1;
	[sflag:s0] =	ssyncset.done @!p0 $0x0  }
0xc0: {  	[sflag:s0] =	ssyncadd.s32 @!p0 s1  }
0xc1: {  	[bflag:$0x3] =	sbarrier.arrive $0xFFFF  }
0xc2: {  	_ =	shalt  }

// kernel: kernel.31.cloned.1.call-start
scs
__scs_entry_jumppad:
0x0: {  	(pc) =	sbr.rel $0x88, $3  }
0x1: {  	(tag) =	ssettag $0x0;
	lr =	simm.s32 $0x1  }
0x2: {  	[smem:$0x3F94] =	sst lr;
	_ =	strace $0xD0000000  }
0x3: {  	_ = 	snop  }
0x4: {  	_ = 	snop  }
0x5: {  	_ = 	snop  }
0x6: {  	_ = 	snop  }
0x7: {  	_ = 	snop  }
__scs_overlays_trampoline_lowered:
0x8: {  	[smem:$0x3FA3] =	sst s0  }
0x9: {  	[smem:$0x3FA4] =	sst s1  }
0xa: {  	[smem:$0x3FA5] =	sst s2  }
0xb: {  	[smem:$0x3FA6] =	sst s3  }
0xc: {  	[smem:$0x3FA7] =	sst s4  }
0xd: {  	[smem:$0x3FA8] =	sst s5  }
0xe: {  	[smem:$0x3FA9] =	sst s6  }
0xf: {  	[smem:$0x3FAA] =	sst s7  }
0x10: {  	[smem:$0x3FAB] =	sst s8  }
0x11: {  	[smem:$0x3FAC] =	sst s9;
	s0 =	simm.s32 @!p0 $0x0  }
0x12: {  	s1 =	sld [smem:$0x3F92];
	s0 =	simm.s32 @p0 $0x1  }
0x13: {  	[smem:$0x3FAD] =	sst s0;
	s0 =	simm.s32 @!p1 $0x0  }
0x14: {  	s2 =	sld [smem:$0x3F91];
	s0 =	simm.s32 @p1 $0x1  }
0x15: {  	[smem:$0x3FAE] =	sst s0;
	s0 =	simm.s32 @!p2 $0x0  }
0x16: {  	s3 =	sld [smem:$0x3FDB];
	s0 =	simm.s32 @p2 $0x1  }
0x17: {  	s4 =	simm.s32 $0x1BF5;
	[smem:$0x3FB0] =	sst s0  }
0x18: {  	s0 =	sld [smem:$0x3F93];
	_ =	swait.ge [sflag:s4], $0x0  }
0x19: {  	s7 =	sld [smem:$0x3F94]  }
0x1a: {  	s8 =	sadd.s32 $0xFFFFE003, lr  }
0x1b: {  	s9 =	sadd.s32 $0xFFFFFEF7, lr;
	s5 =	simm.s32 $0xFFFFFFFF;
	p2 =	slt.u32 s8, $0xFFFFF086  }
0x1c: {  	p1 =	slt.u32 s9, $0xF7A;
	s5 =	simm.s32 @!p2 $0x0  }
0x1d: {  	s5 =	simm.s32 @p1 $0x1;
	p0 =	seq.s32 s7, s2  }
0x1e: {  	s7 =	smul.u32 @!p0 $0xF7A, s2;
	p2 =	seq.s32 @!p0 s5, $0x0  }
0x1f: {  	s9 =	smul.u32 $0xF7A, s1;
	s8 =	simm.s32 @!p0 $0x1BF5;
	p2 =	por !p2, p0  }
0x20: {  	[sflag:s8] =	ssyncset.s32 @!p0 $0xFFFFF086;
	s6 =	sadd.s32 @!p0 s3, s7;
	s7 =	simm.s32 @!p0 $0x108  }
0x21: {  	s3 =	sadd.s32 s3, s9;
	s6 =	sadd.s32 @!p0 $0x88, s6;
	s7 =	simm.s32 @p2 $0x1082  }
0x22: {  	[simem:s7], [sflag:s8] =	dma.local @!p0 [hbm:s6], $0xF7A  }
0x23: {  	s9 =	sor.u32 $0xD0000000, s2;
	s6 =	simm.s32 $0x108;
	_ =	swait.ge @!p0 [sflag:s8], $0x0  }
0x24: {  	s3 =	sadd.s32 $0x88, s3;
	s6 =	simm.s32 @!p1 $0x1082;
	[sflag:s4] =	ssyncset.s32 $0xFFFFF086  }
0x25: {  	[simem:s6], [sflag:s4] =	dma.local [hbm:s3], $0xF7A  }
0x26: {  	[smem:$0x3F94] =	sst s1;
	(tag) =	ssettag s2;
	_ =	strace s9  }
0x27: {  	s1 =	sld [smem:$0x3FA4]  }
0x28: {  	s2 =	sld [smem:$0x3FA5]  }
0x29: {  	s4 =	sld [smem:$0x3FA7]  }
0x2a: {  	p0 =	seq.s32 s5, $0x0;
	s5 =	sld [smem:$0x3FA8]  }
0x2b: {  	s6 =	sld [smem:$0x3FA9]  }
0x2c: {  	s7 =	sld [smem:$0x3FAA]  }
0x2d: {  	s3 =	simm.s32 $0x108;
	s8 =	sld [smem:$0x3FAB]  }
0x2e: {  	s3 =	simm.s32 @!p0 $0x1082;
	s9 =	sld [smem:$0x3FAC]  }
0x2f: {  	lr =	sadd.s32 s0, s3;
	s0 =	sld [smem:$0x3FA3]  }
0x30: {  	s3 =	sld [smem:$0x3FA6]  }
0x31: {  	[smem:$0x3FAF] =	sst s10  }
0x32: {  	s10 =	sld [smem:$0x3FAD];
	_ =	sdelay $0x3  }
0x33: {  	p0 =	seq.s32 s10, $0x1;
	s10 =	sld [smem:$0x3FAF];
	_ =	sdelay $0x3  }
0x34: {  	[smem:$0x3FAF] =	sst s10  }
0x35: {  	s10 =	sld [smem:$0x3FAE];
	_ =	sdelay $0x3  }
0x36: {  	p1 =	seq.s32 s10, $0x1;
	s10 =	sld [smem:$0x3FAF];
	_ =	sdelay $0x3  }
0x37: {  	[smem:$0x3FAF] =	sst s10  }
0x38: {  	s10 =	sld [smem:$0x3FB0]  }
0x39: {  	_ = 	snop;
	(pc) =	sbr.ind lr, $3  }
0x3a: {  	_ = 	snop  }
0x3b: {  	_ = 	snop  }
0x3c: {  	p2 =	seq.s32 s10, $0x1;
	s10 =	sld [smem:$0x3FAF]  }
0x3d: {  	_ =	shalt  }
0x3e: {  	_ =	shalt  }
0x3f: {  	_ =	shalt  }
0x40: {  	_ =	shalt  }
0x41: {  	_ =	shalt  }
0x42: {  	_ =	shalt  }
0x43: {  	_ =	shalt  }
0x44: {  	_ =	shalt  }
0x45: {  	_ =	shalt  }
0x46: {  	_ =	shalt  }
0x47: {  	_ =	shalt  }
0x48: {  	_ =	shalt  }
0x49: {  	_ =	shalt  }
0x4a: {  	_ =	shalt  }
0x4b: {  	_ =	shalt  }
0x4c: {  	_ =	shalt  }
0x4d: {  	_ =	shalt  }
0x4e: {  	_ =	shalt  }
0x4f: {  	_ =	shalt  }
0x50: {  	_ =	shalt  }
0x51: {  	_ =	shalt  }
0x52: {  	_ =	shalt  }
0x53: {  	_ =	shalt  }
0x54: {  	_ =	shalt  }
0x55: {  	_ =	shalt  }
0x56: {  	_ =	shalt  }
0x57: {  	_ =	shalt  }
0x58: {  	_ =	shalt  }
0x59: {  	_ =	shalt  }
0x5a: {  	_ =	shalt  }
0x5b: {  	_ =	shalt  }
0x5c: {  	_ =	shalt  }
0x5d: {  	_ =	shalt  }
0x5e: {  	_ =	shalt  }
0x5f: {  	_ =	shalt  }
0x60: {  	_ =	shalt  }
0x61: {  	_ =	shalt  }
0x62: {  	_ =	shalt  }
0x63: {  	_ =	shalt  }
0x64: {  	_ =	shalt  }
0x65: {  	_ =	shalt  }
0x66: {  	_ =	shalt  }
0x67: {  	_ =	shalt  }
0x68: {  	_ =	shalt  }
0x69: {  	_ =	shalt  }
0x6a: {  	_ =	shalt  }
0x6b: {  	_ =	shalt  }
0x6c: {  	_ =	shalt  }
0x6d: {  	_ =	shalt  }
0x6e: {  	_ =	shalt  }
0x6f: {  	_ =	shalt  }
0x70: {  	_ =	shalt  }
0x71: {  	_ =	shalt  }
0x72: {  	_ =	shalt  }
0x73: {  	_ =	shalt  }
0x74: {  	_ =	shalt  }
0x75: {  	_ =	shalt  }
0x76: {  	_ =	shalt  }
0x77: {  	_ =	shalt  }
0x78: {  	_ =	shalt  }
0x79: {  	_ =	shalt  }
0x7a: {  	_ =	shalt  }
0x7b: {  	_ =	shalt  }
0x7c: {  	_ =	shalt  }
0x7d: {  	_ =	shalt  }
0x7e: {  	_ =	shalt  }
0x7f: {  	_ =	shalt  }
0x80: {  	_ =	shalt  }
0x81: {  	_ =	shalt  }
0x82: {  	_ =	shalt  }
0x83: {  	_ =	shalt  }
0x84: {  	_ =	shalt  }
0x85: {  	_ =	shalt  }
0x86: {  	_ =	shalt  }
0x87: {  	_ =	shalt  }
.Lfunc_end0:
.L_simem_size_0:
called_computation.4_lowered:
.L_overlay_start_0:
0x88: {  	s2 =	sld [smem:$0x3FD9]  }
0x89: {  	s3 =	sld [smem:$0x3FFE];
	_ =	sdelay $0x1  }
0x8a: {  	s1 =	srdreg.scid  }
0x8b: {  	s0 =	sand.u32 $0x1, s1  }
0x8c: {  	s16 =	sshll.u32 s0, $0xA;
	s2 =	sadd.s32 s3, s2  }
0x8d: {  	s2 =	sadd.s32 s2, s16  }
0x8e: {  	[smem:$0x3FBB] =	sst s2  }
0x8f: {  	_ = 	snop  }
0x90: {  	(tm) =	ssettm $0x1  }
0x91: {  	s17 =	sld [smem:$0x3FFB];
	_ =	sdelay $0x3  }
0x92: {  	_ =	strace s17  }
0x93: {  	s2 =	sld [smem:$0x3FFC];
	_ =	sdelay $0x3  }
0x94: {  	_ =	strace s2  }
0x95: {  	s2 =	sld [smem:$0x3FFD];
	_ =	sdelay $0x3  }
0x96: {  	_ =	strace s2  }
0x97: {  	_ =	strace $0x8FFFFFFF  }
0x98: {  	s18 =	sld [smem:$0x3FDB];
	_ =	sdelay $0x1  }
0x99: {  	s19 =	simm.s32 $_scs_section_size  }
0x9a: {  	s4 =	simm.s32 $_size__tile_overlayer_lowered;
	s5 =	simm.s32 $_tile_overlayer_lowered  }
0x9b: {  	s22 =	simm.s32 $0x1BFF;
	s21 =	sshll.u32 s5, $0x1;
	s2 =	sadd.s32 s19, s18  }
0x9c: {  	s6 =	simm.s32 $0x0;
	s20 =	sshll.u32 s4, $0x1;
	s4 =	sadd.s32 s21, s2  }
0x9d: {  	[timem:s6], [sflag:s22] =	dma.local [hbm:s4], s20  }
0x9e: {  	_ =	swait.ge [sflag:s22], s20  }
0x9f: {  	s3 =	ssub.s32 $0x0, s20;
	[sflag:s22] =	ssyncset.done $0x0  }
0xa0: {  	[sflag:s22] =	ssyncadd.s32 s3;
	_ =	sdelay $0x1  }
0xa1: {  	s23 =	simm.s32 $0x1B8B  }
0xa2: {  	_ =	swait.ge [sflag:s23], $0x1  }
0xa3: {  	[sflag:s23] =	ssyncset.done $0x0  }
0xa4: {  	s25 =	simm.s32 $0x1B8E;
	s24 =	sld [smem:$0x3FFE];
	[sflag:s23] =	ssyncadd.s32 $0xFFFFFFFF  }
0xa5: {  	s26 =	simm.s32 $execute0_lowered;
	[smem:$0x3FD2] =	sst s25  }
0xa6: {  	s4 =	sshll.u32 s26, $0x1;
	_ =	strace $0x80000052;
	[dreg:$0x1] =	wrdreg $0xFFFFFFFF  }
0xa7: {  	s28 =	simm.s32 $_size_execute0_lowered;
	s2 =	sadd.s32 s2, s4;
	[dreg:$0x0] =	wrdreg $0x0  }
0xa8: {  	s4 =	sshll.u32 s28, $0x1;
	[dreg:$0x2] =	wrdreg s2  }
0xa9: {  	[dreg:$0x3] =	wrdreg s4  }
0xaa: {  	[dreg:$0x4] =	wrdreg $0xC0  }
0xab: {  	_ =	task [dreg:s6], $0x5FFFF  }
0xac: {  	[dreg:$0x1] =	wrdreg $0xFFFFFFFF  }
0xad: {  	[dreg:$0x0] =	wrdreg $0x60  }
0xae: {  	[dreg:$0x2] =	wrdreg s24  }
0xaf: {  	[dreg:$0x3] =	wrdreg $0x0  }
0xb0: {  	[dreg:$0x4] =	wrdreg $0x9  }
0xb1: {  	_ =	task.clear_ibuf [dreg:s6], $0x5FFFF;
	_ =	strace $0x90000052  }
0xb2: {  	s29 =	simm.s32 $0x9;
	_ =	strace $0x80000054  }
0xb3: {  	_ =	swait.ge [sflag:s29], $0x1  }
0xb4: {  	[sflag:s29] =	ssyncadd.s32 $0xFFFFFFFF  }
0xb5: {  	_ =	strace $0x90000054  }
0xb6: {  	_ =	sfence  }
0xb7: {  	s30 =	sld [smem:$0x0];
	_ =	sdelay $0x2  }
0xb8: {  	s31 =	sshll.u32 s1, $0xD;
	s1 =	sshrl.u32 s1, $0x2  }
0xb9: {  	s3 =	sand.u32 $0x4000, s31;
	s1 =	sadd.s32 s1, s30  }
0xba: {  	s0 =	sor.u32 s3, s0;
	s1 =	sshll.u32 s1, $0x11  }
0xbb: {  	s0 =	sor.u32 s1, s0  }
0xbc: {  	s0 =	sadd.s32 $0x8F2B, s0  }
0xbd: {  	[sflag:s0] =	ssyncadd.remote.s32 $0x1  }
0xbe: {  	_ =	sfence.sel $0xFFFF  }
0xbf: {  	[dreg:$0x0] =	wrdreg $0xFFFFFFFF;
	(pc) =	sbr.abs _section_cstart, $3  }
0xc0: {  	[dreg:$0x1] =	wrdreg $0xFFFFFFFF  }
0xc1: {  	_ =	task.clear_ibuf [dreg:s6], $0x2FFFF;
	_ =	strace $0x9FFFFFFF  }
0xc2: {  	(tm) =	ssettm $0x7FFFFFFF  }
0xc3: {  	_ =	shalt  }
tec
execute0_lowered:
.L_overlay_start_1:
0x0: {  	(tag) =	ssettag $0x1  }
0x1: {  	s9 =	rddreg [dreg:$0x0]  }
0x2: {  	s1 =	rddreg [dreg:$0x1]  }
0x3: {  	s0 =	rddreg [dreg:$0x2]  }
0x4: {  	s2 =	simm.s32 $0x0;
	s6 =	srdreg.scid;
	s3 =	stileid.u32  }
0x5: {  	s18 =	simm.s32 $0x16000;
	s19 =	simm.s32 $0x1;
	s20 =	simm.s32 $0x14000  }
0x6: {  	s21 =	simm.s32 $0x15000;
	s22 =	simm.s32 $0x80;
	s23 =	simm.s32 $0x0  }
0x7: {  	[smem:$0x7FF] =	sst s2;
	s4 =	sadd.s32 $0x6F400, s9;
	s5 =	sadd.s32 $0x97400, s9  }
0x8: {  	s10 =	sand.u32 $0x1, s6;
	s6 =	sadd.s32 $0x15400, s9;
	s12 =	smul.u32 $0x50000, s3  }
0x9: {  	s7 =	sadd.s32 $0xB400, s9;
	s8 =	sadd.s32 $0xE7400, s9;
	s9 =	sadd.s32 $0x10F400, s9  }
.Ltmp0:
0xa: {  	_ =	strace $0x80000053;
	s11 =	ssub.s32 $0x2, s10;
	(pc) =	sbr.rel .LBB2_1-.Ltmp0, $4  }
0xb: {  	p0 =	seq.s32 s10, $0x1;
	s13 =	sshrl.u32 s11, $0x1;
	s31 =	sshrl.u32 s12, $0x2  }
0xc: {  	s12 =	smul.u32 $0x2800, s3;
	s13 =	ssub.s32 s11, s13;
	s10 =	sadd.s32 s31, s1  }
0xd: {  	s11 =	smul.u32 $0x5000, s3;
	s13 =	smax.u32 s13, $0x1;
	s14 =	sadd.s32 $0x4000, s10  }
0xe: {  	v0 =	vimm.f32 $0.0e+00;
	s15 =	sadd.s32 $0x8000, s10;
	s16 =	sadd.s32 $0xC000, s10;
	s17 =	sadd.s32 $0x10000, s10  }
.LBB2_14:
0xf: {  	s24 =	sadd.s32 s24, s12;
	s23 =	sadd.s32 $0x1, s23  }
0x10: {  	s25 =	sshll.u32 s3, $0x6;
	[bflag:$0x0] =	sbarrier.arrive $0xFFFF;
	p1 =	sne.s32 s23, s13  }
.Ltmp1:
0x11: {  	s26 =	sshrl.u32 s10, $0x3;
	s25 =	sor.u32 $0x1C01, s25;
	(pc) =	sbr.rel @!p1 .LBB2_15-.Ltmp1, $4  }
0x12: {  	[hbm:s24], [sflag:s25] =	dma.local [spmem:s26], $0x2800  }
0x13: {  	_ =	swait.ge [sflag:s19], $0x2800  }
0x14: {  	[sflag:s19] =	ssyncset.done $0x0  }
0x15: {  	[sflag:s19] =	ssyncadd.s32 $0xFFFFD800  }
.LBB2_1:
.Ltmp2:
0x16: {  	(pc) =	sbr.rel @!p0 .LBB2_2-.Ltmp2, $2  }
0x17: {  	_ =	sdelay $0x2  }
0x18: {  	s24 =	sshra.s32 s2, $0x2;
	s25 =	sadd.s32 $0x200, s2  }
.LBB2_8:
0x19: {  	p1 =	seq.s32 s25, $0xFE00;
	[tilespmem:s24+$0x16070] =	vst v0  }
0x1a: {  	[tilespmem:s24+$0x16000] =	vst v0  }
0x1b: {  	[tilespmem:s24+$0x16010] =	vst v0  }
.Ltmp3:
0x1c: {  	[tilespmem:s24+$0x16020] =	vst v0;
	(pc) =	sbr.rel @!p1 .LBB2_8-.Ltmp3, $4  }
0x1d: {  	[tilespmem:s24+$0x16030] =	vst v0  }
0x1e: {  	[tilespmem:s24+$0x16040] =	vst v0  }
0x1f: {  	[tilespmem:s24+$0x16050] =	vst v0  }
0x20: {  	[tilespmem:s24+$0x16060] =	vst v0;
	s24 =	sshra.s32 s25, $0x2;
	s25 =	sadd.s32 $0x200, s25  }
0x21: {  	[tilespmem:s24+$0x16070] =	vst v0  }
0x22: {  	[tilespmem:s24+$0x16000] =	vst v0  }
0x23: {  	[tilespmem:s24+$0x16010] =	vst v0  }
0x24: {  	[tilespmem:s24+$0x16020] =	vst v0  }
0x25: {  	[tilespmem:s24+$0x16030] =	vst v0  }
0x26: {  	[tilespmem:s24+$0x16040] =	vst v0  }
0x27: {  	[tilespmem:s24+$0x16050] =	vst v0  }
0x28: {  	[tilespmem:s24+$0x16060] =	vst v0  }
0x29: {  	[spmem:s10] =	stream.linear.scatter [tilespmem:s18], [sflag:$0x1], $0x4000, $0x38;
	[tilespmem:$0x1E000] =	vst v63  }
0x2a: {  	_ =	swait.ge [sflag:s19], $0x4000  }
0x2b: {  	[sflag:s19] =	ssyncset.done $0x0  }
0x2c: {  	[sflag:s19] =	ssyncadd.s32 $0xFFFFC000  }
0x2d: {  	[spmem:s14] =	stream.linear.scatter [tilespmem:s18], [sflag:$0x1], $0x4000, $0x38;
	[tilespmem:$0x1E000] =	vst v63  }
0x2e: {  	_ =	swait.ge [sflag:s19], $0x4000  }
0x2f: {  	[sflag:s19] =	ssyncset.done $0x0  }
0x30: {  	[sflag:s19] =	ssyncadd.s32 $0xFFFFC000  }
0x31: {  	[spmem:s15] =	stream.linear.scatter [tilespmem:s18], [sflag:$0x1], $0x4000, $0x38;
	[tilespmem:$0x1E000] =	vst v63  }
0x32: {  	_ =	swait.ge [sflag:s19], $0x4000  }
0x33: {  	[sflag:s19] =	ssyncset.done $0x0  }
0x34: {  	[sflag:s19] =	ssyncadd.s32 $0xFFFFC000  }
0x35: {  	[spmem:s16] =	stream.linear.scatter [tilespmem:s18], [sflag:$0x1], $0x4000, $0x38;
	[tilespmem:$0x1E000] =	vst v63  }
0x36: {  	_ =	swait.ge [sflag:s19], $0x4000  }
0x37: {  	[sflag:s19] =	ssyncset.done $0x0  }
0x38: {  	[sflag:s19] =	ssyncadd.s32 $0xFFFFC000  }
0x39: {  	[spmem:s17] =	stream.linear.scatter [tilespmem:s18], [sflag:$0x1], $0x4000, $0x38;
	[tilespmem:$0x1E000] =	vst v63  }
0x3a: {  	_ =	swait.ge [sflag:s19], $0x4000  }
0x3b: {  	[sflag:s19] =	ssyncset.done $0x0  }
0x3c: {  	[sflag:s19] =	ssyncadd.s32 $0xFFFFC000  }
0x3d: {  	s24 =	simm.s32 $0x0;
	s25 =	simm.s32 $0x0;
	[bflag:$0x0] =	sbarrier.arrive $0xFFFF  }
.LBB2_10:
0x3e: {  	s26 =	sshll.u32 s25, $0xC  }
0x3f: {  	s26 =	sadd.s32 s11, s26  }
0x40: {  	s26 =	sshrl.u32 s26, $0x3  }
0x41: {  	s28 =	sadd.s32 s7, s26  }
0x42: {  	[tilespmem:s20], [sflag:$0x1] =	stream.linear.gather [hbm4b:s28+s24], $0x1000, $0x38;
	[tilespmem:$0x1E000] =	vst v63  }
0x43: {  	_ =	swait.ge [sflag:s19], $0x1000  }
0x44: {  	[sflag:s19] =	ssyncset.done $0x0  }
0x45: {  	s26 =	sadd.s32 s6, s26;
	[sflag:s19] =	ssyncadd.s32 $0xFFFFF000  }
0x46: {  	[tilespmem:s21], [sflag:$0x1] =	stream.linear.gather [hbm4b:s26+s24], $0x1000, $0x38;
	[tilespmem:$0x1E000] =	vst v63  }
0x47: {  	_ =	swait.ge [sflag:s19], $0x1000  }
0x48: {  	[sflag:s19] =	ssyncset.done $0x0  }
0x49: {  	s30 =	simm.s32 $0x14000;
	[sflag:s19] =	ssyncadd.s32 $0xFFFFF000  }
0x4a: {  	[tilespmem:s18], [sflag:$0x1] =	stream.indirect.gather [hbm4b:s5+s22], $0x80, s30, s22, $0xb8;
	[tilespmem:$0x1E000] =	vst v63  }
0x4b: {  	_ =	swait.ge [sflag:s19], $0x4000  }
0x4c: {  	[sflag:s19] =	ssyncset.done $0x0  }
0x4d: {  	s31 =	simm.s32 $0x15000;
	[sflag:s19] =	ssyncadd.s32 $0xFFFFC000  }
0x4e: {  	[spmem:s1] =	stream.indirect.scatter.add.f32 [tilespmem:s18], [sflag:$0x1], $0x80, s31, s22, $0xb8;
	[tilespmem:$0x1E000] =	vst v63  }
0x4f: {  	_ =	swait.ge [sflag:s19], $0x4000  }
0x50: {  	s28 =	simm.s32 $0x400;
	s26 =	simm.s32 $0x80;
	[sflag:s19] =	ssyncset.done $0x0  }
.LBB2_11:
0x51: {  	s29 =	sadd.s32 $0x14000, s26  }
0x52: {  	[sflag:s19] =	ssyncadd.s32 $0xFFFFC000;
	s30 =	smov.u32 s28;
	s31 =	sadd.s32 $0x200, s28  }
0x53: {  	[tilespmem:s18], [sflag:$0x1] =	stream.indirect.gather [hbm4b:s5+s22], $0x80, s29, s22, $0xb8;
	[tilespmem:$0x1E000] =	vst v63  }
0x54: {  	p1 =	sne.s32 s28, $0x3E00;
	_ =	swait.ge [sflag:s19], $0x4000  }
.Ltmp4:
0x55: {  	[sflag:s19] =	ssyncset.done $0x0;
	(pc) =	sbr.rel @p1 .LBB2_11-.Ltmp4, $4  }
0x56: {  	s26 =	sadd.s32 $0x15000, s26;
	[sflag:s19] =	ssyncadd.s32 $0xFFFFC000  }
0x57: {  	[spmem:s1] =	stream.indirect.scatter.add.f32 [tilespmem:s18], [sflag:$0x1], $0x80, s26, s22, $0xb8;
	[tilespmem:$0x1E000] =	vst v63  }
0x58: {  	_ =	swait.ge [sflag:s19], $0x4000  }
0x59: {  	s28 =	smov.u32 s31;
	s26 =	sshra.s32 s30, $0x2;
	[sflag:s19] =	ssyncset.done $0x0  }
0x5a: {  	s28 =	sadd.s32 $0x14000, s26;
	[sflag:s19] =	ssyncadd.s32 $0xFFFFC000  }
0x5b: {  	[tilespmem:s18], [sflag:$0x1] =	stream.indirect.gather [hbm4b:s5+s22], $0x80, s28, s22, $0xb8;
	[tilespmem:$0x1E000] =	vst v63  }
0x5c: {  	s25 =	sadd.s32 $0x1, s25;
	_ =	swait.ge [sflag:s19], $0x4000  }
0x5d: {  	p1 =	sne.s32 s25, $0x5;
	[sflag:s19] =	ssyncset.done $0x0  }
.Ltmp5:
0x5e: {  	s31 =	sadd.s32 $0x15000, s26;
	[sflag:s19] =	ssyncadd.s32 $0xFFFFC000;
	(pc) =	sbr.rel @p1 .LBB2_10-.Ltmp5, $4  }
0x5f: {  	[spmem:s1] =	stream.indirect.scatter.add.f32 [tilespmem:s18], [sflag:$0x1], $0x80, s31, s22, $0xb8;
	[tilespmem:$0x1E000] =	vst v63  }
0x60: {  	_ =	swait.ge [sflag:s19], $0x4000  }
0x61: {  	[sflag:s19] =	ssyncset.done $0x0  }
0x62: {  	[sflag:s19] =	ssyncadd.s32 $0xFFFFC000  }
.Ltmp6:
0x63: {  	(pc) =	sbr.rel .LBB2_14-.Ltmp6, $2  }
0x64: {  	_ =	sdelay $0x2  }
0x65: {  	s24 =	smov.u32 s9  }
.LBB2_2:
0x66: {  	p1 =	seq.s32 s25, $0xFE00;
	[tilespmem:s24+$0x16070] =	vst v0  }
0x67: {  	[tilespmem:s24+$0x16000] =	vst v0  }
0x68: {  	[tilespmem:s24+$0x16010] =	vst v0  }
.Ltmp7:
0x69: {  	[tilespmem:s24+$0x16020] =	vst v0;
	(pc) =	sbr.rel @!p1 .LBB2_2-.Ltmp7, $4  }
0x6a: {  	[tilespmem:s24+$0x16030] =	vst v0  }
0x6b: {  	[tilespmem:s24+$0x16040] =	vst v0  }
0x6c: {  	[tilespmem:s24+$0x16050] =	vst v0  }
0x6d: {  	[tilespmem:s24+$0x16060] =	vst v0;
	s24 =	sshra.s32 s25, $0x2;
	s25 =	sadd.s32 $0x200, s25  }
0x6e: {  	[tilespmem:s24+$0x16070] =	vst v0  }
0x6f: {  	[tilespmem:s24+$0x16000] =	vst v0  }
0x70: {  	[tilespmem:s24+$0x16010] =	vst v0  }
0x71: {  	[tilespmem:s24+$0x16020] =	vst v0  }
0x72: {  	[tilespmem:s24+$0x16030] =	vst v0  }
0x73: {  	[tilespmem:s24+$0x16040] =	vst v0  }
0x74: {  	[tilespmem:s24+$0x16050] =	vst v0  }
0x75: {  	[tilespmem:s24+$0x16060] =	vst v0  }
0x76: {  	[spmem:s10] =	stream.linear.scatter [tilespmem:s18], [sflag:$0x1], $0x4000, $0x38;
	[tilespmem:$0x1E000] =	vst v63  }
0x77: {  	_ =	swait.ge [sflag:s19], $0x4000  }
0x78: {  	[sflag:s19] =	ssyncset.done $0x0  }
0x79: {  	[sflag:s19] =	ssyncadd.s32 $0xFFFFC000  }
0x7a: {  	[spmem:s14] =	stream.linear.scatter [tilespmem:s18], [sflag:$0x1], $0x4000, $0x38;
	[tilespmem:$0x1E000] =	vst v63  }
0x7b: {  	_ =	swait.ge [sflag:s19], $0x4000  }
0x7c: {  	[sflag:s19] =	ssyncset.done $0x0  }
0x7d: {  	[sflag:s19] =	ssyncadd.s32 $0xFFFFC000  }
0x7e: {  	[spmem:s15] =	stream.linear.scatter [tilespmem:s18], [sflag:$0x1], $0x4000, $0x38;
	[tilespmem:$0x1E000] =	vst v63  }
0x7f: {  	_ =	swait.ge [sflag:s19], $0x4000  }
0x80: {  	[sflag:s19] =	ssyncset.done $0x0  }
0x81: {  	[sflag:s19] =	ssyncadd.s32 $0xFFFFC000  }
0x82: {  	[spmem:s16] =	stream.linear.scatter [tilespmem:s18], [sflag:$0x1], $0x4000, $0x38;
	[tilespmem:$0x1E000] =	vst v63  }
0x83: {  	_ =	swait.ge [sflag:s19], $0x4000  }
0x84: {  	[sflag:s19] =	ssyncset.done $0x0  }
0x85: {  	[sflag:s19] =	ssyncadd.s32 $0xFFFFC000  }
0x86: {  	[spmem:s17] =	stream.linear.scatter [tilespmem:s18], [sflag:$0x1], $0x4000, $0x38;
	[tilespmem:$0x1E000] =	vst v63  }
0x87: {  	_ =	swait.ge [sflag:s19], $0x4000  }
0x88: {  	[sflag:s19] =	ssyncset.done $0x0  }
0x89: {  	[sflag:s19] =	ssyncadd.s32 $0xFFFFC000  }
0x8a: {  	s24 =	simm.s32 $0x0;
	s25 =	simm.s32 $0x0;
	[bflag:$0x0] =	sbarrier.arrive $0xFFFF  }
.LBB2_4:
0x8b: {  	s26 =	sshll.u32 s25, $0xC  }
0x8c: {  	s26 =	sadd.s32 s11, s26  }
0x8d: {  	s26 =	sshrl.u32 s26, $0x3  }
0x8e: {  	s28 =	sadd.s32 s6, s26  }
0x8f: {  	[tilespmem:s20], [sflag:$0x1] =	stream.linear.gather [hbm4b:s28+s24], $0x1000, $0x38;
	[tilespmem:$0x1E000] =	vst v63  }
0x90: {  	_ =	swait.ge [sflag:s19], $0x1000  }
0x91: {  	[sflag:s19] =	ssyncset.done $0x0  }
0x92: {  	s26 =	sadd.s32 s7, s26;
	[sflag:s19] =	ssyncadd.s32 $0xFFFFF000  }
0x93: {  	[tilespmem:s21], [sflag:$0x1] =	stream.linear.gather [hbm4b:s26+s24], $0x1000, $0x38;
	[tilespmem:$0x1E000] =	vst v63  }
0x94: {  	_ =	swait.ge [sflag:s19], $0x1000  }
0x95: {  	[sflag:s19] =	ssyncset.done $0x0  }
0x96: {  	s30 =	simm.s32 $0x14000;
	[sflag:s19] =	ssyncadd.s32 $0xFFFFF000  }
0x97: {  	[tilespmem:s18], [sflag:$0x1] =	stream.indirect.gather [hbm4b:s4+s22], $0x80, s30, s22, $0xb8;
	[tilespmem:$0x1E000] =	vst v63  }
0x98: {  	_ =	swait.ge [sflag:s19], $0x4000  }
0x99: {  	[sflag:s19] =	ssyncset.done $0x0  }
0x9a: {  	s31 =	simm.s32 $0x15000;
	[sflag:s19] =	ssyncadd.s32 $0xFFFFC000  }
0x9b: {  	[spmem:s1] =	stream.indirect.scatter.add.f32 [tilespmem:s18], [sflag:$0x1], $0x80, s31, s22, $0xb8;
	[tilespmem:$0x1E000] =	vst v63  }
0x9c: {  	_ =	swait.ge [sflag:s19], $0x4000  }
0x9d: {  	s28 =	simm.s32 $0x400;
	s26 =	simm.s32 $0x80;
	[sflag:s19] =	ssyncset.done $0x0  }
.LBB2_5:
0x9e: {  	s29 =	sadd.s32 $0x14000, s26  }
0x9f: {  	[sflag:s19] =	ssyncadd.s32 $0xFFFFC000;
	s30 =	smov.u32 s28;
	s31 =	sadd.s32 $0x200, s28  }
0xa0: {  	[tilespmem:s18], [sflag:$0x1] =	stream.indirect.gather [hbm4b:s4+s22], $0x80, s29, s22, $0xb8;
	[tilespmem:$0x1E000] =	vst v63  }
0xa1: {  	p1 =	sne.s32 s28, $0x3E00;
	_ =	swait.ge [sflag:s19], $0x4000  }
.Ltmp8:
0xa2: {  	[sflag:s19] =	ssyncset.done $0x0;
	(pc) =	sbr.rel @p1 .LBB2_5-.Ltmp8, $4  }
0xa3: {  	s26 =	sadd.s32 $0x15000, s26;
	[sflag:s19] =	ssyncadd.s32 $0xFFFFC000  }
0xa4: {  	[spmem:s1] =	stream.indirect.scatter.add.f32 [tilespmem:s18], [sflag:$0x1], $0x80, s26, s22, $0xb8;
	[tilespmem:$0x1E000] =	vst v63  }
0xa5: {  	_ =	swait.ge [sflag:s19], $0x4000  }
0xa6: {  	s28 =	smov.u32 s31;
	s26 =	sshra.s32 s30, $0x2;
	[sflag:s19] =	ssyncset.done $0x0  }
0xa7: {  	s28 =	sadd.s32 $0x14000, s26;
	[sflag:s19] =	ssyncadd.s32 $0xFFFFC000  }
0xa8: {  	[tilespmem:s18], [sflag:$0x1] =	stream.indirect.gather [hbm4b:s4+s22], $0x80, s28, s22, $0xb8;
	[tilespmem:$0x1E000] =	vst v63  }
0xa9: {  	s25 =	sadd.s32 $0x1, s25;
	_ =	swait.ge [sflag:s19], $0x4000  }
0xaa: {  	p1 =	seq.s32 s25, $0x5;
	[sflag:s19] =	ssyncset.done $0x0  }
.Ltmp9:
0xab: {  	s31 =	sadd.s32 $0x15000, s26;
	[sflag:s19] =	ssyncadd.s32 $0xFFFFC000;
	(pc) =	sbr.rel @!p1 .LBB2_4-.Ltmp9, $4  }
0xac: {  	[spmem:s1] =	stream.indirect.scatter.add.f32 [tilespmem:s18], [sflag:$0x1], $0x80, s31, s22, $0xb8;
	[tilespmem:$0x1E000] =	vst v63  }
0xad: {  	_ =	swait.ge [sflag:s19], $0x4000  }
0xae: {  	[sflag:s19] =	ssyncset.done $0x0  }
0xaf: {  	[sflag:s19] =	ssyncadd.s32 $0xFFFFC000  }
.Ltmp10:
0xb0: {  	(pc) =	sbr.rel .LBB2_14-.Ltmp10, $2  }
0xb1: {  	_ =	sdelay $0x2  }
0xb2: {  	s24 =	smov.u32 s8  }
.LBB2_15:
0xb3: {  	_ =	sfence.sel $0x180000  }
0xb4: {  	[bflag:$0x0] =	sbarrier.arrive $0xFFFF  }
0xb5: {  	p0 =	sne.s32 s3, $0x0;
	_ =	strace $0x90000053  }
0xb6: {  	s0 =	sadd.s32 @!p0 $0x100000, s0;
	[bflag:$0x2] =	sbarrier.arrive $0xFFFF  }
0xb7: {  	[sflag:s0] =	ssyncadd.tile.s32 @!p0 $0x1;
	_ =	shalt  }
.Lfunc_end2:
_tile_overlayer_lowered:
.L_overlay_start_2:
0xb8: {  	(tag) =	ssettag $0x2  }
0xb9: {  	s0 =	rddreg [dreg:$0x0];
	s2 =	stileid.u32  }
0xba: {  	s1 =	rddreg [dreg:$0x1];
	p0 =	sne.s32 s2, $0x0  }
0xbb: {  	s3 =	rddreg [dreg:$0x2];
	[bflag:$0x3] =	sbarrier.arrive $0xFFFF;
	s2 =	simm.s32 @!p0 $0x1C01  }
0xbc: {  	[timem:s3], [sflag:s2] =	dma.local @!p0 [hbm:s0], s1  }
0xbd: {  	s0 =	simm.s32 @!p0 $0x1  }
0xbe: {  	_ =	swait.ge @!p0 [sflag:s0], s1  }
0xbf: {  	s1 =	ssub.s32 @!p0 $0x0, s1;
	[sflag:s0] =	ssyncset.done @!p0 $0x0  }
0xc0: {  	[sflag:s0] =	ssyncadd.s32 @!p0 s1  }
0xc1: {  	[bflag:$0x3] =	sbarrier.arrive $0xFFFF  }
0xc2: {  	_ =	shalt  }

// kernel: kernel.34.cloned.1.call-start
scs
__scs_entry_jumppad:
0x0: {  	(pc) =	sbr.rel $0x88, $3  }
0x1: {  	(tag) =	ssettag $0x0;
	lr =	simm.s32 $0x1  }
0x2: {  	[smem:$0x3F94] =	sst lr;
	_ =	strace $0xD0000000  }
0x3: {  	_ = 	snop  }
0x4: {  	_ = 	snop  }
0x5: {  	_ = 	snop  }
0x6: {  	_ = 	snop  }
0x7: {  	_ = 	snop  }
__scs_overlays_trampoline_lowered:
0x8: {  	[smem:$0x3FA3] =	sst s0  }
0x9: {  	[smem:$0x3FA4] =	sst s1  }
0xa: {  	[smem:$0x3FA5] =	sst s2  }
0xb: {  	[smem:$0x3FA6] =	sst s3  }
0xc: {  	[smem:$0x3FA7] =	sst s4  }
0xd: {  	[smem:$0x3FA8] =	sst s5  }
0xe: {  	[smem:$0x3FA9] =	sst s6  }
0xf: {  	[smem:$0x3FAA] =	sst s7  }
0x10: {  	[smem:$0x3FAB] =	sst s8  }
0x11: {  	[smem:$0x3FAC] =	sst s9;
	s0 =	simm.s32 @!p0 $0x0  }
0x12: {  	s1 =	sld [smem:$0x3F92];
	s0 =	simm.s32 @p0 $0x1  }
0x13: {  	[smem:$0x3FAD] =	sst s0;
	s0 =	simm.s32 @!p1 $0x0  }
0x14: {  	s2 =	sld [smem:$0x3F91];
	s0 =	simm.s32 @p1 $0x1  }
0x15: {  	[smem:$0x3FAE] =	sst s0;
	s0 =	simm.s32 @!p2 $0x0  }
0x16: {  	s3 =	sld [smem:$0x3FDB];
	s0 =	simm.s32 @p2 $0x1  }
0x17: {  	s4 =	simm.s32 $0x1BF5;
	[smem:$0x3FB0] =	sst s0  }
0x18: {  	s0 =	sld [smem:$0x3F93];
	_ =	swait.ge [sflag:s4], $0x0  }
0x19: {  	s7 =	sld [smem:$0x3F94]  }
0x1a: {  	s8 =	sadd.s32 $0xFFFFE003, lr  }
0x1b: {  	s9 =	sadd.s32 $0xFFFFFEF7, lr;
	s5 =	simm.s32 $0xFFFFFFFF;
	p2 =	slt.u32 s8, $0xFFFFF086  }
0x1c: {  	p1 =	slt.u32 s9, $0xF7A;
	s5 =	simm.s32 @!p2 $0x0  }
0x1d: {  	s5 =	simm.s32 @p1 $0x1;
	p0 =	seq.s32 s7, s2  }
0x1e: {  	s7 =	smul.u32 @!p0 $0xF7A, s2;
	p2 =	seq.s32 @!p0 s5, $0x0  }
0x1f: {  	s9 =	smul.u32 $0xF7A, s1;
	s8 =	simm.s32 @!p0 $0x1BF5;
	p2 =	por !p2, p0  }
0x20: {  	[sflag:s8] =	ssyncset.s32 @!p0 $0xFFFFF086;
	s6 =	sadd.s32 @!p0 s3, s7;
	s7 =	simm.s32 @!p0 $0x108  }
0x21: {  	s3 =	sadd.s32 s3, s9;
	s6 =	sadd.s32 @!p0 $0x88, s6;
	s7 =	simm.s32 @p2 $0x1082  }
0x22: {  	[simem:s7], [sflag:s8] =	dma.local @!p0 [hbm:s6], $0xF7A  }
0x23: {  	s9 =	sor.u32 $0xD0000000, s2;
	s6 =	simm.s32 $0x108;
	_ =	swait.ge @!p0 [sflag:s8], $0x0  }
0x24: {  	s3 =	sadd.s32 $0x88, s3;
	s6 =	simm.s32 @!p1 $0x1082;
	[sflag:s4] =	ssyncset.s32 $0xFFFFF086  }
0x25: {  	[simem:s6], [sflag:s4] =	dma.local [hbm:s3], $0xF7A  }
0x26: {  	[smem:$0x3F94] =	sst s1;
	(tag) =	ssettag s2;
	_ =	strace s9  }
0x27: {  	s1 =	sld [smem:$0x3FA4]  }
0x28: {  	s2 =	sld [smem:$0x3FA5]  }
0x29: {  	s4 =	sld [smem:$0x3FA7]  }
0x2a: {  	p0 =	seq.s32 s5, $0x0;
	s5 =	sld [smem:$0x3FA8]  }
0x2b: {  	s6 =	sld [smem:$0x3FA9]  }
0x2c: {  	s7 =	sld [smem:$0x3FAA]  }
0x2d: {  	s3 =	simm.s32 $0x108;
	s8 =	sld [smem:$0x3FAB]  }
0x2e: {  	s3 =	simm.s32 @!p0 $0x1082;
	s9 =	sld [smem:$0x3FAC]  }
0x2f: {  	lr =	sadd.s32 s0, s3;
	s0 =	sld [smem:$0x3FA3]  }
0x30: {  	s3 =	sld [smem:$0x3FA6]  }
0x31: {  	[smem:$0x3FAF] =	sst s10  }
0x32: {  	s10 =	sld [smem:$0x3FAD];
	_ =	sdelay $0x3  }
0x33: {  	p0 =	seq.s32 s10, $0x1;
	s10 =	sld [smem:$0x3FAF];
	_ =	sdelay $0x3  }
0x34: {  	[smem:$0x3FAF] =	sst s10  }
0x35: {  	s10 =	sld [smem:$0x3FAE];
	_ =	sdelay $0x3  }
0x36: {  	p1 =	seq.s32 s10, $0x1;
	s10 =	sld [smem:$0x3FAF];
	_ =	sdelay $0x3  }
0x37: {  	[smem:$0x3FAF] =	sst s10  }
0x38: {  	s10 =	sld [smem:$0x3FB0]  }
0x39: {  	_ = 	snop;
	(pc) =	sbr.ind lr, $3  }
0x3a: {  	_ = 	snop  }
0x3b: {  	_ = 	snop  }
0x3c: {  	p2 =	seq.s32 s10, $0x1;
	s10 =	sld [smem:$0x3FAF]  }
0x3d: {  	_ =	shalt  }
0x3e: {  	_ =	shalt  }
0x3f: {  	_ =	shalt  }
0x40: {  	_ =	shalt  }
0x41: {  	_ =	shalt  }
0x42: {  	_ =	shalt  }
0x43: {  	_ =	shalt  }
0x44: {  	_ =	shalt  }
0x45: {  	_ =	shalt  }
0x46: {  	_ =	shalt  }
0x47: {  	_ =	shalt  }
0x48: {  	_ =	shalt  }
0x49: {  	_ =	shalt  }
0x4a: {  	_ =	shalt  }
0x4b: {  	_ =	shalt  }
0x4c: {  	_ =	shalt  }
0x4d: {  	_ =	shalt  }
0x4e: {  	_ =	shalt  }
0x4f: {  	_ =	shalt  }
0x50: {  	_ =	shalt  }
0x51: {  	_ =	shalt  }
0x52: {  	_ =	shalt  }
0x53: {  	_ =	shalt  }
0x54: {  	_ =	shalt  }
0x55: {  	_ =	shalt  }
0x56: {  	_ =	shalt  }
0x57: {  	_ =	shalt  }
0x58: {  	_ =	shalt  }
0x59: {  	_ =	shalt  }
0x5a: {  	_ =	shalt  }
0x5b: {  	_ =	shalt  }
0x5c: {  	_ =	shalt  }
0x5d: {  	_ =	shalt  }
0x5e: {  	_ =	shalt  }
0x5f: {  	_ =	shalt  }
0x60: {  	_ =	shalt  }
0x61: {  	_ =	shalt  }
0x62: {  	_ =	shalt  }
0x63: {  	_ =	shalt  }
0x64: {  	_ =	shalt  }
0x65: {  	_ =	shalt  }
0x66: {  	_ =	shalt  }
0x67: {  	_ =	shalt  }
0x68: {  	_ =	shalt  }
0x69: {  	_ =	shalt  }
0x6a: {  	_ =	shalt  }
0x6b: {  	_ =	shalt  }
0x6c: {  	_ =	shalt  }
0x6d: {  	_ =	shalt  }
0x6e: {  	_ =	shalt  }
0x6f: {  	_ =	shalt  }
0x70: {  	_ =	shalt  }
0x71: {  	_ =	shalt  }
0x72: {  	_ =	shalt  }
0x73: {  	_ =	shalt  }
0x74: {  	_ =	shalt  }
0x75: {  	_ =	shalt  }
0x76: {  	_ =	shalt  }
0x77: {  	_ =	shalt  }
0x78: {  	_ =	shalt  }
0x79: {  	_ =	shalt  }
0x7a: {  	_ =	shalt  }
0x7b: {  	_ =	shalt  }
0x7c: {  	_ =	shalt  }
0x7d: {  	_ =	shalt  }
0x7e: {  	_ =	shalt  }
0x7f: {  	_ =	shalt  }
0x80: {  	_ =	shalt  }
0x81: {  	_ =	shalt  }
0x82: {  	_ =	shalt  }
0x83: {  	_ =	shalt  }
0x84: {  	_ =	shalt  }
0x85: {  	_ =	shalt  }
0x86: {  	_ =	shalt  }
0x87: {  	_ =	shalt  }
.Lfunc_end0:
.L_simem_size_0:
called_computation.5_lowered:
.L_overlay_start_0:
0x88: {  	s2 =	sld [smem:$0x3FD9]  }
0x89: {  	s3 =	sld [smem:$0x3FFE];
	_ =	sdelay $0x1  }
0x8a: {  	s1 =	srdreg.scid  }
0x8b: {  	s0 =	sand.u32 $0x1, s1  }
0x8c: {  	s16 =	sshll.u32 s0, $0xA;
	s2 =	sadd.s32 s3, s2  }
0x8d: {  	s2 =	sadd.s32 s2, s16  }
0x8e: {  	[smem:$0x3FBB] =	sst s2  }
0x8f: {  	_ = 	snop  }
0x90: {  	(tm) =	ssettm $0x1  }
0x91: {  	s17 =	sld [smem:$0x3FFB];
	_ =	sdelay $0x3  }
0x92: {  	_ =	strace s17  }
0x93: {  	s2 =	sld [smem:$0x3FFC];
	_ =	sdelay $0x3  }
0x94: {  	_ =	strace s2  }
0x95: {  	s2 =	sld [smem:$0x3FFD];
	_ =	sdelay $0x3  }
0x96: {  	_ =	strace s2  }
0x97: {  	_ =	strace $0x8FFFFFFF  }
0x98: {  	s18 =	sld [smem:$0x3FDB];
	_ =	sdelay $0x1  }
0x99: {  	s19 =	simm.s32 $_scs_section_size  }
0x9a: {  	s4 =	simm.s32 $_size__tile_overlayer_lowered;
	s5 =	simm.s32 $_tile_overlayer_lowered  }
0x9b: {  	s22 =	simm.s32 $0x1BFF;
	s21 =	sshll.u32 s5, $0x1;
	s2 =	sadd.s32 s19, s18  }
0x9c: {  	s6 =	simm.s32 $0x0;
	s20 =	sshll.u32 s4, $0x1;
	s4 =	sadd.s32 s21, s2  }
0x9d: {  	[timem:s6], [sflag:s22] =	dma.local [hbm:s4], s20  }
0x9e: {  	_ =	swait.ge [sflag:s22], s20  }
0x9f: {  	s3 =	ssub.s32 $0x0, s20;
	[sflag:s22] =	ssyncset.done $0x0  }
0xa0: {  	[sflag:s22] =	ssyncadd.s32 s3;
	_ =	sdelay $0x1  }
0xa1: {  	s23 =	simm.s32 $0x1B8B  }
0xa2: {  	_ =	swait.ge [sflag:s23], $0x1  }
0xa3: {  	[sflag:s23] =	ssyncset.done $0x0  }
0xa4: {  	s25 =	simm.s32 $0x1B8E;
	s24 =	sld [smem:$0x3FFE];
	[sflag:s23] =	ssyncadd.s32 $0xFFFFFFFF  }
0xa5: {  	s26 =	simm.s32 $execute0_lowered;
	[smem:$0x3FD2] =	sst s25  }
0xa6: {  	s4 =	sshll.u32 s26, $0x1;
	_ =	strace $0x80000055;
	[dreg:$0x1] =	wrdreg $0xFFFFFFFF  }
0xa7: {  	s28 =	simm.s32 $_size_execute0_lowered;
	s2 =	sadd.s32 s2, s4;
	[dreg:$0x0] =	wrdreg $0x0  }
0xa8: {  	s4 =	sshll.u32 s28, $0x1;
	[dreg:$0x2] =	wrdreg s2  }
0xa9: {  	[dreg:$0x3] =	wrdreg s4  }
0xaa: {  	[dreg:$0x4] =	wrdreg $0xC0  }
0xab: {  	_ =	task [dreg:s6], $0x5FFFF  }
0xac: {  	[dreg:$0x1] =	wrdreg $0xFFFFFFFF  }
0xad: {  	[dreg:$0x0] =	wrdreg $0x60  }
0xae: {  	[dreg:$0x2] =	wrdreg s24  }
0xaf: {  	[dreg:$0x3] =	wrdreg $0x0  }
0xb0: {  	[dreg:$0x4] =	wrdreg $0x9  }
0xb1: {  	_ =	task.clear_ibuf [dreg:s6], $0x5FFFF;
	_ =	strace $0x90000055  }
0xb2: {  	s29 =	simm.s32 $0x9;
	_ =	strace $0x80000057  }
0xb3: {  	_ =	swait.ge [sflag:s29], $0x1  }
0xb4: {  	[sflag:s29] =	ssyncadd.s32 $0xFFFFFFFF  }
0xb5: {  	_ =	strace $0x90000057  }
0xb6: {  	_ =	sfence  }
0xb7: {  	s30 =	sld [smem:$0x0];
	_ =	sdelay $0x2  }
0xb8: {  	s31 =	sshll.u32 s1, $0xD;
	s1 =	sshrl.u32 s1, $0x2  }
0xb9: {  	s3 =	sand.u32 $0x4000, s31;
	s1 =	sadd.s32 s1, s30  }
0xba: {  	s0 =	sor.u32 s3, s0;
	s1 =	sshll.u32 s1, $0x11  }
0xbb: {  	s0 =	sor.u32 s1, s0  }
0xbc: {  	s0 =	sadd.s32 $0x8F2B, s0  }
0xbd: {  	[sflag:s0] =	ssyncadd.remote.s32 $0x1  }
0xbe: {  	_ =	sfence.sel $0xFFFF  }
0xbf: {  	[dreg:$0x0] =	wrdreg $0xFFFFFFFF;
	(pc) =	sbr.abs _section_cstart, $3  }
0xc0: {  	[dreg:$0x1] =	wrdreg $0xFFFFFFFF  }
0xc1: {  	_ =	task.clear_ibuf [dreg:s6], $0x2FFFF;
	_ =	strace $0x9FFFFFFF  }
0xc2: {  	(tm) =	ssettm $0x7FFFFFFF  }
0xc3: {  	_ =	shalt  }
tec
execute0_lowered:
.L_overlay_start_1:
0x0: {  	(tag) =	ssettag $0x1  }
0x1: {  	s9 =	rddreg [dreg:$0x0]  }
0x2: {  	s1 =	rddreg [dreg:$0x1]  }
0x3: {  	s0 =	rddreg [dreg:$0x2]  }
0x4: {  	s2 =	simm.s32 $0x0;
	s6 =	srdreg.scid;
	s3 =	stileid.u32  }
0x5: {  	s18 =	simm.s32 $0x16000;
	s19 =	simm.s32 $0x1;
	s20 =	simm.s32 $0x14000  }
0x6: {  	s21 =	simm.s32 $0x15000;
	s22 =	simm.s32 $0x80;
	[smem:$0x7FF] =	sst s2  }
0x7: {  	s4 =	sadd.s32 $0x6F400, s9;
	s5 =	sadd.s32 $0x97400, s9;
	s10 =	sand.u32 $0x1, s6  }
0x8: {  	s6 =	sadd.s32 $0x15400, s9;
	s12 =	smul.u32 $0x50000, s3;
	s7 =	sadd.s32 $0xB400, s9  }
0x9: {  	s23 =	simm.s32 $0x0;
	s8 =	sadd.s32 $0x137400, s9;
	s9 =	sadd.s32 $0x15F400, s9  }
.Ltmp0:
0xa: {  	_ =	strace $0x80000056;
	s11 =	ssub.s32 $0x2, s10;
	(pc) =	sbr.rel .LBB2_1-.Ltmp0, $4  }
0xb: {  	p0 =	seq.s32 s10, $0x1;
	s13 =	sshrl.u32 s11, $0x1;
	s31 =	sshrl.u32 s12, $0x2  }
0xc: {  	s12 =	smul.u32 $0x2800, s3;
	s13 =	ssub.s32 s11, s13;
	s10 =	sadd.s32 s31, s1  }
0xd: {  	s11 =	smul.u32 $0x5000, s3;
	s13 =	smax.u32 s13, $0x1;
	s14 =	sadd.s32 $0x4000, s10  }
0xe: {  	v0 =	vimm.f32 $0.0e+00;
	s15 =	sadd.s32 $0x8000, s10;
	s16 =	sadd.s32 $0xC000, s10;
	s17 =	sadd.s32 $0x10000, s10  }
.LBB2_14:
0xf: {  	s24 =	sadd.s32 s24, s12;
	s23 =	sadd.s32 $0x1, s23  }
0x10: {  	s25 =	sshll.u32 s3, $0x6;
	[bflag:$0x0] =	sbarrier.arrive $0xFFFF;
	p1 =	sne.s32 s23, s13  }
.Ltmp1:
0x11: {  	s26 =	sshrl.u32 s10, $0x3;
	s25 =	sor.u32 $0x1C01, s25;
	(pc) =	sbr.rel @!p1 .LBB2_15-.Ltmp1, $4  }
0x12: {  	[hbm:s24], [sflag:s25] =	dma.local [spmem:s26], $0x2800  }
0x13: {  	_ =	swait.ge [sflag:s19], $0x2800  }
0x14: {  	[sflag:s19] =	ssyncset.done $0x0  }
0x15: {  	[sflag:s19] =	ssyncadd.s32 $0xFFFFD800  }
.LBB2_1:
.Ltmp2:
0x16: {  	(pc) =	sbr.rel @!p0 .LBB2_2-.Ltmp2, $2  }
0x17: {  	_ =	sdelay $0x2  }
0x18: {  	s24 =	sshra.s32 s2, $0x2;
	s25 =	sadd.s32 $0x200, s2  }
.LBB2_8:
0x19: {  	p1 =	seq.s32 s25, $0xFE00;
	[tilespmem:s24+$0x16070] =	vst v0  }
0x1a: {  	[tilespmem:s24+$0x16000] =	vst v0  }
0x1b: {  	[tilespmem:s24+$0x16010] =	vst v0  }
.Ltmp3:
0x1c: {  	[tilespmem:s24+$0x16020] =	vst v0;
	(pc) =	sbr.rel @!p1 .LBB2_8-.Ltmp3, $4  }
0x1d: {  	[tilespmem:s24+$0x16030] =	vst v0  }
0x1e: {  	[tilespmem:s24+$0x16040] =	vst v0  }
0x1f: {  	[tilespmem:s24+$0x16050] =	vst v0  }
0x20: {  	[tilespmem:s24+$0x16060] =	vst v0;
	s24 =	sshra.s32 s25, $0x2;
	s25 =	sadd.s32 $0x200, s25  }
0x21: {  	[tilespmem:s24+$0x16070] =	vst v0  }
0x22: {  	[tilespmem:s24+$0x16000] =	vst v0  }
0x23: {  	[tilespmem:s24+$0x16010] =	vst v0  }
0x24: {  	[tilespmem:s24+$0x16020] =	vst v0  }
0x25: {  	[tilespmem:s24+$0x16030] =	vst v0  }
0x26: {  	[tilespmem:s24+$0x16040] =	vst v0  }
0x27: {  	[tilespmem:s24+$0x16050] =	vst v0  }
0x28: {  	[tilespmem:s24+$0x16060] =	vst v0  }
0x29: {  	[spmem:s10] =	stream.linear.scatter [tilespmem:s18], [sflag:$0x1], $0x4000, $0x38;
	[tilespmem:$0x1E000] =	vst v63  }
0x2a: {  	_ =	swait.ge [sflag:s19], $0x4000  }
0x2b: {  	[sflag:s19] =	ssyncset.done $0x0  }
0x2c: {  	[sflag:s19] =	ssyncadd.s32 $0xFFFFC000  }
0x2d: {  	[spmem:s14] =	stream.linear.scatter [tilespmem:s18], [sflag:$0x1], $0x4000, $0x38;
	[tilespmem:$0x1E000] =	vst v63  }
0x2e: {  	_ =	swait.ge [sflag:s19], $0x4000  }
0x2f: {  	[sflag:s19] =	ssyncset.done $0x0  }
0x30: {  	[sflag:s19] =	ssyncadd.s32 $0xFFFFC000  }
0x31: {  	[spmem:s15] =	stream.linear.scatter [tilespmem:s18], [sflag:$0x1], $0x4000, $0x38;
	[tilespmem:$0x1E000] =	vst v63  }
0x32: {  	_ =	swait.ge [sflag:s19], $0x4000  }
0x33: {  	[sflag:s19] =	ssyncset.done $0x0  }
0x34: {  	[sflag:s19] =	ssyncadd.s32 $0xFFFFC000  }
0x35: {  	[spmem:s16] =	stream.linear.scatter [tilespmem:s18], [sflag:$0x1], $0x4000, $0x38;
	[tilespmem:$0x1E000] =	vst v63  }
0x36: {  	_ =	swait.ge [sflag:s19], $0x4000  }
0x37: {  	[sflag:s19] =	ssyncset.done $0x0  }
0x38: {  	[sflag:s19] =	ssyncadd.s32 $0xFFFFC000  }
0x39: {  	[spmem:s17] =	stream.linear.scatter [tilespmem:s18], [sflag:$0x1], $0x4000, $0x38;
	[tilespmem:$0x1E000] =	vst v63  }
0x3a: {  	_ =	swait.ge [sflag:s19], $0x4000  }
0x3b: {  	[sflag:s19] =	ssyncset.done $0x0  }
0x3c: {  	[sflag:s19] =	ssyncadd.s32 $0xFFFFC000  }
0x3d: {  	s24 =	simm.s32 $0x0;
	s25 =	simm.s32 $0x0;
	[bflag:$0x0] =	sbarrier.arrive $0xFFFF  }
.LBB2_10:
0x3e: {  	s26 =	sshll.u32 s25, $0xC  }
0x3f: {  	s26 =	sadd.s32 s11, s26  }
0x40: {  	s26 =	sshrl.u32 s26, $0x3  }
0x41: {  	s28 =	sadd.s32 s7, s26  }
0x42: {  	[tilespmem:s20], [sflag:$0x1] =	stream.linear.gather [hbm4b:s28+s24], $0x1000, $0x38;
	[tilespmem:$0x1E000] =	vst v63  }
0x43: {  	_ =	swait.ge [sflag:s19], $0x1000  }
0x44: {  	[sflag:s19] =	ssyncset.done $0x0  }
0x45: {  	s26 =	sadd.s32 s6, s26;
	[sflag:s19] =	ssyncadd.s32 $0xFFFFF000  }
0x46: {  	[tilespmem:s21], [sflag:$0x1] =	stream.linear.gather [hbm4b:s26+s24], $0x1000, $0x38;
	[tilespmem:$0x1E000] =	vst v63  }
0x47: {  	_ =	swait.ge [sflag:s19], $0x1000  }
0x48: {  	[sflag:s19] =	ssyncset.done $0x0  }
0x49: {  	s30 =	simm.s32 $0x14000;
	[sflag:s19] =	ssyncadd.s32 $0xFFFFF000  }
0x4a: {  	[tilespmem:s18], [sflag:$0x1] =	stream.indirect.gather [hbm4b:s5+s22], $0x80, s30, s22, $0xb8;
	[tilespmem:$0x1E000] =	vst v63  }
0x4b: {  	_ =	swait.ge [sflag:s19], $0x4000  }
0x4c: {  	[sflag:s19] =	ssyncset.done $0x0  }
0x4d: {  	s31 =	simm.s32 $0x15000;
	[sflag:s19] =	ssyncadd.s32 $0xFFFFC000  }
0x4e: {  	[spmem:s1] =	stream.indirect.scatter.add.f32 [tilespmem:s18], [sflag:$0x1], $0x80, s31, s22, $0xb8;
	[tilespmem:$0x1E000] =	vst v63  }
0x4f: {  	_ =	swait.ge [sflag:s19], $0x4000  }
0x50: {  	s28 =	simm.s32 $0x400;
	s26 =	simm.s32 $0x80;
	[sflag:s19] =	ssyncset.done $0x0  }
.LBB2_11:
0x51: {  	s29 =	sadd.s32 $0x14000, s26  }
0x52: {  	[sflag:s19] =	ssyncadd.s32 $0xFFFFC000;
	s30 =	smov.u32 s28;
	s31 =	sadd.s32 $0x200, s28  }
0x53: {  	[tilespmem:s18], [sflag:$0x1] =	stream.indirect.gather [hbm4b:s5+s22], $0x80, s29, s22, $0xb8;
	[tilespmem:$0x1E000] =	vst v63  }
0x54: {  	p1 =	sne.s32 s28, $0x3E00;
	_ =	swait.ge [sflag:s19], $0x4000  }
.Ltmp4:
0x55: {  	[sflag:s19] =	ssyncset.done $0x0;
	(pc) =	sbr.rel @p1 .LBB2_11-.Ltmp4, $4  }
0x56: {  	s26 =	sadd.s32 $0x15000, s26;
	[sflag:s19] =	ssyncadd.s32 $0xFFFFC000  }
0x57: {  	[spmem:s1] =	stream.indirect.scatter.add.f32 [tilespmem:s18], [sflag:$0x1], $0x80, s26, s22, $0xb8;
	[tilespmem:$0x1E000] =	vst v63  }
0x58: {  	_ =	swait.ge [sflag:s19], $0x4000  }
0x59: {  	s28 =	smov.u32 s31;
	s26 =	sshra.s32 s30, $0x2;
	[sflag:s19] =	ssyncset.done $0x0  }
0x5a: {  	s28 =	sadd.s32 $0x14000, s26;
	[sflag:s19] =	ssyncadd.s32 $0xFFFFC000  }
0x5b: {  	[tilespmem:s18], [sflag:$0x1] =	stream.indirect.gather [hbm4b:s5+s22], $0x80, s28, s22, $0xb8;
	[tilespmem:$0x1E000] =	vst v63  }
0x5c: {  	s25 =	sadd.s32 $0x1, s25;
	_ =	swait.ge [sflag:s19], $0x4000  }
0x5d: {  	p1 =	sne.s32 s25, $0x5;
	[sflag:s19] =	ssyncset.done $0x0  }
.Ltmp5:
0x5e: {  	s31 =	sadd.s32 $0x15000, s26;
	[sflag:s19] =	ssyncadd.s32 $0xFFFFC000;
	(pc) =	sbr.rel @p1 .LBB2_10-.Ltmp5, $4  }
0x5f: {  	[spmem:s1] =	stream.indirect.scatter.add.f32 [tilespmem:s18], [sflag:$0x1], $0x80, s31, s22, $0xb8;
	[tilespmem:$0x1E000] =	vst v63  }
0x60: {  	_ =	swait.ge [sflag:s19], $0x4000  }
0x61: {  	[sflag:s19] =	ssyncset.done $0x0  }
0x62: {  	[sflag:s19] =	ssyncadd.s32 $0xFFFFC000  }
.Ltmp6:
0x63: {  	(pc) =	sbr.rel .LBB2_14-.Ltmp6, $2  }
0x64: {  	_ =	sdelay $0x2  }
0x65: {  	s24 =	smov.u32 s9  }
.LBB2_2:
0x66: {  	p1 =	seq.s32 s25, $0xFE00;
	[tilespmem:s24+$0x16070] =	vst v0  }
0x67: {  	[tilespmem:s24+$0x16000] =	vst v0  }
0x68: {  	[tilespmem:s24+$0x16010] =	vst v0  }
.Ltmp7:
0x69: {  	[tilespmem:s24+$0x16020] =	vst v0;
	(pc) =	sbr.rel @!p1 .LBB2_2-.Ltmp7, $4  }
0x6a: {  	[tilespmem:s24+$0x16030] =	vst v0  }
0x6b: {  	[tilespmem:s24+$0x16040] =	vst v0  }
0x6c: {  	[tilespmem:s24+$0x16050] =	vst v0  }
0x6d: {  	[tilespmem:s24+$0x16060] =	vst v0;
	s24 =	sshra.s32 s25, $0x2;
	s25 =	sadd.s32 $0x200, s25  }
0x6e: {  	[tilespmem:s24+$0x16070] =	vst v0  }
0x6f: {  	[tilespmem:s24+$0x16000] =	vst v0  }
0x70: {  	[tilespmem:s24+$0x16010] =	vst v0  }
0x71: {  	[tilespmem:s24+$0x16020] =	vst v0  }
0x72: {  	[tilespmem:s24+$0x16030] =	vst v0  }
0x73: {  	[tilespmem:s24+$0x16040] =	vst v0  }
0x74: {  	[tilespmem:s24+$0x16050] =	vst v0  }
0x75: {  	[tilespmem:s24+$0x16060] =	vst v0  }
0x76: {  	[spmem:s10] =	stream.linear.scatter [tilespmem:s18], [sflag:$0x1], $0x4000, $0x38;
	[tilespmem:$0x1E000] =	vst v63  }
0x77: {  	_ =	swait.ge [sflag:s19], $0x4000  }
0x78: {  	[sflag:s19] =	ssyncset.done $0x0  }
0x79: {  	[sflag:s19] =	ssyncadd.s32 $0xFFFFC000  }
0x7a: {  	[spmem:s14] =	stream.linear.scatter [tilespmem:s18], [sflag:$0x1], $0x4000, $0x38;
	[tilespmem:$0x1E000] =	vst v63  }
0x7b: {  	_ =	swait.ge [sflag:s19], $0x4000  }
0x7c: {  	[sflag:s19] =	ssyncset.done $0x0  }
0x7d: {  	[sflag:s19] =	ssyncadd.s32 $0xFFFFC000  }
0x7e: {  	[spmem:s15] =	stream.linear.scatter [tilespmem:s18], [sflag:$0x1], $0x4000, $0x38;
	[tilespmem:$0x1E000] =	vst v63  }
0x7f: {  	_ =	swait.ge [sflag:s19], $0x4000  }
0x80: {  	[sflag:s19] =	ssyncset.done $0x0  }
0x81: {  	[sflag:s19] =	ssyncadd.s32 $0xFFFFC000  }
0x82: {  	[spmem:s16] =	stream.linear.scatter [tilespmem:s18], [sflag:$0x1], $0x4000, $0x38;
	[tilespmem:$0x1E000] =	vst v63  }
0x83: {  	_ =	swait.ge [sflag:s19], $0x4000  }
0x84: {  	[sflag:s19] =	ssyncset.done $0x0  }
0x85: {  	[sflag:s19] =	ssyncadd.s32 $0xFFFFC000  }
0x86: {  	[spmem:s17] =	stream.linear.scatter [tilespmem:s18], [sflag:$0x1], $0x4000, $0x38;
	[tilespmem:$0x1E000] =	vst v63  }
0x87: {  	_ =	swait.ge [sflag:s19], $0x4000  }
0x88: {  	[sflag:s19] =	ssyncset.done $0x0  }
0x89: {  	[sflag:s19] =	ssyncadd.s32 $0xFFFFC000  }
0x8a: {  	s24 =	simm.s32 $0x0;
	s25 =	simm.s32 $0x0;
	[bflag:$0x0] =	sbarrier.arrive $0xFFFF  }
.LBB2_4:
0x8b: {  	s26 =	sshll.u32 s25, $0xC  }
0x8c: {  	s26 =	sadd.s32 s11, s26  }
0x8d: {  	s26 =	sshrl.u32 s26, $0x3  }
0x8e: {  	s28 =	sadd.s32 s6, s26  }
0x8f: {  	[tilespmem:s20], [sflag:$0x1] =	stream.linear.gather [hbm4b:s28+s24], $0x1000, $0x38;
	[tilespmem:$0x1E000] =	vst v63  }
0x90: {  	_ =	swait.ge [sflag:s19], $0x1000  }
0x91: {  	[sflag:s19] =	ssyncset.done $0x0  }
0x92: {  	s26 =	sadd.s32 s7, s26;
	[sflag:s19] =	ssyncadd.s32 $0xFFFFF000  }
0x93: {  	[tilespmem:s21], [sflag:$0x1] =	stream.linear.gather [hbm4b:s26+s24], $0x1000, $0x38;
	[tilespmem:$0x1E000] =	vst v63  }
0x94: {  	_ =	swait.ge [sflag:s19], $0x1000  }
0x95: {  	[sflag:s19] =	ssyncset.done $0x0  }
0x96: {  	s30 =	simm.s32 $0x14000;
	[sflag:s19] =	ssyncadd.s32 $0xFFFFF000  }
0x97: {  	[tilespmem:s18], [sflag:$0x1] =	stream.indirect.gather [hbm4b:s4+s22], $0x80, s30, s22, $0xb8;
	[tilespmem:$0x1E000] =	vst v63  }
0x98: {  	_ =	swait.ge [sflag:s19], $0x4000  }
0x99: {  	[sflag:s19] =	ssyncset.done $0x0  }
0x9a: {  	s31 =	simm.s32 $0x15000;
	[sflag:s19] =	ssyncadd.s32 $0xFFFFC000  }
0x9b: {  	[spmem:s1] =	stream.indirect.scatter.add.f32 [tilespmem:s18], [sflag:$0x1], $0x80, s31, s22, $0xb8;
	[tilespmem:$0x1E000] =	vst v63  }
0x9c: {  	_ =	swait.ge [sflag:s19], $0x4000  }
0x9d: {  	s28 =	simm.s32 $0x400;
	s26 =	simm.s32 $0x80;
	[sflag:s19] =	ssyncset.done $0x0  }
.LBB2_5:
0x9e: {  	s29 =	sadd.s32 $0x14000, s26  }
0x9f: {  	[sflag:s19] =	ssyncadd.s32 $0xFFFFC000;
	s30 =	smov.u32 s28;
	s31 =	sadd.s32 $0x200, s28  }
0xa0: {  	[tilespmem:s18], [sflag:$0x1] =	stream.indirect.gather [hbm4b:s4+s22], $0x80, s29, s22, $0xb8;
	[tilespmem:$0x1E000] =	vst v63  }
0xa1: {  	p1 =	sne.s32 s28, $0x3E00;
	_ =	swait.ge [sflag:s19], $0x4000  }
.Ltmp8:
0xa2: {  	[sflag:s19] =	ssyncset.done $0x0;
	(pc) =	sbr.rel @p1 .LBB2_5-.Ltmp8, $4  }
0xa3: {  	s26 =	sadd.s32 $0x15000, s26;
	[sflag:s19] =	ssyncadd.s32 $0xFFFFC000  }
0xa4: {  	[spmem:s1] =	stream.indirect.scatter.add.f32 [tilespmem:s18], [sflag:$0x1], $0x80, s26, s22, $0xb8;
	[tilespmem:$0x1E000] =	vst v63  }
0xa5: {  	_ =	swait.ge [sflag:s19], $0x4000  }
0xa6: {  	s28 =	smov.u32 s31;
	s26 =	sshra.s32 s30, $0x2;
	[sflag:s19] =	ssyncset.done $0x0  }
0xa7: {  	s28 =	sadd.s32 $0x14000, s26;
	[sflag:s19] =	ssyncadd.s32 $0xFFFFC000  }
0xa8: {  	[tilespmem:s18], [sflag:$0x1] =	stream.indirect.gather [hbm4b:s4+s22], $0x80, s28, s22, $0xb8;
	[tilespmem:$0x1E000] =	vst v63  }
0xa9: {  	s25 =	sadd.s32 $0x1, s25;
	_ =	swait.ge [sflag:s19], $0x4000  }
0xaa: {  	p1 =	seq.s32 s25, $0x5;
	[sflag:s19] =	ssyncset.done $0x0  }
.Ltmp9:
0xab: {  	s31 =	sadd.s32 $0x15000, s26;
	[sflag:s19] =	ssyncadd.s32 $0xFFFFC000;
	(pc) =	sbr.rel @!p1 .LBB2_4-.Ltmp9, $4  }
0xac: {  	[spmem:s1] =	stream.indirect.scatter.add.f32 [tilespmem:s18], [sflag:$0x1], $0x80, s31, s22, $0xb8;
	[tilespmem:$0x1E000] =	vst v63  }
0xad: {  	_ =	swait.ge [sflag:s19], $0x4000  }
0xae: {  	[sflag:s19] =	ssyncset.done $0x0  }
0xaf: {  	[sflag:s19] =	ssyncadd.s32 $0xFFFFC000  }
.Ltmp10:
0xb0: {  	(pc) =	sbr.rel .LBB2_14-.Ltmp10, $2  }
0xb1: {  	_ =	sdelay $0x2  }
0xb2: {  	s24 =	smov.u32 s8  }
.LBB2_15:
0xb3: {  	_ =	sfence.sel $0x180000  }
0xb4: {  	[bflag:$0x0] =	sbarrier.arrive $0xFFFF  }
0xb5: {  	p0 =	sne.s32 s3, $0x0;
	_ =	strace $0x90000056  }
0xb6: {  	s0 =	sadd.s32 @!p0 $0x100000, s0;
	[bflag:$0x2] =	sbarrier.arrive $0xFFFF  }
0xb7: {  	[sflag:s0] =	ssyncadd.tile.s32 @!p0 $0x1;
	_ =	shalt  }
.Lfunc_end2:
_tile_overlayer_lowered:
.L_overlay_start_2:
0xb8: {  	(tag) =	ssettag $0x2  }
0xb9: {  	s0 =	rddreg [dreg:$0x0];
	s2 =	stileid.u32  }
0xba: {  	s1 =	rddreg [dreg:$0x1];
	p0 =	sne.s32 s2, $0x0  }
0xbb: {  	s3 =	rddreg [dreg:$0x2];
	[bflag:$0x3] =	sbarrier.arrive $0xFFFF;
	s2 =	simm.s32 @!p0 $0x1C01  }
0xbc: {  	[timem:s3], [sflag:s2] =	dma.local @!p0 [hbm:s0], s1  }
0xbd: {  	s0 =	simm.s32 @!p0 $0x1  }
0xbe: {  	_ =	swait.ge @!p0 [sflag:s0], s1  }
0xbf: {  	s1 =	ssub.s32 @!p0 $0x0, s1;
	[sflag:s0] =	ssyncset.done @!p0 $0x0  }
0xc0: {  	[sflag:s0] =	ssyncadd.s32 @!p0 s1  }
0xc1: {  	[bflag:$0x3] =	sbarrier.arrive $0xFFFF  }
0xc2: {  	_ =	shalt  }

// kernel: kernel.37.cloned.1.call-start
scs
__scs_entry_jumppad:
0x0: {  	(pc) =	sbr.rel $0x88, $3  }
0x1: {  	(tag) =	ssettag $0x0;
	lr =	simm.s32 $0x1  }
0x2: {  	[smem:$0x3F94] =	sst lr;
	_ =	strace $0xD0000000  }
0x3: {  	_ = 	snop  }
0x4: {  	_ = 	snop  }
0x5: {  	_ = 	snop  }
0x6: {  	_ = 	snop  }
0x7: {  	_ = 	snop  }
__scs_overlays_trampoline_lowered:
0x8: {  	[smem:$0x3FA3] =	sst s0  }
0x9: {  	[smem:$0x3FA4] =	sst s1  }
0xa: {  	[smem:$0x3FA5] =	sst s2  }
0xb: {  	[smem:$0x3FA6] =	sst s3  }
0xc: {  	[smem:$0x3FA7] =	sst s4  }
0xd: {  	[smem:$0x3FA8] =	sst s5  }
0xe: {  	[smem:$0x3FA9] =	sst s6  }
0xf: {  	[smem:$0x3FAA] =	sst s7  }
0x10: {  	[smem:$0x3FAB] =	sst s8  }
0x11: {  	[smem:$0x3FAC] =	sst s9;
	s0 =	simm.s32 @!p0 $0x0  }
0x12: {  	s1 =	sld [smem:$0x3F92];
	s0 =	simm.s32 @p0 $0x1  }
0x13: {  	[smem:$0x3FAD] =	sst s0;
	s0 =	simm.s32 @!p1 $0x0  }
0x14: {  	s2 =	sld [smem:$0x3F91];
	s0 =	simm.s32 @p1 $0x1  }
0x15: {  	[smem:$0x3FAE] =	sst s0;
	s0 =	simm.s32 @!p2 $0x0  }
0x16: {  	s3 =	sld [smem:$0x3FDB];
	s0 =	simm.s32 @p2 $0x1  }
0x17: {  	s4 =	simm.s32 $0x1BF5;
	[smem:$0x3FB0] =	sst s0  }
0x18: {  	s0 =	sld [smem:$0x3F93];
	_ =	swait.ge [sflag:s4], $0x0  }
0x19: {  	s7 =	sld [smem:$0x3F94]  }
0x1a: {  	s8 =	sadd.s32 $0xFFFFE003, lr  }
0x1b: {  	s9 =	sadd.s32 $0xFFFFFEF7, lr;
	s5 =	simm.s32 $0xFFFFFFFF;
	p2 =	slt.u32 s8, $0xFFFFF086  }
0x1c: {  	p1 =	slt.u32 s9, $0xF7A;
	s5 =	simm.s32 @!p2 $0x0  }
0x1d: {  	s5 =	simm.s32 @p1 $0x1;
	p0 =	seq.s32 s7, s2  }
0x1e: {  	s7 =	smul.u32 @!p0 $0xF7A, s2;
	p2 =	seq.s32 @!p0 s5, $0x0  }
0x1f: {  	s9 =	smul.u32 $0xF7A, s1;
	s8 =	simm.s32 @!p0 $0x1BF5;
	p2 =	por !p2, p0  }
0x20: {  	[sflag:s8] =	ssyncset.s32 @!p0 $0xFFFFF086;
	s6 =	sadd.s32 @!p0 s3, s7;
	s7 =	simm.s32 @!p0 $0x108  }
0x21: {  	s3 =	sadd.s32 s3, s9;
	s6 =	sadd.s32 @!p0 $0x88, s6;
	s7 =	simm.s32 @p2 $0x1082  }
0x22: {  	[simem:s7], [sflag:s8] =	dma.local @!p0 [hbm:s6], $0xF7A  }
0x23: {  	s9 =	sor.u32 $0xD0000000, s2;
	s6 =	simm.s32 $0x108;
	_ =	swait.ge @!p0 [sflag:s8], $0x0  }
0x24: {  	s3 =	sadd.s32 $0x88, s3;
	s6 =	simm.s32 @!p1 $0x1082;
	[sflag:s4] =	ssyncset.s32 $0xFFFFF086  }
0x25: {  	[simem:s6], [sflag:s4] =	dma.local [hbm:s3], $0xF7A  }
0x26: {  	[smem:$0x3F94] =	sst s1;
	(tag) =	ssettag s2;
	_ =	strace s9  }
0x27: {  	s1 =	sld [smem:$0x3FA4]  }
0x28: {  	s2 =	sld [smem:$0x3FA5]  }
0x29: {  	s4 =	sld [smem:$0x3FA7]  }
0x2a: {  	p0 =	seq.s32 s5, $0x0;
	s5 =	sld [smem:$0x3FA8]  }
0x2b: {  	s6 =	sld [smem:$0x3FA9]  }
0x2c: {  	s7 =	sld [smem:$0x3FAA]  }
0x2d: {  	s3 =	simm.s32 $0x108;
	s8 =	sld [smem:$0x3FAB]  }
0x2e: {  	s3 =	simm.s32 @!p0 $0x1082;
	s9 =	sld [smem:$0x3FAC]  }
0x2f: {  	lr =	sadd.s32 s0, s3;
	s0 =	sld [smem:$0x3FA3]  }
0x30: {  	s3 =	sld [smem:$0x3FA6]  }
0x31: {  	[smem:$0x3FAF] =	sst s10  }
0x32: {  	s10 =	sld [smem:$0x3FAD];
	_ =	sdelay $0x3  }
0x33: {  	p0 =	seq.s32 s10, $0x1;
	s10 =	sld [smem:$0x3FAF];
	_ =	sdelay $0x3  }
0x34: {  	[smem:$0x3FAF] =	sst s10  }
0x35: {  	s10 =	sld [smem:$0x3FAE];
	_ =	sdelay $0x3  }
0x36: {  	p1 =	seq.s32 s10, $0x1;
	s10 =	sld [smem:$0x3FAF];
	_ =	sdelay $0x3  }
0x37: {  	[smem:$0x3FAF] =	sst s10  }
0x38: {  	s10 =	sld [smem:$0x3FB0]  }
0x39: {  	_ = 	snop;
	(pc) =	sbr.ind lr, $3  }
0x3a: {  	_ = 	snop  }
0x3b: {  	_ = 	snop  }
0x3c: {  	p2 =	seq.s32 s10, $0x1;
	s10 =	sld [smem:$0x3FAF]  }
0x3d: {  	_ =	shalt  }
0x3e: {  	_ =	shalt  }
0x3f: {  	_ =	shalt  }
0x40: {  	_ =	shalt  }
0x41: {  	_ =	shalt  }
0x42: {  	_ =	shalt  }
0x43: {  	_ =	shalt  }
0x44: {  	_ =	shalt  }
0x45: {  	_ =	shalt  }
0x46: {  	_ =	shalt  }
0x47: {  	_ =	shalt  }
0x48: {  	_ =	shalt  }
0x49: {  	_ =	shalt  }
0x4a: {  	_ =	shalt  }
0x4b: {  	_ =	shalt  }
0x4c: {  	_ =	shalt  }
0x4d: {  	_ =	shalt  }
0x4e: {  	_ =	shalt  }
0x4f: {  	_ =	shalt  }
0x50: {  	_ =	shalt  }
0x51: {  	_ =	shalt  }
0x52: {  	_ =	shalt  }
0x53: {  	_ =	shalt  }
0x54: {  	_ =	shalt  }
0x55: {  	_ =	shalt  }
0x56: {  	_ =	shalt  }
0x57: {  	_ =	shalt  }
0x58: {  	_ =	shalt  }
0x59: {  	_ =	shalt  }
0x5a: {  	_ =	shalt  }
0x5b: {  	_ =	shalt  }
0x5c: {  	_ =	shalt  }
0x5d: {  	_ =	shalt  }
0x5e: {  	_ =	shalt  }
0x5f: {  	_ =	shalt  }
0x60: {  	_ =	shalt  }
0x61: {  	_ =	shalt  }
0x62: {  	_ =	shalt  }
0x63: {  	_ =	shalt  }
0x64: {  	_ =	shalt  }
0x65: {  	_ =	shalt  }
0x66: {  	_ =	shalt  }
0x67: {  	_ =	shalt  }
0x68: {  	_ =	shalt  }
0x69: {  	_ =	shalt  }
0x6a: {  	_ =	shalt  }
0x6b: {  	_ =	shalt  }
0x6c: {  	_ =	shalt  }
0x6d: {  	_ =	shalt  }
0x6e: {  	_ =	shalt  }
0x6f: {  	_ =	shalt  }
0x70: {  	_ =	shalt  }
0x71: {  	_ =	shalt  }
0x72: {  	_ =	shalt  }
0x73: {  	_ =	shalt  }
0x74: {  	_ =	shalt  }
0x75: {  	_ =	shalt  }
0x76: {  	_ =	shalt  }
0x77: {  	_ =	shalt  }
0x78: {  	_ =	shalt  }
0x79: {  	_ =	shalt  }
0x7a: {  	_ =	shalt  }
0x7b: {  	_ =	shalt  }
0x7c: {  	_ =	shalt  }
0x7d: {  	_ =	shalt  }
0x7e: {  	_ =	shalt  }
0x7f: {  	_ =	shalt  }
0x80: {  	_ =	shalt  }
0x81: {  	_ =	shalt  }
0x82: {  	_ =	shalt  }
0x83: {  	_ =	shalt  }
0x84: {  	_ =	shalt  }
0x85: {  	_ =	shalt  }
0x86: {  	_ =	shalt  }
0x87: {  	_ =	shalt  }
.Lfunc_end0:
.L_simem_size_0:
called_computation.6_lowered:
.L_overlay_start_0:
0x88: {  	s2 =	sld [smem:$0x3FD9]  }
0x89: {  	s3 =	sld [smem:$0x3FFE];
	_ =	sdelay $0x1  }
0x8a: {  	s1 =	srdreg.scid  }
0x8b: {  	s0 =	sand.u32 $0x1, s1  }
0x8c: {  	s16 =	sshll.u32 s0, $0xA;
	s2 =	sadd.s32 s3, s2  }
0x8d: {  	s2 =	sadd.s32 s2, s16  }
0x8e: {  	[smem:$0x3FBB] =	sst s2  }
0x8f: {  	_ = 	snop  }
0x90: {  	(tm) =	ssettm $0x1  }
0x91: {  	s17 =	sld [smem:$0x3FFB];
	_ =	sdelay $0x3  }
0x92: {  	_ =	strace s17  }
0x93: {  	s2 =	sld [smem:$0x3FFC];
	_ =	sdelay $0x3  }
0x94: {  	_ =	strace s2  }
0x95: {  	s2 =	sld [smem:$0x3FFD];
	_ =	sdelay $0x3  }
0x96: {  	_ =	strace s2  }
0x97: {  	_ =	strace $0x8FFFFFFF  }
0x98: {  	s18 =	sld [smem:$0x3FDB];
	_ =	sdelay $0x1  }
0x99: {  	s19 =	simm.s32 $_scs_section_size  }
0x9a: {  	s4 =	simm.s32 $_size__tile_overlayer_lowered;
	s5 =	simm.s32 $_tile_overlayer_lowered  }
0x9b: {  	s22 =	simm.s32 $0x1BFF;
	s21 =	sshll.u32 s5, $0x1;
	s2 =	sadd.s32 s19, s18  }
0x9c: {  	s6 =	simm.s32 $0x0;
	s20 =	sshll.u32 s4, $0x1;
	s4 =	sadd.s32 s21, s2  }
0x9d: {  	[timem:s6], [sflag:s22] =	dma.local [hbm:s4], s20  }
0x9e: {  	_ =	swait.ge [sflag:s22], s20  }
0x9f: {  	s3 =	ssub.s32 $0x0, s20;
	[sflag:s22] =	ssyncset.done $0x0  }
0xa0: {  	[sflag:s22] =	ssyncadd.s32 s3;
	_ =	sdelay $0x1  }
0xa1: {  	s23 =	simm.s32 $0x1B8B  }
0xa2: {  	_ =	swait.ge [sflag:s23], $0x1  }
0xa3: {  	[sflag:s23] =	ssyncset.done $0x0  }
0xa4: {  	s25 =	simm.s32 $0x1B8E;
	s24 =	sld [smem:$0x3FFE];
	[sflag:s23] =	ssyncadd.s32 $0xFFFFFFFF  }
0xa5: {  	s26 =	simm.s32 $execute0_lowered;
	[smem:$0x3FD2] =	sst s25  }
0xa6: {  	s4 =	sshll.u32 s26, $0x1;
	_ =	strace $0x80000058;
	[dreg:$0x1] =	wrdreg $0xFFFFFFFF  }
0xa7: {  	s28 =	simm.s32 $_size_execute0_lowered;
	s2 =	sadd.s32 s2, s4;
	[dreg:$0x0] =	wrdreg $0x0  }
0xa8: {  	s4 =	sshll.u32 s28, $0x1;
	[dreg:$0x2] =	wrdreg s2  }
0xa9: {  	[dreg:$0x3] =	wrdreg s4  }
0xaa: {  	[dreg:$0x4] =	wrdreg $0xC0  }
0xab: {  	_ =	task [dreg:s6], $0x5FFFF  }
0xac: {  	[dreg:$0x1] =	wrdreg $0xFFFFFFFF  }
0xad: {  	[dreg:$0x0] =	wrdreg $0x60  }
0xae: {  	[dreg:$0x2] =	wrdreg s24  }
0xaf: {  	[dreg:$0x3] =	wrdreg $0x0  }
0xb0: {  	[dreg:$0x4] =	wrdreg $0x9  }
0xb1: {  	_ =	task.clear_ibuf [dreg:s6], $0x5FFFF;
	_ =	strace $0x90000058  }
0xb2: {  	s29 =	simm.s32 $0x9;
	_ =	strace $0x8000005A  }
0xb3: {  	_ =	swait.ge [sflag:s29], $0x1  }
0xb4: {  	[sflag:s29] =	ssyncadd.s32 $0xFFFFFFFF  }
0xb5: {  	_ =	strace $0x9000005A  }
0xb6: {  	_ =	sfence  }
0xb7: {  	s30 =	sld [smem:$0x0];
	_ =	sdelay $0x2  }
0xb8: {  	s31 =	sshll.u32 s1, $0xD;
	s1 =	sshrl.u32 s1, $0x2  }
0xb9: {  	s3 =	sand.u32 $0x4000, s31;
	s1 =	sadd.s32 s1, s30  }
0xba: {  	s0 =	sor.u32 s3, s0;
	s1 =	sshll.u32 s1, $0x11  }
0xbb: {  	s0 =	sor.u32 s1, s0  }
0xbc: {  	s0 =	sadd.s32 $0x8F2B, s0  }
0xbd: {  	[sflag:s0] =	ssyncadd.remote.s32 $0x1  }
0xbe: {  	_ =	sfence.sel $0xFFFF  }
0xbf: {  	[dreg:$0x0] =	wrdreg $0xFFFFFFFF;
	(pc) =	sbr.abs _section_cstart, $3  }
0xc0: {  	[dreg:$0x1] =	wrdreg $0xFFFFFFFF  }
0xc1: {  	_ =	task.clear_ibuf [dreg:s6], $0x2FFFF;
	_ =	strace $0x9FFFFFFF  }
0xc2: {  	(tm) =	ssettm $0x7FFFFFFF  }
0xc3: {  	_ =	shalt  }
tec
execute0_lowered:
.L_overlay_start_1:
0x0: {  	(tag) =	ssettag $0x1  }
0x1: {  	s9 =	rddreg [dreg:$0x0]  }
0x2: {  	s1 =	rddreg [dreg:$0x1]  }
0x3: {  	s0 =	rddreg [dreg:$0x2]  }
0x4: {  	s2 =	simm.s32 $0x0;
	s6 =	srdreg.scid;
	s3 =	stileid.u32  }
0x5: {  	s18 =	simm.s32 $0x16000;
	s19 =	simm.s32 $0x1;
	s20 =	simm.s32 $0x14000  }
0x6: {  	s21 =	simm.s32 $0x15000;
	s22 =	simm.s32 $0x80;
	[smem:$0x7FF] =	sst s2  }
0x7: {  	s4 =	sadd.s32 $0x6F400, s9;
	s5 =	sadd.s32 $0x97400, s9;
	s10 =	sand.u32 $0x1, s6  }
0x8: {  	s6 =	sadd.s32 $0x15400, s9;
	s12 =	smul.u32 $0x50000, s3;
	s7 =	sadd.s32 $0xB400, s9  }
0x9: {  	s23 =	simm.s32 $0x0;
	s8 =	sadd.s32 $0x187400, s9;
	s9 =	sadd.s32 $0x1AF400, s9  }
.Ltmp0:
0xa: {  	_ =	strace $0x80000059;
	s11 =	ssub.s32 $0x2, s10;
	(pc) =	sbr.rel .LBB2_1-.Ltmp0, $4  }
0xb: {  	p0 =	seq.s32 s10, $0x1;
	s13 =	sshrl.u32 s11, $0x1;
	s31 =	sshrl.u32 s12, $0x2  }
0xc: {  	s12 =	smul.u32 $0x2800, s3;
	s13 =	ssub.s32 s11, s13;
	s10 =	sadd.s32 s31, s1  }
0xd: {  	s11 =	smul.u32 $0x5000, s3;
	s13 =	smax.u32 s13, $0x1;
	s14 =	sadd.s32 $0x4000, s10  }
0xe: {  	v0 =	vimm.f32 $0.0e+00;
	s15 =	sadd.s32 $0x8000, s10;
	s16 =	sadd.s32 $0xC000, s10;
	s17 =	sadd.s32 $0x10000, s10  }
.LBB2_14:
0xf: {  	s24 =	sadd.s32 s24, s12;
	s23 =	sadd.s32 $0x1, s23  }
0x10: {  	s25 =	sshll.u32 s3, $0x6;
	[bflag:$0x0] =	sbarrier.arrive $0xFFFF;
	p1 =	sne.s32 s23, s13  }
.Ltmp1:
0x11: {  	s26 =	sshrl.u32 s10, $0x3;
	s25 =	sor.u32 $0x1C01, s25;
	(pc) =	sbr.rel @!p1 .LBB2_15-.Ltmp1, $4  }
0x12: {  	[hbm:s24], [sflag:s25] =	dma.local [spmem:s26], $0x2800  }
0x13: {  	_ =	swait.ge [sflag:s19], $0x2800  }
0x14: {  	[sflag:s19] =	ssyncset.done $0x0  }
0x15: {  	[sflag:s19] =	ssyncadd.s32 $0xFFFFD800  }
.LBB2_1:
.Ltmp2:
0x16: {  	(pc) =	sbr.rel @!p0 .LBB2_2-.Ltmp2, $2  }
0x17: {  	_ =	sdelay $0x2  }
0x18: {  	s24 =	sshra.s32 s2, $0x2;
	s25 =	sadd.s32 $0x200, s2  }
.LBB2_8:
0x19: {  	p1 =	seq.s32 s25, $0xFE00;
	[tilespmem:s24+$0x16070] =	vst v0  }
0x1a: {  	[tilespmem:s24+$0x16000] =	vst v0  }
0x1b: {  	[tilespmem:s24+$0x16010] =	vst v0  }
.Ltmp3:
0x1c: {  	[tilespmem:s24+$0x16020] =	vst v0;
	(pc) =	sbr.rel @!p1 .LBB2_8-.Ltmp3, $4  }
0x1d: {  	[tilespmem:s24+$0x16030] =	vst v0  }
0x1e: {  	[tilespmem:s24+$0x16040] =	vst v0  }
0x1f: {  	[tilespmem:s24+$0x16050] =	vst v0  }
0x20: {  	[tilespmem:s24+$0x16060] =	vst v0;
	s24 =	sshra.s32 s25, $0x2;
	s25 =	sadd.s32 $0x200, s25  }
0x21: {  	[tilespmem:s24+$0x16070] =	vst v0  }
0x22: {  	[tilespmem:s24+$0x16000] =	vst v0  }
0x23: {  	[tilespmem:s24+$0x16010] =	vst v0  }
0x24: {  	[tilespmem:s24+$0x16020] =	vst v0  }
0x25: {  	[tilespmem:s24+$0x16030] =	vst v0  }
0x26: {  	[tilespmem:s24+$0x16040] =	vst v0  }
0x27: {  	[tilespmem:s24+$0x16050] =	vst v0  }
0x28: {  	[tilespmem:s24+$0x16060] =	vst v0  }
0x29: {  	[spmem:s10] =	stream.linear.scatter [tilespmem:s18], [sflag:$0x1], $0x4000, $0x38;
	[tilespmem:$0x1E000] =	vst v63  }
0x2a: {  	_ =	swait.ge [sflag:s19], $0x4000  }
0x2b: {  	[sflag:s19] =	ssyncset.done $0x0  }
0x2c: {  	[sflag:s19] =	ssyncadd.s32 $0xFFFFC000  }
0x2d: {  	[spmem:s14] =	stream.linear.scatter [tilespmem:s18], [sflag:$0x1], $0x4000, $0x38;
	[tilespmem:$0x1E000] =	vst v63  }
0x2e: {  	_ =	swait.ge [sflag:s19], $0x4000  }
0x2f: {  	[sflag:s19] =	ssyncset.done $0x0  }
0x30: {  	[sflag:s19] =	ssyncadd.s32 $0xFFFFC000  }
0x31: {  	[spmem:s15] =	stream.linear.scatter [tilespmem:s18], [sflag:$0x1], $0x4000, $0x38;
	[tilespmem:$0x1E000] =	vst v63  }
0x32: {  	_ =	swait.ge [sflag:s19], $0x4000  }
0x33: {  	[sflag:s19] =	ssyncset.done $0x0  }
0x34: {  	[sflag:s19] =	ssyncadd.s32 $0xFFFFC000  }
0x35: {  	[spmem:s16] =	stream.linear.scatter [tilespmem:s18], [sflag:$0x1], $0x4000, $0x38;
	[tilespmem:$0x1E000] =	vst v63  }
0x36: {  	_ =	swait.ge [sflag:s19], $0x4000  }
0x37: {  	[sflag:s19] =	ssyncset.done $0x0  }
0x38: {  	[sflag:s19] =	ssyncadd.s32 $0xFFFFC000  }
0x39: {  	[spmem:s17] =	stream.linear.scatter [tilespmem:s18], [sflag:$0x1], $0x4000, $0x38;
	[tilespmem:$0x1E000] =	vst v63  }
0x3a: {  	_ =	swait.ge [sflag:s19], $0x4000  }
0x3b: {  	[sflag:s19] =	ssyncset.done $0x0  }
0x3c: {  	[sflag:s19] =	ssyncadd.s32 $0xFFFFC000  }
0x3d: {  	s24 =	simm.s32 $0x0;
	s25 =	simm.s32 $0x0;
	[bflag:$0x0] =	sbarrier.arrive $0xFFFF  }
.LBB2_10:
0x3e: {  	s26 =	sshll.u32 s25, $0xC  }
0x3f: {  	s26 =	sadd.s32 s11, s26  }
0x40: {  	s26 =	sshrl.u32 s26, $0x3  }
0x41: {  	s28 =	sadd.s32 s7, s26  }
0x42: {  	[tilespmem:s20], [sflag:$0x1] =	stream.linear.gather [hbm4b:s28+s24], $0x1000, $0x38;
	[tilespmem:$0x1E000] =	vst v63  }
0x43: {  	_ =	swait.ge [sflag:s19], $0x1000  }
0x44: {  	[sflag:s19] =	ssyncset.done $0x0  }
0x45: {  	s26 =	sadd.s32 s6, s26;
	[sflag:s19] =	ssyncadd.s32 $0xFFFFF000  }
0x46: {  	[tilespmem:s21], [sflag:$0x1] =	stream.linear.gather [hbm4b:s26+s24], $0x1000, $0x38;
	[tilespmem:$0x1E000] =	vst v63  }
0x47: {  	_ =	swait.ge [sflag:s19], $0x1000  }
0x48: {  	[sflag:s19] =	ssyncset.done $0x0  }
0x49: {  	s30 =	simm.s32 $0x14000;
	[sflag:s19] =	ssyncadd.s32 $0xFFFFF000  }
0x4a: {  	[tilespmem:s18], [sflag:$0x1] =	stream.indirect.gather [hbm4b:s5+s22], $0x80, s30, s22, $0xb8;
	[tilespmem:$0x1E000] =	vst v63  }
0x4b: {  	_ =	swait.ge [sflag:s19], $0x4000  }
0x4c: {  	[sflag:s19] =	ssyncset.done $0x0  }
0x4d: {  	s31 =	simm.s32 $0x15000;
	[sflag:s19] =	ssyncadd.s32 $0xFFFFC000  }
0x4e: {  	[spmem:s1] =	stream.indirect.scatter.add.f32 [tilespmem:s18], [sflag:$0x1], $0x80, s31, s22, $0xb8;
	[tilespmem:$0x1E000] =	vst v63  }
0x4f: {  	_ =	swait.ge [sflag:s19], $0x4000  }
0x50: {  	s28 =	simm.s32 $0x400;
	s26 =	simm.s32 $0x80;
	[sflag:s19] =	ssyncset.done $0x0  }
.LBB2_11:
0x51: {  	s29 =	sadd.s32 $0x14000, s26  }
0x52: {  	[sflag:s19] =	ssyncadd.s32 $0xFFFFC000;
	s30 =	smov.u32 s28;
	s31 =	sadd.s32 $0x200, s28  }
0x53: {  	[tilespmem:s18], [sflag:$0x1] =	stream.indirect.gather [hbm4b:s5+s22], $0x80, s29, s22, $0xb8;
	[tilespmem:$0x1E000] =	vst v63  }
0x54: {  	p1 =	sne.s32 s28, $0x3E00;
	_ =	swait.ge [sflag:s19], $0x4000  }
.Ltmp4:
0x55: {  	[sflag:s19] =	ssyncset.done $0x0;
	(pc) =	sbr.rel @p1 .LBB2_11-.Ltmp4, $4  }
0x56: {  	s26 =	sadd.s32 $0x15000, s26;
	[sflag:s19] =	ssyncadd.s32 $0xFFFFC000  }
0x57: {  	[spmem:s1] =	stream.indirect.scatter.add.f32 [tilespmem:s18], [sflag:$0x1], $0x80, s26, s22, $0xb8;
	[tilespmem:$0x1E000] =	vst v63  }
0x58: {  	_ =	swait.ge [sflag:s19], $0x4000  }
0x59: {  	s28 =	smov.u32 s31;
	s26 =	sshra.s32 s30, $0x2;
	[sflag:s19] =	ssyncset.done $0x0  }
0x5a: {  	s28 =	sadd.s32 $0x14000, s26;
	[sflag:s19] =	ssyncadd.s32 $0xFFFFC000  }
0x5b: {  	[tilespmem:s18], [sflag:$0x1] =	stream.indirect.gather [hbm4b:s5+s22], $0x80, s28, s22, $0xb8;
	[tilespmem:$0x1E000] =	vst v63  }
0x5c: {  	s25 =	sadd.s32 $0x1, s25;
	_ =	swait.ge [sflag:s19], $0x4000  }
0x5d: {  	p1 =	sne.s32 s25, $0x5;
	[sflag:s19] =	ssyncset.done $0x0  }
.Ltmp5:
0x5e: {  	s31 =	sadd.s32 $0x15000, s26;
	[sflag:s19] =	ssyncadd.s32 $0xFFFFC000;
	(pc) =	sbr.rel @p1 .LBB2_10-.Ltmp5, $4  }
0x5f: {  	[spmem:s1] =	stream.indirect.scatter.add.f32 [tilespmem:s18], [sflag:$0x1], $0x80, s31, s22, $0xb8;
	[tilespmem:$0x1E000] =	vst v63  }
0x60: {  	_ =	swait.ge [sflag:s19], $0x4000  }
0x61: {  	[sflag:s19] =	ssyncset.done $0x0  }
0x62: {  	[sflag:s19] =	ssyncadd.s32 $0xFFFFC000  }
.Ltmp6:
0x63: {  	(pc) =	sbr.rel .LBB2_14-.Ltmp6, $2  }
0x64: {  	_ =	sdelay $0x2  }
0x65: {  	s24 =	smov.u32 s9  }
.LBB2_2:
0x66: {  	p1 =	seq.s32 s25, $0xFE00;
	[tilespmem:s24+$0x16070] =	vst v0  }
0x67: {  	[tilespmem:s24+$0x16000] =	vst v0  }
0x68: {  	[tilespmem:s24+$0x16010] =	vst v0  }
.Ltmp7:
0x69: {  	[tilespmem:s24+$0x16020] =	vst v0;
	(pc) =	sbr.rel @!p1 .LBB2_2-.Ltmp7, $4  }
0x6a: {  	[tilespmem:s24+$0x16030] =	vst v0  }
0x6b: {  	[tilespmem:s24+$0x16040] =	vst v0  }
0x6c: {  	[tilespmem:s24+$0x16050] =	vst v0  }
0x6d: {  	[tilespmem:s24+$0x16060] =	vst v0;
	s24 =	sshra.s32 s25, $0x2;
	s25 =	sadd.s32 $0x200, s25  }
0x6e: {  	[tilespmem:s24+$0x16070] =	vst v0  }
0x6f: {  	[tilespmem:s24+$0x16000] =	vst v0  }
0x70: {  	[tilespmem:s24+$0x16010] =	vst v0  }
0x71: {  	[tilespmem:s24+$0x16020] =	vst v0  }
0x72: {  	[tilespmem:s24+$0x16030] =	vst v0  }
0x73: {  	[tilespmem:s24+$0x16040] =	vst v0  }
0x74: {  	[tilespmem:s24+$0x16050] =	vst v0  }
0x75: {  	[tilespmem:s24+$0x16060] =	vst v0  }
0x76: {  	[spmem:s10] =	stream.linear.scatter [tilespmem:s18], [sflag:$0x1], $0x4000, $0x38;
	[tilespmem:$0x1E000] =	vst v63  }
0x77: {  	_ =	swait.ge [sflag:s19], $0x4000  }
0x78: {  	[sflag:s19] =	ssyncset.done $0x0  }
0x79: {  	[sflag:s19] =	ssyncadd.s32 $0xFFFFC000  }
0x7a: {  	[spmem:s14] =	stream.linear.scatter [tilespmem:s18], [sflag:$0x1], $0x4000, $0x38;
	[tilespmem:$0x1E000] =	vst v63  }
0x7b: {  	_ =	swait.ge [sflag:s19], $0x4000  }
0x7c: {  	[sflag:s19] =	ssyncset.done $0x0  }
0x7d: {  	[sflag:s19] =	ssyncadd.s32 $0xFFFFC000  }
0x7e: {  	[spmem:s15] =	stream.linear.scatter [tilespmem:s18], [sflag:$0x1], $0x4000, $0x38;
	[tilespmem:$0x1E000] =	vst v63  }
0x7f: {  	_ =	swait.ge [sflag:s19], $0x4000  }
0x80: {  	[sflag:s19] =	ssyncset.done $0x0  }
0x81: {  	[sflag:s19] =	ssyncadd.s32 $0xFFFFC000  }
0x82: {  	[spmem:s16] =	stream.linear.scatter [tilespmem:s18], [sflag:$0x1], $0x4000, $0x38;
	[tilespmem:$0x1E000] =	vst v63  }
0x83: {  	_ =	swait.ge [sflag:s19], $0x4000  }
0x84: {  	[sflag:s19] =	ssyncset.done $0x0  }
0x85: {  	[sflag:s19] =	ssyncadd.s32 $0xFFFFC000  }
0x86: {  	[spmem:s17] =	stream.linear.scatter [tilespmem:s18], [sflag:$0x1], $0x4000, $0x38;
	[tilespmem:$0x1E000] =	vst v63  }
0x87: {  	_ =	swait.ge [sflag:s19], $0x4000  }
0x88: {  	[sflag:s19] =	ssyncset.done $0x0  }
0x89: {  	[sflag:s19] =	ssyncadd.s32 $0xFFFFC000  }
0x8a: {  	s24 =	simm.s32 $0x0;
	s25 =	simm.s32 $0x0;
	[bflag:$0x0] =	sbarrier.arrive $0xFFFF  }
.LBB2_4:
0x8b: {  	s26 =	sshll.u32 s25, $0xC  }
0x8c: {  	s26 =	sadd.s32 s11, s26  }
0x8d: {  	s26 =	sshrl.u32 s26, $0x3  }
0x8e: {  	s28 =	sadd.s32 s6, s26  }
0x8f: {  	[tilespmem:s20], [sflag:$0x1] =	stream.linear.gather [hbm4b:s28+s24], $0x1000, $0x38;
	[tilespmem:$0x1E000] =	vst v63  }
0x90: {  	_ =	swait.ge [sflag:s19], $0x1000  }
0x91: {  	[sflag:s19] =	ssyncset.done $0x0  }
0x92: {  	s26 =	sadd.s32 s7, s26;
	[sflag:s19] =	ssyncadd.s32 $0xFFFFF000  }
0x93: {  	[tilespmem:s21], [sflag:$0x1] =	stream.linear.gather [hbm4b:s26+s24], $0x1000, $0x38;
	[tilespmem:$0x1E000] =	vst v63  }
0x94: {  	_ =	swait.ge [sflag:s19], $0x1000  }
0x95: {  	[sflag:s19] =	ssyncset.done $0x0  }
0x96: {  	s30 =	simm.s32 $0x14000;
	[sflag:s19] =	ssyncadd.s32 $0xFFFFF000  }
0x97: {  	[tilespmem:s18], [sflag:$0x1] =	stream.indirect.gather [hbm4b:s4+s22], $0x80, s30, s22, $0xb8;
	[tilespmem:$0x1E000] =	vst v63  }
0x98: {  	_ =	swait.ge [sflag:s19], $0x4000  }
0x99: {  	[sflag:s19] =	ssyncset.done $0x0  }
0x9a: {  	s31 =	simm.s32 $0x15000;
	[sflag:s19] =	ssyncadd.s32 $0xFFFFC000  }
0x9b: {  	[spmem:s1] =	stream.indirect.scatter.add.f32 [tilespmem:s18], [sflag:$0x1], $0x80, s31, s22, $0xb8;
	[tilespmem:$0x1E000] =	vst v63  }
0x9c: {  	_ =	swait.ge [sflag:s19], $0x4000  }
0x9d: {  	s28 =	simm.s32 $0x400;
	s26 =	simm.s32 $0x80;
	[sflag:s19] =	ssyncset.done $0x0  }
.LBB2_5:
0x9e: {  	s29 =	sadd.s32 $0x14000, s26  }
0x9f: {  	[sflag:s19] =	ssyncadd.s32 $0xFFFFC000;
	s30 =	smov.u32 s28;
	s31 =	sadd.s32 $0x200, s28  }
0xa0: {  	[tilespmem:s18], [sflag:$0x1] =	stream.indirect.gather [hbm4b:s4+s22], $0x80, s29, s22, $0xb8;
	[tilespmem:$0x1E000] =	vst v63  }
0xa1: {  	p1 =	sne.s32 s28, $0x3E00;
	_ =	swait.ge [sflag:s19], $0x4000  }
.Ltmp8:
0xa2: {  	[sflag:s19] =	ssyncset.done $0x0;
	(pc) =	sbr.rel @p1 .LBB2_5-.Ltmp8, $4  }
0xa3: {  	s26 =	sadd.s32 $0x15000, s26;
	[sflag:s19] =	ssyncadd.s32 $0xFFFFC000  }
0xa4: {  	[spmem:s1] =	stream.indirect.scatter.add.f32 [tilespmem:s18], [sflag:$0x1], $0x80, s26, s22, $0xb8;
	[tilespmem:$0x1E000] =	vst v63  }
0xa5: {  	_ =	swait.ge [sflag:s19], $0x4000  }
0xa6: {  	s28 =	smov.u32 s31;
	s26 =	sshra.s32 s30, $0x2;
	[sflag:s19] =	ssyncset.done $0x0  }
0xa7: {  	s28 =	sadd.s32 $0x14000, s26;
	[sflag:s19] =	ssyncadd.s32 $0xFFFFC000  }
0xa8: {  	[tilespmem:s18], [sflag:$0x1] =	stream.indirect.gather [hbm4b:s4+s22], $0x80, s28, s22, $0xb8;
	[tilespmem:$0x1E000] =	vst v63  }
0xa9: {  	s25 =	sadd.s32 $0x1, s25;
	_ =	swait.ge [sflag:s19], $0x4000  }
0xaa: {  	p1 =	seq.s32 s25, $0x5;
	[sflag:s19] =	ssyncset.done $0x0  }
.Ltmp9:
0xab: {  	s31 =	sadd.s32 $0x15000, s26;
	[sflag:s19] =	ssyncadd.s32 $0xFFFFC000;
	(pc) =	sbr.rel @!p1 .LBB2_4-.Ltmp9, $4  }
0xac: {  	[spmem:s1] =	stream.indirect.scatter.add.f32 [tilespmem:s18], [sflag:$0x1], $0x80, s31, s22, $0xb8;
	[tilespmem:$0x1E000] =	vst v63  }
0xad: {  	_ =	swait.ge [sflag:s19], $0x4000  }
0xae: {  	[sflag:s19] =	ssyncset.done $0x0  }
0xaf: {  	[sflag:s19] =	ssyncadd.s32 $0xFFFFC000  }
.Ltmp10:
0xb0: {  	(pc) =	sbr.rel .LBB2_14-.Ltmp10, $2  }
0xb1: {  	_ =	sdelay $0x2  }
0xb2: {  	s24 =	smov.u32 s8  }
.LBB2_15:
0xb3: {  	_ =	sfence.sel $0x180000  }
0xb4: {  	[bflag:$0x0] =	sbarrier.arrive $0xFFFF  }
0xb5: {  	p0 =	sne.s32 s3, $0x0;
	_ =	strace $0x90000059  }
0xb6: {  	s0 =	sadd.s32 @!p0 $0x100000, s0;
	[bflag:$0x2] =	sbarrier.arrive $0xFFFF  }
0xb7: {  	[sflag:s0] =	ssyncadd.tile.s32 @!p0 $0x1;
	_ =	shalt  }
.Lfunc_end2:
_tile_overlayer_lowered:
.L_overlay_start_2:
0xb8: {  	(tag) =	ssettag $0x2  }
0xb9: {  	s0 =	rddreg [dreg:$0x0];
	s2 =	stileid.u32  }
0xba: {  	s1 =	rddreg [dreg:$0x1];
	p0 =	sne.s32 s2, $0x0  }
0xbb: {  	s3 =	rddreg [dreg:$0x2];
	[bflag:$0x3] =	sbarrier.arrive $0xFFFF;
	s2 =	simm.s32 @!p0 $0x1C01  }
0xbc: {  	[timem:s3], [sflag:s2] =	dma.local @!p0 [hbm:s0], s1  }
0xbd: {  	s0 =	simm.s32 @!p0 $0x1  }
0xbe: {  	_ =	swait.ge @!p0 [sflag:s0], s1  }
0xbf: {  	s1 =	ssub.s32 @!p0 $0x0, s1;
	[sflag:s0] =	ssyncset.done @!p0 $0x0  }
0xc0: {  	[sflag:s0] =	ssyncadd.s32 @!p0 s1  }
0xc1: {  	[bflag:$0x3] =	sbarrier.arrive $0xFFFF  }
0xc2: {  	_ =	shalt  }

</sc_bundles>
